<compile_context>
chip_gen: v7x
topology: tpu7x:2x2x1
jax: 0.10.2.dev20260603
libtpu: 0.0.44.dev20260713+nightly
codegen_flags: <defaults>
</compile_context>

<pallas_src>
import functools

import jax
import jax.numpy as jnp
from jax import lax
from jax.experimental import pallas as pl
from jax.experimental.pallas import tpu as pltpu
from jax.experimental.pallas import tpu_sc as plsc

D = 32
B = 4096
L = 200
CH = 40
LP = 208
NC = 2
NS = 16
NW = NC * NS
BPW = B // NW
NBUF = 2
GROUPS = BPW // NBUF


_sc_mesh = plsc.VectorSubcoreMesh(core_axis_name="c", subcore_axis_name="s")

TR = 250000
TCH = 7813


@functools.partial(
    pl.kernel,
    out_type=jax.ShapeDtypeStruct((TR, 128), jnp.float32),
    mesh=_sc_mesh,
    scratch_types=[
        pltpu.VMEM((2, 32, 128), jnp.float32),
        pltpu.VMEM((2, 32, 128), jnp.float32),
        pltpu.SemaphoreType.DMA, pltpu.SemaphoreType.DMA,
        pltpu.SemaphoreType.DMA, pltpu.SemaphoreType.DMA,
    ],
    compiler_params=pltpu.CompilerParams(
        use_tc_tiling_on_sc=True, needs_layout_passes=False),
)
def _detile(tT_hbm, tail_hbm, t128_hbm, in_v, out_v, si0, si1, so0, so1):
    wid = lax.axis_index("s") * NC + lax.axis_index("c")
    si = (si0, si1)
    so = (so0, so1)
    n_w = jnp.where(wid < 4, 245, 244)

    def start_in(c, b):
        pltpu.make_async_copy(
            tT_hbm.at[:, pl.ds(c * 128, 128)], in_v.at[b], si[b]).start()

    def wait_in(b):
        pltpu.make_async_copy(
            tT_hbm.at[:, pl.ds(0, 128)], in_v.at[b], si[b]).wait()

    def start_out(c, b):
        pltpu.make_async_copy(
            out_v.at[b], t128_hbm.at[pl.ds(c * 32, 32), :], so[b]).start()

    def wait_out(b):
        pltpu.make_async_copy(
            out_v.at[b], t128_hbm.at[pl.ds(0, 32), :], so[b]).wait()

    iota = lax.iota(jnp.int32, 16)
    d_lo = iota
    d_hi = iota + 16

    def shuffle(b):
        @pl.loop(0, 32)
        def _row(rl):
            col0 = jnp.full((16,), 4 * rl, jnp.int32)
            for k in range(8):
                dvec = d_hi if (k & 1) else d_lo
                cvec = col0 + (k >> 1)
                v = plsc.load_gather(in_v.at[b], [dvec, cvec])
                out_v[b, rl, pl.ds(16 * k, 16)] = v

    start_in(wid, 0)
    start_in(wid + 32, 1)

    @pl.loop(0, 123)
    def _pair(t2):
        for b in range(2):
            t = 2 * t2 + b
            c = wid + 32 * t

            @pl.when(t < n_w)
            def _do():
                wait_in(b)

                @pl.when(t >= 2)
                def _wo():
                    wait_out(b)

                shuffle(b)
                start_out(c, b)

                @pl.when(t + 2 < n_w)
                def _nxt():
                    start_in(c + 64, b)

    wait_out(0)
    wait_out(1)

    @pl.when(wid == 4)
    def _tail():
        pltpu.sync_copy(tail_hbm, in_v.at[0, pl.ds(0, 16), :])
        pltpu.sync_copy(in_v.at[0, pl.ds(0, 16), :],
                        t128_hbm.at[pl.ds(249984, 16), :])


@functools.partial(
    pl.kernel,
    out_type=jax.ShapeDtypeStruct((B, D), jnp.float32),
    mesh=_sc_mesh,
    scratch_types=[
        pltpu.VMEM((BPW * L,), jnp.int32),
        pltpu.VMEM((BPW * LP,), jnp.int32),
        pltpu.VMEM((NBUF, L, 128), jnp.float32),
        pltpu.VMEM((BPW, D), jnp.float32),
    ] + [pltpu.SemaphoreType.DMA] * NBUF,
    compiler_params=pltpu.CompilerParams(use_tc_tiling_on_sc=True),
)
def _gather_pool(xq_hbm, qoff_hbm, t128_hbm, pooled_hbm,
                 xq_v, qoff_v, buf_v, pooled_v, *sems):
    wid = lax.axis_index("s") * NC + lax.axis_index("c")

    pltpu.sync_copy(xq_hbm.at[pl.ds(wid * (BPW * L), BPW * L)], xq_v)
    pltpu.sync_copy(qoff_hbm.at[pl.ds(wid * (BPW * LP), BPW * LP)], qoff_v)

    def start_row(r, slot):
        for c in range(5):
            pltpu.make_async_copy(
                t128_hbm.at[xq_v.at[pl.ds(r * L + c * CH, CH)]],
                buf_v.at[slot, pl.ds(c * CH, CH)], sems[slot]).start()

    def wait_row(slot):
        for c in range(5):
            pltpu.make_async_copy(
                t128_hbm.at[xq_v.at[pl.ds(c * CH, CH)]],
                buf_v.at[slot, pl.ds(c * CH, CH)], sems[slot]).wait()

    for i in range(NBUF):
        start_row(i, i)

    zero = jnp.zeros((16,), jnp.float32)

    @pl.loop(0, GROUPS)
    def _group(g):
        for i in range(NBUF):
            r = g * NBUF + i
            wait_row(i)

            @pl.loop(0, 12, init_carry=(zero, zero, zero, zero))
            def blocks(t, carry):
                a0, a1, c0, c1 = carry
                qv = qoff_v[pl.ds(r * LP + t * 16, 16)]
                for l in range(0, 16, 2):
                    j = t * 16 + l
                    o0 = qv[l]
                    o1 = qv[l + 1]
                    a0 = a0 + buf_v[i, j, pl.ds(o0, 16)]
                    a1 = a1 + buf_v[i, j, pl.ds(o0 + 16, 16)]
                    c0 = c0 + buf_v[i, j + 1, pl.ds(o1, 16)]
                    c1 = c1 + buf_v[i, j + 1, pl.ds(o1 + 16, 16)]
                return a0, a1, c0, c1

            a0, a1, c0, c1 = blocks
            qv = qoff_v[pl.ds(r * LP + 192, 16)]
            for l in range(0, 8, 2):
                o0 = qv[l]
                o1 = qv[l + 1]
                a0 = a0 + buf_v[i, 192 + l, pl.ds(o0, 16)]
                a1 = a1 + buf_v[i, 192 + l, pl.ds(o0 + 16, 16)]
                c0 = c0 + buf_v[i, 193 + l, pl.ds(o1, 16)]
                c1 = c1 + buf_v[i, 193 + l, pl.ds(o1 + 16, 16)]

            @pl.when(g < GROUPS - 1)
            def _refill():
                start_row(r + NBUF, i)

            pooled_v[r, pl.ds(0, 16)] = a0 + c0
            pooled_v[r, pl.ds(16, 16)] = a1 + c1

    pltpu.sync_copy(pooled_v, pooled_hbm.at[pl.ds(wid * BPW, BPW), :])


def _mlp_body(p_ref, w1_ref, b1_ref, w2t_ref, b2_ref, o_ref):
    p = p_ref[...] * (1.0 / L)
    h = jnp.maximum(
        jnp.dot(p, w1_ref[...], preferred_element_type=jnp.float32)
        + b1_ref[...], 0.0)
    o = jnp.sum(h * w2t_ref[...], axis=1, keepdims=True) + b2_ref[...]
    o_ref[...] = 1.0 / (1.0 + jnp.exp(-o))


def kernel(x, table, W1, b1, W2, b2):
    xi = x.astype(jnp.int32)
    xq = (xi >> 2).reshape(-1)
    qoff = jnp.pad((xi & 3) << 5, ((0, 0), (0, LP - L))).reshape(-1)
    t128 = _detile(table.T, table[999936:].reshape(16, 128))
    pooled = _gather_pool(xq, qoff, t128)
    out = pl.pallas_call(
        _mlp_body,
        out_shape=jax.ShapeDtypeStruct((B, 1), jnp.float32),
    )(pooled, W1, b1.reshape(1, 16), W2.reshape(1, 16), b2.reshape(1, 1))
    return out

# --- scband reference (transcript-rebuilt; emitter-appended) ---
"""Pipeline reference for scband-simple-classifier-37915971289815 (READ-ONLY COPY).

The authoritative reference and input builder live on the scoring server;
editing this copy changes nothing except your own understanding.
"""

import jax, jax.numpy as jnp
import numpy as np

VOCAB = 1000000
EMB_DIM = 32
BATCH = 4096
MAX_LEN = 200

def setup_inputs(seed: int = 0) -> dict:
    key = jax.random.key(seed)
    k_x, k_tab, k_w1, k_b1, k_w2, k_b2 = jax.random.split(key, 6)
    x = jax.random.randint(k_x, (BATCH, MAX_LEN), 0, VOCAB, dtype=jnp.int64 if jax.config.jax_enable_x64 else jnp.int32)
    table = jax.random.normal(k_tab, (VOCAB, EMB_DIM), dtype=jnp.float32) * 0.05
    W1 = jax.random.normal(k_w1, (EMB_DIM, 16), dtype=jnp.float32) * (1.0 / np.sqrt(EMB_DIM))
    b1 = jnp.zeros((16,), dtype=jnp.float32)
    W2 = jax.random.normal(k_w2, (16, 1), dtype=jnp.float32) * (1.0 / np.sqrt(16))
    b2 = jnp.zeros((1,), dtype=jnp.float32)
    return {"x": x, "table": table, "W1": W1, "b1": b1, "W2": W2, "b2": b2}

def reference(x, table, W1, b1, W2, b2):
    emb = jnp.take(table, x, axis=0)              # [B, L, D] gather (embedding lookup)
    pooled = jnp.mean(emb, axis=1)                # GlobalAveragePooling1D -> [B, D]
    h = jax.nn.relu(pooled @ W1 + b1)             # Dense(16, relu)
    out = jax.nn.sigmoid(h @ W2 + b2)             # Dense(1, sigmoid)
    return out

if __name__ == "__main__":
    import jax
    _d = setup_inputs()
    print(jax.jit(kernel)(*tuple(_d.values())))

</pallas_src>

<mosaic_0001>
#map = affine_map<(d0, d1) -> (0, 0)>
module attributes {stable_mosaic.version = 14 : i64} {
  func.func @_detile(%arg0: i32, %arg1: i32, %arg2: memref<32x1000000xf32, #tpu.memory_space<hbm>>, %arg3: memref<16x128xf32, #tpu.memory_space<hbm>>, %arg4: memref<250000x128xf32, #tpu.memory_space<hbm>>, %arg5: memref<2x32x128xf32, #tpu.memory_space<vmem>>, %arg6: memref<2x32x128xf32, #tpu.memory_space<vmem>>, %arg7: memref<!tpu.dma_semaphore, #tpu.memory_space<semaphore_mem>>, %arg8: memref<!tpu.dma_semaphore, #tpu.memory_space<semaphore_mem>>, %arg9: memref<!tpu.dma_semaphore, #tpu.memory_space<semaphore_mem>>, %arg10: memref<!tpu.dma_semaphore, #tpu.memory_space<semaphore_mem>>) attributes {dimension_semantics = [#tpu.dimension_semantics<core_parallel>, #tpu.dimension_semantics<subcore_parallel>], iteration_bounds = array<i64: 2, 16>, scalar_prefetch = 0 : i64, scratch_operands = 6 : i64, tpu.core_type = #tpu.core_type<sc_vector_subcore>, window_params = [{transform_indices = #map}, {transform_indices = #map}, {transform_indices = #map}]} {
    %mul3A = arith.constant 2 : i32
    %mul3A_0 = arith.muli %arg1, %mul3A : i32
    %add3A = arith.addi %mul3A_0, %arg0 : i32
    %lt3A = arith.constant 4 : i32
    %lt3A_1 = arith.cmpi slt, %add3A, %lt3A : i32
    %jit3A = arith.constant 245 : i32
    %jit3A_2 = arith.constant 244 : i32
    %select_n3A = arith.select %lt3A_1, %jit3A, %jit3A_2 : i32
    %iota3A = tpu.iota {dimensions = array<i32: 0>} : vector<16xi32>
    %add3A_3 = arith.constant 16 : i32
    %add3A_4 = vector.broadcast %add3A_3 : i32 to vector<16xi32>
    %add3A_5 = arith.addi %iota3A, %add3A_4 : vector<16xi32>
    %mul3A_6 = arith.constant 128 : i32
    %mul3A_7 = arith.muli %add3A, %mul3A_6 : i32
    %dma_start3A = arith.constant 0 : i32
    %dma_start3A_8 = arith.constant 0 : i32
    %dma_start3A_9 = arith.constant 0 : i32
    %dma_start3A_10 = tpu.memref_slice %arg5[%dma_start3A, %dma_start3A_8, %dma_start3A_9] : memref<2x32x128xf32, #tpu.memory_space<vmem>> -> memref<1x32x128xf32, #tpu.memory_space<vmem>>
    %dma_start3A_11 = tpu.memref_squeeze %dma_start3A_10 : memref<1x32x128xf32, #tpu.memory_space<vmem>> -> memref<32x128xf32, #tpu.memory_space<vmem>>
    %dma_start3A_12 = arith.constant 0 : i32
    %dma_start3A_13 = tpu.memref_slice %arg2[%dma_start3A_12, %mul3A_7] : memref<32x1000000xf32, #tpu.memory_space<hbm>> -> memref<32x128xf32, #tpu.memory_space<hbm>>
    %dma_start3A_14 = arith.constant 0 : i32
    %dma_start3A_15 = arith.constant 0 : i32
    %dma_start3A_16 = tpu.memref_slice %arg5[%dma_start3A, %dma_start3A_14, %dma_start3A_15] : memref<2x32x128xf32, #tpu.memory_space<vmem>> -> memref<1x32x128xf32, #tpu.memory_space<vmem>>
    %dma_start3A_17 = tpu.memref_squeeze %dma_start3A_16 : memref<1x32x128xf32, #tpu.memory_space<vmem>> -> memref<32x128xf32, #tpu.memory_space<vmem>>
    %dma_start3A_18 = arith.constant 0 : i32
    %dma_start3A_19 = tpu.memref_slice %arg2[%dma_start3A_18, %mul3A_7] : memref<32x1000000xf32, #tpu.memory_space<hbm>> -> memref<32x128xf32, #tpu.memory_space<hbm>>
    tpu.enqueue_dma source(%dma_start3A_19 : memref<32x128xf32, #tpu.memory_space<hbm>>) target(%dma_start3A_17 : memref<32x128xf32, #tpu.memory_space<vmem>>) target_semaphore(%arg7 : memref<!tpu.dma_semaphore, #tpu.memory_space<semaphore_mem>>)
    %add3A_20 = arith.constant 32 : i32
    %add3A_21 = arith.addi %add3A, %add3A_20 : i32
    %mul3A_22 = arith.constant 128 : i32
    %mul3A_23 = arith.muli %add3A_21, %mul3A_22 : i32
    %dma_start3A_24 = arith.constant 1 : i32
    %dma_start3A_25 = arith.constant 0 : i32
    %dma_start3A_26 = arith.constant 0 : i32
    %dma_start3A_27 = tpu.memref_slice %arg5[%dma_start3A_24, %dma_start3A_25, %dma_start3A_26] : memref<2x32x128xf32, #tpu.memory_space<vmem>> -> memref<1x32x128xf32, #tpu.memory_space<vmem>>
    %dma_start3A_28 = tpu.memref_squeeze %dma_start3A_27 : memref<1x32x128xf32, #tpu.memory_space<vmem>> -> memref<32x128xf32, #tpu.memory_space<vmem>>
    %dma_start3A_29 = arith.constant 0 : i32
    %dma_start3A_30 = tpu.memref_slice %arg2[%dma_start3A_29, %mul3A_23] : memref<32x1000000xf32, #tpu.memory_space<hbm>> -> memref<32x128xf32, #tpu.memory_space<hbm>>
    %dma_start3A_31 = arith.constant 0 : i32
    %dma_start3A_32 = arith.constant 0 : i32
    %dma_start3A_33 = tpu.memref_slice %arg5[%dma_start3A_24, %dma_start3A_31, %dma_start3A_32] : memref<2x32x128xf32, #tpu.memory_space<vmem>> -> memref<1x32x128xf32, #tpu.memory_space<vmem>>
    %dma_start3A_34 = tpu.memref_squeeze %dma_start3A_33 : memref<1x32x128xf32, #tpu.memory_space<vmem>> -> memref<32x128xf32, #tpu.memory_space<vmem>>
    %dma_start3A_35 = arith.constant 0 : i32
    %dma_start3A_36 = tpu.memref_slice %arg2[%dma_start3A_35, %mul3A_23] : memref<32x1000000xf32, #tpu.memory_space<hbm>> -> memref<32x128xf32, #tpu.memory_space<hbm>>
    tpu.enqueue_dma source(%dma_start3A_36 : memref<32x128xf32, #tpu.memory_space<hbm>>) target(%dma_start3A_34 : memref<32x128xf32, #tpu.memory_space<vmem>>) target_semaphore(%arg8 : memref<!tpu.dma_semaphore, #tpu.memory_space<semaphore_mem>>)
    %scan3A = arith.constant 0 : i32
    %scan3A_37 = arith.constant 123 : i32
    %scan3A_38 = arith.addi %scan3A, %scan3A_37 : i32
    %scan3A_39 = arith.constant 1 : i32
    scf.for %scan3A_72 = %scan3A to %scan3A_38 step %scan3A_39  : i32 {
      %mul3A_73 = arith.constant 1 : i32
      %mul3A_74 = arith.muli %scan3A_72, %mul3A_73 : i32
      %add3A_75 = arith.constant 0 : i32
      %add3A_76 = arith.addi %add3A_75, %mul3A_74 : i32
      %mul3A_77 = arith.constant 2 : i32
      %mul3A_78 = arith.muli %mul3A_77, %add3A_76 : i32
      %add3A_79 = arith.constant 0 : i32
      %add3A_80 = arith.addi %mul3A_78, %add3A_79 : i32
      %mul3A_81 = arith.constant 32 : i32
      %mul3A_82 = arith.muli %mul3A_81, %add3A_80 : i32
      %add3A_83 = arith.addi %add3A, %mul3A_82 : i32
      %lt3A_84 = arith.cmpi slt, %add3A_80, %select_n3A : i32
      %convert_element_type3A_85 = arith.extui %lt3A_84 : i1 to i32
      %cond3A_86 = arith.constant 0 : i32
      %cond3A_87 = arith.cmpi ne, %convert_element_type3A_85, %cond3A_86 : i32
      scf.if %cond3A_87 {
        %dma_wait3A_99 = arith.constant 0 : i32
        %dma_wait3A_100 = arith.constant 0 : i32
        %dma_wait3A_101 = arith.constant 0 : i32
        %dma_wait3A_102 = tpu.memref_slice %arg5[%dma_wait3A_99, %dma_wait3A_100, %dma_wait3A_101] : memref<2x32x128xf32, #tpu.memory_space<vmem>> -> memref<1x32x128xf32, #tpu.memory_space<vmem>>
        %dma_wait3A_103 = tpu.memref_squeeze %dma_wait3A_102 : memref<1x32x128xf32, #tpu.memory_space<vmem>> -> memref<32x128xf32, #tpu.memory_space<vmem>>
        %dma_wait3A_104 = arith.constant 0 : i32
        %dma_wait3A_105 = arith.constant 0 : i32
        %dma_wait3A_106 = tpu.memref_slice %arg2[%dma_wait3A_104, %dma_wait3A_105] : memref<32x1000000xf32, #tpu.memory_space<hbm>> -> memref<32x128xf32, #tpu.memory_space<hbm>>
        %dma_wait3A_107 = arith.constant 0 : i32
        %dma_wait3A_108 = arith.constant 0 : i32
        %dma_wait3A_109 = tpu.memref_slice %arg5[%dma_wait3A_99, %dma_wait3A_107, %dma_wait3A_108] : memref<2x32x128xf32, #tpu.memory_space<vmem>> -> memref<1x32x128xf32, #tpu.memory_space<vmem>>
        %dma_wait3A_110 = tpu.memref_squeeze %dma_wait3A_109 : memref<1x32x128xf32, #tpu.memory_space<vmem>> -> memref<32x128xf32, #tpu.memory_space<vmem>>
        %dma_wait3A_111 = arith.constant 0 : i32
        %dma_wait3A_112 = arith.constant 0 : i32
        %dma_wait3A_113 = tpu.memref_slice %arg2[%dma_wait3A_111, %dma_wait3A_112] : memref<32x1000000xf32, #tpu.memory_space<hbm>> -> memref<32x128xf32, #tpu.memory_space<hbm>>
        tpu.wait_dma2 semaphore(%arg7 : memref<!tpu.dma_semaphore, #tpu.memory_space<semaphore_mem>>) src(%dma_wait3A_113 : memref<32x128xf32, #tpu.memory_space<hbm>>) dst(%dma_wait3A_110 : memref<32x128xf32, #tpu.memory_space<vmem>>)
        %ge3A = arith.constant 2 : i32
        %ge3A_114 = arith.cmpi sge, %add3A_80, %ge3A : i32
        %convert_element_type3A_115 = arith.extui %ge3A_114 : i1 to i32
        %cond3A_116 = arith.constant 0 : i32
        %cond3A_117 = arith.cmpi ne, %convert_element_type3A_115, %cond3A_116 : i32
        scf.if %cond3A_117 {
          %dma_wait3A_144 = arith.constant 0 : i32
          %dma_wait3A_145 = arith.constant 0 : i32
          %dma_wait3A_146 = arith.constant 0 : i32
          %dma_wait3A_147 = tpu.memref_slice %arg6[%dma_wait3A_144, %dma_wait3A_145, %dma_wait3A_146] : memref<2x32x128xf32, #tpu.memory_space<vmem>> -> memref<1x32x128xf32, #tpu.memory_space<vmem>>
          %dma_wait3A_148 = tpu.memref_squeeze %dma_wait3A_147 : memref<1x32x128xf32, #tpu.memory_space<vmem>> -> memref<32x128xf32, #tpu.memory_space<vmem>>
          %dma_wait3A_149 = arith.constant 0 : i32
          %dma_wait3A_150 = arith.constant 0 : i32
          %dma_wait3A_151 = tpu.memref_slice %arg4[%dma_wait3A_149, %dma_wait3A_150] : memref<250000x128xf32, #tpu.memory_space<hbm>> -> memref<32x128xf32, #tpu.memory_space<hbm>>
          %dma_wait3A_152 = arith.constant 0 : i32
          %dma_wait3A_153 = arith.constant 0 : i32
          %dma_wait3A_154 = tpu.memref_slice %arg4[%dma_wait3A_152, %dma_wait3A_153] : memref<250000x128xf32, #tpu.memory_space<hbm>> -> memref<32x128xf32, #tpu.memory_space<hbm>>
          %dma_wait3A_155 = arith.constant 0 : i32
          %dma_wait3A_156 = arith.constant 0 : i32
          %dma_wait3A_157 = tpu.memref_slice %arg6[%dma_wait3A_144, %dma_wait3A_155, %dma_wait3A_156] : memref<2x32x128xf32, #tpu.memory_space<vmem>> -> memref<1x32x128xf32, #tpu.memory_space<vmem>>
          %dma_wait3A_158 = tpu.memref_squeeze %dma_wait3A_157 : memref<1x32x128xf32, #tpu.memory_space<vmem>> -> memref<32x128xf32, #tpu.memory_space<vmem>>
          tpu.wait_dma2 semaphore(%arg9 : memref<!tpu.dma_semaphore, #tpu.memory_space<semaphore_mem>>) src(%dma_wait3A_158 : memref<32x128xf32, #tpu.memory_space<vmem>>) dst(%dma_wait3A_154 : memref<32x128xf32, #tpu.memory_space<hbm>>)
        } else {
        }
        %scan3A_118 = arith.constant 0 : i32
        %scan3A_119 = arith.constant 32 : i32
        %scan3A_120 = arith.addi %scan3A_118, %scan3A_119 : i32
        %scan3A_121 = arith.constant 1 : i32
        scf.for %scan3A_144 = %scan3A_118 to %scan3A_120 step %scan3A_121  : i32 {
          %mul3A_145 = arith.constant 1 : i32
          %mul3A_146 = arith.muli %scan3A_144, %mul3A_145 : i32
          %add3A_147 = arith.constant 0 : i32
          %add3A_148 = arith.addi %add3A_147, %mul3A_146 : i32
          %mul3A_149 = arith.constant 4 : i32
          %mul3A_150 = arith.muli %mul3A_149, %add3A_148 : i32
          %broadcast_in_dim3A = vector.broadcast %mul3A_150 : i32 to vector<16xi32>
          %add3A_151 = arith.constant 0 : i32
          %add3A_152 = vector.broadcast %add3A_151 : i32 to vector<16xi32>
          %add3A_153 = arith.addi %broadcast_in_dim3A, %add3A_152 : vector<16xi32>
          %gather3A = arith.constant 0 : i32
          %gather3A_154 = arith.constant 0 : i32
          %gather3A_155 = arith.constant 0 : i32
          %gather3A_156 = tpu.memref_slice %arg5[%gather3A, %gather3A_154, %gather3A_155] : memref<2x32x128xf32, #tpu.memory_space<vmem>> -> memref<1x32x128xf32, #tpu.memory_space<vmem>>
          %gather3A_157 = tpu.memref_squeeze %gather3A_156 : memref<1x32x128xf32, #tpu.memory_space<vmem>> -> memref<32x128xf32, #tpu.memory_space<vmem>>
          %gather3A_158 = tpu.vector_load_idx %gather3A_157[%iota3A, %add3A_153] : memref<32x128xf32, #tpu.memory_space<vmem>>[vector<16xi32>, vector<16xi32>], vector<16xf32>,
          %swap3A = arith.constant 0 : i32
          %swap3A_159 = arith.index_cast %swap3A : i32 to index
          %swap3A_160 = arith.index_cast %add3A_148 : i32 to index
          %swap3A_161 = arith.constant 0 : index
          %swap3A_162 = tpu.vector_load %arg6[%swap3A_159, %swap3A_160, %swap3A_161] {strides = array<i32>} : memref<2x32x128xf32, #tpu.memory_space<vmem>>, vector<16xf32>,
          tpu.vector_store %arg6[%swap3A_159, %swap3A_160, %swap3A_161], %gather3A_158 {strides = array<i32>} : memref<2x32x128xf32, #tpu.memory_space<vmem>>, vector<16xf32>,
          %add3A_163 = arith.constant 0 : i32
          %add3A_164 = vector.broadcast %add3A_163 : i32 to vector<16xi32>
          %add3A_165 = arith.addi %broadcast_in_dim3A, %add3A_164 : vector<16xi32>
          %gather3A_166 = arith.constant 0 : i32
          %gather3A_167 = arith.constant 0 : i32
          %gather3A_168 = arith.constant 0 : i32
          %gather3A_169 = tpu.memref_slice %arg5[%gather3A_166, %gather3A_167, %gather3A_168] : memref<2x32x128xf32, #tpu.memory_space<vmem>> -> memref<1x32x128xf32, #tpu.memory_space<vmem>>
          %gather3A_170 = tpu.memref_squeeze %gather3A_169 : memref<1x32x128xf32, #tpu.memory_space<vmem>> -> memref<32x128xf32, #tpu.memory_space<vmem>>
          %gather3A_171 = tpu.vector_load_idx %gather3A_170[%add3A_5, %add3A_165] : memref<32x128xf32, #tpu.memory_space<vmem>>[vector<16xi32>, vector<16xi32>], vector<16xf32>,
          %swap3A_172 = arith.constant 0 : i32
          %swap3A_173 = arith.index_cast %swap3A_172 : i32 to index
          %swap3A_174 = arith.index_cast %add3A_148 : i32 to index
          %swap3A_175 = arith.constant 16 : index
          %swap3A_176 = tpu.vector_load %arg6[%swap3A_173, %swap3A_174, %swap3A_175] {strides = array<i32>} : memref<2x32x128xf32, #tpu.memory_space<vmem>>, vector<16xf32>,
          tpu.vector_store %arg6[%swap3A_173, %swap3A_174, %swap3A_175], %gather3A_171 {strides = array<i32>} : memref<2x32x128xf32, #tpu.memory_space<vmem>>, vector<16xf32>,
          %add3A_177 = arith.constant 1 : i32
          %add3A_178 = vector.broadcast %add3A_177 : i32 to vector<16xi32>
          %add3A_179 = arith.addi %broadcast_in_dim3A, %add3A_178 : vector<16xi32>
          %gather3A_180 = arith.constant 0 : i32
          %gather3A_181 = arith.constant 0 : i32
          %gather3A_182 = arith.constant 0 : i32
          %gather3A_183 = tpu.memref_slice %arg5[%gather3A_180, %gather3A_181, %gather3A_182] : memref<2x32x128xf32, #tpu.memory_space<vmem>> -> memref<1x32x128xf32, #tpu.memory_space<vmem>>
          %gather3A_184 = tpu.memref_squeeze %gather3A_183 : memref<1x32x128xf32, #tpu.memory_space<vmem>> -> memref<32x128xf32, #tpu.memory_space<vmem>>
          %gather3A_185 = tpu.vector_load_idx %gather3A_184[%iota3A, %add3A_179] : memref<32x128xf32, #tpu.memory_space<vmem>>[vector<16xi32>, vector<16xi32>], vector<16xf32>,
          %swap3A_186 = arith.constant 0 : i32
          %swap3A_187 = arith.index_cast %swap3A_186 : i32 to index
          %swap3A_188 = arith.index_cast %add3A_148 : i32 to index
          %swap3A_189 = arith.constant 32 : index
          %swap3A_190 = tpu.vector_load %arg6[%swap3A_187, %swap3A_188, %swap3A_189] {strides = array<i32>} : memref<2x32x128xf32, #tpu.memory_space<vmem>>, vector<16xf32>,
          tpu.vector_store %arg6[%swap3A_187, %swap3A_188, %swap3A_189], %gather3A_185 {strides = array<i32>} : memref<2x32x128xf32, #tpu.memory_space<vmem>>, vector<16xf32>,
          %add3A_191 = arith.constant 1 : i32
          %add3A_192 = vector.broadcast %add3A_191 : i32 to vector<16xi32>
          %add3A_193 = arith.addi %broadcast_in_dim3A, %add3A_192 : vector<16xi32>
          %gather3A_194 = arith.constant 0 : i32
          %gather3A_195 = arith.constant 0 : i32
          %gather3A_196 = arith.constant 0 : i32
          %gather3A_197 = tpu.memref_slice %arg5[%gather3A_194, %gather3A_195, %gather3A_196] : memref<2x32x128xf32, #tpu.memory_space<vmem>> -> memref<1x32x128xf32, #tpu.memory_space<vmem>>
          %gather3A_198 = tpu.memref_squeeze %gather3A_197 : memref<1x32x128xf32, #tpu.memory_space<vmem>> -> memref<32x128xf32, #tpu.memory_space<vmem>>
          %gather3A_199 = tpu.vector_load_idx %gather3A_198[%add3A_5, %add3A_193] : memref<32x128xf32, #tpu.memory_space<vmem>>[vector<16xi32>, vector<16xi32>], vector<16xf32>,
          %swap3A_200 = arith.constant 0 : i32
          %swap3A_201 = arith.index_cast %swap3A_200 : i32 to index
          %swap3A_202 = arith.index_cast %add3A_148 : i32 to index
          %swap3A_203 = arith.constant 48 : index
          %swap3A_204 = tpu.vector_load %arg6[%swap3A_201, %swap3A_202, %swap3A_203] {strides = array<i32>} : memref<2x32x128xf32, #tpu.memory_space<vmem>>, vector<16xf32>,
          tpu.vector_store %arg6[%swap3A_201, %swap3A_202, %swap3A_203], %gather3A_199 {strides = array<i32>} : memref<2x32x128xf32, #tpu.memory_space<vmem>>, vector<16xf32>,
          %add3A_205 = arith.constant 2 : i32
          %add3A_206 = vector.broadcast %add3A_205 : i32 to vector<16xi32>
          %add3A_207 = arith.addi %broadcast_in_dim3A, %add3A_206 : vector<16xi32>
          %gather3A_208 = arith.constant 0 : i32
          %gather3A_209 = arith.constant 0 : i32
          %gather3A_210 = arith.constant 0 : i32
          %gather3A_211 = tpu.memref_slice %arg5[%gather3A_208, %gather3A_209, %gather3A_210] : memref<2x32x128xf32, #tpu.memory_space<vmem>> -> memref<1x32x128xf32, #tpu.memory_space<vmem>>
          %gather3A_212 = tpu.memref_squeeze %gather3A_211 : memref<1x32x128xf32, #tpu.memory_space<vmem>> -> memref<32x128xf32, #tpu.memory_space<vmem>>
          %gather3A_213 = tpu.vector_load_idx %gather3A_212[%iota3A, %add3A_207] : memref<32x128xf32, #tpu.memory_space<vmem>>[vector<16xi32>, vector<16xi32>], vector<16xf32>,
          %swap3A_214 = arith.constant 0 : i32
          %swap3A_215 = arith.index_cast %swap3A_214 : i32 to index
          %swap3A_216 = arith.index_cast %add3A_148 : i32 to index
          %swap3A_217 = arith.constant 64 : index
          %swap3A_218 = tpu.vector_load %arg6[%swap3A_215, %swap3A_216, %swap3A_217] {strides = array<i32>} : memref<2x32x128xf32, #tpu.memory_space<vmem>>, vector<16xf32>,
          tpu.vector_store %arg6[%swap3A_215, %swap3A_216, %swap3A_217], %gather3A_213 {strides = array<i32>} : memref<2x32x128xf32, #tpu.memory_space<vmem>>, vector<16xf32>,
          %add3A_219 = arith.constant 2 : i32
          %add3A_220 = vector.broadcast %add3A_219 : i32 to vector<16xi32>
          %add3A_221 = arith.addi %broadcast_in_dim3A, %add3A_220 : vector<16xi32>
          %gather3A_222 = arith.constant 0 : i32
          %gather3A_223 = arith.constant 0 : i32
          %gather3A_224 = arith.constant 0 : i32
          %gather3A_225 = tpu.memref_slice %arg5[%gather3A_222, %gather3A_223, %gather3A_224] : memref<2x32x128xf32, #tpu.memory_space<vmem>> -> memref<1x32x128xf32, #tpu.memory_space<vmem>>
          %gather3A_226 = tpu.memref_squeeze %gather3A_225 : memref<1x32x128xf32, #tpu.memory_space<vmem>> -> memref<32x128xf32, #tpu.memory_space<vmem>>
          %gather3A_227 = tpu.vector_load_idx %gather3A_226[%add3A_5, %add3A_221] : memref<32x128xf32, #tpu.memory_space<vmem>>[vector<16xi32>, vector<16xi32>], vector<16xf32>,
          %swap3A_228 = arith.constant 0 : i32
          %swap3A_229 = arith.index_cast %swap3A_228 : i32 to index
          %swap3A_230 = arith.index_cast %add3A_148 : i32 to index
          %swap3A_231 = arith.constant 80 : index
          %swap3A_232 = tpu.vector_load %arg6[%swap3A_229, %swap3A_230, %swap3A_231] {strides = array<i32>} : memref<2x32x128xf32, #tpu.memory_space<vmem>>, vector<16xf32>,
          tpu.vector_store %arg6[%swap3A_229, %swap3A_230, %swap3A_231], %gather3A_227 {strides = array<i32>} : memref<2x32x128xf32, #tpu.memory_space<vmem>>, vector<16xf32>,
          %add3A_233 = arith.constant 3 : i32
          %add3A_234 = vector.broadcast %add3A_233 : i32 to vector<16xi32>
          %add3A_235 = arith.addi %broadcast_in_dim3A, %add3A_234 : vector<16xi32>
          %gather3A_236 = arith.constant 0 : i32
          %gather3A_237 = arith.constant 0 : i32
          %gather3A_238 = arith.constant 0 : i32
          %gather3A_239 = tpu.memref_slice %arg5[%gather3A_236, %gather3A_237, %gather3A_238] : memref<2x32x128xf32, #tpu.memory_space<vmem>> -> memref<1x32x128xf32, #tpu.memory_space<vmem>>
          %gather3A_240 = tpu.memref_squeeze %gather3A_239 : memref<1x32x128xf32, #tpu.memory_space<vmem>> -> memref<32x128xf32, #tpu.memory_space<vmem>>
          %gather3A_241 = tpu.vector_load_idx %gather3A_240[%iota3A, %add3A_235] : memref<32x128xf32, #tpu.memory_space<vmem>>[vector<16xi32>, vector<16xi32>], vector<16xf32>,
          %swap3A_242 = arith.constant 0 : i32
          %swap3A_243 = arith.index_cast %swap3A_242 : i32 to index
          %swap3A_244 = arith.index_cast %add3A_148 : i32 to index
          %swap3A_245 = arith.constant 96 : index
          %swap3A_246 = tpu.vector_load %arg6[%swap3A_243, %swap3A_244, %swap3A_245] {strides = array<i32>} : memref<2x32x128xf32, #tpu.memory_space<vmem>>, vector<16xf32>,
          tpu.vector_store %arg6[%swap3A_243, %swap3A_244, %swap3A_245], %gather3A_241 {strides = array<i32>} : memref<2x32x128xf32, #tpu.memory_space<vmem>>, vector<16xf32>,
          %add3A_247 = arith.constant 3 : i32
          %add3A_248 = vector.broadcast %add3A_247 : i32 to vector<16xi32>
          %add3A_249 = arith.addi %broadcast_in_dim3A, %add3A_248 : vector<16xi32>
          %gather3A_250 = arith.constant 0 : i32
          %gather3A_251 = arith.constant 0 : i32
          %gather3A_252 = arith.constant 0 : i32
          %gather3A_253 = tpu.memref_slice %arg5[%gather3A_250, %gather3A_251, %gather3A_252] : memref<2x32x128xf32, #tpu.memory_space<vmem>> -> memref<1x32x128xf32, #tpu.memory_space<vmem>>
          %gather3A_254 = tpu.memref_squeeze %gather3A_253 : memref<1x32x128xf32, #tpu.memory_space<vmem>> -> memref<32x128xf32, #tpu.memory_space<vmem>>
          %gather3A_255 = tpu.vector_load_idx %gather3A_254[%add3A_5, %add3A_249] : memref<32x128xf32, #tpu.memory_space<vmem>>[vector<16xi32>, vector<16xi32>], vector<16xf32>,
          %swap3A_256 = arith.constant 0 : i32
          %swap3A_257 = arith.index_cast %swap3A_256 : i32 to index
          %swap3A_258 = arith.index_cast %add3A_148 : i32 to index
          %swap3A_259 = arith.constant 112 : index
          %swap3A_260 = tpu.vector_load %arg6[%swap3A_257, %swap3A_258, %swap3A_259] {strides = array<i32>} : memref<2x32x128xf32, #tpu.memory_space<vmem>>, vector<16xf32>,
          tpu.vector_store %arg6[%swap3A_257, %swap3A_258, %swap3A_259], %gather3A_255 {strides = array<i32>} : memref<2x32x128xf32, #tpu.memory_space<vmem>>, vector<16xf32>,
        }
        %scan3A_122 = arith.constant 32 : i32
        %mul3A_123 = arith.constant 32 : i32
        %mul3A_124 = arith.muli %add3A_83, %mul3A_123 : i32
        %dma_start3A_125 = arith.constant 0 : i32
        %dma_start3A_126 = arith.constant 0 : i32
        %dma_start3A_127 = arith.constant 0 : i32
        %dma_start3A_128 = tpu.memref_slice %arg6[%dma_start3A_125, %dma_start3A_126, %dma_start3A_127] : memref<2x32x128xf32, #tpu.memory_space<vmem>> -> memref<1x32x128xf32, #tpu.memory_space<vmem>>
        %dma_start3A_129 = tpu.memref_squeeze %dma_start3A_128 : memref<1x32x128xf32, #tpu.memory_space<vmem>> -> memref<32x128xf32, #tpu.memory_space<vmem>>
        %dma_start3A_130 = arith.constant 0 : i32
        %dma_start3A_131 = tpu.memref_slice %arg4[%mul3A_124, %dma_start3A_130] : memref<250000x128xf32, #tpu.memory_space<hbm>> -> memref<32x128xf32, #tpu.memory_space<hbm>>
        %dma_start3A_132 = arith.constant 0 : i32
        %dma_start3A_133 = tpu.memref_slice %arg4[%mul3A_124, %dma_start3A_132] : memref<250000x128xf32, #tpu.memory_space<hbm>> -> memref<32x128xf32, #tpu.memory_space<hbm>>
        %dma_start3A_134 = arith.constant 0 : i32
        %dma_start3A_135 = arith.constant 0 : i32
        %dma_start3A_136 = tpu.memref_slice %arg6[%dma_start3A_125, %dma_start3A_134, %dma_start3A_135] : memref<2x32x128xf32, #tpu.memory_space<vmem>> -> memref<1x32x128xf32, #tpu.memory_space<vmem>>
        %dma_start3A_137 = tpu.memref_squeeze %dma_start3A_136 : memref<1x32x128xf32, #tpu.memory_space<vmem>> -> memref<32x128xf32, #tpu.memory_space<vmem>>
        tpu.enqueue_dma source(%dma_start3A_137 : memref<32x128xf32, #tpu.memory_space<vmem>>) target(%dma_start3A_133 : memref<32x128xf32, #tpu.memory_space<hbm>>) target_semaphore(%arg9 : memref<!tpu.dma_semaphore, #tpu.memory_space<semaphore_mem>>)
        %add3A_138 = arith.constant 2 : i32
        %add3A_139 = arith.addi %add3A_80, %add3A_138 : i32
        %lt3A_140 = arith.cmpi slt, %add3A_139, %select_n3A : i32
        %convert_element_type3A_141 = arith.extui %lt3A_140 : i1 to i32
        %cond3A_142 = arith.constant 0 : i32
        %cond3A_143 = arith.cmpi ne, %convert_element_type3A_141, %cond3A_142 : i32
        scf.if %cond3A_143 {
          %add3A_144 = arith.constant 64 : i32
          %add3A_145 = arith.addi %add3A_83, %add3A_144 : i32
          %mul3A_146 = arith.constant 128 : i32
          %mul3A_147 = arith.muli %add3A_145, %mul3A_146 : i32
          %dma_start3A_148 = arith.constant 0 : i32
          %dma_start3A_149 = arith.constant 0 : i32
          %dma_start3A_150 = arith.constant 0 : i32
          %dma_start3A_151 = tpu.memref_slice %arg5[%dma_start3A_148, %dma_start3A_149, %dma_start3A_150] : memref<2x32x128xf32, #tpu.memory_space<vmem>> -> memref<1x32x128xf32, #tpu.memory_space<vmem>>
          %dma_start3A_152 = tpu.memref_squeeze %dma_start3A_151 : memref<1x32x128xf32, #tpu.memory_space<vmem>> -> memref<32x128xf32, #tpu.memory_space<vmem>>
          %dma_start3A_153 = arith.constant 0 : i32
          %dma_start3A_154 = tpu.memref_slice %arg2[%dma_start3A_153, %mul3A_147] : memref<32x1000000xf32, #tpu.memory_space<hbm>> -> memref<32x128xf32, #tpu.memory_space<hbm>>
          %dma_start3A_155 = arith.constant 0 : i32
          %dma_start3A_156 = arith.constant 0 : i32
          %dma_start3A_157 = tpu.memref_slice %arg5[%dma_start3A_148, %dma_start3A_155, %dma_start3A_156] : memref<2x32x128xf32, #tpu.memory_space<vmem>> -> memref<1x32x128xf32, #tpu.memory_space<vmem>>
          %dma_start3A_158 = tpu.memref_squeeze %dma_start3A_157 : memref<1x32x128xf32, #tpu.memory_space<vmem>> -> memref<32x128xf32, #tpu.memory_space<vmem>>
          %dma_start3A_159 = arith.constant 0 : i32
          %dma_start3A_160 = tpu.memref_slice %arg2[%dma_start3A_159, %mul3A_147] : memref<32x1000000xf32, #tpu.memory_space<hbm>> -> memref<32x128xf32, #tpu.memory_space<hbm>>
          tpu.enqueue_dma source(%dma_start3A_160 : memref<32x128xf32, #tpu.memory_space<hbm>>) target(%dma_start3A_158 : memref<32x128xf32, #tpu.memory_space<vmem>>) target_semaphore(%arg7 : memref<!tpu.dma_semaphore, #tpu.memory_space<semaphore_mem>>)
        } else {
        }
      } else {
      }
      %mul3A_88 = arith.constant 2 : i32
      %mul3A_89 = arith.muli %mul3A_88, %add3A_76 : i32
      %add3A_90 = arith.constant 1 : i32
      %add3A_91 = arith.addi %mul3A_89, %add3A_90 : i32
      %mul3A_92 = arith.constant 32 : i32
      %mul3A_93 = arith.muli %mul3A_92, %add3A_91 : i32
      %add3A_94 = arith.addi %add3A, %mul3A_93 : i32
      %lt3A_95 = arith.cmpi slt, %add3A_91, %select_n3A : i32
      %convert_element_type3A_96 = arith.extui %lt3A_95 : i1 to i32
      %cond3A_97 = arith.constant 0 : i32
      %cond3A_98 = arith.cmpi ne, %convert_element_type3A_96, %cond3A_97 : i32
      scf.if %cond3A_98 {
        %dma_wait3A_99 = arith.constant 1 : i32
        %dma_wait3A_100 = arith.constant 0 : i32
        %dma_wait3A_101 = arith.constant 0 : i32
        %dma_wait3A_102 = tpu.memref_slice %arg5[%dma_wait3A_99, %dma_wait3A_100, %dma_wait3A_101] : memref<2x32x128xf32, #tpu.memory_space<vmem>> -> memref<1x32x128xf32, #tpu.memory_space<vmem>>
        %dma_wait3A_103 = tpu.memref_squeeze %dma_wait3A_102 : memref<1x32x128xf32, #tpu.memory_space<vmem>> -> memref<32x128xf32, #tpu.memory_space<vmem>>
        %dma_wait3A_104 = arith.constant 0 : i32
        %dma_wait3A_105 = arith.constant 0 : i32
        %dma_wait3A_106 = tpu.memref_slice %arg2[%dma_wait3A_104, %dma_wait3A_105] : memref<32x1000000xf32, #tpu.memory_space<hbm>> -> memref<32x128xf32, #tpu.memory_space<hbm>>
        %dma_wait3A_107 = arith.constant 0 : i32
        %dma_wait3A_108 = arith.constant 0 : i32
        %dma_wait3A_109 = tpu.memref_slice %arg5[%dma_wait3A_99, %dma_wait3A_107, %dma_wait3A_108] : memref<2x32x128xf32, #tpu.memory_space<vmem>> -> memref<1x32x128xf32, #tpu.memory_space<vmem>>
        %dma_wait3A_110 = tpu.memref_squeeze %dma_wait3A_109 : memref<1x32x128xf32, #tpu.memory_space<vmem>> -> memref<32x128xf32, #tpu.memory_space<vmem>>
        %dma_wait3A_111 = arith.constant 0 : i32
        %dma_wait3A_112 = arith.constant 0 : i32
        %dma_wait3A_113 = tpu.memref_slice %arg2[%dma_wait3A_111, %dma_wait3A_112] : memref<32x1000000xf32, #tpu.memory_space<hbm>> -> memref<32x128xf32, #tpu.memory_space<hbm>>
        tpu.wait_dma2 semaphore(%arg8 : memref<!tpu.dma_semaphore, #tpu.memory_space<semaphore_mem>>) src(%dma_wait3A_113 : memref<32x128xf32, #tpu.memory_space<hbm>>) dst(%dma_wait3A_110 : memref<32x128xf32, #tpu.memory_space<vmem>>)
        %ge3A = arith.constant 2 : i32
        %ge3A_114 = arith.cmpi sge, %add3A_91, %ge3A : i32
        %convert_element_type3A_115 = arith.extui %ge3A_114 : i1 to i32
        %cond3A_116 = arith.constant 0 : i32
        %cond3A_117 = arith.cmpi ne, %convert_element_type3A_115, %cond3A_116 : i32
        scf.if %cond3A_117 {
          %dma_wait3A_144 = arith.constant 1 : i32
          %dma_wait3A_145 = arith.constant 0 : i32
          %dma_wait3A_146 = arith.constant 0 : i32
          %dma_wait3A_147 = tpu.memref_slice %arg6[%dma_wait3A_144, %dma_wait3A_145, %dma_wait3A_146] : memref<2x32x128xf32, #tpu.memory_space<vmem>> -> memref<1x32x128xf32, #tpu.memory_space<vmem>>
          %dma_wait3A_148 = tpu.memref_squeeze %dma_wait3A_147 : memref<1x32x128xf32, #tpu.memory_space<vmem>> -> memref<32x128xf32, #tpu.memory_space<vmem>>
          %dma_wait3A_149 = arith.constant 0 : i32
          %dma_wait3A_150 = arith.constant 0 : i32
          %dma_wait3A_151 = tpu.memref_slice %arg4[%dma_wait3A_149, %dma_wait3A_150] : memref<250000x128xf32, #tpu.memory_space<hbm>> -> memref<32x128xf32, #tpu.memory_space<hbm>>
          %dma_wait3A_152 = arith.constant 0 : i32
          %dma_wait3A_153 = arith.constant 0 : i32
          %dma_wait3A_154 = tpu.memref_slice %arg4[%dma_wait3A_152, %dma_wait3A_153] : memref<250000x128xf32, #tpu.memory_space<hbm>> -> memref<32x128xf32, #tpu.memory_space<hbm>>
          %dma_wait3A_155 = arith.constant 0 : i32
          %dma_wait3A_156 = arith.constant 0 : i32
          %dma_wait3A_157 = tpu.memref_slice %arg6[%dma_wait3A_144, %dma_wait3A_155, %dma_wait3A_156] : memref<2x32x128xf32, #tpu.memory_space<vmem>> -> memref<1x32x128xf32, #tpu.memory_space<vmem>>
          %dma_wait3A_158 = tpu.memref_squeeze %dma_wait3A_157 : memref<1x32x128xf32, #tpu.memory_space<vmem>> -> memref<32x128xf32, #tpu.memory_space<vmem>>
          tpu.wait_dma2 semaphore(%arg10 : memref<!tpu.dma_semaphore, #tpu.memory_space<semaphore_mem>>) src(%dma_wait3A_158 : memref<32x128xf32, #tpu.memory_space<vmem>>) dst(%dma_wait3A_154 : memref<32x128xf32, #tpu.memory_space<hbm>>)
        } else {
        }
        %scan3A_118 = arith.constant 0 : i32
        %scan3A_119 = arith.constant 32 : i32
        %scan3A_120 = arith.addi %scan3A_118, %scan3A_119 : i32
        %scan3A_121 = arith.constant 1 : i32
        scf.for %scan3A_144 = %scan3A_118 to %scan3A_120 step %scan3A_121  : i32 {
          %mul3A_145 = arith.constant 1 : i32
          %mul3A_146 = arith.muli %scan3A_144, %mul3A_145 : i32
          %add3A_147 = arith.constant 0 : i32
          %add3A_148 = arith.addi %add3A_147, %mul3A_146 : i32
          %mul3A_149 = arith.constant 4 : i32
          %mul3A_150 = arith.muli %mul3A_149, %add3A_148 : i32
          %broadcast_in_dim3A = vector.broadcast %mul3A_150 : i32 to vector<16xi32>
          %add3A_151 = arith.constant 0 : i32
          %add3A_152 = vector.broadcast %add3A_151 : i32 to vector<16xi32>
          %add3A_153 = arith.addi %broadcast_in_dim3A, %add3A_152 : vector<16xi32>
          %gather3A = arith.constant 1 : i32
          %gather3A_154 = arith.constant 0 : i32
          %gather3A_155 = arith.constant 0 : i32
          %gather3A_156 = tpu.memref_slice %arg5[%gather3A, %gather3A_154, %gather3A_155] : memref<2x32x128xf32, #tpu.memory_space<vmem>> -> memref<1x32x128xf32, #tpu.memory_space<vmem>>
          %gather3A_157 = tpu.memref_squeeze %gather3A_156 : memref<1x32x128xf32, #tpu.memory_space<vmem>> -> memref<32x128xf32, #tpu.memory_space<vmem>>
          %gather3A_158 = tpu.vector_load_idx %gather3A_157[%iota3A, %add3A_153] : memref<32x128xf32, #tpu.memory_space<vmem>>[vector<16xi32>, vector<16xi32>], vector<16xf32>,
          %swap3A = arith.constant 1 : i32
          %swap3A_159 = arith.index_cast %swap3A : i32 to index
          %swap3A_160 = arith.index_cast %add3A_148 : i32 to index
          %swap3A_161 = arith.constant 0 : index
          %swap3A_162 = tpu.vector_load %arg6[%swap3A_159, %swap3A_160, %swap3A_161] {strides = array<i32>} : memref<2x32x128xf32, #tpu.memory_space<vmem>>, vector<16xf32>,
          tpu.vector_store %arg6[%swap3A_159, %swap3A_160, %swap3A_161], %gather3A_158 {strides = array<i32>} : memref<2x32x128xf32, #tpu.memory_space<vmem>>, vector<16xf32>,
          %add3A_163 = arith.constant 0 : i32
          %add3A_164 = vector.broadcast %add3A_163 : i32 to vector<16xi32>
          %add3A_165 = arith.addi %broadcast_in_dim3A, %add3A_164 : vector<16xi32>
          %gather3A_166 = arith.constant 1 : i32
          %gather3A_167 = arith.constant 0 : i32
          %gather3A_168 = arith.constant 0 : i32
          %gather3A_169 = tpu.memref_slice %arg5[%gather3A_166, %gather3A_167, %gather3A_168] : memref<2x32x128xf32, #tpu.memory_space<vmem>> -> memref<1x32x128xf32, #tpu.memory_space<vmem>>
          %gather3A_170 = tpu.memref_squeeze %gather3A_169 : memref<1x32x128xf32, #tpu.memory_space<vmem>> -> memref<32x128xf32, #tpu.memory_space<vmem>>
          %gather3A_171 = tpu.vector_load_idx %gather3A_170[%add3A_5, %add3A_165] : memref<32x128xf32, #tpu.memory_space<vmem>>[vector<16xi32>, vector<16xi32>], vector<16xf32>,
          %swap3A_172 = arith.constant 1 : i32
          %swap3A_173 = arith.index_cast %swap3A_172 : i32 to index
          %swap3A_174 = arith.index_cast %add3A_148 : i32 to index
          %swap3A_175 = arith.constant 16 : index
          %swap3A_176 = tpu.vector_load %arg6[%swap3A_173, %swap3A_174, %swap3A_175] {strides = array<i32>} : memref<2x32x128xf32, #tpu.memory_space<vmem>>, vector<16xf32>,
          tpu.vector_store %arg6[%swap3A_173, %swap3A_174, %swap3A_175], %gather3A_171 {strides = array<i32>} : memref<2x32x128xf32, #tpu.memory_space<vmem>>, vector<16xf32>,
          %add3A_177 = arith.constant 1 : i32
          %add3A_178 = vector.broadcast %add3A_177 : i32 to vector<16xi32>
          %add3A_179 = arith.addi %broadcast_in_dim3A, %add3A_178 : vector<16xi32>
          %gather3A_180 = arith.constant 1 : i32
          %gather3A_181 = arith.constant 0 : i32
          %gather3A_182 = arith.constant 0 : i32
          %gather3A_183 = tpu.memref_slice %arg5[%gather3A_180, %gather3A_181, %gather3A_182] : memref<2x32x128xf32, #tpu.memory_space<vmem>> -> memref<1x32x128xf32, #tpu.memory_space<vmem>>
          %gather3A_184 = tpu.memref_squeeze %gather3A_183 : memref<1x32x128xf32, #tpu.memory_space<vmem>> -> memref<32x128xf32, #tpu.memory_space<vmem>>
          %gather3A_185 = tpu.vector_load_idx %gather3A_184[%iota3A, %add3A_179] : memref<32x128xf32, #tpu.memory_space<vmem>>[vector<16xi32>, vector<16xi32>], vector<16xf32>,
          %swap3A_186 = arith.constant 1 : i32
          %swap3A_187 = arith.index_cast %swap3A_186 : i32 to index
          %swap3A_188 = arith.index_cast %add3A_148 : i32 to index
          %swap3A_189 = arith.constant 32 : index
          %swap3A_190 = tpu.vector_load %arg6[%swap3A_187, %swap3A_188, %swap3A_189] {strides = array<i32>} : memref<2x32x128xf32, #tpu.memory_space<vmem>>, vector<16xf32>,
          tpu.vector_store %arg6[%swap3A_187, %swap3A_188, %swap3A_189], %gather3A_185 {strides = array<i32>} : memref<2x32x128xf32, #tpu.memory_space<vmem>>, vector<16xf32>,
          %add3A_191 = arith.constant 1 : i32
          %add3A_192 = vector.broadcast %add3A_191 : i32 to vector<16xi32>
          %add3A_193 = arith.addi %broadcast_in_dim3A, %add3A_192 : vector<16xi32>
          %gather3A_194 = arith.constant 1 : i32
          %gather3A_195 = arith.constant 0 : i32
          %gather3A_196 = arith.constant 0 : i32
          %gather3A_197 = tpu.memref_slice %arg5[%gather3A_194, %gather3A_195, %gather3A_196] : memref<2x32x128xf32, #tpu.memory_space<vmem>> -> memref<1x32x128xf32, #tpu.memory_space<vmem>>
          %gather3A_198 = tpu.memref_squeeze %gather3A_197 : memref<1x32x128xf32, #tpu.memory_space<vmem>> -> memref<32x128xf32, #tpu.memory_space<vmem>>
          %gather3A_199 = tpu.vector_load_idx %gather3A_198[%add3A_5, %add3A_193] : memref<32x128xf32, #tpu.memory_space<vmem>>[vector<16xi32>, vector<16xi32>], vector<16xf32>,
          %swap3A_200 = arith.constant 1 : i32
          %swap3A_201 = arith.index_cast %swap3A_200 : i32 to index
          %swap3A_202 = arith.index_cast %add3A_148 : i32 to index
          %swap3A_203 = arith.constant 48 : index
          %swap3A_204 = tpu.vector_load %arg6[%swap3A_201, %swap3A_202, %swap3A_203] {strides = array<i32>} : memref<2x32x128xf32, #tpu.memory_space<vmem>>, vector<16xf32>,
          tpu.vector_store %arg6[%swap3A_201, %swap3A_202, %swap3A_203], %gather3A_199 {strides = array<i32>} : memref<2x32x128xf32, #tpu.memory_space<vmem>>, vector<16xf32>,
          %add3A_205 = arith.constant 2 : i32
          %add3A_206 = vector.broadcast %add3A_205 : i32 to vector<16xi32>
          %add3A_207 = arith.addi %broadcast_in_dim3A, %add3A_206 : vector<16xi32>
          %gather3A_208 = arith.constant 1 : i32
          %gather3A_209 = arith.constant 0 : i32
          %gather3A_210 = arith.constant 0 : i32
          %gather3A_211 = tpu.memref_slice %arg5[%gather3A_208, %gather3A_209, %gather3A_210] : memref<2x32x128xf32, #tpu.memory_space<vmem>> -> memref<1x32x128xf32, #tpu.memory_space<vmem>>
          %gather3A_212 = tpu.memref_squeeze %gather3A_211 : memref<1x32x128xf32, #tpu.memory_space<vmem>> -> memref<32x128xf32, #tpu.memory_space<vmem>>
          %gather3A_213 = tpu.vector_load_idx %gather3A_212[%iota3A, %add3A_207] : memref<32x128xf32, #tpu.memory_space<vmem>>[vector<16xi32>, vector<16xi32>], vector<16xf32>,
          %swap3A_214 = arith.constant 1 : i32
          %swap3A_215 = arith.index_cast %swap3A_214 : i32 to index
          %swap3A_216 = arith.index_cast %add3A_148 : i32 to index
          %swap3A_217 = arith.constant 64 : index
          %swap3A_218 = tpu.vector_load %arg6[%swap3A_215, %swap3A_216, %swap3A_217] {strides = array<i32>} : memref<2x32x128xf32, #tpu.memory_space<vmem>>, vector<16xf32>,
          tpu.vector_store %arg6[%swap3A_215, %swap3A_216, %swap3A_217], %gather3A_213 {strides = array<i32>} : memref<2x32x128xf32, #tpu.memory_space<vmem>>, vector<16xf32>,
          %add3A_219 = arith.constant 2 : i32
          %add3A_220 = vector.broadcast %add3A_219 : i32 to vector<16xi32>
          %add3A_221 = arith.addi %broadcast_in_dim3A, %add3A_220 : vector<16xi32>
          %gather3A_222 = arith.constant 1 : i32
          %gather3A_223 = arith.constant 0 : i32
          %gather3A_224 = arith.constant 0 : i32
          %gather3A_225 = tpu.memref_slice %arg5[%gather3A_222, %gather3A_223, %gather3A_224] : memref<2x32x128xf32, #tpu.memory_space<vmem>> -> memref<1x32x128xf32, #tpu.memory_space<vmem>>
          %gather3A_226 = tpu.memref_squeeze %gather3A_225 : memref<1x32x128xf32, #tpu.memory_space<vmem>> -> memref<32x128xf32, #tpu.memory_space<vmem>>
          %gather3A_227 = tpu.vector_load_idx %gather3A_226[%add3A_5, %add3A_221] : memref<32x128xf32, #tpu.memory_space<vmem>>[vector<16xi32>, vector<16xi32>], vector<16xf32>,
          %swap3A_228 = arith.constant 1 : i32
          %swap3A_229 = arith.index_cast %swap3A_228 : i32 to index
          %swap3A_230 = arith.index_cast %add3A_148 : i32 to index
          %swap3A_231 = arith.constant 80 : index
          %swap3A_232 = tpu.vector_load %arg6[%swap3A_229, %swap3A_230, %swap3A_231] {strides = array<i32>} : memref<2x32x128xf32, #tpu.memory_space<vmem>>, vector<16xf32>,
          tpu.vector_store %arg6[%swap3A_229, %swap3A_230, %swap3A_231], %gather3A_227 {strides = array<i32>} : memref<2x32x128xf32, #tpu.memory_space<vmem>>, vector<16xf32>,
          %add3A_233 = arith.constant 3 : i32
          %add3A_234 = vector.broadcast %add3A_233 : i32 to vector<16xi32>
          %add3A_235 = arith.addi %broadcast_in_dim3A, %add3A_234 : vector<16xi32>
          %gather3A_236 = arith.constant 1 : i32
          %gather3A_237 = arith.constant 0 : i32
          %gather3A_238 = arith.constant 0 : i32
          %gather3A_239 = tpu.memref_slice %arg5[%gather3A_236, %gather3A_237, %gather3A_238] : memref<2x32x128xf32, #tpu.memory_space<vmem>> -> memref<1x32x128xf32, #tpu.memory_space<vmem>>
          %gather3A_240 = tpu.memref_squeeze %gather3A_239 : memref<1x32x128xf32, #tpu.memory_space<vmem>> -> memref<32x128xf32, #tpu.memory_space<vmem>>
          %gather3A_241 = tpu.vector_load_idx %gather3A_240[%iota3A, %add3A_235] : memref<32x128xf32, #tpu.memory_space<vmem>>[vector<16xi32>, vector<16xi32>], vector<16xf32>,
          %swap3A_242 = arith.constant 1 : i32
          %swap3A_243 = arith.index_cast %swap3A_242 : i32 to index
          %swap3A_244 = arith.index_cast %add3A_148 : i32 to index
          %swap3A_245 = arith.constant 96 : index
          %swap3A_246 = tpu.vector_load %arg6[%swap3A_243, %swap3A_244, %swap3A_245] {strides = array<i32>} : memref<2x32x128xf32, #tpu.memory_space<vmem>>, vector<16xf32>,
          tpu.vector_store %arg6[%swap3A_243, %swap3A_244, %swap3A_245], %gather3A_241 {strides = array<i32>} : memref<2x32x128xf32, #tpu.memory_space<vmem>>, vector<16xf32>,
          %add3A_247 = arith.constant 3 : i32
          %add3A_248 = vector.broadcast %add3A_247 : i32 to vector<16xi32>
          %add3A_249 = arith.addi %broadcast_in_dim3A, %add3A_248 : vector<16xi32>
          %gather3A_250 = arith.constant 1 : i32
          %gather3A_251 = arith.constant 0 : i32
          %gather3A_252 = arith.constant 0 : i32
          %gather3A_253 = tpu.memref_slice %arg5[%gather3A_250, %gather3A_251, %gather3A_252] : memref<2x32x128xf32, #tpu.memory_space<vmem>> -> memref<1x32x128xf32, #tpu.memory_space<vmem>>
          %gather3A_254 = tpu.memref_squeeze %gather3A_253 : memref<1x32x128xf32, #tpu.memory_space<vmem>> -> memref<32x128xf32, #tpu.memory_space<vmem>>
          %gather3A_255 = tpu.vector_load_idx %gather3A_254[%add3A_5, %add3A_249] : memref<32x128xf32, #tpu.memory_space<vmem>>[vector<16xi32>, vector<16xi32>], vector<16xf32>,
          %swap3A_256 = arith.constant 1 : i32
          %swap3A_257 = arith.index_cast %swap3A_256 : i32 to index
          %swap3A_258 = arith.index_cast %add3A_148 : i32 to index
          %swap3A_259 = arith.constant 112 : index
          %swap3A_260 = tpu.vector_load %arg6[%swap3A_257, %swap3A_258, %swap3A_259] {strides = array<i32>} : memref<2x32x128xf32, #tpu.memory_space<vmem>>, vector<16xf32>,
          tpu.vector_store %arg6[%swap3A_257, %swap3A_258, %swap3A_259], %gather3A_255 {strides = array<i32>} : memref<2x32x128xf32, #tpu.memory_space<vmem>>, vector<16xf32>,
        }
        %scan3A_122 = arith.constant 32 : i32
        %mul3A_123 = arith.constant 32 : i32
        %mul3A_124 = arith.muli %add3A_94, %mul3A_123 : i32
        %dma_start3A_125 = arith.constant 1 : i32
        %dma_start3A_126 = arith.constant 0 : i32
        %dma_start3A_127 = arith.constant 0 : i32
        %dma_start3A_128 = tpu.memref_slice %arg6[%dma_start3A_125, %dma_start3A_126, %dma_start3A_127] : memref<2x32x128xf32, #tpu.memory_space<vmem>> -> memref<1x32x128xf32, #tpu.memory_space<vmem>>
        %dma_start3A_129 = tpu.memref_squeeze %dma_start3A_128 : memref<1x32x128xf32, #tpu.memory_space<vmem>> -> memref<32x128xf32, #tpu.memory_space<vmem>>
        %dma_start3A_130 = arith.constant 0 : i32
        %dma_start3A_131 = tpu.memref_slice %arg4[%mul3A_124, %dma_start3A_130] : memref<250000x128xf32, #tpu.memory_space<hbm>> -> memref<32x128xf32, #tpu.memory_space<hbm>>
        %dma_start3A_132 = arith.constant 0 : i32
        %dma_start3A_133 = tpu.memref_slice %arg4[%mul3A_124, %dma_start3A_132] : memref<250000x128xf32, #tpu.memory_space<hbm>> -> memref<32x128xf32, #tpu.memory_space<hbm>>
        %dma_start3A_134 = arith.constant 0 : i32
        %dma_start3A_135 = arith.constant 0 : i32
        %dma_start3A_136 = tpu.memref_slice %arg6[%dma_start3A_125, %dma_start3A_134, %dma_start3A_135] : memref<2x32x128xf32, #tpu.memory_space<vmem>> -> memref<1x32x128xf32, #tpu.memory_space<vmem>>
        %dma_start3A_137 = tpu.memref_squeeze %dma_start3A_136 : memref<1x32x128xf32, #tpu.memory_space<vmem>> -> memref<32x128xf32, #tpu.memory_space<vmem>>
        tpu.enqueue_dma source(%dma_start3A_137 : memref<32x128xf32, #tpu.memory_space<vmem>>) target(%dma_start3A_133 : memref<32x128xf32, #tpu.memory_space<hbm>>) target_semaphore(%arg10 : memref<!tpu.dma_semaphore, #tpu.memory_space<semaphore_mem>>)
        %add3A_138 = arith.constant 2 : i32
        %add3A_139 = arith.addi %add3A_91, %add3A_138 : i32
        %lt3A_140 = arith.cmpi slt, %add3A_139, %select_n3A : i32
        %convert_element_type3A_141 = arith.extui %lt3A_140 : i1 to i32
        %cond3A_142 = arith.constant 0 : i32
        %cond3A_143 = arith.cmpi ne, %convert_element_type3A_141, %cond3A_142 : i32
        scf.if %cond3A_143 {
          %add3A_144 = arith.constant 64 : i32
          %add3A_145 = arith.addi %add3A_94, %add3A_144 : i32
          %mul3A_146 = arith.constant 128 : i32
          %mul3A_147 = arith.muli %add3A_145, %mul3A_146 : i32
          %dma_start3A_148 = arith.constant 1 : i32
          %dma_start3A_149 = arith.constant 0 : i32
          %dma_start3A_150 = arith.constant 0 : i32
          %dma_start3A_151 = tpu.memref_slice %arg5[%dma_start3A_148, %dma_start3A_149, %dma_start3A_150] : memref<2x32x128xf32, #tpu.memory_space<vmem>> -> memref<1x32x128xf32, #tpu.memory_space<vmem>>
          %dma_start3A_152 = tpu.memref_squeeze %dma_start3A_151 : memref<1x32x128xf32, #tpu.memory_space<vmem>> -> memref<32x128xf32, #tpu.memory_space<vmem>>
          %dma_start3A_153 = arith.constant 0 : i32
          %dma_start3A_154 = tpu.memref_slice %arg2[%dma_start3A_153, %mul3A_147] : memref<32x1000000xf32, #tpu.memory_space<hbm>> -> memref<32x128xf32, #tpu.memory_space<hbm>>
          %dma_start3A_155 = arith.constant 0 : i32
          %dma_start3A_156 = arith.constant 0 : i32
          %dma_start3A_157 = tpu.memref_slice %arg5[%dma_start3A_148, %dma_start3A_155, %dma_start3A_156] : memref<2x32x128xf32, #tpu.memory_space<vmem>> -> memref<1x32x128xf32, #tpu.memory_space<vmem>>
          %dma_start3A_158 = tpu.memref_squeeze %dma_start3A_157 : memref<1x32x128xf32, #tpu.memory_space<vmem>> -> memref<32x128xf32, #tpu.memory_space<vmem>>
          %dma_start3A_159 = arith.constant 0 : i32
          %dma_start3A_160 = tpu.memref_slice %arg2[%dma_start3A_159, %mul3A_147] : memref<32x1000000xf32, #tpu.memory_space<hbm>> -> memref<32x128xf32, #tpu.memory_space<hbm>>
          tpu.enqueue_dma source(%dma_start3A_160 : memref<32x128xf32, #tpu.memory_space<hbm>>) target(%dma_start3A_158 : memref<32x128xf32, #tpu.memory_space<vmem>>) target_semaphore(%arg8 : memref<!tpu.dma_semaphore, #tpu.memory_space<semaphore_mem>>)
        } else {
        }
      } else {
      }
    }
    %scan3A_40 = arith.constant 123 : i32
    %dma_wait3A = arith.constant 0 : i32
    %dma_wait3A_41 = arith.constant 0 : i32
    %dma_wait3A_42 = arith.constant 0 : i32
    %dma_wait3A_43 = tpu.memref_slice %arg6[%dma_wait3A, %dma_wait3A_41, %dma_wait3A_42] : memref<2x32x128xf32, #tpu.memory_space<vmem>> -> memref<1x32x128xf32, #tpu.memory_space<vmem>>
    %dma_wait3A_44 = tpu.memref_squeeze %dma_wait3A_43 : memref<1x32x128xf32, #tpu.memory_space<vmem>> -> memref<32x128xf32, #tpu.memory_space<vmem>>
    %dma_wait3A_45 = arith.constant 0 : i32
    %dma_wait3A_46 = arith.constant 0 : i32
    %dma_wait3A_47 = tpu.memref_slice %arg4[%dma_wait3A_45, %dma_wait3A_46] : memref<250000x128xf32, #tpu.memory_space<hbm>> -> memref<32x128xf32, #tpu.memory_space<hbm>>
    %dma_wait3A_48 = arith.constant 0 : i32
    %dma_wait3A_49 = arith.constant 0 : i32
    %dma_wait3A_50 = tpu.memref_slice %arg4[%dma_wait3A_48, %dma_wait3A_49] : memref<250000x128xf32, #tpu.memory_space<hbm>> -> memref<32x128xf32, #tpu.memory_space<hbm>>
    %dma_wait3A_51 = arith.constant 0 : i32
    %dma_wait3A_52 = arith.constant 0 : i32
    %dma_wait3A_53 = tpu.memref_slice %arg6[%dma_wait3A, %dma_wait3A_51, %dma_wait3A_52] : memref<2x32x128xf32, #tpu.memory_space<vmem>> -> memref<1x32x128xf32, #tpu.memory_space<vmem>>
    %dma_wait3A_54 = tpu.memref_squeeze %dma_wait3A_53 : memref<1x32x128xf32, #tpu.memory_space<vmem>> -> memref<32x128xf32, #tpu.memory_space<vmem>>
    tpu.wait_dma2 semaphore(%arg9 : memref<!tpu.dma_semaphore, #tpu.memory_space<semaphore_mem>>) src(%dma_wait3A_54 : memref<32x128xf32, #tpu.memory_space<vmem>>) dst(%dma_wait3A_50 : memref<32x128xf32, #tpu.memory_space<hbm>>)
    %dma_wait3A_55 = arith.constant 1 : i32
    %dma_wait3A_56 = arith.constant 0 : i32
    %dma_wait3A_57 = arith.constant 0 : i32
    %dma_wait3A_58 = tpu.memref_slice %arg6[%dma_wait3A_55, %dma_wait3A_56, %dma_wait3A_57] : memref<2x32x128xf32, #tpu.memory_space<vmem>> -> memref<1x32x128xf32, #tpu.memory_space<vmem>>
    %dma_wait3A_59 = tpu.memref_squeeze %dma_wait3A_58 : memref<1x32x128xf32, #tpu.memory_space<vmem>> -> memref<32x128xf32, #tpu.memory_space<vmem>>
    %dma_wait3A_60 = arith.constant 0 : i32
    %dma_wait3A_61 = arith.constant 0 : i32
    %dma_wait3A_62 = tpu.memref_slice %arg4[%dma_wait3A_60, %dma_wait3A_61] : memref<250000x128xf32, #tpu.memory_space<hbm>> -> memref<32x128xf32, #tpu.memory_space<hbm>>
    %dma_wait3A_63 = arith.constant 0 : i32
    %dma_wait3A_64 = arith.constant 0 : i32
    %dma_wait3A_65 = tpu.memref_slice %arg4[%dma_wait3A_63, %dma_wait3A_64] : memref<250000x128xf32, #tpu.memory_space<hbm>> -> memref<32x128xf32, #tpu.memory_space<hbm>>
    %dma_wait3A_66 = arith.constant 0 : i32
    %dma_wait3A_67 = arith.constant 0 : i32
    %dma_wait3A_68 = tpu.memref_slice %arg6[%dma_wait3A_55, %dma_wait3A_66, %dma_wait3A_67] : memref<2x32x128xf32, #tpu.memory_space<vmem>> -> memref<1x32x128xf32, #tpu.memory_space<vmem>>
    %dma_wait3A_69 = tpu.memref_squeeze %dma_wait3A_68 : memref<1x32x128xf32, #tpu.memory_space<vmem>> -> memref<32x128xf32, #tpu.memory_space<vmem>>
    tpu.wait_dma2 semaphore(%arg10 : memref<!tpu.dma_semaphore, #tpu.memory_space<semaphore_mem>>) src(%dma_wait3A_69 : memref<32x128xf32, #tpu.memory_space<vmem>>) dst(%dma_wait3A_65 : memref<32x128xf32, #tpu.memory_space<hbm>>)
    %eq3A = arith.constant 4 : i32
    %eq3A_70 = arith.cmpi eq, %add3A, %eq3A : i32
    %convert_element_type3A = arith.extui %eq3A_70 : i1 to i32
    %cond3A = arith.constant 0 : i32
    %cond3A_71 = arith.cmpi ne, %convert_element_type3A, %cond3A : i32
    scf.if %cond3A_71 {
      %run_scoped3A = arith.constant 0 : i32
      "tpu.region"() ({
        %run_scoped3A_73 = tpu.sem_alloc : memref<!tpu.dma_semaphore, #tpu.memory_space<semaphore_mem>>
        %dma_start3A_74 = arith.constant 0 : i32
        %dma_start3A_75 = arith.constant 0 : i32
        %dma_start3A_76 = tpu.memref_slice %arg5[%run_scoped3A, %dma_start3A_74, %dma_start3A_75] : memref<2x32x128xf32, #tpu.memory_space<vmem>> -> memref<1x16x128xf32, #tpu.memory_space<vmem>>
        %dma_start3A_77 = tpu.memref_squeeze %dma_start3A_76 : memref<1x16x128xf32, #tpu.memory_space<vmem>> -> memref<16x128xf32, #tpu.memory_space<vmem>>
        %dma_start3A_78 = arith.constant 0 : i32
        %dma_start3A_79 = arith.constant 0 : i32
        %dma_start3A_80 = tpu.memref_slice %arg5[%run_scoped3A, %dma_start3A_78, %dma_start3A_79] : memref<2x32x128xf32, #tpu.memory_space<vmem>> -> memref<1x16x128xf32, #tpu.memory_space<vmem>>
        %dma_start3A_81 = tpu.memref_squeeze %dma_start3A_80 : memref<1x16x128xf32, #tpu.memory_space<vmem>> -> memref<16x128xf32, #tpu.memory_space<vmem>>
        tpu.enqueue_dma source(%arg3 : memref<16x128xf32, #tpu.memory_space<hbm>>) target(%dma_start3A_81 : memref<16x128xf32, #tpu.memory_space<vmem>>) target_semaphore(%run_scoped3A_73 : memref<!tpu.dma_semaphore, #tpu.memory_space<semaphore_mem>>)
        %dma_wait3A_82 = arith.constant 0 : i32
        %dma_wait3A_83 = arith.constant 0 : i32
        %dma_wait3A_84 = tpu.memref_slice %arg5[%run_scoped3A, %dma_wait3A_82, %dma_wait3A_83] : memref<2x32x128xf32, #tpu.memory_space<vmem>> -> memref<1x16x128xf32, #tpu.memory_space<vmem>>
        %dma_wait3A_85 = tpu.memref_squeeze %dma_wait3A_84 : memref<1x16x128xf32, #tpu.memory_space<vmem>> -> memref<16x128xf32, #tpu.memory_space<vmem>>
        %dma_wait3A_86 = arith.constant 0 : i32
        %dma_wait3A_87 = arith.constant 0 : i32
        %dma_wait3A_88 = tpu.memref_slice %arg5[%run_scoped3A, %dma_wait3A_86, %dma_wait3A_87] : memref<2x32x128xf32, #tpu.memory_space<vmem>> -> memref<1x16x128xf32, #tpu.memory_space<vmem>>
        %dma_wait3A_89 = tpu.memref_squeeze %dma_wait3A_88 : memref<1x16x128xf32, #tpu.memory_space<vmem>> -> memref<16x128xf32, #tpu.memory_space<vmem>>
        tpu.wait_dma2 semaphore(%run_scoped3A_73 : memref<!tpu.dma_semaphore, #tpu.memory_space<semaphore_mem>>) src(%arg3 : memref<16x128xf32, #tpu.memory_space<hbm>>) dst(%dma_wait3A_89 : memref<16x128xf32, #tpu.memory_space<vmem>>)
        tpu.yield
      }) : () -> ()
      %run_scoped3A_72 = arith.constant 0 : i32
      "tpu.region"() ({
        %run_scoped3A_73 = tpu.sem_alloc : memref<!tpu.dma_semaphore, #tpu.memory_space<semaphore_mem>>
        %dma_start3A_74 = arith.constant 0 : i32
        %dma_start3A_75 = arith.constant 0 : i32
        %dma_start3A_76 = tpu.memref_slice %arg5[%run_scoped3A_72, %dma_start3A_74, %dma_start3A_75] : memref<2x32x128xf32, #tpu.memory_space<vmem>> -> memref<1x16x128xf32, #tpu.memory_space<vmem>>
        %dma_start3A_77 = tpu.memref_squeeze %dma_start3A_76 : memref<1x16x128xf32, #tpu.memory_space<vmem>> -> memref<16x128xf32, #tpu.memory_space<vmem>>
        %dma_start3A_78 = arith.constant 249984 : i32
        %dma_start3A_79 = arith.constant 0 : i32
        %dma_start3A_80 = tpu.memref_slice %arg4[%dma_start3A_78, %dma_start3A_79] : memref<250000x128xf32, #tpu.memory_space<hbm>> -> memref<16x128xf32, #tpu.memory_space<hbm>>
        %dma_start3A_81 = arith.constant 249984 : i32
        %dma_start3A_82 = arith.constant 0 : i32
        %dma_start3A_83 = tpu.memref_slice %arg4[%dma_start3A_81, %dma_start3A_82] : memref<250000x128xf32, #tpu.memory_space<hbm>> -> memref<16x128xf32, #tpu.memory_space<hbm>>
        %dma_start3A_84 = arith.constant 0 : i32
        %dma_start3A_85 = arith.constant 0 : i32
        %dma_start3A_86 = tpu.memref_slice %arg5[%run_scoped3A_72, %dma_start3A_84, %dma_start3A_85] : memref<2x32x128xf32, #tpu.memory_space<vmem>> -> memref<1x16x128xf32, #tpu.memory_space<vmem>>
        %dma_start3A_87 = tpu.memref_squeeze %dma_start3A_86 : memref<1x16x128xf32, #tpu.memory_space<vmem>> -> memref<16x128xf32, #tpu.memory_space<vmem>>
        tpu.enqueue_dma source(%dma_start3A_87 : memref<16x128xf32, #tpu.memory_space<vmem>>) target(%dma_start3A_83 : memref<16x128xf32, #tpu.memory_space<hbm>>) target_semaphore(%run_scoped3A_73 : memref<!tpu.dma_semaphore, #tpu.memory_space<semaphore_mem>>)
        %dma_wait3A_88 = arith.constant 0 : i32
        %dma_wait3A_89 = arith.constant 0 : i32
        %dma_wait3A_90 = tpu.memref_slice %arg5[%run_scoped3A_72, %dma_wait3A_88, %dma_wait3A_89] : memref<2x32x128xf32, #tpu.memory_space<vmem>> -> memref<1x16x128xf32, #tpu.memory_space<vmem>>
        %dma_wait3A_91 = tpu.memref_squeeze %dma_wait3A_90 : memref<1x16x128xf32, #tpu.memory_space<vmem>> -> memref<16x128xf32, #tpu.memory_space<vmem>>
        %dma_wait3A_92 = arith.constant 249984 : i32
        %dma_wait3A_93 = arith.constant 0 : i32
        %dma_wait3A_94 = tpu.memref_slice %arg4[%dma_wait3A_92, %dma_wait3A_93] : memref<250000x128xf32, #tpu.memory_space<hbm>> -> memref<16x128xf32, #tpu.memory_space<hbm>>
        %dma_wait3A_95 = arith.constant 249984 : i32
        %dma_wait3A_96 = arith.constant 0 : i32
        %dma_wait3A_97 = tpu.memref_slice %arg4[%dma_wait3A_95, %dma_wait3A_96] : memref<250000x128xf32, #tpu.memory_space<hbm>> -> memref<16x128xf32, #tpu.memory_space<hbm>>
        %dma_wait3A_98 = arith.constant 0 : i32
        %dma_wait3A_99 = arith.constant 0 : i32
        %dma_wait3A_100 = tpu.memref_slice %arg5[%run_scoped3A_72, %dma_wait3A_98, %dma_wait3A_99] : memref<2x32x128xf32, #tpu.memory_space<vmem>> -> memref<1x16x128xf32, #tpu.memory_space<vmem>>
        %dma_wait3A_101 = tpu.memref_squeeze %dma_wait3A_100 : memref<1x16x128xf32, #tpu.memory_space<vmem>> -> memref<16x128xf32, #tpu.memory_space<vmem>>
        tpu.wait_dma2 semaphore(%run_scoped3A_73 : memref<!tpu.dma_semaphore, #tpu.memory_space<semaphore_mem>>) src(%dma_wait3A_101 : memref<16x128xf32, #tpu.memory_space<vmem>>) dst(%dma_wait3A_97 : memref<16x128xf32, #tpu.memory_space<hbm>>)
        tpu.yield
      }) : () -> ()
    } else {
    }
    return
  }
}

#map = affine_map<(d0, d1) -> (0)>
#map1 = affine_map<(d0, d1) -> (0, 0)>
module attributes {stable_mosaic.version = 14 : i64} {
  func.func @_gather_pool(%arg0: i32, %arg1: i32, %arg2: memref<819200xi32, #tpu.memory_space<hbm>>, %arg3: memref<851968xi32, #tpu.memory_space<hbm>>, %arg4: memref<250000x128xf32, #tpu.memory_space<hbm>>, %arg5: memref<4096x32xf32, #tpu.memory_space<hbm>>, %arg6: memref<25600xi32, #tpu.memory_space<vmem>>, %arg7: memref<26624xi32, #tpu.memory_space<vmem>>, %arg8: memref<2x200x128xf32, #tpu.memory_space<vmem>>, %arg9: memref<128x32xf32, #tpu.memory_space<vmem>>, %arg10: memref<!tpu.dma_semaphore, #tpu.memory_space<semaphore_mem>>, %arg11: memref<!tpu.dma_semaphore, #tpu.memory_space<semaphore_mem>>) attributes {dimension_semantics = [#tpu.dimension_semantics<core_parallel>, #tpu.dimension_semantics<subcore_parallel>], iteration_bounds = array<i64: 2, 16>, scalar_prefetch = 0 : i64, scratch_operands = 6 : i64, tpu.core_type = #tpu.core_type<sc_vector_subcore>, window_params = [{transform_indices = #map}, {transform_indices = #map}, {transform_indices = #map1}, {transform_indices = #map1}]} {
    %mul3A = arith.constant 2 : i32
    %mul3A_0 = arith.muli %arg1, %mul3A : i32
    %add3A = arith.addi %mul3A_0, %arg0 : i32
    %mul3A_1 = arith.constant 25600 : i32
    %mul3A_2 = arith.muli %add3A, %mul3A_1 : i32
    "tpu.region"() ({
      %run_scoped3A = tpu.sem_alloc : memref<!tpu.dma_semaphore, #tpu.memory_space<semaphore_mem>>
      %dma_start3A_111 = tpu.memref_slice %arg2[%mul3A_2] : memref<819200xi32, #tpu.memory_space<hbm>> -> memref<25600xi32, #tpu.memory_space<hbm>>
      %dma_start3A_112 = tpu.memref_slice %arg2[%mul3A_2] : memref<819200xi32, #tpu.memory_space<hbm>> -> memref<25600xi32, #tpu.memory_space<hbm>>
      tpu.enqueue_dma source(%dma_start3A_112 : memref<25600xi32, #tpu.memory_space<hbm>>) target(%arg6 : memref<25600xi32, #tpu.memory_space<vmem>>) target_semaphore(%run_scoped3A : memref<!tpu.dma_semaphore, #tpu.memory_space<semaphore_mem>>)
      %dma_wait3A = tpu.memref_slice %arg2[%mul3A_2] : memref<819200xi32, #tpu.memory_space<hbm>> -> memref<25600xi32, #tpu.memory_space<hbm>>
      %dma_wait3A_113 = tpu.memref_slice %arg2[%mul3A_2] : memref<819200xi32, #tpu.memory_space<hbm>> -> memref<25600xi32, #tpu.memory_space<hbm>>
      tpu.wait_dma2 semaphore(%run_scoped3A : memref<!tpu.dma_semaphore, #tpu.memory_space<semaphore_mem>>) src(%dma_wait3A_113 : memref<25600xi32, #tpu.memory_space<hbm>>) dst(%arg6 : memref<25600xi32, #tpu.memory_space<vmem>>)
      tpu.yield
    }) : () -> ()
    %mul3A_3 = arith.constant 26624 : i32
    %mul3A_4 = arith.muli %add3A, %mul3A_3 : i32
    "tpu.region"() ({
      %run_scoped3A = tpu.sem_alloc : memref<!tpu.dma_semaphore, #tpu.memory_space<semaphore_mem>>
      %dma_start3A_111 = tpu.memref_slice %arg3[%mul3A_4] : memref<851968xi32, #tpu.memory_space<hbm>> -> memref<26624xi32, #tpu.memory_space<hbm>>
      %dma_start3A_112 = tpu.memref_slice %arg3[%mul3A_4] : memref<851968xi32, #tpu.memory_space<hbm>> -> memref<26624xi32, #tpu.memory_space<hbm>>
      tpu.enqueue_dma source(%dma_start3A_112 : memref<26624xi32, #tpu.memory_space<hbm>>) target(%arg7 : memref<26624xi32, #tpu.memory_space<vmem>>) target_semaphore(%run_scoped3A : memref<!tpu.dma_semaphore, #tpu.memory_space<semaphore_mem>>)
      %dma_wait3A = tpu.memref_slice %arg3[%mul3A_4] : memref<851968xi32, #tpu.memory_space<hbm>> -> memref<26624xi32, #tpu.memory_space<hbm>>
      %dma_wait3A_113 = tpu.memref_slice %arg3[%mul3A_4] : memref<851968xi32, #tpu.memory_space<hbm>> -> memref<26624xi32, #tpu.memory_space<hbm>>
      tpu.wait_dma2 semaphore(%run_scoped3A : memref<!tpu.dma_semaphore, #tpu.memory_space<semaphore_mem>>) src(%dma_wait3A_113 : memref<26624xi32, #tpu.memory_space<hbm>>) dst(%arg7 : memref<26624xi32, #tpu.memory_space<vmem>>)
      tpu.yield
    }) : () -> ()
    %dma_start3A = arith.constant 0 : i32
    %dma_start3A_5 = arith.constant 0 : i32
    %dma_start3A_6 = arith.constant 0 : i32
    %dma_start3A_7 = tpu.memref_slice %arg8[%dma_start3A, %dma_start3A_5, %dma_start3A_6] : memref<2x200x128xf32, #tpu.memory_space<vmem>> -> memref<1x40x128xf32, #tpu.memory_space<vmem>>
    %dma_start3A_8 = tpu.memref_squeeze %dma_start3A_7 : memref<1x40x128xf32, #tpu.memory_space<vmem>> -> memref<40x128xf32, #tpu.memory_space<vmem>>
    %dma_start3A_9 = arith.constant 0 : i32
    %dma_start3A_10 = tpu.memref_slice %arg6[%dma_start3A_9] : memref<25600xi32, #tpu.memory_space<vmem>> -> memref<40xi32, #tpu.memory_space<vmem>>
    %dma_start3A_11 = arith.constant 0 : i32
    %dma_start3A_12 = arith.constant 0 : i32
    %dma_start3A_13 = tpu.memref_slice %arg4[%dma_start3A_11, %dma_start3A_12] : memref<250000x128xf32, #tpu.memory_space<hbm>> -> memref<250000x128xf32, #tpu.memory_space<hbm>>
    tpu.enqueue_indirect_dma source(%dma_start3A_13 : memref<250000x128xf32, #tpu.memory_space<hbm>>) target(%dma_start3A_8 : memref<40x128xf32, #tpu.memory_space<vmem>>) offsets(%dma_start3A_10 : memref<40xi32, #tpu.memory_space<vmem>>) semaphore(%arg10 : memref<!tpu.dma_semaphore, #tpu.memory_space<semaphore_mem>>)
    %dma_start3A_14 = arith.constant 0 : i32
    %dma_start3A_15 = arith.constant 40 : i32
    %dma_start3A_16 = arith.constant 0 : i32
    %dma_start3A_17 = tpu.memref_slice %arg8[%dma_start3A_14, %dma_start3A_15, %dma_start3A_16] : memref<2x200x128xf32, #tpu.memory_space<vmem>> -> memref<1x40x128xf32, #tpu.memory_space<vmem>>
    %dma_start3A_18 = tpu.memref_squeeze %dma_start3A_17 : memref<1x40x128xf32, #tpu.memory_space<vmem>> -> memref<40x128xf32, #tpu.memory_space<vmem>>
    %dma_start3A_19 = arith.constant 40 : i32
    %dma_start3A_20 = tpu.memref_slice %arg6[%dma_start3A_19] : memref<25600xi32, #tpu.memory_space<vmem>> -> memref<40xi32, #tpu.memory_space<vmem>>
    %dma_start3A_21 = arith.constant 0 : i32
    %dma_start3A_22 = arith.constant 0 : i32
    %dma_start3A_23 = tpu.memref_slice %arg4[%dma_start3A_21, %dma_start3A_22] : memref<250000x128xf32, #tpu.memory_space<hbm>> -> memref<250000x128xf32, #tpu.memory_space<hbm>>
    tpu.enqueue_indirect_dma source(%dma_start3A_23 : memref<250000x128xf32, #tpu.memory_space<hbm>>) target(%dma_start3A_18 : memref<40x128xf32, #tpu.memory_space<vmem>>) offsets(%dma_start3A_20 : memref<40xi32, #tpu.memory_space<vmem>>) semaphore(%arg10 : memref<!tpu.dma_semaphore, #tpu.memory_space<semaphore_mem>>)
    %dma_start3A_24 = arith.constant 0 : i32
    %dma_start3A_25 = arith.constant 80 : i32
    %dma_start3A_26 = arith.constant 0 : i32
    %dma_start3A_27 = tpu.memref_slice %arg8[%dma_start3A_24, %dma_start3A_25, %dma_start3A_26] : memref<2x200x128xf32, #tpu.memory_space<vmem>> -> memref<1x40x128xf32, #tpu.memory_space<vmem>>
    %dma_start3A_28 = tpu.memref_squeeze %dma_start3A_27 : memref<1x40x128xf32, #tpu.memory_space<vmem>> -> memref<40x128xf32, #tpu.memory_space<vmem>>
    %dma_start3A_29 = arith.constant 80 : i32
    %dma_start3A_30 = tpu.memref_slice %arg6[%dma_start3A_29] : memref<25600xi32, #tpu.memory_space<vmem>> -> memref<40xi32, #tpu.memory_space<vmem>>
    %dma_start3A_31 = arith.constant 0 : i32
    %dma_start3A_32 = arith.constant 0 : i32
    %dma_start3A_33 = tpu.memref_slice %arg4[%dma_start3A_31, %dma_start3A_32] : memref<250000x128xf32, #tpu.memory_space<hbm>> -> memref<250000x128xf32, #tpu.memory_space<hbm>>
    tpu.enqueue_indirect_dma source(%dma_start3A_33 : memref<250000x128xf32, #tpu.memory_space<hbm>>) target(%dma_start3A_28 : memref<40x128xf32, #tpu.memory_space<vmem>>) offsets(%dma_start3A_30 : memref<40xi32, #tpu.memory_space<vmem>>) semaphore(%arg10 : memref<!tpu.dma_semaphore, #tpu.memory_space<semaphore_mem>>)
    %dma_start3A_34 = arith.constant 0 : i32
    %dma_start3A_35 = arith.constant 120 : i32
    %dma_start3A_36 = arith.constant 0 : i32
    %dma_start3A_37 = tpu.memref_slice %arg8[%dma_start3A_34, %dma_start3A_35, %dma_start3A_36] : memref<2x200x128xf32, #tpu.memory_space<vmem>> -> memref<1x40x128xf32, #tpu.memory_space<vmem>>
    %dma_start3A_38 = tpu.memref_squeeze %dma_start3A_37 : memref<1x40x128xf32, #tpu.memory_space<vmem>> -> memref<40x128xf32, #tpu.memory_space<vmem>>
    %dma_start3A_39 = arith.constant 120 : i32
    %dma_start3A_40 = tpu.memref_slice %arg6[%dma_start3A_39] : memref<25600xi32, #tpu.memory_space<vmem>> -> memref<40xi32, #tpu.memory_space<vmem>>
    %dma_start3A_41 = arith.constant 0 : i32
    %dma_start3A_42 = arith.constant 0 : i32
    %dma_start3A_43 = tpu.memref_slice %arg4[%dma_start3A_41, %dma_start3A_42] : memref<250000x128xf32, #tpu.memory_space<hbm>> -> memref<250000x128xf32, #tpu.memory_space<hbm>>
    tpu.enqueue_indirect_dma source(%dma_start3A_43 : memref<250000x128xf32, #tpu.memory_space<hbm>>) target(%dma_start3A_38 : memref<40x128xf32, #tpu.memory_space<vmem>>) offsets(%dma_start3A_40 : memref<40xi32, #tpu.memory_space<vmem>>) semaphore(%arg10 : memref<!tpu.dma_semaphore, #tpu.memory_space<semaphore_mem>>)
    %dma_start3A_44 = arith.constant 0 : i32
    %dma_start3A_45 = arith.constant 160 : i32
    %dma_start3A_46 = arith.constant 0 : i32
    %dma_start3A_47 = tpu.memref_slice %arg8[%dma_start3A_44, %dma_start3A_45, %dma_start3A_46] : memref<2x200x128xf32, #tpu.memory_space<vmem>> -> memref<1x40x128xf32, #tpu.memory_space<vmem>>
    %dma_start3A_48 = tpu.memref_squeeze %dma_start3A_47 : memref<1x40x128xf32, #tpu.memory_space<vmem>> -> memref<40x128xf32, #tpu.memory_space<vmem>>
    %dma_start3A_49 = arith.constant 160 : i32
    %dma_start3A_50 = tpu.memref_slice %arg6[%dma_start3A_49] : memref<25600xi32, #tpu.memory_space<vmem>> -> memref<40xi32, #tpu.memory_space<vmem>>
    %dma_start3A_51 = arith.constant 0 : i32
    %dma_start3A_52 = arith.constant 0 : i32
    %dma_start3A_53 = tpu.memref_slice %arg4[%dma_start3A_51, %dma_start3A_52] : memref<250000x128xf32, #tpu.memory_space<hbm>> -> memref<250000x128xf32, #tpu.memory_space<hbm>>
    tpu.enqueue_indirect_dma source(%dma_start3A_53 : memref<250000x128xf32, #tpu.memory_space<hbm>>) target(%dma_start3A_48 : memref<40x128xf32, #tpu.memory_space<vmem>>) offsets(%dma_start3A_50 : memref<40xi32, #tpu.memory_space<vmem>>) semaphore(%arg10 : memref<!tpu.dma_semaphore, #tpu.memory_space<semaphore_mem>>)
    %dma_start3A_54 = arith.constant 1 : i32
    %dma_start3A_55 = arith.constant 0 : i32
    %dma_start3A_56 = arith.constant 0 : i32
    %dma_start3A_57 = tpu.memref_slice %arg8[%dma_start3A_54, %dma_start3A_55, %dma_start3A_56] : memref<2x200x128xf32, #tpu.memory_space<vmem>> -> memref<1x40x128xf32, #tpu.memory_space<vmem>>
    %dma_start3A_58 = tpu.memref_squeeze %dma_start3A_57 : memref<1x40x128xf32, #tpu.memory_space<vmem>> -> memref<40x128xf32, #tpu.memory_space<vmem>>
    %dma_start3A_59 = arith.constant 200 : i32
    %dma_start3A_60 = tpu.memref_slice %arg6[%dma_start3A_59] : memref<25600xi32, #tpu.memory_space<vmem>> -> memref<40xi32, #tpu.memory_space<vmem>>
    %dma_start3A_61 = arith.constant 0 : i32
    %dma_start3A_62 = arith.constant 0 : i32
    %dma_start3A_63 = tpu.memref_slice %arg4[%dma_start3A_61, %dma_start3A_62] : memref<250000x128xf32, #tpu.memory_space<hbm>> -> memref<250000x128xf32, #tpu.memory_space<hbm>>
    tpu.enqueue_indirect_dma source(%dma_start3A_63 : memref<250000x128xf32, #tpu.memory_space<hbm>>) target(%dma_start3A_58 : memref<40x128xf32, #tpu.memory_space<vmem>>) offsets(%dma_start3A_60 : memref<40xi32, #tpu.memory_space<vmem>>) semaphore(%arg11 : memref<!tpu.dma_semaphore, #tpu.memory_space<semaphore_mem>>)
    %dma_start3A_64 = arith.constant 1 : i32
    %dma_start3A_65 = arith.constant 40 : i32
    %dma_start3A_66 = arith.constant 0 : i32
    %dma_start3A_67 = tpu.memref_slice %arg8[%dma_start3A_64, %dma_start3A_65, %dma_start3A_66] : memref<2x200x128xf32, #tpu.memory_space<vmem>> -> memref<1x40x128xf32, #tpu.memory_space<vmem>>
    %dma_start3A_68 = tpu.memref_squeeze %dma_start3A_67 : memref<1x40x128xf32, #tpu.memory_space<vmem>> -> memref<40x128xf32, #tpu.memory_space<vmem>>
    %dma_start3A_69 = arith.constant 240 : i32
    %dma_start3A_70 = tpu.memref_slice %arg6[%dma_start3A_69] : memref<25600xi32, #tpu.memory_space<vmem>> -> memref<40xi32, #tpu.memory_space<vmem>>
    %dma_start3A_71 = arith.constant 0 : i32
    %dma_start3A_72 = arith.constant 0 : i32
    %dma_start3A_73 = tpu.memref_slice %arg4[%dma_start3A_71, %dma_start3A_72] : memref<250000x128xf32, #tpu.memory_space<hbm>> -> memref<250000x128xf32, #tpu.memory_space<hbm>>
    tpu.enqueue_indirect_dma source(%dma_start3A_73 : memref<250000x128xf32, #tpu.memory_space<hbm>>) target(%dma_start3A_68 : memref<40x128xf32, #tpu.memory_space<vmem>>) offsets(%dma_start3A_70 : memref<40xi32, #tpu.memory_space<vmem>>) semaphore(%arg11 : memref<!tpu.dma_semaphore, #tpu.memory_space<semaphore_mem>>)
    %dma_start3A_74 = arith.constant 1 : i32
    %dma_start3A_75 = arith.constant 80 : i32
    %dma_start3A_76 = arith.constant 0 : i32
    %dma_start3A_77 = tpu.memref_slice %arg8[%dma_start3A_74, %dma_start3A_75, %dma_start3A_76] : memref<2x200x128xf32, #tpu.memory_space<vmem>> -> memref<1x40x128xf32, #tpu.memory_space<vmem>>
    %dma_start3A_78 = tpu.memref_squeeze %dma_start3A_77 : memref<1x40x128xf32, #tpu.memory_space<vmem>> -> memref<40x128xf32, #tpu.memory_space<vmem>>
    %dma_start3A_79 = arith.constant 280 : i32
    %dma_start3A_80 = tpu.memref_slice %arg6[%dma_start3A_79] : memref<25600xi32, #tpu.memory_space<vmem>> -> memref<40xi32, #tpu.memory_space<vmem>>
    %dma_start3A_81 = arith.constant 0 : i32
    %dma_start3A_82 = arith.constant 0 : i32
    %dma_start3A_83 = tpu.memref_slice %arg4[%dma_start3A_81, %dma_start3A_82] : memref<250000x128xf32, #tpu.memory_space<hbm>> -> memref<250000x128xf32, #tpu.memory_space<hbm>>
    tpu.enqueue_indirect_dma source(%dma_start3A_83 : memref<250000x128xf32, #tpu.memory_space<hbm>>) target(%dma_start3A_78 : memref<40x128xf32, #tpu.memory_space<vmem>>) offsets(%dma_start3A_80 : memref<40xi32, #tpu.memory_space<vmem>>) semaphore(%arg11 : memref<!tpu.dma_semaphore, #tpu.memory_space<semaphore_mem>>)
    %dma_start3A_84 = arith.constant 1 : i32
    %dma_start3A_85 = arith.constant 120 : i32
    %dma_start3A_86 = arith.constant 0 : i32
    %dma_start3A_87 = tpu.memref_slice %arg8[%dma_start3A_84, %dma_start3A_85, %dma_start3A_86] : memref<2x200x128xf32, #tpu.memory_space<vmem>> -> memref<1x40x128xf32, #tpu.memory_space<vmem>>
    %dma_start3A_88 = tpu.memref_squeeze %dma_start3A_87 : memref<1x40x128xf32, #tpu.memory_space<vmem>> -> memref<40x128xf32, #tpu.memory_space<vmem>>
    %dma_start3A_89 = arith.constant 320 : i32
    %dma_start3A_90 = tpu.memref_slice %arg6[%dma_start3A_89] : memref<25600xi32, #tpu.memory_space<vmem>> -> memref<40xi32, #tpu.memory_space<vmem>>
    %dma_start3A_91 = arith.constant 0 : i32
    %dma_start3A_92 = arith.constant 0 : i32
    %dma_start3A_93 = tpu.memref_slice %arg4[%dma_start3A_91, %dma_start3A_92] : memref<250000x128xf32, #tpu.memory_space<hbm>> -> memref<250000x128xf32, #tpu.memory_space<hbm>>
    tpu.enqueue_indirect_dma source(%dma_start3A_93 : memref<250000x128xf32, #tpu.memory_space<hbm>>) target(%dma_start3A_88 : memref<40x128xf32, #tpu.memory_space<vmem>>) offsets(%dma_start3A_90 : memref<40xi32, #tpu.memory_space<vmem>>) semaphore(%arg11 : memref<!tpu.dma_semaphore, #tpu.memory_space<semaphore_mem>>)
    %dma_start3A_94 = arith.constant 1 : i32
    %dma_start3A_95 = arith.constant 160 : i32
    %dma_start3A_96 = arith.constant 0 : i32
    %dma_start3A_97 = tpu.memref_slice %arg8[%dma_start3A_94, %dma_start3A_95, %dma_start3A_96] : memref<2x200x128xf32, #tpu.memory_space<vmem>> -> memref<1x40x128xf32, #tpu.memory_space<vmem>>
    %dma_start3A_98 = tpu.memref_squeeze %dma_start3A_97 : memref<1x40x128xf32, #tpu.memory_space<vmem>> -> memref<40x128xf32, #tpu.memory_space<vmem>>
    %dma_start3A_99 = arith.constant 360 : i32
    %dma_start3A_100 = tpu.memref_slice %arg6[%dma_start3A_99] : memref<25600xi32, #tpu.memory_space<vmem>> -> memref<40xi32, #tpu.memory_space<vmem>>
    %dma_start3A_101 = arith.constant 0 : i32
    %dma_start3A_102 = arith.constant 0 : i32
    %dma_start3A_103 = tpu.memref_slice %arg4[%dma_start3A_101, %dma_start3A_102] : memref<250000x128xf32, #tpu.memory_space<hbm>> -> memref<250000x128xf32, #tpu.memory_space<hbm>>
    tpu.enqueue_indirect_dma source(%dma_start3A_103 : memref<250000x128xf32, #tpu.memory_space<hbm>>) target(%dma_start3A_98 : memref<40x128xf32, #tpu.memory_space<vmem>>) offsets(%dma_start3A_100 : memref<40xi32, #tpu.memory_space<vmem>>) semaphore(%arg11 : memref<!tpu.dma_semaphore, #tpu.memory_space<semaphore_mem>>)
    %broadcast_in_dim3A = arith.constant 0.000000e+00 : f32
    %broadcast_in_dim3A_104 = vector.broadcast %broadcast_in_dim3A : f32 to vector<16xf32>
    %scan3A = arith.constant 0 : i32
    %scan3A_105 = arith.constant 64 : i32
    %scan3A_106 = arith.addi %scan3A, %scan3A_105 : i32
    %scan3A_107 = arith.constant 1 : i32
    scf.for %scan3A_111 = %scan3A to %scan3A_106 step %scan3A_107  : i32 {
      %mul3A_112 = arith.constant 1 : i32
      %mul3A_113 = arith.muli %scan3A_111, %mul3A_112 : i32
      %add3A_114 = arith.constant 0 : i32
      %add3A_115 = arith.addi %add3A_114, %mul3A_113 : i32
      %mul3A_116 = arith.constant 2 : i32
      %mul3A_117 = arith.muli %add3A_115, %mul3A_116 : i32
      %add3A_118 = arith.constant 0 : i32
      %add3A_119 = arith.addi %mul3A_117, %add3A_118 : i32
      %dma_wait3A = arith.constant 0 : i32
      %dma_wait3A_120 = arith.constant 0 : i32
      %dma_wait3A_121 = arith.constant 0 : i32
      %dma_wait3A_122 = tpu.memref_slice %arg8[%dma_wait3A, %dma_wait3A_120, %dma_wait3A_121] : memref<2x200x128xf32, #tpu.memory_space<vmem>> -> memref<1x40x128xf32, #tpu.memory_space<vmem>>
      %dma_wait3A_123 = tpu.memref_squeeze %dma_wait3A_122 : memref<1x40x128xf32, #tpu.memory_space<vmem>> -> memref<40x128xf32, #tpu.memory_space<vmem>>
      %dma_wait3A_124 = arith.constant 0 : i32
      %dma_wait3A_125 = tpu.memref_slice %arg6[%dma_wait3A_124] : memref<25600xi32, #tpu.memory_space<vmem>> -> memref<40xi32, #tpu.memory_space<vmem>>
      %dma_wait3A_126 = arith.constant 0 : i32
      %dma_wait3A_127 = arith.constant 0 : i32
      %dma_wait3A_128 = tpu.memref_slice %arg4[%dma_wait3A_126, %dma_wait3A_127] : memref<250000x128xf32, #tpu.memory_space<hbm>> -> memref<250000x128xf32, #tpu.memory_space<hbm>>
      tpu.wait_indirect_dma semaphore(%arg10 : memref<!tpu.dma_semaphore, #tpu.memory_space<semaphore_mem>>) src(%dma_wait3A_128 : memref<250000x128xf32, #tpu.memory_space<hbm>>) dst(%dma_wait3A_123 : memref<40x128xf32, #tpu.memory_space<vmem>>)
      %dma_wait3A_129 = arith.constant 0 : i32
      %dma_wait3A_130 = arith.constant 40 : i32
      %dma_wait3A_131 = arith.constant 0 : i32
      %dma_wait3A_132 = tpu.memref_slice %arg8[%dma_wait3A_129, %dma_wait3A_130, %dma_wait3A_131] : memref<2x200x128xf32, #tpu.memory_space<vmem>> -> memref<1x40x128xf32, #tpu.memory_space<vmem>>
      %dma_wait3A_133 = tpu.memref_squeeze %dma_wait3A_132 : memref<1x40x128xf32, #tpu.memory_space<vmem>> -> memref<40x128xf32, #tpu.memory_space<vmem>>
      %dma_wait3A_134 = arith.constant 40 : i32
      %dma_wait3A_135 = tpu.memref_slice %arg6[%dma_wait3A_134] : memref<25600xi32, #tpu.memory_space<vmem>> -> memref<40xi32, #tpu.memory_space<vmem>>
      %dma_wait3A_136 = arith.constant 0 : i32
      %dma_wait3A_137 = arith.constant 0 : i32
      %dma_wait3A_138 = tpu.memref_slice %arg4[%dma_wait3A_136, %dma_wait3A_137] : memref<250000x128xf32, #tpu.memory_space<hbm>> -> memref<250000x128xf32, #tpu.memory_space<hbm>>
      tpu.wait_indirect_dma semaphore(%arg10 : memref<!tpu.dma_semaphore, #tpu.memory_space<semaphore_mem>>) src(%dma_wait3A_138 : memref<250000x128xf32, #tpu.memory_space<hbm>>) dst(%dma_wait3A_133 : memref<40x128xf32, #tpu.memory_space<vmem>>)
      %dma_wait3A_139 = arith.constant 0 : i32
      %dma_wait3A_140 = arith.constant 80 : i32
      %dma_wait3A_141 = arith.constant 0 : i32
      %dma_wait3A_142 = tpu.memref_slice %arg8[%dma_wait3A_139, %dma_wait3A_140, %dma_wait3A_141] : memref<2x200x128xf32, #tpu.memory_space<vmem>> -> memref<1x40x128xf32, #tpu.memory_space<vmem>>
      %dma_wait3A_143 = tpu.memref_squeeze %dma_wait3A_142 : memref<1x40x128xf32, #tpu.memory_space<vmem>> -> memref<40x128xf32, #tpu.memory_space<vmem>>
      %dma_wait3A_144 = arith.constant 80 : i32
      %dma_wait3A_145 = tpu.memref_slice %arg6[%dma_wait3A_144] : memref<25600xi32, #tpu.memory_space<vmem>> -> memref<40xi32, #tpu.memory_space<vmem>>
      %dma_wait3A_146 = arith.constant 0 : i32
      %dma_wait3A_147 = arith.constant 0 : i32
      %dma_wait3A_148 = tpu.memref_slice %arg4[%dma_wait3A_146, %dma_wait3A_147] : memref<250000x128xf32, #tpu.memory_space<hbm>> -> memref<250000x128xf32, #tpu.memory_space<hbm>>
      tpu.wait_indirect_dma semaphore(%arg10 : memref<!tpu.dma_semaphore, #tpu.memory_space<semaphore_mem>>) src(%dma_wait3A_148 : memref<250000x128xf32, #tpu.memory_space<hbm>>) dst(%dma_wait3A_143 : memref<40x128xf32, #tpu.memory_space<vmem>>)
      %dma_wait3A_149 = arith.constant 0 : i32
      %dma_wait3A_150 = arith.constant 120 : i32
      %dma_wait3A_151 = arith.constant 0 : i32
      %dma_wait3A_152 = tpu.memref_slice %arg8[%dma_wait3A_149, %dma_wait3A_150, %dma_wait3A_151] : memref<2x200x128xf32, #tpu.memory_space<vmem>> -> memref<1x40x128xf32, #tpu.memory_space<vmem>>
      %dma_wait3A_153 = tpu.memref_squeeze %dma_wait3A_152 : memref<1x40x128xf32, #tpu.memory_space<vmem>> -> memref<40x128xf32, #tpu.memory_space<vmem>>
      %dma_wait3A_154 = arith.constant 120 : i32
      %dma_wait3A_155 = tpu.memref_slice %arg6[%dma_wait3A_154] : memref<25600xi32, #tpu.memory_space<vmem>> -> memref<40xi32, #tpu.memory_space<vmem>>
      %dma_wait3A_156 = arith.constant 0 : i32
      %dma_wait3A_157 = arith.constant 0 : i32
      %dma_wait3A_158 = tpu.memref_slice %arg4[%dma_wait3A_156, %dma_wait3A_157] : memref<250000x128xf32, #tpu.memory_space<hbm>> -> memref<250000x128xf32, #tpu.memory_space<hbm>>
      tpu.wait_indirect_dma semaphore(%arg10 : memref<!tpu.dma_semaphore, #tpu.memory_space<semaphore_mem>>) src(%dma_wait3A_158 : memref<250000x128xf32, #tpu.memory_space<hbm>>) dst(%dma_wait3A_153 : memref<40x128xf32, #tpu.memory_space<vmem>>)
      %dma_wait3A_159 = arith.constant 0 : i32
      %dma_wait3A_160 = arith.constant 160 : i32
      %dma_wait3A_161 = arith.constant 0 : i32
      %dma_wait3A_162 = tpu.memref_slice %arg8[%dma_wait3A_159, %dma_wait3A_160, %dma_wait3A_161] : memref<2x200x128xf32, #tpu.memory_space<vmem>> -> memref<1x40x128xf32, #tpu.memory_space<vmem>>
      %dma_wait3A_163 = tpu.memref_squeeze %dma_wait3A_162 : memref<1x40x128xf32, #tpu.memory_space<vmem>> -> memref<40x128xf32, #tpu.memory_space<vmem>>
      %dma_wait3A_164 = arith.constant 160 : i32
      %dma_wait3A_165 = tpu.memref_slice %arg6[%dma_wait3A_164] : memref<25600xi32, #tpu.memory_space<vmem>> -> memref<40xi32, #tpu.memory_space<vmem>>
      %dma_wait3A_166 = arith.constant 0 : i32
      %dma_wait3A_167 = arith.constant 0 : i32
      %dma_wait3A_168 = tpu.memref_slice %arg4[%dma_wait3A_166, %dma_wait3A_167] : memref<250000x128xf32, #tpu.memory_space<hbm>> -> memref<250000x128xf32, #tpu.memory_space<hbm>>
      tpu.wait_indirect_dma semaphore(%arg10 : memref<!tpu.dma_semaphore, #tpu.memory_space<semaphore_mem>>) src(%dma_wait3A_168 : memref<250000x128xf32, #tpu.memory_space<hbm>>) dst(%dma_wait3A_163 : memref<40x128xf32, #tpu.memory_space<vmem>>)
      %scan3A_169 = arith.constant 0 : i32
      %scan3A_170 = arith.constant 12 : i32
      %scan3A_171 = arith.addi %scan3A_169, %scan3A_170 : i32
      %scan3A_172 = arith.constant 1 : i32
      %scan3A_173:4 = scf.for %scan3A_596 = %scan3A_169 to %scan3A_171 step %scan3A_172 iter_args(%scan3A_597 = %broadcast_in_dim3A_104, %scan3A_598 = %broadcast_in_dim3A_104, %scan3A_599 = %broadcast_in_dim3A_104, %scan3A_600 = %broadcast_in_dim3A_104) -> (vector<16xf32>, vector<16xf32>, vector<16xf32>, vector<16xf32>)  : i32 {
        %mul3A_601 = arith.constant 1 : i32
        %mul3A_602 = arith.muli %scan3A_596, %mul3A_601 : i32
        %add3A_603 = arith.constant 0 : i32
        %add3A_604 = arith.addi %add3A_603, %mul3A_602 : i32
        %mul3A_605 = arith.constant 208 : i32
        %mul3A_606 = arith.muli %add3A_119, %mul3A_605 : i32
        %mul3A_607 = arith.constant 16 : i32
        %mul3A_608 = arith.muli %add3A_604, %mul3A_607 : i32
        %add3A_609 = arith.addi %mul3A_606, %mul3A_608 : i32
        %get3A_610 = arith.index_cast %add3A_609 : i32 to index
        %get3A_611 = tpu.vector_load %arg7[%get3A_610] {strides = array<i32>} : memref<26624xi32, #tpu.memory_space<vmem>>, vector<16xi32>,
        %get3A_612 = vector.shape_cast %get3A_611 : vector<16xi32> to vector<16xi32>
        %mul3A_613 = arith.constant 16 : i32
        %mul3A_614 = arith.muli %add3A_604, %mul3A_613 : i32
        %add3A_615 = arith.constant 0 : i32
        %add3A_616 = arith.addi %mul3A_614, %add3A_615 : i32
        %slice3A_617 = vector.extract_strided_slice %get3A_612 {offsets = [0], sizes = [1], strides = [1]} : vector<16xi32> to vector<1xi32>
        %squeeze3A_618 = vector.extract %slice3A_617[0] : i32 from vector<1xi32>
        %slice3A_619 = vector.extract_strided_slice %get3A_612 {offsets = [1], sizes = [1], strides = [1]} : vector<16xi32> to vector<1xi32>
        %squeeze3A_620 = vector.extract %slice3A_619[0] : i32 from vector<1xi32>
        %get3A_621 = arith.constant 0 : i32
        %get3A_622 = arith.index_cast %get3A_621 : i32 to index
        %get3A_623 = arith.index_cast %add3A_616 : i32 to index
        %get3A_624 = arith.index_cast %squeeze3A_618 : i32 to index
        %get3A_625 = tpu.vector_load %arg8[%get3A_622, %get3A_623, %get3A_624] {strides = array<i32>} : memref<2x200x128xf32, #tpu.memory_space<vmem>>, vector<1x1x16xf32>,
        %get3A_626 = vector.shape_cast %get3A_625 : vector<1x1x16xf32> to vector<16xf32>
        %add3A_627 = arith.addf %scan3A_597, %get3A_626 : vector<16xf32>
        %add3A_628 = arith.constant 16 : i32
        %add3A_629 = arith.addi %squeeze3A_618, %add3A_628 : i32
        %get3A_630 = arith.constant 0 : i32
        %get3A_631 = arith.index_cast %get3A_630 : i32 to index
        %get3A_632 = arith.index_cast %add3A_616 : i32 to index
        %get3A_633 = arith.index_cast %add3A_629 : i32 to index
        %get3A_634 = tpu.vector_load %arg8[%get3A_631, %get3A_632, %get3A_633] {strides = array<i32>} : memref<2x200x128xf32, #tpu.memory_space<vmem>>, vector<1x1x16xf32>,
        %get3A_635 = vector.shape_cast %get3A_634 : vector<1x1x16xf32> to vector<16xf32>
        %add3A_636 = arith.addf %scan3A_598, %get3A_635 : vector<16xf32>
        %add3A_637 = arith.constant 1 : i32
        %add3A_638 = arith.addi %add3A_616, %add3A_637 : i32
        %get3A_639 = arith.constant 0 : i32
        %get3A_640 = arith.index_cast %get3A_639 : i32 to index
        %get3A_641 = arith.index_cast %add3A_638 : i32 to index
        %get3A_642 = arith.index_cast %squeeze3A_620 : i32 to index
        %get3A_643 = tpu.vector_load %arg8[%get3A_640, %get3A_641, %get3A_642] {strides = array<i32>} : memref<2x200x128xf32, #tpu.memory_space<vmem>>, vector<1x1x16xf32>,
        %get3A_644 = vector.shape_cast %get3A_643 : vector<1x1x16xf32> to vector<16xf32>
        %add3A_645 = arith.addf %scan3A_599, %get3A_644 : vector<16xf32>
        %add3A_646 = arith.constant 1 : i32
        %add3A_647 = arith.addi %add3A_616, %add3A_646 : i32
        %add3A_648 = arith.constant 16 : i32
        %add3A_649 = arith.addi %squeeze3A_620, %add3A_648 : i32
        %get3A_650 = arith.constant 0 : i32
        %get3A_651 = arith.index_cast %get3A_650 : i32 to index
        %get3A_652 = arith.index_cast %add3A_647 : i32 to index
        %get3A_653 = arith.index_cast %add3A_649 : i32 to index
        %get3A_654 = tpu.vector_load %arg8[%get3A_651, %get3A_652, %get3A_653] {strides = array<i32>} : memref<2x200x128xf32, #tpu.memory_space<vmem>>, vector<1x1x16xf32>,
        %get3A_655 = vector.shape_cast %get3A_654 : vector<1x1x16xf32> to vector<16xf32>
        %add3A_656 = arith.addf %scan3A_600, %get3A_655 : vector<16xf32>
        %mul3A_657 = arith.constant 16 : i32
        %mul3A_658 = arith.muli %add3A_604, %mul3A_657 : i32
        %add3A_659 = arith.constant 2 : i32
        %add3A_660 = arith.addi %mul3A_658, %add3A_659 : i32
        %slice3A_661 = vector.extract_strided_slice %get3A_612 {offsets = [2], sizes = [1], strides = [1]} : vector<16xi32> to vector<1xi32>
        %squeeze3A_662 = vector.extract %slice3A_661[0] : i32 from vector<1xi32>
        %slice3A_663 = vector.extract_strided_slice %get3A_612 {offsets = [3], sizes = [1], strides = [1]} : vector<16xi32> to vector<1xi32>
        %squeeze3A_664 = vector.extract %slice3A_663[0] : i32 from vector<1xi32>
        %get3A_665 = arith.constant 0 : i32
        %get3A_666 = arith.index_cast %get3A_665 : i32 to index
        %get3A_667 = arith.index_cast %add3A_660 : i32 to index
        %get3A_668 = arith.index_cast %squeeze3A_662 : i32 to index
        %get3A_669 = tpu.vector_load %arg8[%get3A_666, %get3A_667, %get3A_668] {strides = array<i32>} : memref<2x200x128xf32, #tpu.memory_space<vmem>>, vector<1x1x16xf32>,
        %get3A_670 = vector.shape_cast %get3A_669 : vector<1x1x16xf32> to vector<16xf32>
        %add3A_671 = arith.addf %add3A_627, %get3A_670 : vector<16xf32>
        %add3A_672 = arith.constant 16 : i32
        %add3A_673 = arith.addi %squeeze3A_662, %add3A_672 : i32
        %get3A_674 = arith.constant 0 : i32
        %get3A_675 = arith.index_cast %get3A_674 : i32 to index
        %get3A_676 = arith.index_cast %add3A_660 : i32 to index
        %get3A_677 = arith.index_cast %add3A_673 : i32 to index
        %get3A_678 = tpu.vector_load %arg8[%get3A_675, %get3A_676, %get3A_677] {strides = array<i32>} : memref<2x200x128xf32, #tpu.memory_space<vmem>>, vector<1x1x16xf32>,
        %get3A_679 = vector.shape_cast %get3A_678 : vector<1x1x16xf32> to vector<16xf32>
        %add3A_680 = arith.addf %add3A_636, %get3A_679 : vector<16xf32>
        %add3A_681 = arith.constant 1 : i32
        %add3A_682 = arith.addi %add3A_660, %add3A_681 : i32
        %get3A_683 = arith.constant 0 : i32
        %get3A_684 = arith.index_cast %get3A_683 : i32 to index
        %get3A_685 = arith.index_cast %add3A_682 : i32 to index
        %get3A_686 = arith.index_cast %squeeze3A_664 : i32 to index
        %get3A_687 = tpu.vector_load %arg8[%get3A_684, %get3A_685, %get3A_686] {strides = array<i32>} : memref<2x200x128xf32, #tpu.memory_space<vmem>>, vector<1x1x16xf32>,
        %get3A_688 = vector.shape_cast %get3A_687 : vector<1x1x16xf32> to vector<16xf32>
        %add3A_689 = arith.addf %add3A_645, %get3A_688 : vector<16xf32>
        %add3A_690 = arith.constant 1 : i32
        %add3A_691 = arith.addi %add3A_660, %add3A_690 : i32
        %add3A_692 = arith.constant 16 : i32
        %add3A_693 = arith.addi %squeeze3A_664, %add3A_692 : i32
        %get3A_694 = arith.constant 0 : i32
        %get3A_695 = arith.index_cast %get3A_694 : i32 to index
        %get3A_696 = arith.index_cast %add3A_691 : i32 to index
        %get3A_697 = arith.index_cast %add3A_693 : i32 to index
        %get3A_698 = tpu.vector_load %arg8[%get3A_695, %get3A_696, %get3A_697] {strides = array<i32>} : memref<2x200x128xf32, #tpu.memory_space<vmem>>, vector<1x1x16xf32>,
        %get3A_699 = vector.shape_cast %get3A_698 : vector<1x1x16xf32> to vector<16xf32>
        %add3A_700 = arith.addf %add3A_656, %get3A_699 : vector<16xf32>
        %mul3A_701 = arith.constant 16 : i32
        %mul3A_702 = arith.muli %add3A_604, %mul3A_701 : i32
        %add3A_703 = arith.constant 4 : i32
        %add3A_704 = arith.addi %mul3A_702, %add3A_703 : i32
        %slice3A_705 = vector.extract_strided_slice %get3A_612 {offsets = [4], sizes = [1], strides = [1]} : vector<16xi32> to vector<1xi32>
        %squeeze3A_706 = vector.extract %slice3A_705[0] : i32 from vector<1xi32>
        %slice3A_707 = vector.extract_strided_slice %get3A_612 {offsets = [5], sizes = [1], strides = [1]} : vector<16xi32> to vector<1xi32>
        %squeeze3A_708 = vector.extract %slice3A_707[0] : i32 from vector<1xi32>
        %get3A_709 = arith.constant 0 : i32
        %get3A_710 = arith.index_cast %get3A_709 : i32 to index
        %get3A_711 = arith.index_cast %add3A_704 : i32 to index
        %get3A_712 = arith.index_cast %squeeze3A_706 : i32 to index
        %get3A_713 = tpu.vector_load %arg8[%get3A_710, %get3A_711, %get3A_712] {strides = array<i32>} : memref<2x200x128xf32, #tpu.memory_space<vmem>>, vector<1x1x16xf32>,
        %get3A_714 = vector.shape_cast %get3A_713 : vector<1x1x16xf32> to vector<16xf32>
        %add3A_715 = arith.addf %add3A_671, %get3A_714 : vector<16xf32>
        %add3A_716 = arith.constant 16 : i32
        %add3A_717 = arith.addi %squeeze3A_706, %add3A_716 : i32
        %get3A_718 = arith.constant 0 : i32
        %get3A_719 = arith.index_cast %get3A_718 : i32 to index
        %get3A_720 = arith.index_cast %add3A_704 : i32 to index
        %get3A_721 = arith.index_cast %add3A_717 : i32 to index
        %get3A_722 = tpu.vector_load %arg8[%get3A_719, %get3A_720, %get3A_721] {strides = array<i32>} : memref<2x200x128xf32, #tpu.memory_space<vmem>>, vector<1x1x16xf32>,
        %get3A_723 = vector.shape_cast %get3A_722 : vector<1x1x16xf32> to vector<16xf32>
        %add3A_724 = arith.addf %add3A_680, %get3A_723 : vector<16xf32>
        %add3A_725 = arith.constant 1 : i32
        %add3A_726 = arith.addi %add3A_704, %add3A_725 : i32
        %get3A_727 = arith.constant 0 : i32
        %get3A_728 = arith.index_cast %get3A_727 : i32 to index
        %get3A_729 = arith.index_cast %add3A_726 : i32 to index
        %get3A_730 = arith.index_cast %squeeze3A_708 : i32 to index
        %get3A_731 = tpu.vector_load %arg8[%get3A_728, %get3A_729, %get3A_730] {strides = array<i32>} : memref<2x200x128xf32, #tpu.memory_space<vmem>>, vector<1x1x16xf32>,
        %get3A_732 = vector.shape_cast %get3A_731 : vector<1x1x16xf32> to vector<16xf32>
        %add3A_733 = arith.addf %add3A_689, %get3A_732 : vector<16xf32>
        %add3A_734 = arith.constant 1 : i32
        %add3A_735 = arith.addi %add3A_704, %add3A_734 : i32
        %add3A_736 = arith.constant 16 : i32
        %add3A_737 = arith.addi %squeeze3A_708, %add3A_736 : i32
        %get3A_738 = arith.constant 0 : i32
        %get3A_739 = arith.index_cast %get3A_738 : i32 to index
        %get3A_740 = arith.index_cast %add3A_735 : i32 to index
        %get3A_741 = arith.index_cast %add3A_737 : i32 to index
        %get3A_742 = tpu.vector_load %arg8[%get3A_739, %get3A_740, %get3A_741] {strides = array<i32>} : memref<2x200x128xf32, #tpu.memory_space<vmem>>, vector<1x1x16xf32>,
        %get3A_743 = vector.shape_cast %get3A_742 : vector<1x1x16xf32> to vector<16xf32>
        %add3A_744 = arith.addf %add3A_700, %get3A_743 : vector<16xf32>
        %mul3A_745 = arith.constant 16 : i32
        %mul3A_746 = arith.muli %add3A_604, %mul3A_745 : i32
        %add3A_747 = arith.constant 6 : i32
        %add3A_748 = arith.addi %mul3A_746, %add3A_747 : i32
        %slice3A_749 = vector.extract_strided_slice %get3A_612 {offsets = [6], sizes = [1], strides = [1]} : vector<16xi32> to vector<1xi32>
        %squeeze3A_750 = vector.extract %slice3A_749[0] : i32 from vector<1xi32>
        %slice3A_751 = vector.extract_strided_slice %get3A_612 {offsets = [7], sizes = [1], strides = [1]} : vector<16xi32> to vector<1xi32>
        %squeeze3A_752 = vector.extract %slice3A_751[0] : i32 from vector<1xi32>
        %get3A_753 = arith.constant 0 : i32
        %get3A_754 = arith.index_cast %get3A_753 : i32 to index
        %get3A_755 = arith.index_cast %add3A_748 : i32 to index
        %get3A_756 = arith.index_cast %squeeze3A_750 : i32 to index
        %get3A_757 = tpu.vector_load %arg8[%get3A_754, %get3A_755, %get3A_756] {strides = array<i32>} : memref<2x200x128xf32, #tpu.memory_space<vmem>>, vector<1x1x16xf32>,
        %get3A_758 = vector.shape_cast %get3A_757 : vector<1x1x16xf32> to vector<16xf32>
        %add3A_759 = arith.addf %add3A_715, %get3A_758 : vector<16xf32>
        %add3A_760 = arith.constant 16 : i32
        %add3A_761 = arith.addi %squeeze3A_750, %add3A_760 : i32
        %get3A_762 = arith.constant 0 : i32
        %get3A_763 = arith.index_cast %get3A_762 : i32 to index
        %get3A_764 = arith.index_cast %add3A_748 : i32 to index
        %get3A_765 = arith.index_cast %add3A_761 : i32 to index
        %get3A_766 = tpu.vector_load %arg8[%get3A_763, %get3A_764, %get3A_765] {strides = array<i32>} : memref<2x200x128xf32, #tpu.memory_space<vmem>>, vector<1x1x16xf32>,
        %get3A_767 = vector.shape_cast %get3A_766 : vector<1x1x16xf32> to vector<16xf32>
        %add3A_768 = arith.addf %add3A_724, %get3A_767 : vector<16xf32>
        %add3A_769 = arith.constant 1 : i32
        %add3A_770 = arith.addi %add3A_748, %add3A_769 : i32
        %get3A_771 = arith.constant 0 : i32
        %get3A_772 = arith.index_cast %get3A_771 : i32 to index
        %get3A_773 = arith.index_cast %add3A_770 : i32 to index
        %get3A_774 = arith.index_cast %squeeze3A_752 : i32 to index
        %get3A_775 = tpu.vector_load %arg8[%get3A_772, %get3A_773, %get3A_774] {strides = array<i32>} : memref<2x200x128xf32, #tpu.memory_space<vmem>>, vector<1x1x16xf32>,
        %get3A_776 = vector.shape_cast %get3A_775 : vector<1x1x16xf32> to vector<16xf32>
        %add3A_777 = arith.addf %add3A_733, %get3A_776 : vector<16xf32>
        %add3A_778 = arith.constant 1 : i32
        %add3A_779 = arith.addi %add3A_748, %add3A_778 : i32
        %add3A_780 = arith.constant 16 : i32
        %add3A_781 = arith.addi %squeeze3A_752, %add3A_780 : i32
        %get3A_782 = arith.constant 0 : i32
        %get3A_783 = arith.index_cast %get3A_782 : i32 to index
        %get3A_784 = arith.index_cast %add3A_779 : i32 to index
        %get3A_785 = arith.index_cast %add3A_781 : i32 to index
        %get3A_786 = tpu.vector_load %arg8[%get3A_783, %get3A_784, %get3A_785] {strides = array<i32>} : memref<2x200x128xf32, #tpu.memory_space<vmem>>, vector<1x1x16xf32>,
        %get3A_787 = vector.shape_cast %get3A_786 : vector<1x1x16xf32> to vector<16xf32>
        %add3A_788 = arith.addf %add3A_744, %get3A_787 : vector<16xf32>
        %mul3A_789 = arith.constant 16 : i32
        %mul3A_790 = arith.muli %add3A_604, %mul3A_789 : i32
        %add3A_791 = arith.constant 8 : i32
        %add3A_792 = arith.addi %mul3A_790, %add3A_791 : i32
        %slice3A_793 = vector.extract_strided_slice %get3A_612 {offsets = [8], sizes = [1], strides = [1]} : vector<16xi32> to vector<1xi32>
        %squeeze3A_794 = vector.extract %slice3A_793[0] : i32 from vector<1xi32>
        %slice3A_795 = vector.extract_strided_slice %get3A_612 {offsets = [9], sizes = [1], strides = [1]} : vector<16xi32> to vector<1xi32>
        %squeeze3A_796 = vector.extract %slice3A_795[0] : i32 from vector<1xi32>
        %get3A_797 = arith.constant 0 : i32
        %get3A_798 = arith.index_cast %get3A_797 : i32 to index
        %get3A_799 = arith.index_cast %add3A_792 : i32 to index
        %get3A_800 = arith.index_cast %squeeze3A_794 : i32 to index
        %get3A_801 = tpu.vector_load %arg8[%get3A_798, %get3A_799, %get3A_800] {strides = array<i32>} : memref<2x200x128xf32, #tpu.memory_space<vmem>>, vector<1x1x16xf32>,
        %get3A_802 = vector.shape_cast %get3A_801 : vector<1x1x16xf32> to vector<16xf32>
        %add3A_803 = arith.addf %add3A_759, %get3A_802 : vector<16xf32>
        %add3A_804 = arith.constant 16 : i32
        %add3A_805 = arith.addi %squeeze3A_794, %add3A_804 : i32
        %get3A_806 = arith.constant 0 : i32
        %get3A_807 = arith.index_cast %get3A_806 : i32 to index
        %get3A_808 = arith.index_cast %add3A_792 : i32 to index
        %get3A_809 = arith.index_cast %add3A_805 : i32 to index
        %get3A_810 = tpu.vector_load %arg8[%get3A_807, %get3A_808, %get3A_809] {strides = array<i32>} : memref<2x200x128xf32, #tpu.memory_space<vmem>>, vector<1x1x16xf32>,
        %get3A_811 = vector.shape_cast %get3A_810 : vector<1x1x16xf32> to vector<16xf32>
        %add3A_812 = arith.addf %add3A_768, %get3A_811 : vector<16xf32>
        %add3A_813 = arith.constant 1 : i32
        %add3A_814 = arith.addi %add3A_792, %add3A_813 : i32
        %get3A_815 = arith.constant 0 : i32
        %get3A_816 = arith.index_cast %get3A_815 : i32 to index
        %get3A_817 = arith.index_cast %add3A_814 : i32 to index
        %get3A_818 = arith.index_cast %squeeze3A_796 : i32 to index
        %get3A_819 = tpu.vector_load %arg8[%get3A_816, %get3A_817, %get3A_818] {strides = array<i32>} : memref<2x200x128xf32, #tpu.memory_space<vmem>>, vector<1x1x16xf32>,
        %get3A_820 = vector.shape_cast %get3A_819 : vector<1x1x16xf32> to vector<16xf32>
        %add3A_821 = arith.addf %add3A_777, %get3A_820 : vector<16xf32>
        %add3A_822 = arith.constant 1 : i32
        %add3A_823 = arith.addi %add3A_792, %add3A_822 : i32
        %add3A_824 = arith.constant 16 : i32
        %add3A_825 = arith.addi %squeeze3A_796, %add3A_824 : i32
        %get3A_826 = arith.constant 0 : i32
        %get3A_827 = arith.index_cast %get3A_826 : i32 to index
        %get3A_828 = arith.index_cast %add3A_823 : i32 to index
        %get3A_829 = arith.index_cast %add3A_825 : i32 to index
        %get3A_830 = tpu.vector_load %arg8[%get3A_827, %get3A_828, %get3A_829] {strides = array<i32>} : memref<2x200x128xf32, #tpu.memory_space<vmem>>, vector<1x1x16xf32>,
        %get3A_831 = vector.shape_cast %get3A_830 : vector<1x1x16xf32> to vector<16xf32>
        %add3A_832 = arith.addf %add3A_788, %get3A_831 : vector<16xf32>
        %mul3A_833 = arith.constant 16 : i32
        %mul3A_834 = arith.muli %add3A_604, %mul3A_833 : i32
        %add3A_835 = arith.constant 10 : i32
        %add3A_836 = arith.addi %mul3A_834, %add3A_835 : i32
        %slice3A_837 = vector.extract_strided_slice %get3A_612 {offsets = [10], sizes = [1], strides = [1]} : vector<16xi32> to vector<1xi32>
        %squeeze3A_838 = vector.extract %slice3A_837[0] : i32 from vector<1xi32>
        %slice3A_839 = vector.extract_strided_slice %get3A_612 {offsets = [11], sizes = [1], strides = [1]} : vector<16xi32> to vector<1xi32>
        %squeeze3A_840 = vector.extract %slice3A_839[0] : i32 from vector<1xi32>
        %get3A_841 = arith.constant 0 : i32
        %get3A_842 = arith.index_cast %get3A_841 : i32 to index
        %get3A_843 = arith.index_cast %add3A_836 : i32 to index
        %get3A_844 = arith.index_cast %squeeze3A_838 : i32 to index
        %get3A_845 = tpu.vector_load %arg8[%get3A_842, %get3A_843, %get3A_844] {strides = array<i32>} : memref<2x200x128xf32, #tpu.memory_space<vmem>>, vector<1x1x16xf32>,
        %get3A_846 = vector.shape_cast %get3A_845 : vector<1x1x16xf32> to vector<16xf32>
        %add3A_847 = arith.addf %add3A_803, %get3A_846 : vector<16xf32>
        %add3A_848 = arith.constant 16 : i32
        %add3A_849 = arith.addi %squeeze3A_838, %add3A_848 : i32
        %get3A_850 = arith.constant 0 : i32
        %get3A_851 = arith.index_cast %get3A_850 : i32 to index
        %get3A_852 = arith.index_cast %add3A_836 : i32 to index
        %get3A_853 = arith.index_cast %add3A_849 : i32 to index
        %get3A_854 = tpu.vector_load %arg8[%get3A_851, %get3A_852, %get3A_853] {strides = array<i32>} : memref<2x200x128xf32, #tpu.memory_space<vmem>>, vector<1x1x16xf32>,
        %get3A_855 = vector.shape_cast %get3A_854 : vector<1x1x16xf32> to vector<16xf32>
        %add3A_856 = arith.addf %add3A_812, %get3A_855 : vector<16xf32>
        %add3A_857 = arith.constant 1 : i32
        %add3A_858 = arith.addi %add3A_836, %add3A_857 : i32
        %get3A_859 = arith.constant 0 : i32
        %get3A_860 = arith.index_cast %get3A_859 : i32 to index
        %get3A_861 = arith.index_cast %add3A_858 : i32 to index
        %get3A_862 = arith.index_cast %squeeze3A_840 : i32 to index
        %get3A_863 = tpu.vector_load %arg8[%get3A_860, %get3A_861, %get3A_862] {strides = array<i32>} : memref<2x200x128xf32, #tpu.memory_space<vmem>>, vector<1x1x16xf32>,
        %get3A_864 = vector.shape_cast %get3A_863 : vector<1x1x16xf32> to vector<16xf32>
        %add3A_865 = arith.addf %add3A_821, %get3A_864 : vector<16xf32>
        %add3A_866 = arith.constant 1 : i32
        %add3A_867 = arith.addi %add3A_836, %add3A_866 : i32
        %add3A_868 = arith.constant 16 : i32
        %add3A_869 = arith.addi %squeeze3A_840, %add3A_868 : i32
        %get3A_870 = arith.constant 0 : i32
        %get3A_871 = arith.index_cast %get3A_870 : i32 to index
        %get3A_872 = arith.index_cast %add3A_867 : i32 to index
        %get3A_873 = arith.index_cast %add3A_869 : i32 to index
        %get3A_874 = tpu.vector_load %arg8[%get3A_871, %get3A_872, %get3A_873] {strides = array<i32>} : memref<2x200x128xf32, #tpu.memory_space<vmem>>, vector<1x1x16xf32>,
        %get3A_875 = vector.shape_cast %get3A_874 : vector<1x1x16xf32> to vector<16xf32>
        %add3A_876 = arith.addf %add3A_832, %get3A_875 : vector<16xf32>
        %mul3A_877 = arith.constant 16 : i32
        %mul3A_878 = arith.muli %add3A_604, %mul3A_877 : i32
        %add3A_879 = arith.constant 12 : i32
        %add3A_880 = arith.addi %mul3A_878, %add3A_879 : i32
        %slice3A_881 = vector.extract_strided_slice %get3A_612 {offsets = [12], sizes = [1], strides = [1]} : vector<16xi32> to vector<1xi32>
        %squeeze3A_882 = vector.extract %slice3A_881[0] : i32 from vector<1xi32>
        %slice3A_883 = vector.extract_strided_slice %get3A_612 {offsets = [13], sizes = [1], strides = [1]} : vector<16xi32> to vector<1xi32>
        %squeeze3A_884 = vector.extract %slice3A_883[0] : i32 from vector<1xi32>
        %get3A_885 = arith.constant 0 : i32
        %get3A_886 = arith.index_cast %get3A_885 : i32 to index
        %get3A_887 = arith.index_cast %add3A_880 : i32 to index
        %get3A_888 = arith.index_cast %squeeze3A_882 : i32 to index
        %get3A_889 = tpu.vector_load %arg8[%get3A_886, %get3A_887, %get3A_888] {strides = array<i32>} : memref<2x200x128xf32, #tpu.memory_space<vmem>>, vector<1x1x16xf32>,
        %get3A_890 = vector.shape_cast %get3A_889 : vector<1x1x16xf32> to vector<16xf32>
        %add3A_891 = arith.addf %add3A_847, %get3A_890 : vector<16xf32>
        %add3A_892 = arith.constant 16 : i32
        %add3A_893 = arith.addi %squeeze3A_882, %add3A_892 : i32
        %get3A_894 = arith.constant 0 : i32
        %get3A_895 = arith.index_cast %get3A_894 : i32 to index
        %get3A_896 = arith.index_cast %add3A_880 : i32 to index
        %get3A_897 = arith.index_cast %add3A_893 : i32 to index
        %get3A_898 = tpu.vector_load %arg8[%get3A_895, %get3A_896, %get3A_897] {strides = array<i32>} : memref<2x200x128xf32, #tpu.memory_space<vmem>>, vector<1x1x16xf32>,
        %get3A_899 = vector.shape_cast %get3A_898 : vector<1x1x16xf32> to vector<16xf32>
        %add3A_900 = arith.addf %add3A_856, %get3A_899 : vector<16xf32>
        %add3A_901 = arith.constant 1 : i32
        %add3A_902 = arith.addi %add3A_880, %add3A_901 : i32
        %get3A_903 = arith.constant 0 : i32
        %get3A_904 = arith.index_cast %get3A_903 : i32 to index
        %get3A_905 = arith.index_cast %add3A_902 : i32 to index
        %get3A_906 = arith.index_cast %squeeze3A_884 : i32 to index
        %get3A_907 = tpu.vector_load %arg8[%get3A_904, %get3A_905, %get3A_906] {strides = array<i32>} : memref<2x200x128xf32, #tpu.memory_space<vmem>>, vector<1x1x16xf32>,
        %get3A_908 = vector.shape_cast %get3A_907 : vector<1x1x16xf32> to vector<16xf32>
        %add3A_909 = arith.addf %add3A_865, %get3A_908 : vector<16xf32>
        %add3A_910 = arith.constant 1 : i32
        %add3A_911 = arith.addi %add3A_880, %add3A_910 : i32
        %add3A_912 = arith.constant 16 : i32
        %add3A_913 = arith.addi %squeeze3A_884, %add3A_912 : i32
        %get3A_914 = arith.constant 0 : i32
        %get3A_915 = arith.index_cast %get3A_914 : i32 to index
        %get3A_916 = arith.index_cast %add3A_911 : i32 to index
        %get3A_917 = arith.index_cast %add3A_913 : i32 to index
        %get3A_918 = tpu.vector_load %arg8[%get3A_915, %get3A_916, %get3A_917] {strides = array<i32>} : memref<2x200x128xf32, #tpu.memory_space<vmem>>, vector<1x1x16xf32>,
        %get3A_919 = vector.shape_cast %get3A_918 : vector<1x1x16xf32> to vector<16xf32>
        %add3A_920 = arith.addf %add3A_876, %get3A_919 : vector<16xf32>
        %mul3A_921 = arith.constant 16 : i32
        %mul3A_922 = arith.muli %add3A_604, %mul3A_921 : i32
        %add3A_923 = arith.constant 14 : i32
        %add3A_924 = arith.addi %mul3A_922, %add3A_923 : i32
        %slice3A_925 = vector.extract_strided_slice %get3A_612 {offsets = [14], sizes = [1], strides = [1]} : vector<16xi32> to vector<1xi32>
        %squeeze3A_926 = vector.extract %slice3A_925[0] : i32 from vector<1xi32>
        %slice3A_927 = vector.extract_strided_slice %get3A_612 {offsets = [15], sizes = [1], strides = [1]} : vector<16xi32> to vector<1xi32>
        %squeeze3A_928 = vector.extract %slice3A_927[0] : i32 from vector<1xi32>
        %get3A_929 = arith.constant 0 : i32
        %get3A_930 = arith.index_cast %get3A_929 : i32 to index
        %get3A_931 = arith.index_cast %add3A_924 : i32 to index
        %get3A_932 = arith.index_cast %squeeze3A_926 : i32 to index
        %get3A_933 = tpu.vector_load %arg8[%get3A_930, %get3A_931, %get3A_932] {strides = array<i32>} : memref<2x200x128xf32, #tpu.memory_space<vmem>>, vector<1x1x16xf32>,
        %get3A_934 = vector.shape_cast %get3A_933 : vector<1x1x16xf32> to vector<16xf32>
        %add3A_935 = arith.addf %add3A_891, %get3A_934 : vector<16xf32>
        %add3A_936 = arith.constant 16 : i32
        %add3A_937 = arith.addi %squeeze3A_926, %add3A_936 : i32
        %get3A_938 = arith.constant 0 : i32
        %get3A_939 = arith.index_cast %get3A_938 : i32 to index
        %get3A_940 = arith.index_cast %add3A_924 : i32 to index
        %get3A_941 = arith.index_cast %add3A_937 : i32 to index
        %get3A_942 = tpu.vector_load %arg8[%get3A_939, %get3A_940, %get3A_941] {strides = array<i32>} : memref<2x200x128xf32, #tpu.memory_space<vmem>>, vector<1x1x16xf32>,
        %get3A_943 = vector.shape_cast %get3A_942 : vector<1x1x16xf32> to vector<16xf32>
        %add3A_944 = arith.addf %add3A_900, %get3A_943 : vector<16xf32>
        %add3A_945 = arith.constant 1 : i32
        %add3A_946 = arith.addi %add3A_924, %add3A_945 : i32
        %get3A_947 = arith.constant 0 : i32
        %get3A_948 = arith.index_cast %get3A_947 : i32 to index
        %get3A_949 = arith.index_cast %add3A_946 : i32 to index
        %get3A_950 = arith.index_cast %squeeze3A_928 : i32 to index
        %get3A_951 = tpu.vector_load %arg8[%get3A_948, %get3A_949, %get3A_950] {strides = array<i32>} : memref<2x200x128xf32, #tpu.memory_space<vmem>>, vector<1x1x16xf32>,
        %get3A_952 = vector.shape_cast %get3A_951 : vector<1x1x16xf32> to vector<16xf32>
        %add3A_953 = arith.addf %add3A_909, %get3A_952 : vector<16xf32>
        %add3A_954 = arith.constant 1 : i32
        %add3A_955 = arith.addi %add3A_924, %add3A_954 : i32
        %add3A_956 = arith.constant 16 : i32
        %add3A_957 = arith.addi %squeeze3A_928, %add3A_956 : i32
        %get3A_958 = arith.constant 0 : i32
        %get3A_959 = arith.index_cast %get3A_958 : i32 to index
        %get3A_960 = arith.index_cast %add3A_955 : i32 to index
        %get3A_961 = arith.index_cast %add3A_957 : i32 to index
        %get3A_962 = tpu.vector_load %arg8[%get3A_959, %get3A_960, %get3A_961] {strides = array<i32>} : memref<2x200x128xf32, #tpu.memory_space<vmem>>, vector<1x1x16xf32>,
        %get3A_963 = vector.shape_cast %get3A_962 : vector<1x1x16xf32> to vector<16xf32>
        %add3A_964 = arith.addf %add3A_920, %get3A_963 : vector<16xf32>
        scf.yield %add3A_935, %add3A_944, %add3A_953, %add3A_964 : vector<16xf32>, vector<16xf32>, vector<16xf32>, vector<16xf32>
      }
      %scan3A_174 = arith.constant 12 : i32
      %mul3A_175 = arith.constant 208 : i32
      %mul3A_176 = arith.muli %add3A_119, %mul3A_175 : i32
      %add3A_177 = arith.constant 192 : i32
      %add3A_178 = arith.addi %mul3A_176, %add3A_177 : i32
      %get3A = arith.index_cast %add3A_178 : i32 to index
      %get3A_179 = tpu.vector_load %arg7[%get3A] {strides = array<i32>} : memref<26624xi32, #tpu.memory_space<vmem>>, vector<16xi32>,
      %get3A_180 = vector.shape_cast %get3A_179 : vector<16xi32> to vector<16xi32>
      %slice3A = vector.extract_strided_slice %get3A_180 {offsets = [0], sizes = [1], strides = [1]} : vector<16xi32> to vector<1xi32>
      %squeeze3A = vector.extract %slice3A[0] : i32 from vector<1xi32>
      %slice3A_181 = vector.extract_strided_slice %get3A_180 {offsets = [1], sizes = [1], strides = [1]} : vector<16xi32> to vector<1xi32>
      %squeeze3A_182 = vector.extract %slice3A_181[0] : i32 from vector<1xi32>
      %get3A_183 = arith.constant 0 : i32
      %get3A_184 = arith.constant 192 : i32
      %get3A_185 = arith.index_cast %get3A_183 : i32 to index
      %get3A_186 = arith.index_cast %get3A_184 : i32 to index
      %get3A_187 = arith.index_cast %squeeze3A : i32 to index
      %get3A_188 = tpu.vector_load %arg8[%get3A_185, %get3A_186, %get3A_187] {strides = array<i32>} : memref<2x200x128xf32, #tpu.memory_space<vmem>>, vector<1x1x16xf32>,
      %get3A_189 = vector.shape_cast %get3A_188 : vector<1x1x16xf32> to vector<16xf32>
      %add3A_190 = arith.addf %scan3A_173#0, %get3A_189 : vector<16xf32>
      %add3A_191 = arith.constant 16 : i32
      %add3A_192 = arith.addi %squeeze3A, %add3A_191 : i32
      %get3A_193 = arith.constant 0 : i32
      %get3A_194 = arith.constant 192 : i32
      %get3A_195 = arith.index_cast %get3A_193 : i32 to index
      %get3A_196 = arith.index_cast %get3A_194 : i32 to index
      %get3A_197 = arith.index_cast %add3A_192 : i32 to index
      %get3A_198 = tpu.vector_load %arg8[%get3A_195, %get3A_196, %get3A_197] {strides = array<i32>} : memref<2x200x128xf32, #tpu.memory_space<vmem>>, vector<1x1x16xf32>,
      %get3A_199 = vector.shape_cast %get3A_198 : vector<1x1x16xf32> to vector<16xf32>
      %add3A_200 = arith.addf %scan3A_173#1, %get3A_199 : vector<16xf32>
      %get3A_201 = arith.constant 0 : i32
      %get3A_202 = arith.constant 193 : i32
      %get3A_203 = arith.index_cast %get3A_201 : i32 to index
      %get3A_204 = arith.index_cast %get3A_202 : i32 to index
      %get3A_205 = arith.index_cast %squeeze3A_182 : i32 to index
      %get3A_206 = tpu.vector_load %arg8[%get3A_203, %get3A_204, %get3A_205] {strides = array<i32>} : memref<2x200x128xf32, #tpu.memory_space<vmem>>, vector<1x1x16xf32>,
      %get3A_207 = vector.shape_cast %get3A_206 : vector<1x1x16xf32> to vector<16xf32>
      %add3A_208 = arith.addf %scan3A_173#2, %get3A_207 : vector<16xf32>
      %add3A_209 = arith.constant 16 : i32
      %add3A_210 = arith.addi %squeeze3A_182, %add3A_209 : i32
      %get3A_211 = arith.constant 0 : i32
      %get3A_212 = arith.constant 193 : i32
      %get3A_213 = arith.index_cast %get3A_211 : i32 to index
      %get3A_214 = arith.index_cast %get3A_212 : i32 to index
      %get3A_215 = arith.index_cast %add3A_210 : i32 to index
      %get3A_216 = tpu.vector_load %arg8[%get3A_213, %get3A_214, %get3A_215] {strides = array<i32>} : memref<2x200x128xf32, #tpu.memory_space<vmem>>, vector<1x1x16xf32>,
      %get3A_217 = vector.shape_cast %get3A_216 : vector<1x1x16xf32> to vector<16xf32>
      %add3A_218 = arith.addf %scan3A_173#3, %get3A_217 : vector<16xf32>
      %slice3A_219 = vector.extract_strided_slice %get3A_180 {offsets = [2], sizes = [1], strides = [1]} : vector<16xi32> to vector<1xi32>
      %squeeze3A_220 = vector.extract %slice3A_219[0] : i32 from vector<1xi32>
      %slice3A_221 = vector.extract_strided_slice %get3A_180 {offsets = [3], sizes = [1], strides = [1]} : vector<16xi32> to vector<1xi32>
      %squeeze3A_222 = vector.extract %slice3A_221[0] : i32 from vector<1xi32>
      %get3A_223 = arith.constant 0 : i32
      %get3A_224 = arith.constant 194 : i32
      %get3A_225 = arith.index_cast %get3A_223 : i32 to index
      %get3A_226 = arith.index_cast %get3A_224 : i32 to index
      %get3A_227 = arith.index_cast %squeeze3A_220 : i32 to index
      %get3A_228 = tpu.vector_load %arg8[%get3A_225, %get3A_226, %get3A_227] {strides = array<i32>} : memref<2x200x128xf32, #tpu.memory_space<vmem>>, vector<1x1x16xf32>,
      %get3A_229 = vector.shape_cast %get3A_228 : vector<1x1x16xf32> to vector<16xf32>
      %add3A_230 = arith.addf %add3A_190, %get3A_229 : vector<16xf32>
      %add3A_231 = arith.constant 16 : i32
      %add3A_232 = arith.addi %squeeze3A_220, %add3A_231 : i32
      %get3A_233 = arith.constant 0 : i32
      %get3A_234 = arith.constant 194 : i32
      %get3A_235 = arith.index_cast %get3A_233 : i32 to index
      %get3A_236 = arith.index_cast %get3A_234 : i32 to index
      %get3A_237 = arith.index_cast %add3A_232 : i32 to index
      %get3A_238 = tpu.vector_load %arg8[%get3A_235, %get3A_236, %get3A_237] {strides = array<i32>} : memref<2x200x128xf32, #tpu.memory_space<vmem>>, vector<1x1x16xf32>,
      %get3A_239 = vector.shape_cast %get3A_238 : vector<1x1x16xf32> to vector<16xf32>
      %add3A_240 = arith.addf %add3A_200, %get3A_239 : vector<16xf32>
      %get3A_241 = arith.constant 0 : i32
      %get3A_242 = arith.constant 195 : i32
      %get3A_243 = arith.index_cast %get3A_241 : i32 to index
      %get3A_244 = arith.index_cast %get3A_242 : i32 to index
      %get3A_245 = arith.index_cast %squeeze3A_222 : i32 to index
      %get3A_246 = tpu.vector_load %arg8[%get3A_243, %get3A_244, %get3A_245] {strides = array<i32>} : memref<2x200x128xf32, #tpu.memory_space<vmem>>, vector<1x1x16xf32>,
      %get3A_247 = vector.shape_cast %get3A_246 : vector<1x1x16xf32> to vector<16xf32>
      %add3A_248 = arith.addf %add3A_208, %get3A_247 : vector<16xf32>
      %add3A_249 = arith.constant 16 : i32
      %add3A_250 = arith.addi %squeeze3A_222, %add3A_249 : i32
      %get3A_251 = arith.constant 0 : i32
      %get3A_252 = arith.constant 195 : i32
      %get3A_253 = arith.index_cast %get3A_251 : i32 to index
      %get3A_254 = arith.index_cast %get3A_252 : i32 to index
      %get3A_255 = arith.index_cast %add3A_250 : i32 to index
      %get3A_256 = tpu.vector_load %arg8[%get3A_253, %get3A_254, %get3A_255] {strides = array<i32>} : memref<2x200x128xf32, #tpu.memory_space<vmem>>, vector<1x1x16xf32>,
      %get3A_257 = vector.shape_cast %get3A_256 : vector<1x1x16xf32> to vector<16xf32>
      %add3A_258 = arith.addf %add3A_218, %get3A_257 : vector<16xf32>
      %slice3A_259 = vector.extract_strided_slice %get3A_180 {offsets = [4], sizes = [1], strides = [1]} : vector<16xi32> to vector<1xi32>
      %squeeze3A_260 = vector.extract %slice3A_259[0] : i32 from vector<1xi32>
      %slice3A_261 = vector.extract_strided_slice %get3A_180 {offsets = [5], sizes = [1], strides = [1]} : vector<16xi32> to vector<1xi32>
      %squeeze3A_262 = vector.extract %slice3A_261[0] : i32 from vector<1xi32>
      %get3A_263 = arith.constant 0 : i32
      %get3A_264 = arith.constant 196 : i32
      %get3A_265 = arith.index_cast %get3A_263 : i32 to index
      %get3A_266 = arith.index_cast %get3A_264 : i32 to index
      %get3A_267 = arith.index_cast %squeeze3A_260 : i32 to index
      %get3A_268 = tpu.vector_load %arg8[%get3A_265, %get3A_266, %get3A_267] {strides = array<i32>} : memref<2x200x128xf32, #tpu.memory_space<vmem>>, vector<1x1x16xf32>,
      %get3A_269 = vector.shape_cast %get3A_268 : vector<1x1x16xf32> to vector<16xf32>
      %add3A_270 = arith.addf %add3A_230, %get3A_269 : vector<16xf32>
      %add3A_271 = arith.constant 16 : i32
      %add3A_272 = arith.addi %squeeze3A_260, %add3A_271 : i32
      %get3A_273 = arith.constant 0 : i32
      %get3A_274 = arith.constant 196 : i32
      %get3A_275 = arith.index_cast %get3A_273 : i32 to index
      %get3A_276 = arith.index_cast %get3A_274 : i32 to index
      %get3A_277 = arith.index_cast %add3A_272 : i32 to index
      %get3A_278 = tpu.vector_load %arg8[%get3A_275, %get3A_276, %get3A_277] {strides = array<i32>} : memref<2x200x128xf32, #tpu.memory_space<vmem>>, vector<1x1x16xf32>,
      %get3A_279 = vector.shape_cast %get3A_278 : vector<1x1x16xf32> to vector<16xf32>
      %add3A_280 = arith.addf %add3A_240, %get3A_279 : vector<16xf32>
      %get3A_281 = arith.constant 0 : i32
      %get3A_282 = arith.constant 197 : i32
      %get3A_283 = arith.index_cast %get3A_281 : i32 to index
      %get3A_284 = arith.index_cast %get3A_282 : i32 to index
      %get3A_285 = arith.index_cast %squeeze3A_262 : i32 to index
      %get3A_286 = tpu.vector_load %arg8[%get3A_283, %get3A_284, %get3A_285] {strides = array<i32>} : memref<2x200x128xf32, #tpu.memory_space<vmem>>, vector<1x1x16xf32>,
      %get3A_287 = vector.shape_cast %get3A_286 : vector<1x1x16xf32> to vector<16xf32>
      %add3A_288 = arith.addf %add3A_248, %get3A_287 : vector<16xf32>
      %add3A_289 = arith.constant 16 : i32
      %add3A_290 = arith.addi %squeeze3A_262, %add3A_289 : i32
      %get3A_291 = arith.constant 0 : i32
      %get3A_292 = arith.constant 197 : i32
      %get3A_293 = arith.index_cast %get3A_291 : i32 to index
      %get3A_294 = arith.index_cast %get3A_292 : i32 to index
      %get3A_295 = arith.index_cast %add3A_290 : i32 to index
      %get3A_296 = tpu.vector_load %arg8[%get3A_293, %get3A_294, %get3A_295] {strides = array<i32>} : memref<2x200x128xf32, #tpu.memory_space<vmem>>, vector<1x1x16xf32>,
      %get3A_297 = vector.shape_cast %get3A_296 : vector<1x1x16xf32> to vector<16xf32>
      %add3A_298 = arith.addf %add3A_258, %get3A_297 : vector<16xf32>
      %slice3A_299 = vector.extract_strided_slice %get3A_180 {offsets = [6], sizes = [1], strides = [1]} : vector<16xi32> to vector<1xi32>
      %squeeze3A_300 = vector.extract %slice3A_299[0] : i32 from vector<1xi32>
      %slice3A_301 = vector.extract_strided_slice %get3A_180 {offsets = [7], sizes = [1], strides = [1]} : vector<16xi32> to vector<1xi32>
      %squeeze3A_302 = vector.extract %slice3A_301[0] : i32 from vector<1xi32>
      %get3A_303 = arith.constant 0 : i32
      %get3A_304 = arith.constant 198 : i32
      %get3A_305 = arith.index_cast %get3A_303 : i32 to index
      %get3A_306 = arith.index_cast %get3A_304 : i32 to index
      %get3A_307 = arith.index_cast %squeeze3A_300 : i32 to index
      %get3A_308 = tpu.vector_load %arg8[%get3A_305, %get3A_306, %get3A_307] {strides = array<i32>} : memref<2x200x128xf32, #tpu.memory_space<vmem>>, vector<1x1x16xf32>,
      %get3A_309 = vector.shape_cast %get3A_308 : vector<1x1x16xf32> to vector<16xf32>
      %add3A_310 = arith.addf %add3A_270, %get3A_309 : vector<16xf32>
      %add3A_311 = arith.constant 16 : i32
      %add3A_312 = arith.addi %squeeze3A_300, %add3A_311 : i32
      %get3A_313 = arith.constant 0 : i32
      %get3A_314 = arith.constant 198 : i32
      %get3A_315 = arith.index_cast %get3A_313 : i32 to index
      %get3A_316 = arith.index_cast %get3A_314 : i32 to index
      %get3A_317 = arith.index_cast %add3A_312 : i32 to index
      %get3A_318 = tpu.vector_load %arg8[%get3A_315, %get3A_316, %get3A_317] {strides = array<i32>} : memref<2x200x128xf32, #tpu.memory_space<vmem>>, vector<1x1x16xf32>,
      %get3A_319 = vector.shape_cast %get3A_318 : vector<1x1x16xf32> to vector<16xf32>
      %add3A_320 = arith.addf %add3A_280, %get3A_319 : vector<16xf32>
      %get3A_321 = arith.constant 0 : i32
      %get3A_322 = arith.constant 199 : i32
      %get3A_323 = arith.index_cast %get3A_321 : i32 to index
      %get3A_324 = arith.index_cast %get3A_322 : i32 to index
      %get3A_325 = arith.index_cast %squeeze3A_302 : i32 to index
      %get3A_326 = tpu.vector_load %arg8[%get3A_323, %get3A_324, %get3A_325] {strides = array<i32>} : memref<2x200x128xf32, #tpu.memory_space<vmem>>, vector<1x1x16xf32>,
      %get3A_327 = vector.shape_cast %get3A_326 : vector<1x1x16xf32> to vector<16xf32>
      %add3A_328 = arith.addf %add3A_288, %get3A_327 : vector<16xf32>
      %add3A_329 = arith.constant 16 : i32
      %add3A_330 = arith.addi %squeeze3A_302, %add3A_329 : i32
      %get3A_331 = arith.constant 0 : i32
      %get3A_332 = arith.constant 199 : i32
      %get3A_333 = arith.index_cast %get3A_331 : i32 to index
      %get3A_334 = arith.index_cast %get3A_332 : i32 to index
      %get3A_335 = arith.index_cast %add3A_330 : i32 to index
      %get3A_336 = tpu.vector_load %arg8[%get3A_333, %get3A_334, %get3A_335] {strides = array<i32>} : memref<2x200x128xf32, #tpu.memory_space<vmem>>, vector<1x1x16xf32>,
      %get3A_337 = vector.shape_cast %get3A_336 : vector<1x1x16xf32> to vector<16xf32>
      %add3A_338 = arith.addf %add3A_298, %get3A_337 : vector<16xf32>
      %lt3A = arith.constant 63 : i32
      %lt3A_339 = arith.cmpi slt, %add3A_115, %lt3A : i32
      %convert_element_type3A = arith.extui %lt3A_339 : i1 to i32
      %cond3A = arith.constant 0 : i32
      %cond3A_340 = arith.cmpi ne, %convert_element_type3A, %cond3A : i32
      scf.if %cond3A_340 {
        %add3A_596 = arith.constant 2 : i32
        %add3A_597 = arith.addi %add3A_119, %add3A_596 : i32
        %mul3A_598 = arith.constant 200 : i32
        %mul3A_599 = arith.muli %add3A_597, %mul3A_598 : i32
        %add3A_600 = arith.constant 0 : i32
        %add3A_601 = arith.addi %mul3A_599, %add3A_600 : i32
        %dma_start3A_602 = arith.constant 0 : i32
        %dma_start3A_603 = arith.constant 0 : i32
        %dma_start3A_604 = arith.constant 0 : i32
        %dma_start3A_605 = tpu.memref_slice %arg8[%dma_start3A_602, %dma_start3A_603, %dma_start3A_604] : memref<2x200x128xf32, #tpu.memory_space<vmem>> -> memref<1x40x128xf32, #tpu.memory_space<vmem>>
        %dma_start3A_606 = tpu.memref_squeeze %dma_start3A_605 : memref<1x40x128xf32, #tpu.memory_space<vmem>> -> memref<40x128xf32, #tpu.memory_space<vmem>>
        %dma_start3A_607 = tpu.memref_slice %arg6[%add3A_601] : memref<25600xi32, #tpu.memory_space<vmem>> -> memref<40xi32, #tpu.memory_space<vmem>>
        %dma_start3A_608 = arith.constant 0 : i32
        %dma_start3A_609 = arith.constant 0 : i32
        %dma_start3A_610 = tpu.memref_slice %arg4[%dma_start3A_608, %dma_start3A_609] : memref<250000x128xf32, #tpu.memory_space<hbm>> -> memref<250000x128xf32, #tpu.memory_space<hbm>>
        tpu.enqueue_indirect_dma source(%dma_start3A_610 : memref<250000x128xf32, #tpu.memory_space<hbm>>) target(%dma_start3A_606 : memref<40x128xf32, #tpu.memory_space<vmem>>) offsets(%dma_start3A_607 : memref<40xi32, #tpu.memory_space<vmem>>) semaphore(%arg10 : memref<!tpu.dma_semaphore, #tpu.memory_space<semaphore_mem>>)
        %mul3A_611 = arith.constant 200 : i32
        %mul3A_612 = arith.muli %add3A_597, %mul3A_611 : i32
        %add3A_613 = arith.constant 40 : i32
        %add3A_614 = arith.addi %mul3A_612, %add3A_613 : i32
        %dma_start3A_615 = arith.constant 0 : i32
        %dma_start3A_616 = arith.constant 40 : i32
        %dma_start3A_617 = arith.constant 0 : i32
        %dma_start3A_618 = tpu.memref_slice %arg8[%dma_start3A_615, %dma_start3A_616, %dma_start3A_617] : memref<2x200x128xf32, #tpu.memory_space<vmem>> -> memref<1x40x128xf32, #tpu.memory_space<vmem>>
        %dma_start3A_619 = tpu.memref_squeeze %dma_start3A_618 : memref<1x40x128xf32, #tpu.memory_space<vmem>> -> memref<40x128xf32, #tpu.memory_space<vmem>>
        %dma_start3A_620 = tpu.memref_slice %arg6[%add3A_614] : memref<25600xi32, #tpu.memory_space<vmem>> -> memref<40xi32, #tpu.memory_space<vmem>>
        %dma_start3A_621 = arith.constant 0 : i32
        %dma_start3A_622 = arith.constant 0 : i32
        %dma_start3A_623 = tpu.memref_slice %arg4[%dma_start3A_621, %dma_start3A_622] : memref<250000x128xf32, #tpu.memory_space<hbm>> -> memref<250000x128xf32, #tpu.memory_space<hbm>>
        tpu.enqueue_indirect_dma source(%dma_start3A_623 : memref<250000x128xf32, #tpu.memory_space<hbm>>) target(%dma_start3A_619 : memref<40x128xf32, #tpu.memory_space<vmem>>) offsets(%dma_start3A_620 : memref<40xi32, #tpu.memory_space<vmem>>) semaphore(%arg10 : memref<!tpu.dma_semaphore, #tpu.memory_space<semaphore_mem>>)
        %mul3A_624 = arith.constant 200 : i32
        %mul3A_625 = arith.muli %add3A_597, %mul3A_624 : i32
        %add3A_626 = arith.constant 80 : i32
        %add3A_627 = arith.addi %mul3A_625, %add3A_626 : i32
        %dma_start3A_628 = arith.constant 0 : i32
        %dma_start3A_629 = arith.constant 80 : i32
        %dma_start3A_630 = arith.constant 0 : i32
        %dma_start3A_631 = tpu.memref_slice %arg8[%dma_start3A_628, %dma_start3A_629, %dma_start3A_630] : memref<2x200x128xf32, #tpu.memory_space<vmem>> -> memref<1x40x128xf32, #tpu.memory_space<vmem>>
        %dma_start3A_632 = tpu.memref_squeeze %dma_start3A_631 : memref<1x40x128xf32, #tpu.memory_space<vmem>> -> memref<40x128xf32, #tpu.memory_space<vmem>>
        %dma_start3A_633 = tpu.memref_slice %arg6[%add3A_627] : memref<25600xi32, #tpu.memory_space<vmem>> -> memref<40xi32, #tpu.memory_space<vmem>>
        %dma_start3A_634 = arith.constant 0 : i32
        %dma_start3A_635 = arith.constant 0 : i32
        %dma_start3A_636 = tpu.memref_slice %arg4[%dma_start3A_634, %dma_start3A_635] : memref<250000x128xf32, #tpu.memory_space<hbm>> -> memref<250000x128xf32, #tpu.memory_space<hbm>>
        tpu.enqueue_indirect_dma source(%dma_start3A_636 : memref<250000x128xf32, #tpu.memory_space<hbm>>) target(%dma_start3A_632 : memref<40x128xf32, #tpu.memory_space<vmem>>) offsets(%dma_start3A_633 : memref<40xi32, #tpu.memory_space<vmem>>) semaphore(%arg10 : memref<!tpu.dma_semaphore, #tpu.memory_space<semaphore_mem>>)
        %mul3A_637 = arith.constant 200 : i32
        %mul3A_638 = arith.muli %add3A_597, %mul3A_637 : i32
        %add3A_639 = arith.constant 120 : i32
        %add3A_640 = arith.addi %mul3A_638, %add3A_639 : i32
        %dma_start3A_641 = arith.constant 0 : i32
        %dma_start3A_642 = arith.constant 120 : i32
        %dma_start3A_643 = arith.constant 0 : i32
        %dma_start3A_644 = tpu.memref_slice %arg8[%dma_start3A_641, %dma_start3A_642, %dma_start3A_643] : memref<2x200x128xf32, #tpu.memory_space<vmem>> -> memref<1x40x128xf32, #tpu.memory_space<vmem>>
        %dma_start3A_645 = tpu.memref_squeeze %dma_start3A_644 : memref<1x40x128xf32, #tpu.memory_space<vmem>> -> memref<40x128xf32, #tpu.memory_space<vmem>>
        %dma_start3A_646 = tpu.memref_slice %arg6[%add3A_640] : memref<25600xi32, #tpu.memory_space<vmem>> -> memref<40xi32, #tpu.memory_space<vmem>>
        %dma_start3A_647 = arith.constant 0 : i32
        %dma_start3A_648 = arith.constant 0 : i32
        %dma_start3A_649 = tpu.memref_slice %arg4[%dma_start3A_647, %dma_start3A_648] : memref<250000x128xf32, #tpu.memory_space<hbm>> -> memref<250000x128xf32, #tpu.memory_space<hbm>>
        tpu.enqueue_indirect_dma source(%dma_start3A_649 : memref<250000x128xf32, #tpu.memory_space<hbm>>) target(%dma_start3A_645 : memref<40x128xf32, #tpu.memory_space<vmem>>) offsets(%dma_start3A_646 : memref<40xi32, #tpu.memory_space<vmem>>) semaphore(%arg10 : memref<!tpu.dma_semaphore, #tpu.memory_space<semaphore_mem>>)
        %mul3A_650 = arith.constant 200 : i32
        %mul3A_651 = arith.muli %add3A_597, %mul3A_650 : i32
        %add3A_652 = arith.constant 160 : i32
        %add3A_653 = arith.addi %mul3A_651, %add3A_652 : i32
        %dma_start3A_654 = arith.constant 0 : i32
        %dma_start3A_655 = arith.constant 160 : i32
        %dma_start3A_656 = arith.constant 0 : i32
        %dma_start3A_657 = tpu.memref_slice %arg8[%dma_start3A_654, %dma_start3A_655, %dma_start3A_656] : memref<2x200x128xf32, #tpu.memory_space<vmem>> -> memref<1x40x128xf32, #tpu.memory_space<vmem>>
        %dma_start3A_658 = tpu.memref_squeeze %dma_start3A_657 : memref<1x40x128xf32, #tpu.memory_space<vmem>> -> memref<40x128xf32, #tpu.memory_space<vmem>>
        %dma_start3A_659 = tpu.memref_slice %arg6[%add3A_653] : memref<25600xi32, #tpu.memory_space<vmem>> -> memref<40xi32, #tpu.memory_space<vmem>>
        %dma_start3A_660 = arith.constant 0 : i32
        %dma_start3A_661 = arith.constant 0 : i32
        %dma_start3A_662 = tpu.memref_slice %arg4[%dma_start3A_660, %dma_start3A_661] : memref<250000x128xf32, #tpu.memory_space<hbm>> -> memref<250000x128xf32, #tpu.memory_space<hbm>>
        tpu.enqueue_indirect_dma source(%dma_start3A_662 : memref<250000x128xf32, #tpu.memory_space<hbm>>) target(%dma_start3A_658 : memref<40x128xf32, #tpu.memory_space<vmem>>) offsets(%dma_start3A_659 : memref<40xi32, #tpu.memory_space<vmem>>) semaphore(%arg10 : memref<!tpu.dma_semaphore, #tpu.memory_space<semaphore_mem>>)
      } else {
      }
      %add3A_341 = arith.addf %add3A_310, %add3A_328 : vector<16xf32>
      %swap3A = arith.index_cast %add3A_119 : i32 to index
      %swap3A_342 = arith.constant 0 : index
      %swap3A_343 = tpu.vector_load %arg9[%swap3A, %swap3A_342] {strides = array<i32>} : memref<128x32xf32, #tpu.memory_space<vmem>>, vector<1x16xf32>,
      %swap3A_344 = vector.shape_cast %swap3A_343 : vector<1x16xf32> to vector<16xf32>
      %swap3A_345 = vector.shape_cast %add3A_341 : vector<16xf32> to vector<1x16xf32>
      tpu.vector_store %arg9[%swap3A, %swap3A_342], %swap3A_345 {strides = array<i32>} : memref<128x32xf32, #tpu.memory_space<vmem>>, vector<1x16xf32>,
      %add3A_346 = arith.addf %add3A_320, %add3A_338 : vector<16xf32>
      %swap3A_347 = arith.index_cast %add3A_119 : i32 to index
      %swap3A_348 = arith.constant 16 : index
      %swap3A_349 = tpu.vector_load %arg9[%swap3A_347, %swap3A_348] {strides = array<i32>} : memref<128x32xf32, #tpu.memory_space<vmem>>, vector<1x16xf32>,
      %swap3A_350 = vector.shape_cast %swap3A_349 : vector<1x16xf32> to vector<16xf32>
      %swap3A_351 = vector.shape_cast %add3A_346 : vector<16xf32> to vector<1x16xf32>
      tpu.vector_store %arg9[%swap3A_347, %swap3A_348], %swap3A_351 {strides = array<i32>} : memref<128x32xf32, #tpu.memory_space<vmem>>, vector<1x16xf32>,
      %mul3A_352 = arith.constant 2 : i32
      %mul3A_353 = arith.muli %add3A_115, %mul3A_352 : i32
      %add3A_354 = arith.constant 1 : i32
      %add3A_355 = arith.addi %mul3A_353, %add3A_354 : i32
      %dma_wait3A_356 = arith.constant 1 : i32
      %dma_wait3A_357 = arith.constant 0 : i32
      %dma_wait3A_358 = arith.constant 0 : i32
      %dma_wait3A_359 = tpu.memref_slice %arg8[%dma_wait3A_356, %dma_wait3A_357, %dma_wait3A_358] : memref<2x200x128xf32, #tpu.memory_space<vmem>> -> memref<1x40x128xf32, #tpu.memory_space<vmem>>
      %dma_wait3A_360 = tpu.memref_squeeze %dma_wait3A_359 : memref<1x40x128xf32, #tpu.memory_space<vmem>> -> memref<40x128xf32, #tpu.memory_space<vmem>>
      %dma_wait3A_361 = arith.constant 0 : i32
      %dma_wait3A_362 = tpu.memref_slice %arg6[%dma_wait3A_361] : memref<25600xi32, #tpu.memory_space<vmem>> -> memref<40xi32, #tpu.memory_space<vmem>>
      %dma_wait3A_363 = arith.constant 0 : i32
      %dma_wait3A_364 = arith.constant 0 : i32
      %dma_wait3A_365 = tpu.memref_slice %arg4[%dma_wait3A_363, %dma_wait3A_364] : memref<250000x128xf32, #tpu.memory_space<hbm>> -> memref<250000x128xf32, #tpu.memory_space<hbm>>
      tpu.wait_indirect_dma semaphore(%arg11 : memref<!tpu.dma_semaphore, #tpu.memory_space<semaphore_mem>>) src(%dma_wait3A_365 : memref<250000x128xf32, #tpu.memory_space<hbm>>) dst(%dma_wait3A_360 : memref<40x128xf32, #tpu.memory_space<vmem>>)
      %dma_wait3A_366 = arith.constant 1 : i32
      %dma_wait3A_367 = arith.constant 40 : i32
      %dma_wait3A_368 = arith.constant 0 : i32
      %dma_wait3A_369 = tpu.memref_slice %arg8[%dma_wait3A_366, %dma_wait3A_367, %dma_wait3A_368] : memref<2x200x128xf32, #tpu.memory_space<vmem>> -> memref<1x40x128xf32, #tpu.memory_space<vmem>>
      %dma_wait3A_370 = tpu.memref_squeeze %dma_wait3A_369 : memref<1x40x128xf32, #tpu.memory_space<vmem>> -> memref<40x128xf32, #tpu.memory_space<vmem>>
      %dma_wait3A_371 = arith.constant 40 : i32
      %dma_wait3A_372 = tpu.memref_slice %arg6[%dma_wait3A_371] : memref<25600xi32, #tpu.memory_space<vmem>> -> memref<40xi32, #tpu.memory_space<vmem>>
      %dma_wait3A_373 = arith.constant 0 : i32
      %dma_wait3A_374 = arith.constant 0 : i32
      %dma_wait3A_375 = tpu.memref_slice %arg4[%dma_wait3A_373, %dma_wait3A_374] : memref<250000x128xf32, #tpu.memory_space<hbm>> -> memref<250000x128xf32, #tpu.memory_space<hbm>>
      tpu.wait_indirect_dma semaphore(%arg11 : memref<!tpu.dma_semaphore, #tpu.memory_space<semaphore_mem>>) src(%dma_wait3A_375 : memref<250000x128xf32, #tpu.memory_space<hbm>>) dst(%dma_wait3A_370 : memref<40x128xf32, #tpu.memory_space<vmem>>)
      %dma_wait3A_376 = arith.constant 1 : i32
      %dma_wait3A_377 = arith.constant 80 : i32
      %dma_wait3A_378 = arith.constant 0 : i32
      %dma_wait3A_379 = tpu.memref_slice %arg8[%dma_wait3A_376, %dma_wait3A_377, %dma_wait3A_378] : memref<2x200x128xf32, #tpu.memory_space<vmem>> -> memref<1x40x128xf32, #tpu.memory_space<vmem>>
      %dma_wait3A_380 = tpu.memref_squeeze %dma_wait3A_379 : memref<1x40x128xf32, #tpu.memory_space<vmem>> -> memref<40x128xf32, #tpu.memory_space<vmem>>
      %dma_wait3A_381 = arith.constant 80 : i32
      %dma_wait3A_382 = tpu.memref_slice %arg6[%dma_wait3A_381] : memref<25600xi32, #tpu.memory_space<vmem>> -> memref<40xi32, #tpu.memory_space<vmem>>
      %dma_wait3A_383 = arith.constant 0 : i32
      %dma_wait3A_384 = arith.constant 0 : i32
      %dma_wait3A_385 = tpu.memref_slice %arg4[%dma_wait3A_383, %dma_wait3A_384] : memref<250000x128xf32, #tpu.memory_space<hbm>> -> memref<250000x128xf32, #tpu.memory_space<hbm>>
      tpu.wait_indirect_dma semaphore(%arg11 : memref<!tpu.dma_semaphore, #tpu.memory_space<semaphore_mem>>) src(%dma_wait3A_385 : memref<250000x128xf32, #tpu.memory_space<hbm>>) dst(%dma_wait3A_380 : memref<40x128xf32, #tpu.memory_space<vmem>>)
      %dma_wait3A_386 = arith.constant 1 : i32
      %dma_wait3A_387 = arith.constant 120 : i32
      %dma_wait3A_388 = arith.constant 0 : i32
      %dma_wait3A_389 = tpu.memref_slice %arg8[%dma_wait3A_386, %dma_wait3A_387, %dma_wait3A_388] : memref<2x200x128xf32, #tpu.memory_space<vmem>> -> memref<1x40x128xf32, #tpu.memory_space<vmem>>
      %dma_wait3A_390 = tpu.memref_squeeze %dma_wait3A_389 : memref<1x40x128xf32, #tpu.memory_space<vmem>> -> memref<40x128xf32, #tpu.memory_space<vmem>>
      %dma_wait3A_391 = arith.constant 120 : i32
      %dma_wait3A_392 = tpu.memref_slice %arg6[%dma_wait3A_391] : memref<25600xi32, #tpu.memory_space<vmem>> -> memref<40xi32, #tpu.memory_space<vmem>>
      %dma_wait3A_393 = arith.constant 0 : i32
      %dma_wait3A_394 = arith.constant 0 : i32
      %dma_wait3A_395 = tpu.memref_slice %arg4[%dma_wait3A_393, %dma_wait3A_394] : memref<250000x128xf32, #tpu.memory_space<hbm>> -> memref<250000x128xf32, #tpu.memory_space<hbm>>
      tpu.wait_indirect_dma semaphore(%arg11 : memref<!tpu.dma_semaphore, #tpu.memory_space<semaphore_mem>>) src(%dma_wait3A_395 : memref<250000x128xf32, #tpu.memory_space<hbm>>) dst(%dma_wait3A_390 : memref<40x128xf32, #tpu.memory_space<vmem>>)
      %dma_wait3A_396 = arith.constant 1 : i32
      %dma_wait3A_397 = arith.constant 160 : i32
      %dma_wait3A_398 = arith.constant 0 : i32
      %dma_wait3A_399 = tpu.memref_slice %arg8[%dma_wait3A_396, %dma_wait3A_397, %dma_wait3A_398] : memref<2x200x128xf32, #tpu.memory_space<vmem>> -> memref<1x40x128xf32, #tpu.memory_space<vmem>>
      %dma_wait3A_400 = tpu.memref_squeeze %dma_wait3A_399 : memref<1x40x128xf32, #tpu.memory_space<vmem>> -> memref<40x128xf32, #tpu.memory_space<vmem>>
      %dma_wait3A_401 = arith.constant 160 : i32
      %dma_wait3A_402 = tpu.memref_slice %arg6[%dma_wait3A_401] : memref<25600xi32, #tpu.memory_space<vmem>> -> memref<40xi32, #tpu.memory_space<vmem>>
      %dma_wait3A_403 = arith.constant 0 : i32
      %dma_wait3A_404 = arith.constant 0 : i32
      %dma_wait3A_405 = tpu.memref_slice %arg4[%dma_wait3A_403, %dma_wait3A_404] : memref<250000x128xf32, #tpu.memory_space<hbm>> -> memref<250000x128xf32, #tpu.memory_space<hbm>>
      tpu.wait_indirect_dma semaphore(%arg11 : memref<!tpu.dma_semaphore, #tpu.memory_space<semaphore_mem>>) src(%dma_wait3A_405 : memref<250000x128xf32, #tpu.memory_space<hbm>>) dst(%dma_wait3A_400 : memref<40x128xf32, #tpu.memory_space<vmem>>)
      %scan3A_406 = arith.constant 0 : i32
      %scan3A_407 = arith.constant 12 : i32
      %scan3A_408 = arith.addi %scan3A_406, %scan3A_407 : i32
      %scan3A_409 = arith.constant 1 : i32
      %scan3A_410:4 = scf.for %scan3A_596 = %scan3A_406 to %scan3A_408 step %scan3A_409 iter_args(%scan3A_597 = %broadcast_in_dim3A_104, %scan3A_598 = %broadcast_in_dim3A_104, %scan3A_599 = %broadcast_in_dim3A_104, %scan3A_600 = %broadcast_in_dim3A_104) -> (vector<16xf32>, vector<16xf32>, vector<16xf32>, vector<16xf32>)  : i32 {
        %mul3A_601 = arith.constant 1 : i32
        %mul3A_602 = arith.muli %scan3A_596, %mul3A_601 : i32
        %add3A_603 = arith.constant 0 : i32
        %add3A_604 = arith.addi %add3A_603, %mul3A_602 : i32
        %mul3A_605 = arith.constant 208 : i32
        %mul3A_606 = arith.muli %add3A_355, %mul3A_605 : i32
        %mul3A_607 = arith.constant 16 : i32
        %mul3A_608 = arith.muli %add3A_604, %mul3A_607 : i32
        %add3A_609 = arith.addi %mul3A_606, %mul3A_608 : i32
        %get3A_610 = arith.index_cast %add3A_609 : i32 to index
        %get3A_611 = tpu.vector_load %arg7[%get3A_610] {strides = array<i32>} : memref<26624xi32, #tpu.memory_space<vmem>>, vector<16xi32>,
        %get3A_612 = vector.shape_cast %get3A_611 : vector<16xi32> to vector<16xi32>
        %mul3A_613 = arith.constant 16 : i32
        %mul3A_614 = arith.muli %add3A_604, %mul3A_613 : i32
        %add3A_615 = arith.constant 0 : i32
        %add3A_616 = arith.addi %mul3A_614, %add3A_615 : i32
        %slice3A_617 = vector.extract_strided_slice %get3A_612 {offsets = [0], sizes = [1], strides = [1]} : vector<16xi32> to vector<1xi32>
        %squeeze3A_618 = vector.extract %slice3A_617[0] : i32 from vector<1xi32>
        %slice3A_619 = vector.extract_strided_slice %get3A_612 {offsets = [1], sizes = [1], strides = [1]} : vector<16xi32> to vector<1xi32>
        %squeeze3A_620 = vector.extract %slice3A_619[0] : i32 from vector<1xi32>
        %get3A_621 = arith.constant 1 : i32
        %get3A_622 = arith.index_cast %get3A_621 : i32 to index
        %get3A_623 = arith.index_cast %add3A_616 : i32 to index
        %get3A_624 = arith.index_cast %squeeze3A_618 : i32 to index
        %get3A_625 = tpu.vector_load %arg8[%get3A_622, %get3A_623, %get3A_624] {strides = array<i32>} : memref<2x200x128xf32, #tpu.memory_space<vmem>>, vector<1x1x16xf32>,
        %get3A_626 = vector.shape_cast %get3A_625 : vector<1x1x16xf32> to vector<16xf32>
        %add3A_627 = arith.addf %scan3A_597, %get3A_626 : vector<16xf32>
        %add3A_628 = arith.constant 16 : i32
        %add3A_629 = arith.addi %squeeze3A_618, %add3A_628 : i32
        %get3A_630 = arith.constant 1 : i32
        %get3A_631 = arith.index_cast %get3A_630 : i32 to index
        %get3A_632 = arith.index_cast %add3A_616 : i32 to index
        %get3A_633 = arith.index_cast %add3A_629 : i32 to index
        %get3A_634 = tpu.vector_load %arg8[%get3A_631, %get3A_632, %get3A_633] {strides = array<i32>} : memref<2x200x128xf32, #tpu.memory_space<vmem>>, vector<1x1x16xf32>,
        %get3A_635 = vector.shape_cast %get3A_634 : vector<1x1x16xf32> to vector<16xf32>
        %add3A_636 = arith.addf %scan3A_598, %get3A_635 : vector<16xf32>
        %add3A_637 = arith.constant 1 : i32
        %add3A_638 = arith.addi %add3A_616, %add3A_637 : i32
        %get3A_639 = arith.constant 1 : i32
        %get3A_640 = arith.index_cast %get3A_639 : i32 to index
        %get3A_641 = arith.index_cast %add3A_638 : i32 to index
        %get3A_642 = arith.index_cast %squeeze3A_620 : i32 to index
        %get3A_643 = tpu.vector_load %arg8[%get3A_640, %get3A_641, %get3A_642] {strides = array<i32>} : memref<2x200x128xf32, #tpu.memory_space<vmem>>, vector<1x1x16xf32>,
        %get3A_644 = vector.shape_cast %get3A_643 : vector<1x1x16xf32> to vector<16xf32>
        %add3A_645 = arith.addf %scan3A_599, %get3A_644 : vector<16xf32>
        %add3A_646 = arith.constant 1 : i32
        %add3A_647 = arith.addi %add3A_616, %add3A_646 : i32
        %add3A_648 = arith.constant 16 : i32
        %add3A_649 = arith.addi %squeeze3A_620, %add3A_648 : i32
        %get3A_650 = arith.constant 1 : i32
        %get3A_651 = arith.index_cast %get3A_650 : i32 to index
        %get3A_652 = arith.index_cast %add3A_647 : i32 to index
        %get3A_653 = arith.index_cast %add3A_649 : i32 to index
        %get3A_654 = tpu.vector_load %arg8[%get3A_651, %get3A_652, %get3A_653] {strides = array<i32>} : memref<2x200x128xf32, #tpu.memory_space<vmem>>, vector<1x1x16xf32>,
        %get3A_655 = vector.shape_cast %get3A_654 : vector<1x1x16xf32> to vector<16xf32>
        %add3A_656 = arith.addf %scan3A_600, %get3A_655 : vector<16xf32>
        %mul3A_657 = arith.constant 16 : i32
        %mul3A_658 = arith.muli %add3A_604, %mul3A_657 : i32
        %add3A_659 = arith.constant 2 : i32
        %add3A_660 = arith.addi %mul3A_658, %add3A_659 : i32
        %slice3A_661 = vector.extract_strided_slice %get3A_612 {offsets = [2], sizes = [1], strides = [1]} : vector<16xi32> to vector<1xi32>
        %squeeze3A_662 = vector.extract %slice3A_661[0] : i32 from vector<1xi32>
        %slice3A_663 = vector.extract_strided_slice %get3A_612 {offsets = [3], sizes = [1], strides = [1]} : vector<16xi32> to vector<1xi32>
        %squeeze3A_664 = vector.extract %slice3A_663[0] : i32 from vector<1xi32>
        %get3A_665 = arith.constant 1 : i32
        %get3A_666 = arith.index_cast %get3A_665 : i32 to index
        %get3A_667 = arith.index_cast %add3A_660 : i32 to index
        %get3A_668 = arith.index_cast %squeeze3A_662 : i32 to index
        %get3A_669 = tpu.vector_load %arg8[%get3A_666, %get3A_667, %get3A_668] {strides = array<i32>} : memref<2x200x128xf32, #tpu.memory_space<vmem>>, vector<1x1x16xf32>,
        %get3A_670 = vector.shape_cast %get3A_669 : vector<1x1x16xf32> to vector<16xf32>
        %add3A_671 = arith.addf %add3A_627, %get3A_670 : vector<16xf32>
        %add3A_672 = arith.constant 16 : i32
        %add3A_673 = arith.addi %squeeze3A_662, %add3A_672 : i32
        %get3A_674 = arith.constant 1 : i32
        %get3A_675 = arith.index_cast %get3A_674 : i32 to index
        %get3A_676 = arith.index_cast %add3A_660 : i32 to index
        %get3A_677 = arith.index_cast %add3A_673 : i32 to index
        %get3A_678 = tpu.vector_load %arg8[%get3A_675, %get3A_676, %get3A_677] {strides = array<i32>} : memref<2x200x128xf32, #tpu.memory_space<vmem>>, vector<1x1x16xf32>,
        %get3A_679 = vector.shape_cast %get3A_678 : vector<1x1x16xf32> to vector<16xf32>
        %add3A_680 = arith.addf %add3A_636, %get3A_679 : vector<16xf32>
        %add3A_681 = arith.constant 1 : i32
        %add3A_682 = arith.addi %add3A_660, %add3A_681 : i32
        %get3A_683 = arith.constant 1 : i32
        %get3A_684 = arith.index_cast %get3A_683 : i32 to index
        %get3A_685 = arith.index_cast %add3A_682 : i32 to index
        %get3A_686 = arith.index_cast %squeeze3A_664 : i32 to index
        %get3A_687 = tpu.vector_load %arg8[%get3A_684, %get3A_685, %get3A_686] {strides = array<i32>} : memref<2x200x128xf32, #tpu.memory_space<vmem>>, vector<1x1x16xf32>,
        %get3A_688 = vector.shape_cast %get3A_687 : vector<1x1x16xf32> to vector<16xf32>
        %add3A_689 = arith.addf %add3A_645, %get3A_688 : vector<16xf32>
        %add3A_690 = arith.constant 1 : i32
        %add3A_691 = arith.addi %add3A_660, %add3A_690 : i32
        %add3A_692 = arith.constant 16 : i32
        %add3A_693 = arith.addi %squeeze3A_664, %add3A_692 : i32
        %get3A_694 = arith.constant 1 : i32
        %get3A_695 = arith.index_cast %get3A_694 : i32 to index
        %get3A_696 = arith.index_cast %add3A_691 : i32 to index
        %get3A_697 = arith.index_cast %add3A_693 : i32 to index
        %get3A_698 = tpu.vector_load %arg8[%get3A_695, %get3A_696, %get3A_697] {strides = array<i32>} : memref<2x200x128xf32, #tpu.memory_space<vmem>>, vector<1x1x16xf32>,
        %get3A_699 = vector.shape_cast %get3A_698 : vector<1x1x16xf32> to vector<16xf32>
        %add3A_700 = arith.addf %add3A_656, %get3A_699 : vector<16xf32>
        %mul3A_701 = arith.constant 16 : i32
        %mul3A_702 = arith.muli %add3A_604, %mul3A_701 : i32
        %add3A_703 = arith.constant 4 : i32
        %add3A_704 = arith.addi %mul3A_702, %add3A_703 : i32
        %slice3A_705 = vector.extract_strided_slice %get3A_612 {offsets = [4], sizes = [1], strides = [1]} : vector<16xi32> to vector<1xi32>
        %squeeze3A_706 = vector.extract %slice3A_705[0] : i32 from vector<1xi32>
        %slice3A_707 = vector.extract_strided_slice %get3A_612 {offsets = [5], sizes = [1], strides = [1]} : vector<16xi32> to vector<1xi32>
        %squeeze3A_708 = vector.extract %slice3A_707[0] : i32 from vector<1xi32>
        %get3A_709 = arith.constant 1 : i32
        %get3A_710 = arith.index_cast %get3A_709 : i32 to index
        %get3A_711 = arith.index_cast %add3A_704 : i32 to index
        %get3A_712 = arith.index_cast %squeeze3A_706 : i32 to index
        %get3A_713 = tpu.vector_load %arg8[%get3A_710, %get3A_711, %get3A_712] {strides = array<i32>} : memref<2x200x128xf32, #tpu.memory_space<vmem>>, vector<1x1x16xf32>,
        %get3A_714 = vector.shape_cast %get3A_713 : vector<1x1x16xf32> to vector<16xf32>
        %add3A_715 = arith.addf %add3A_671, %get3A_714 : vector<16xf32>
        %add3A_716 = arith.constant 16 : i32
        %add3A_717 = arith.addi %squeeze3A_706, %add3A_716 : i32
        %get3A_718 = arith.constant 1 : i32
        %get3A_719 = arith.index_cast %get3A_718 : i32 to index
        %get3A_720 = arith.index_cast %add3A_704 : i32 to index
        %get3A_721 = arith.index_cast %add3A_717 : i32 to index
        %get3A_722 = tpu.vector_load %arg8[%get3A_719, %get3A_720, %get3A_721] {strides = array<i32>} : memref<2x200x128xf32, #tpu.memory_space<vmem>>, vector<1x1x16xf32>,
        %get3A_723 = vector.shape_cast %get3A_722 : vector<1x1x16xf32> to vector<16xf32>
        %add3A_724 = arith.addf %add3A_680, %get3A_723 : vector<16xf32>
        %add3A_725 = arith.constant 1 : i32
        %add3A_726 = arith.addi %add3A_704, %add3A_725 : i32
        %get3A_727 = arith.constant 1 : i32
        %get3A_728 = arith.index_cast %get3A_727 : i32 to index
        %get3A_729 = arith.index_cast %add3A_726 : i32 to index
        %get3A_730 = arith.index_cast %squeeze3A_708 : i32 to index
        %get3A_731 = tpu.vector_load %arg8[%get3A_728, %get3A_729, %get3A_730] {strides = array<i32>} : memref<2x200x128xf32, #tpu.memory_space<vmem>>, vector<1x1x16xf32>,
        %get3A_732 = vector.shape_cast %get3A_731 : vector<1x1x16xf32> to vector<16xf32>
        %add3A_733 = arith.addf %add3A_689, %get3A_732 : vector<16xf32>
        %add3A_734 = arith.constant 1 : i32
        %add3A_735 = arith.addi %add3A_704, %add3A_734 : i32
        %add3A_736 = arith.constant 16 : i32
        %add3A_737 = arith.addi %squeeze3A_708, %add3A_736 : i32
        %get3A_738 = arith.constant 1 : i32
        %get3A_739 = arith.index_cast %get3A_738 : i32 to index
        %get3A_740 = arith.index_cast %add3A_735 : i32 to index
        %get3A_741 = arith.index_cast %add3A_737 : i32 to index
        %get3A_742 = tpu.vector_load %arg8[%get3A_739, %get3A_740, %get3A_741] {strides = array<i32>} : memref<2x200x128xf32, #tpu.memory_space<vmem>>, vector<1x1x16xf32>,
        %get3A_743 = vector.shape_cast %get3A_742 : vector<1x1x16xf32> to vector<16xf32>
        %add3A_744 = arith.addf %add3A_700, %get3A_743 : vector<16xf32>
        %mul3A_745 = arith.constant 16 : i32
        %mul3A_746 = arith.muli %add3A_604, %mul3A_745 : i32
        %add3A_747 = arith.constant 6 : i32
        %add3A_748 = arith.addi %mul3A_746, %add3A_747 : i32
        %slice3A_749 = vector.extract_strided_slice %get3A_612 {offsets = [6], sizes = [1], strides = [1]} : vector<16xi32> to vector<1xi32>
        %squeeze3A_750 = vector.extract %slice3A_749[0] : i32 from vector<1xi32>
        %slice3A_751 = vector.extract_strided_slice %get3A_612 {offsets = [7], sizes = [1], strides = [1]} : vector<16xi32> to vector<1xi32>
        %squeeze3A_752 = vector.extract %slice3A_751[0] : i32 from vector<1xi32>
        %get3A_753 = arith.constant 1 : i32
        %get3A_754 = arith.index_cast %get3A_753 : i32 to index
        %get3A_755 = arith.index_cast %add3A_748 : i32 to index
        %get3A_756 = arith.index_cast %squeeze3A_750 : i32 to index
        %get3A_757 = tpu.vector_load %arg8[%get3A_754, %get3A_755, %get3A_756] {strides = array<i32>} : memref<2x200x128xf32, #tpu.memory_space<vmem>>, vector<1x1x16xf32>,
        %get3A_758 = vector.shape_cast %get3A_757 : vector<1x1x16xf32> to vector<16xf32>
        %add3A_759 = arith.addf %add3A_715, %get3A_758 : vector<16xf32>
        %add3A_760 = arith.constant 16 : i32
        %add3A_761 = arith.addi %squeeze3A_750, %add3A_760 : i32
        %get3A_762 = arith.constant 1 : i32
        %get3A_763 = arith.index_cast %get3A_762 : i32 to index
        %get3A_764 = arith.index_cast %add3A_748 : i32 to index
        %get3A_765 = arith.index_cast %add3A_761 : i32 to index
        %get3A_766 = tpu.vector_load %arg8[%get3A_763, %get3A_764, %get3A_765] {strides = array<i32>} : memref<2x200x128xf32, #tpu.memory_space<vmem>>, vector<1x1x16xf32>,
        %get3A_767 = vector.shape_cast %get3A_766 : vector<1x1x16xf32> to vector<16xf32>
        %add3A_768 = arith.addf %add3A_724, %get3A_767 : vector<16xf32>
        %add3A_769 = arith.constant 1 : i32
        %add3A_770 = arith.addi %add3A_748, %add3A_769 : i32
        %get3A_771 = arith.constant 1 : i32
        %get3A_772 = arith.index_cast %get3A_771 : i32 to index
        %get3A_773 = arith.index_cast %add3A_770 : i32 to index
        %get3A_774 = arith.index_cast %squeeze3A_752 : i32 to index
        %get3A_775 = tpu.vector_load %arg8[%get3A_772, %get3A_773, %get3A_774] {strides = array<i32>} : memref<2x200x128xf32, #tpu.memory_space<vmem>>, vector<1x1x16xf32>,
        %get3A_776 = vector.shape_cast %get3A_775 : vector<1x1x16xf32> to vector<16xf32>
        %add3A_777 = arith.addf %add3A_733, %get3A_776 : vector<16xf32>
        %add3A_778 = arith.constant 1 : i32
        %add3A_779 = arith.addi %add3A_748, %add3A_778 : i32
        %add3A_780 = arith.constant 16 : i32
        %add3A_781 = arith.addi %squeeze3A_752, %add3A_780 : i32
        %get3A_782 = arith.constant 1 : i32
        %get3A_783 = arith.index_cast %get3A_782 : i32 to index
        %get3A_784 = arith.index_cast %add3A_779 : i32 to index
        %get3A_785 = arith.index_cast %add3A_781 : i32 to index
        %get3A_786 = tpu.vector_load %arg8[%get3A_783, %get3A_784, %get3A_785] {strides = array<i32>} : memref<2x200x128xf32, #tpu.memory_space<vmem>>, vector<1x1x16xf32>,
        %get3A_787 = vector.shape_cast %get3A_786 : vector<1x1x16xf32> to vector<16xf32>
        %add3A_788 = arith.addf %add3A_744, %get3A_787 : vector<16xf32>
        %mul3A_789 = arith.constant 16 : i32
        %mul3A_790 = arith.muli %add3A_604, %mul3A_789 : i32
        %add3A_791 = arith.constant 8 : i32
        %add3A_792 = arith.addi %mul3A_790, %add3A_791 : i32
        %slice3A_793 = vector.extract_strided_slice %get3A_612 {offsets = [8], sizes = [1], strides = [1]} : vector<16xi32> to vector<1xi32>
        %squeeze3A_794 = vector.extract %slice3A_793[0] : i32 from vector<1xi32>
        %slice3A_795 = vector.extract_strided_slice %get3A_612 {offsets = [9], sizes = [1], strides = [1]} : vector<16xi32> to vector<1xi32>
        %squeeze3A_796 = vector.extract %slice3A_795[0] : i32 from vector<1xi32>
        %get3A_797 = arith.constant 1 : i32
        %get3A_798 = arith.index_cast %get3A_797 : i32 to index
        %get3A_799 = arith.index_cast %add3A_792 : i32 to index
        %get3A_800 = arith.index_cast %squeeze3A_794 : i32 to index
        %get3A_801 = tpu.vector_load %arg8[%get3A_798, %get3A_799, %get3A_800] {strides = array<i32>} : memref<2x200x128xf32, #tpu.memory_space<vmem>>, vector<1x1x16xf32>,
        %get3A_802 = vector.shape_cast %get3A_801 : vector<1x1x16xf32> to vector<16xf32>
        %add3A_803 = arith.addf %add3A_759, %get3A_802 : vector<16xf32>
        %add3A_804 = arith.constant 16 : i32
        %add3A_805 = arith.addi %squeeze3A_794, %add3A_804 : i32
        %get3A_806 = arith.constant 1 : i32
        %get3A_807 = arith.index_cast %get3A_806 : i32 to index
        %get3A_808 = arith.index_cast %add3A_792 : i32 to index
        %get3A_809 = arith.index_cast %add3A_805 : i32 to index
        %get3A_810 = tpu.vector_load %arg8[%get3A_807, %get3A_808, %get3A_809] {strides = array<i32>} : memref<2x200x128xf32, #tpu.memory_space<vmem>>, vector<1x1x16xf32>,
        %get3A_811 = vector.shape_cast %get3A_810 : vector<1x1x16xf32> to vector<16xf32>
        %add3A_812 = arith.addf %add3A_768, %get3A_811 : vector<16xf32>
        %add3A_813 = arith.constant 1 : i32
        %add3A_814 = arith.addi %add3A_792, %add3A_813 : i32
        %get3A_815 = arith.constant 1 : i32
        %get3A_816 = arith.index_cast %get3A_815 : i32 to index
        %get3A_817 = arith.index_cast %add3A_814 : i32 to index
        %get3A_818 = arith.index_cast %squeeze3A_796 : i32 to index
        %get3A_819 = tpu.vector_load %arg8[%get3A_816, %get3A_817, %get3A_818] {strides = array<i32>} : memref<2x200x128xf32, #tpu.memory_space<vmem>>, vector<1x1x16xf32>,
        %get3A_820 = vector.shape_cast %get3A_819 : vector<1x1x16xf32> to vector<16xf32>
        %add3A_821 = arith.addf %add3A_777, %get3A_820 : vector<16xf32>
        %add3A_822 = arith.constant 1 : i32
        %add3A_823 = arith.addi %add3A_792, %add3A_822 : i32
        %add3A_824 = arith.constant 16 : i32
        %add3A_825 = arith.addi %squeeze3A_796, %add3A_824 : i32
        %get3A_826 = arith.constant 1 : i32
        %get3A_827 = arith.index_cast %get3A_826 : i32 to index
        %get3A_828 = arith.index_cast %add3A_823 : i32 to index
        %get3A_829 = arith.index_cast %add3A_825 : i32 to index
        %get3A_830 = tpu.vector_load %arg8[%get3A_827, %get3A_828, %get3A_829] {strides = array<i32>} : memref<2x200x128xf32, #tpu.memory_space<vmem>>, vector<1x1x16xf32>,
        %get3A_831 = vector.shape_cast %get3A_830 : vector<1x1x16xf32> to vector<16xf32>
        %add3A_832 = arith.addf %add3A_788, %get3A_831 : vector<16xf32>
        %mul3A_833 = arith.constant 16 : i32
        %mul3A_834 = arith.muli %add3A_604, %mul3A_833 : i32
        %add3A_835 = arith.constant 10 : i32
        %add3A_836 = arith.addi %mul3A_834, %add3A_835 : i32
        %slice3A_837 = vector.extract_strided_slice %get3A_612 {offsets = [10], sizes = [1], strides = [1]} : vector<16xi32> to vector<1xi32>
        %squeeze3A_838 = vector.extract %slice3A_837[0] : i32 from vector<1xi32>
        %slice3A_839 = vector.extract_strided_slice %get3A_612 {offsets = [11], sizes = [1], strides = [1]} : vector<16xi32> to vector<1xi32>
        %squeeze3A_840 = vector.extract %slice3A_839[0] : i32 from vector<1xi32>
        %get3A_841 = arith.constant 1 : i32
        %get3A_842 = arith.index_cast %get3A_841 : i32 to index
        %get3A_843 = arith.index_cast %add3A_836 : i32 to index
        %get3A_844 = arith.index_cast %squeeze3A_838 : i32 to index
        %get3A_845 = tpu.vector_load %arg8[%get3A_842, %get3A_843, %get3A_844] {strides = array<i32>} : memref<2x200x128xf32, #tpu.memory_space<vmem>>, vector<1x1x16xf32>,
        %get3A_846 = vector.shape_cast %get3A_845 : vector<1x1x16xf32> to vector<16xf32>
        %add3A_847 = arith.addf %add3A_803, %get3A_846 : vector<16xf32>
        %add3A_848 = arith.constant 16 : i32
        %add3A_849 = arith.addi %squeeze3A_838, %add3A_848 : i32
        %get3A_850 = arith.constant 1 : i32
        %get3A_851 = arith.index_cast %get3A_850 : i32 to index
        %get3A_852 = arith.index_cast %add3A_836 : i32 to index
        %get3A_853 = arith.index_cast %add3A_849 : i32 to index
        %get3A_854 = tpu.vector_load %arg8[%get3A_851, %get3A_852, %get3A_853] {strides = array<i32>} : memref<2x200x128xf32, #tpu.memory_space<vmem>>, vector<1x1x16xf32>,
        %get3A_855 = vector.shape_cast %get3A_854 : vector<1x1x16xf32> to vector<16xf32>
        %add3A_856 = arith.addf %add3A_812, %get3A_855 : vector<16xf32>
        %add3A_857 = arith.constant 1 : i32
        %add3A_858 = arith.addi %add3A_836, %add3A_857 : i32
        %get3A_859 = arith.constant 1 : i32
        %get3A_860 = arith.index_cast %get3A_859 : i32 to index
        %get3A_861 = arith.index_cast %add3A_858 : i32 to index
        %get3A_862 = arith.index_cast %squeeze3A_840 : i32 to index
        %get3A_863 = tpu.vector_load %arg8[%get3A_860, %get3A_861, %get3A_862] {strides = array<i32>} : memref<2x200x128xf32, #tpu.memory_space<vmem>>, vector<1x1x16xf32>,
        %get3A_864 = vector.shape_cast %get3A_863 : vector<1x1x16xf32> to vector<16xf32>
        %add3A_865 = arith.addf %add3A_821, %get3A_864 : vector<16xf32>
        %add3A_866 = arith.constant 1 : i32
        %add3A_867 = arith.addi %add3A_836, %add3A_866 : i32
        %add3A_868 = arith.constant 16 : i32
        %add3A_869 = arith.addi %squeeze3A_840, %add3A_868 : i32
        %get3A_870 = arith.constant 1 : i32
        %get3A_871 = arith.index_cast %get3A_870 : i32 to index
        %get3A_872 = arith.index_cast %add3A_867 : i32 to index
        %get3A_873 = arith.index_cast %add3A_869 : i32 to index
        %get3A_874 = tpu.vector_load %arg8[%get3A_871, %get3A_872, %get3A_873] {strides = array<i32>} : memref<2x200x128xf32, #tpu.memory_space<vmem>>, vector<1x1x16xf32>,
        %get3A_875 = vector.shape_cast %get3A_874 : vector<1x1x16xf32> to vector<16xf32>
        %add3A_876 = arith.addf %add3A_832, %get3A_875 : vector<16xf32>
        %mul3A_877 = arith.constant 16 : i32
        %mul3A_878 = arith.muli %add3A_604, %mul3A_877 : i32
        %add3A_879 = arith.constant 12 : i32
        %add3A_880 = arith.addi %mul3A_878, %add3A_879 : i32
        %slice3A_881 = vector.extract_strided_slice %get3A_612 {offsets = [12], sizes = [1], strides = [1]} : vector<16xi32> to vector<1xi32>
        %squeeze3A_882 = vector.extract %slice3A_881[0] : i32 from vector<1xi32>
        %slice3A_883 = vector.extract_strided_slice %get3A_612 {offsets = [13], sizes = [1], strides = [1]} : vector<16xi32> to vector<1xi32>
        %squeeze3A_884 = vector.extract %slice3A_883[0] : i32 from vector<1xi32>
        %get3A_885 = arith.constant 1 : i32
        %get3A_886 = arith.index_cast %get3A_885 : i32 to index
        %get3A_887 = arith.index_cast %add3A_880 : i32 to index
        %get3A_888 = arith.index_cast %squeeze3A_882 : i32 to index
        %get3A_889 = tpu.vector_load %arg8[%get3A_886, %get3A_887, %get3A_888] {strides = array<i32>} : memref<2x200x128xf32, #tpu.memory_space<vmem>>, vector<1x1x16xf32>,
        %get3A_890 = vector.shape_cast %get3A_889 : vector<1x1x16xf32> to vector<16xf32>
        %add3A_891 = arith.addf %add3A_847, %get3A_890 : vector<16xf32>
        %add3A_892 = arith.constant 16 : i32
        %add3A_893 = arith.addi %squeeze3A_882, %add3A_892 : i32
        %get3A_894 = arith.constant 1 : i32
        %get3A_895 = arith.index_cast %get3A_894 : i32 to index
        %get3A_896 = arith.index_cast %add3A_880 : i32 to index
        %get3A_897 = arith.index_cast %add3A_893 : i32 to index
        %get3A_898 = tpu.vector_load %arg8[%get3A_895, %get3A_896, %get3A_897] {strides = array<i32>} : memref<2x200x128xf32, #tpu.memory_space<vmem>>, vector<1x1x16xf32>,
        %get3A_899 = vector.shape_cast %get3A_898 : vector<1x1x16xf32> to vector<16xf32>
        %add3A_900 = arith.addf %add3A_856, %get3A_899 : vector<16xf32>
        %add3A_901 = arith.constant 1 : i32
        %add3A_902 = arith.addi %add3A_880, %add3A_901 : i32
        %get3A_903 = arith.constant 1 : i32
        %get3A_904 = arith.index_cast %get3A_903 : i32 to index
        %get3A_905 = arith.index_cast %add3A_902 : i32 to index
        %get3A_906 = arith.index_cast %squeeze3A_884 : i32 to index
        %get3A_907 = tpu.vector_load %arg8[%get3A_904, %get3A_905, %get3A_906] {strides = array<i32>} : memref<2x200x128xf32, #tpu.memory_space<vmem>>, vector<1x1x16xf32>,
        %get3A_908 = vector.shape_cast %get3A_907 : vector<1x1x16xf32> to vector<16xf32>
        %add3A_909 = arith.addf %add3A_865, %get3A_908 : vector<16xf32>
        %add3A_910 = arith.constant 1 : i32
        %add3A_911 = arith.addi %add3A_880, %add3A_910 : i32
        %add3A_912 = arith.constant 16 : i32
        %add3A_913 = arith.addi %squeeze3A_884, %add3A_912 : i32
        %get3A_914 = arith.constant 1 : i32
        %get3A_915 = arith.index_cast %get3A_914 : i32 to index
        %get3A_916 = arith.index_cast %add3A_911 : i32 to index
        %get3A_917 = arith.index_cast %add3A_913 : i32 to index
        %get3A_918 = tpu.vector_load %arg8[%get3A_915, %get3A_916, %get3A_917] {strides = array<i32>} : memref<2x200x128xf32, #tpu.memory_space<vmem>>, vector<1x1x16xf32>,
        %get3A_919 = vector.shape_cast %get3A_918 : vector<1x1x16xf32> to vector<16xf32>
        %add3A_920 = arith.addf %add3A_876, %get3A_919 : vector<16xf32>
        %mul3A_921 = arith.constant 16 : i32
        %mul3A_922 = arith.muli %add3A_604, %mul3A_921 : i32
        %add3A_923 = arith.constant 14 : i32
        %add3A_924 = arith.addi %mul3A_922, %add3A_923 : i32
        %slice3A_925 = vector.extract_strided_slice %get3A_612 {offsets = [14], sizes = [1], strides = [1]} : vector<16xi32> to vector<1xi32>
        %squeeze3A_926 = vector.extract %slice3A_925[0] : i32 from vector<1xi32>
        %slice3A_927 = vector.extract_strided_slice %get3A_612 {offsets = [15], sizes = [1], strides = [1]} : vector<16xi32> to vector<1xi32>
        %squeeze3A_928 = vector.extract %slice3A_927[0] : i32 from vector<1xi32>
        %get3A_929 = arith.constant 1 : i32
        %get3A_930 = arith.index_cast %get3A_929 : i32 to index
        %get3A_931 = arith.index_cast %add3A_924 : i32 to index
        %get3A_932 = arith.index_cast %squeeze3A_926 : i32 to index
        %get3A_933 = tpu.vector_load %arg8[%get3A_930, %get3A_931, %get3A_932] {strides = array<i32>} : memref<2x200x128xf32, #tpu.memory_space<vmem>>, vector<1x1x16xf32>,
        %get3A_934 = vector.shape_cast %get3A_933 : vector<1x1x16xf32> to vector<16xf32>
        %add3A_935 = arith.addf %add3A_891, %get3A_934 : vector<16xf32>
        %add3A_936 = arith.constant 16 : i32
        %add3A_937 = arith.addi %squeeze3A_926, %add3A_936 : i32
        %get3A_938 = arith.constant 1 : i32
        %get3A_939 = arith.index_cast %get3A_938 : i32 to index
        %get3A_940 = arith.index_cast %add3A_924 : i32 to index
        %get3A_941 = arith.index_cast %add3A_937 : i32 to index
        %get3A_942 = tpu.vector_load %arg8[%get3A_939, %get3A_940, %get3A_941] {strides = array<i32>} : memref<2x200x128xf32, #tpu.memory_space<vmem>>, vector<1x1x16xf32>,
        %get3A_943 = vector.shape_cast %get3A_942 : vector<1x1x16xf32> to vector<16xf32>
        %add3A_944 = arith.addf %add3A_900, %get3A_943 : vector<16xf32>
        %add3A_945 = arith.constant 1 : i32
        %add3A_946 = arith.addi %add3A_924, %add3A_945 : i32
        %get3A_947 = arith.constant 1 : i32
        %get3A_948 = arith.index_cast %get3A_947 : i32 to index
        %get3A_949 = arith.index_cast %add3A_946 : i32 to index
        %get3A_950 = arith.index_cast %squeeze3A_928 : i32 to index
        %get3A_951 = tpu.vector_load %arg8[%get3A_948, %get3A_949, %get3A_950] {strides = array<i32>} : memref<2x200x128xf32, #tpu.memory_space<vmem>>, vector<1x1x16xf32>,
        %get3A_952 = vector.shape_cast %get3A_951 : vector<1x1x16xf32> to vector<16xf32>
        %add3A_953 = arith.addf %add3A_909, %get3A_952 : vector<16xf32>
        %add3A_954 = arith.constant 1 : i32
        %add3A_955 = arith.addi %add3A_924, %add3A_954 : i32
        %add3A_956 = arith.constant 16 : i32
        %add3A_957 = arith.addi %squeeze3A_928, %add3A_956 : i32
        %get3A_958 = arith.constant 1 : i32
        %get3A_959 = arith.index_cast %get3A_958 : i32 to index
        %get3A_960 = arith.index_cast %add3A_955 : i32 to index
        %get3A_961 = arith.index_cast %add3A_957 : i32 to index
        %get3A_962 = tpu.vector_load %arg8[%get3A_959, %get3A_960, %get3A_961] {strides = array<i32>} : memref<2x200x128xf32, #tpu.memory_space<vmem>>, vector<1x1x16xf32>,
        %get3A_963 = vector.shape_cast %get3A_962 : vector<1x1x16xf32> to vector<16xf32>
        %add3A_964 = arith.addf %add3A_920, %get3A_963 : vector<16xf32>
        scf.yield %add3A_935, %add3A_944, %add3A_953, %add3A_964 : vector<16xf32>, vector<16xf32>, vector<16xf32>, vector<16xf32>
      }
      %scan3A_411 = arith.constant 12 : i32
      %mul3A_412 = arith.constant 208 : i32
      %mul3A_413 = arith.muli %add3A_355, %mul3A_412 : i32
      %add3A_414 = arith.constant 192 : i32
      %add3A_415 = arith.addi %mul3A_413, %add3A_414 : i32
      %get3A_416 = arith.index_cast %add3A_415 : i32 to index
      %get3A_417 = tpu.vector_load %arg7[%get3A_416] {strides = array<i32>} : memref<26624xi32, #tpu.memory_space<vmem>>, vector<16xi32>,
      %get3A_418 = vector.shape_cast %get3A_417 : vector<16xi32> to vector<16xi32>
      %slice3A_419 = vector.extract_strided_slice %get3A_418 {offsets = [0], sizes = [1], strides = [1]} : vector<16xi32> to vector<1xi32>
      %squeeze3A_420 = vector.extract %slice3A_419[0] : i32 from vector<1xi32>
      %slice3A_421 = vector.extract_strided_slice %get3A_418 {offsets = [1], sizes = [1], strides = [1]} : vector<16xi32> to vector<1xi32>
      %squeeze3A_422 = vector.extract %slice3A_421[0] : i32 from vector<1xi32>
      %get3A_423 = arith.constant 1 : i32
      %get3A_424 = arith.constant 192 : i32
      %get3A_425 = arith.index_cast %get3A_423 : i32 to index
      %get3A_426 = arith.index_cast %get3A_424 : i32 to index
      %get3A_427 = arith.index_cast %squeeze3A_420 : i32 to index
      %get3A_428 = tpu.vector_load %arg8[%get3A_425, %get3A_426, %get3A_427] {strides = array<i32>} : memref<2x200x128xf32, #tpu.memory_space<vmem>>, vector<1x1x16xf32>,
      %get3A_429 = vector.shape_cast %get3A_428 : vector<1x1x16xf32> to vector<16xf32>
      %add3A_430 = arith.addf %scan3A_410#0, %get3A_429 : vector<16xf32>
      %add3A_431 = arith.constant 16 : i32
      %add3A_432 = arith.addi %squeeze3A_420, %add3A_431 : i32
      %get3A_433 = arith.constant 1 : i32
      %get3A_434 = arith.constant 192 : i32
      %get3A_435 = arith.index_cast %get3A_433 : i32 to index
      %get3A_436 = arith.index_cast %get3A_434 : i32 to index
      %get3A_437 = arith.index_cast %add3A_432 : i32 to index
      %get3A_438 = tpu.vector_load %arg8[%get3A_435, %get3A_436, %get3A_437] {strides = array<i32>} : memref<2x200x128xf32, #tpu.memory_space<vmem>>, vector<1x1x16xf32>,
      %get3A_439 = vector.shape_cast %get3A_438 : vector<1x1x16xf32> to vector<16xf32>
      %add3A_440 = arith.addf %scan3A_410#1, %get3A_439 : vector<16xf32>
      %get3A_441 = arith.constant 1 : i32
      %get3A_442 = arith.constant 193 : i32
      %get3A_443 = arith.index_cast %get3A_441 : i32 to index
      %get3A_444 = arith.index_cast %get3A_442 : i32 to index
      %get3A_445 = arith.index_cast %squeeze3A_422 : i32 to index
      %get3A_446 = tpu.vector_load %arg8[%get3A_443, %get3A_444, %get3A_445] {strides = array<i32>} : memref<2x200x128xf32, #tpu.memory_space<vmem>>, vector<1x1x16xf32>,
      %get3A_447 = vector.shape_cast %get3A_446 : vector<1x1x16xf32> to vector<16xf32>
      %add3A_448 = arith.addf %scan3A_410#2, %get3A_447 : vector<16xf32>
      %add3A_449 = arith.constant 16 : i32
      %add3A_450 = arith.addi %squeeze3A_422, %add3A_449 : i32
      %get3A_451 = arith.constant 1 : i32
      %get3A_452 = arith.constant 193 : i32
      %get3A_453 = arith.index_cast %get3A_451 : i32 to index
      %get3A_454 = arith.index_cast %get3A_452 : i32 to index
      %get3A_455 = arith.index_cast %add3A_450 : i32 to index
      %get3A_456 = tpu.vector_load %arg8[%get3A_453, %get3A_454, %get3A_455] {strides = array<i32>} : memref<2x200x128xf32, #tpu.memory_space<vmem>>, vector<1x1x16xf32>,
      %get3A_457 = vector.shape_cast %get3A_456 : vector<1x1x16xf32> to vector<16xf32>
      %add3A_458 = arith.addf %scan3A_410#3, %get3A_457 : vector<16xf32>
      %slice3A_459 = vector.extract_strided_slice %get3A_418 {offsets = [2], sizes = [1], strides = [1]} : vector<16xi32> to vector<1xi32>
      %squeeze3A_460 = vector.extract %slice3A_459[0] : i32 from vector<1xi32>
      %slice3A_461 = vector.extract_strided_slice %get3A_418 {offsets = [3], sizes = [1], strides = [1]} : vector<16xi32> to vector<1xi32>
      %squeeze3A_462 = vector.extract %slice3A_461[0] : i32 from vector<1xi32>
      %get3A_463 = arith.constant 1 : i32
      %get3A_464 = arith.constant 194 : i32
      %get3A_465 = arith.index_cast %get3A_463 : i32 to index
      %get3A_466 = arith.index_cast %get3A_464 : i32 to index
      %get3A_467 = arith.index_cast %squeeze3A_460 : i32 to index
      %get3A_468 = tpu.vector_load %arg8[%get3A_465, %get3A_466, %get3A_467] {strides = array<i32>} : memref<2x200x128xf32, #tpu.memory_space<vmem>>, vector<1x1x16xf32>,
      %get3A_469 = vector.shape_cast %get3A_468 : vector<1x1x16xf32> to vector<16xf32>
      %add3A_470 = arith.addf %add3A_430, %get3A_469 : vector<16xf32>
      %add3A_471 = arith.constant 16 : i32
      %add3A_472 = arith.addi %squeeze3A_460, %add3A_471 : i32
      %get3A_473 = arith.constant 1 : i32
      %get3A_474 = arith.constant 194 : i32
      %get3A_475 = arith.index_cast %get3A_473 : i32 to index
      %get3A_476 = arith.index_cast %get3A_474 : i32 to index
      %get3A_477 = arith.index_cast %add3A_472 : i32 to index
      %get3A_478 = tpu.vector_load %arg8[%get3A_475, %get3A_476, %get3A_477] {strides = array<i32>} : memref<2x200x128xf32, #tpu.memory_space<vmem>>, vector<1x1x16xf32>,
      %get3A_479 = vector.shape_cast %get3A_478 : vector<1x1x16xf32> to vector<16xf32>
      %add3A_480 = arith.addf %add3A_440, %get3A_479 : vector<16xf32>
      %get3A_481 = arith.constant 1 : i32
      %get3A_482 = arith.constant 195 : i32
      %get3A_483 = arith.index_cast %get3A_481 : i32 to index
      %get3A_484 = arith.index_cast %get3A_482 : i32 to index
      %get3A_485 = arith.index_cast %squeeze3A_462 : i32 to index
      %get3A_486 = tpu.vector_load %arg8[%get3A_483, %get3A_484, %get3A_485] {strides = array<i32>} : memref<2x200x128xf32, #tpu.memory_space<vmem>>, vector<1x1x16xf32>,
      %get3A_487 = vector.shape_cast %get3A_486 : vector<1x1x16xf32> to vector<16xf32>
      %add3A_488 = arith.addf %add3A_448, %get3A_487 : vector<16xf32>
      %add3A_489 = arith.constant 16 : i32
      %add3A_490 = arith.addi %squeeze3A_462, %add3A_489 : i32
      %get3A_491 = arith.constant 1 : i32
      %get3A_492 = arith.constant 195 : i32
      %get3A_493 = arith.index_cast %get3A_491 : i32 to index
      %get3A_494 = arith.index_cast %get3A_492 : i32 to index
      %get3A_495 = arith.index_cast %add3A_490 : i32 to index
      %get3A_496 = tpu.vector_load %arg8[%get3A_493, %get3A_494, %get3A_495] {strides = array<i32>} : memref<2x200x128xf32, #tpu.memory_space<vmem>>, vector<1x1x16xf32>,
      %get3A_497 = vector.shape_cast %get3A_496 : vector<1x1x16xf32> to vector<16xf32>
      %add3A_498 = arith.addf %add3A_458, %get3A_497 : vector<16xf32>
      %slice3A_499 = vector.extract_strided_slice %get3A_418 {offsets = [4], sizes = [1], strides = [1]} : vector<16xi32> to vector<1xi32>
      %squeeze3A_500 = vector.extract %slice3A_499[0] : i32 from vector<1xi32>
      %slice3A_501 = vector.extract_strided_slice %get3A_418 {offsets = [5], sizes = [1], strides = [1]} : vector<16xi32> to vector<1xi32>
      %squeeze3A_502 = vector.extract %slice3A_501[0] : i32 from vector<1xi32>
      %get3A_503 = arith.constant 1 : i32
      %get3A_504 = arith.constant 196 : i32
      %get3A_505 = arith.index_cast %get3A_503 : i32 to index
      %get3A_506 = arith.index_cast %get3A_504 : i32 to index
      %get3A_507 = arith.index_cast %squeeze3A_500 : i32 to index
      %get3A_508 = tpu.vector_load %arg8[%get3A_505, %get3A_506, %get3A_507] {strides = array<i32>} : memref<2x200x128xf32, #tpu.memory_space<vmem>>, vector<1x1x16xf32>,
      %get3A_509 = vector.shape_cast %get3A_508 : vector<1x1x16xf32> to vector<16xf32>
      %add3A_510 = arith.addf %add3A_470, %get3A_509 : vector<16xf32>
      %add3A_511 = arith.constant 16 : i32
      %add3A_512 = arith.addi %squeeze3A_500, %add3A_511 : i32
      %get3A_513 = arith.constant 1 : i32
      %get3A_514 = arith.constant 196 : i32
      %get3A_515 = arith.index_cast %get3A_513 : i32 to index
      %get3A_516 = arith.index_cast %get3A_514 : i32 to index
      %get3A_517 = arith.index_cast %add3A_512 : i32 to index
      %get3A_518 = tpu.vector_load %arg8[%get3A_515, %get3A_516, %get3A_517] {strides = array<i32>} : memref<2x200x128xf32, #tpu.memory_space<vmem>>, vector<1x1x16xf32>,
      %get3A_519 = vector.shape_cast %get3A_518 : vector<1x1x16xf32> to vector<16xf32>
      %add3A_520 = arith.addf %add3A_480, %get3A_519 : vector<16xf32>
      %get3A_521 = arith.constant 1 : i32
      %get3A_522 = arith.constant 197 : i32
      %get3A_523 = arith.index_cast %get3A_521 : i32 to index
      %get3A_524 = arith.index_cast %get3A_522 : i32 to index
      %get3A_525 = arith.index_cast %squeeze3A_502 : i32 to index
      %get3A_526 = tpu.vector_load %arg8[%get3A_523, %get3A_524, %get3A_525] {strides = array<i32>} : memref<2x200x128xf32, #tpu.memory_space<vmem>>, vector<1x1x16xf32>,
      %get3A_527 = vector.shape_cast %get3A_526 : vector<1x1x16xf32> to vector<16xf32>
      %add3A_528 = arith.addf %add3A_488, %get3A_527 : vector<16xf32>
      %add3A_529 = arith.constant 16 : i32
      %add3A_530 = arith.addi %squeeze3A_502, %add3A_529 : i32
      %get3A_531 = arith.constant 1 : i32
      %get3A_532 = arith.constant 197 : i32
      %get3A_533 = arith.index_cast %get3A_531 : i32 to index
      %get3A_534 = arith.index_cast %get3A_532 : i32 to index
      %get3A_535 = arith.index_cast %add3A_530 : i32 to index
      %get3A_536 = tpu.vector_load %arg8[%get3A_533, %get3A_534, %get3A_535] {strides = array<i32>} : memref<2x200x128xf32, #tpu.memory_space<vmem>>, vector<1x1x16xf32>,
      %get3A_537 = vector.shape_cast %get3A_536 : vector<1x1x16xf32> to vector<16xf32>
      %add3A_538 = arith.addf %add3A_498, %get3A_537 : vector<16xf32>
      %slice3A_539 = vector.extract_strided_slice %get3A_418 {offsets = [6], sizes = [1], strides = [1]} : vector<16xi32> to vector<1xi32>
      %squeeze3A_540 = vector.extract %slice3A_539[0] : i32 from vector<1xi32>
      %slice3A_541 = vector.extract_strided_slice %get3A_418 {offsets = [7], sizes = [1], strides = [1]} : vector<16xi32> to vector<1xi32>
      %squeeze3A_542 = vector.extract %slice3A_541[0] : i32 from vector<1xi32>
      %get3A_543 = arith.constant 1 : i32
      %get3A_544 = arith.constant 198 : i32
      %get3A_545 = arith.index_cast %get3A_543 : i32 to index
      %get3A_546 = arith.index_cast %get3A_544 : i32 to index
      %get3A_547 = arith.index_cast %squeeze3A_540 : i32 to index
      %get3A_548 = tpu.vector_load %arg8[%get3A_545, %get3A_546, %get3A_547] {strides = array<i32>} : memref<2x200x128xf32, #tpu.memory_space<vmem>>, vector<1x1x16xf32>,
      %get3A_549 = vector.shape_cast %get3A_548 : vector<1x1x16xf32> to vector<16xf32>
      %add3A_550 = arith.addf %add3A_510, %get3A_549 : vector<16xf32>
      %add3A_551 = arith.constant 16 : i32
      %add3A_552 = arith.addi %squeeze3A_540, %add3A_551 : i32
      %get3A_553 = arith.constant 1 : i32
      %get3A_554 = arith.constant 198 : i32
      %get3A_555 = arith.index_cast %get3A_553 : i32 to index
      %get3A_556 = arith.index_cast %get3A_554 : i32 to index
      %get3A_557 = arith.index_cast %add3A_552 : i32 to index
      %get3A_558 = tpu.vector_load %arg8[%get3A_555, %get3A_556, %get3A_557] {strides = array<i32>} : memref<2x200x128xf32, #tpu.memory_space<vmem>>, vector<1x1x16xf32>,
      %get3A_559 = vector.shape_cast %get3A_558 : vector<1x1x16xf32> to vector<16xf32>
      %add3A_560 = arith.addf %add3A_520, %get3A_559 : vector<16xf32>
      %get3A_561 = arith.constant 1 : i32
      %get3A_562 = arith.constant 199 : i32
      %get3A_563 = arith.index_cast %get3A_561 : i32 to index
      %get3A_564 = arith.index_cast %get3A_562 : i32 to index
      %get3A_565 = arith.index_cast %squeeze3A_542 : i32 to index
      %get3A_566 = tpu.vector_load %arg8[%get3A_563, %get3A_564, %get3A_565] {strides = array<i32>} : memref<2x200x128xf32, #tpu.memory_space<vmem>>, vector<1x1x16xf32>,
      %get3A_567 = vector.shape_cast %get3A_566 : vector<1x1x16xf32> to vector<16xf32>
      %add3A_568 = arith.addf %add3A_528, %get3A_567 : vector<16xf32>
      %add3A_569 = arith.constant 16 : i32
      %add3A_570 = arith.addi %squeeze3A_542, %add3A_569 : i32
      %get3A_571 = arith.constant 1 : i32
      %get3A_572 = arith.constant 199 : i32
      %get3A_573 = arith.index_cast %get3A_571 : i32 to index
      %get3A_574 = arith.index_cast %get3A_572 : i32 to index
      %get3A_575 = arith.index_cast %add3A_570 : i32 to index
      %get3A_576 = tpu.vector_load %arg8[%get3A_573, %get3A_574, %get3A_575] {strides = array<i32>} : memref<2x200x128xf32, #tpu.memory_space<vmem>>, vector<1x1x16xf32>,
      %get3A_577 = vector.shape_cast %get3A_576 : vector<1x1x16xf32> to vector<16xf32>
      %add3A_578 = arith.addf %add3A_538, %get3A_577 : vector<16xf32>
      %lt3A_579 = arith.constant 63 : i32
      %lt3A_580 = arith.cmpi slt, %add3A_115, %lt3A_579 : i32
      %convert_element_type3A_581 = arith.extui %lt3A_580 : i1 to i32
      %cond3A_582 = arith.constant 0 : i32
      %cond3A_583 = arith.cmpi ne, %convert_element_type3A_581, %cond3A_582 : i32
      scf.if %cond3A_583 {
        %add3A_596 = arith.constant 2 : i32
        %add3A_597 = arith.addi %add3A_355, %add3A_596 : i32
        %mul3A_598 = arith.constant 200 : i32
        %mul3A_599 = arith.muli %add3A_597, %mul3A_598 : i32
        %add3A_600 = arith.constant 0 : i32
        %add3A_601 = arith.addi %mul3A_599, %add3A_600 : i32
        %dma_start3A_602 = arith.constant 1 : i32
        %dma_start3A_603 = arith.constant 0 : i32
        %dma_start3A_604 = arith.constant 0 : i32
        %dma_start3A_605 = tpu.memref_slice %arg8[%dma_start3A_602, %dma_start3A_603, %dma_start3A_604] : memref<2x200x128xf32, #tpu.memory_space<vmem>> -> memref<1x40x128xf32, #tpu.memory_space<vmem>>
        %dma_start3A_606 = tpu.memref_squeeze %dma_start3A_605 : memref<1x40x128xf32, #tpu.memory_space<vmem>> -> memref<40x128xf32, #tpu.memory_space<vmem>>
        %dma_start3A_607 = tpu.memref_slice %arg6[%add3A_601] : memref<25600xi32, #tpu.memory_space<vmem>> -> memref<40xi32, #tpu.memory_space<vmem>>
        %dma_start3A_608 = arith.constant 0 : i32
        %dma_start3A_609 = arith.constant 0 : i32
        %dma_start3A_610 = tpu.memref_slice %arg4[%dma_start3A_608, %dma_start3A_609] : memref<250000x128xf32, #tpu.memory_space<hbm>> -> memref<250000x128xf32, #tpu.memory_space<hbm>>
        tpu.enqueue_indirect_dma source(%dma_start3A_610 : memref<250000x128xf32, #tpu.memory_space<hbm>>) target(%dma_start3A_606 : memref<40x128xf32, #tpu.memory_space<vmem>>) offsets(%dma_start3A_607 : memref<40xi32, #tpu.memory_space<vmem>>) semaphore(%arg11 : memref<!tpu.dma_semaphore, #tpu.memory_space<semaphore_mem>>)
        %mul3A_611 = arith.constant 200 : i32
        %mul3A_612 = arith.muli %add3A_597, %mul3A_611 : i32
        %add3A_613 = arith.constant 40 : i32
        %add3A_614 = arith.addi %mul3A_612, %add3A_613 : i32
        %dma_start3A_615 = arith.constant 1 : i32
        %dma_start3A_616 = arith.constant 40 : i32
        %dma_start3A_617 = arith.constant 0 : i32
        %dma_start3A_618 = tpu.memref_slice %arg8[%dma_start3A_615, %dma_start3A_616, %dma_start3A_617] : memref<2x200x128xf32, #tpu.memory_space<vmem>> -> memref<1x40x128xf32, #tpu.memory_space<vmem>>
        %dma_start3A_619 = tpu.memref_squeeze %dma_start3A_618 : memref<1x40x128xf32, #tpu.memory_space<vmem>> -> memref<40x128xf32, #tpu.memory_space<vmem>>
        %dma_start3A_620 = tpu.memref_slice %arg6[%add3A_614] : memref<25600xi32, #tpu.memory_space<vmem>> -> memref<40xi32, #tpu.memory_space<vmem>>
        %dma_start3A_621 = arith.constant 0 : i32
        %dma_start3A_622 = arith.constant 0 : i32
        %dma_start3A_623 = tpu.memref_slice %arg4[%dma_start3A_621, %dma_start3A_622] : memref<250000x128xf32, #tpu.memory_space<hbm>> -> memref<250000x128xf32, #tpu.memory_space<hbm>>
        tpu.enqueue_indirect_dma source(%dma_start3A_623 : memref<250000x128xf32, #tpu.memory_space<hbm>>) target(%dma_start3A_619 : memref<40x128xf32, #tpu.memory_space<vmem>>) offsets(%dma_start3A_620 : memref<40xi32, #tpu.memory_space<vmem>>) semaphore(%arg11 : memref<!tpu.dma_semaphore, #tpu.memory_space<semaphore_mem>>)
        %mul3A_624 = arith.constant 200 : i32
        %mul3A_625 = arith.muli %add3A_597, %mul3A_624 : i32
        %add3A_626 = arith.constant 80 : i32
        %add3A_627 = arith.addi %mul3A_625, %add3A_626 : i32
        %dma_start3A_628 = arith.constant 1 : i32
        %dma_start3A_629 = arith.constant 80 : i32
        %dma_start3A_630 = arith.constant 0 : i32
        %dma_start3A_631 = tpu.memref_slice %arg8[%dma_start3A_628, %dma_start3A_629, %dma_start3A_630] : memref<2x200x128xf32, #tpu.memory_space<vmem>> -> memref<1x40x128xf32, #tpu.memory_space<vmem>>
        %dma_start3A_632 = tpu.memref_squeeze %dma_start3A_631 : memref<1x40x128xf32, #tpu.memory_space<vmem>> -> memref<40x128xf32, #tpu.memory_space<vmem>>
        %dma_start3A_633 = tpu.memref_slice %arg6[%add3A_627] : memref<25600xi32, #tpu.memory_space<vmem>> -> memref<40xi32, #tpu.memory_space<vmem>>
        %dma_start3A_634 = arith.constant 0 : i32
        %dma_start3A_635 = arith.constant 0 : i32
        %dma_start3A_636 = tpu.memref_slice %arg4[%dma_start3A_634, %dma_start3A_635] : memref<250000x128xf32, #tpu.memory_space<hbm>> -> memref<250000x128xf32, #tpu.memory_space<hbm>>
        tpu.enqueue_indirect_dma source(%dma_start3A_636 : memref<250000x128xf32, #tpu.memory_space<hbm>>) target(%dma_start3A_632 : memref<40x128xf32, #tpu.memory_space<vmem>>) offsets(%dma_start3A_633 : memref<40xi32, #tpu.memory_space<vmem>>) semaphore(%arg11 : memref<!tpu.dma_semaphore, #tpu.memory_space<semaphore_mem>>)
        %mul3A_637 = arith.constant 200 : i32
        %mul3A_638 = arith.muli %add3A_597, %mul3A_637 : i32
        %add3A_639 = arith.constant 120 : i32
        %add3A_640 = arith.addi %mul3A_638, %add3A_639 : i32
        %dma_start3A_641 = arith.constant 1 : i32
        %dma_start3A_642 = arith.constant 120 : i32
        %dma_start3A_643 = arith.constant 0 : i32
        %dma_start3A_644 = tpu.memref_slice %arg8[%dma_start3A_641, %dma_start3A_642, %dma_start3A_643] : memref<2x200x128xf32, #tpu.memory_space<vmem>> -> memref<1x40x128xf32, #tpu.memory_space<vmem>>
        %dma_start3A_645 = tpu.memref_squeeze %dma_start3A_644 : memref<1x40x128xf32, #tpu.memory_space<vmem>> -> memref<40x128xf32, #tpu.memory_space<vmem>>
        %dma_start3A_646 = tpu.memref_slice %arg6[%add3A_640] : memref<25600xi32, #tpu.memory_space<vmem>> -> memref<40xi32, #tpu.memory_space<vmem>>
        %dma_start3A_647 = arith.constant 0 : i32
        %dma_start3A_648 = arith.constant 0 : i32
        %dma_start3A_649 = tpu.memref_slice %arg4[%dma_start3A_647, %dma_start3A_648] : memref<250000x128xf32, #tpu.memory_space<hbm>> -> memref<250000x128xf32, #tpu.memory_space<hbm>>
        tpu.enqueue_indirect_dma source(%dma_start3A_649 : memref<250000x128xf32, #tpu.memory_space<hbm>>) target(%dma_start3A_645 : memref<40x128xf32, #tpu.memory_space<vmem>>) offsets(%dma_start3A_646 : memref<40xi32, #tpu.memory_space<vmem>>) semaphore(%arg11 : memref<!tpu.dma_semaphore, #tpu.memory_space<semaphore_mem>>)
        %mul3A_650 = arith.constant 200 : i32
        %mul3A_651 = arith.muli %add3A_597, %mul3A_650 : i32
        %add3A_652 = arith.constant 160 : i32
        %add3A_653 = arith.addi %mul3A_651, %add3A_652 : i32
        %dma_start3A_654 = arith.constant 1 : i32
        %dma_start3A_655 = arith.constant 160 : i32
        %dma_start3A_656 = arith.constant 0 : i32
        %dma_start3A_657 = tpu.memref_slice %arg8[%dma_start3A_654, %dma_start3A_655, %dma_start3A_656] : memref<2x200x128xf32, #tpu.memory_space<vmem>> -> memref<1x40x128xf32, #tpu.memory_space<vmem>>
        %dma_start3A_658 = tpu.memref_squeeze %dma_start3A_657 : memref<1x40x128xf32, #tpu.memory_space<vmem>> -> memref<40x128xf32, #tpu.memory_space<vmem>>
        %dma_start3A_659 = tpu.memref_slice %arg6[%add3A_653] : memref<25600xi32, #tpu.memory_space<vmem>> -> memref<40xi32, #tpu.memory_space<vmem>>
        %dma_start3A_660 = arith.constant 0 : i32
        %dma_start3A_661 = arith.constant 0 : i32
        %dma_start3A_662 = tpu.memref_slice %arg4[%dma_start3A_660, %dma_start3A_661] : memref<250000x128xf32, #tpu.memory_space<hbm>> -> memref<250000x128xf32, #tpu.memory_space<hbm>>
        tpu.enqueue_indirect_dma source(%dma_start3A_662 : memref<250000x128xf32, #tpu.memory_space<hbm>>) target(%dma_start3A_658 : memref<40x128xf32, #tpu.memory_space<vmem>>) offsets(%dma_start3A_659 : memref<40xi32, #tpu.memory_space<vmem>>) semaphore(%arg11 : memref<!tpu.dma_semaphore, #tpu.memory_space<semaphore_mem>>)
      } else {
      }
      %add3A_584 = arith.addf %add3A_550, %add3A_568 : vector<16xf32>
      %swap3A_585 = arith.index_cast %add3A_355 : i32 to index
      %swap3A_586 = arith.constant 0 : index
      %swap3A_587 = tpu.vector_load %arg9[%swap3A_585, %swap3A_586] {strides = array<i32>} : memref<128x32xf32, #tpu.memory_space<vmem>>, vector<1x16xf32>,
      %swap3A_588 = vector.shape_cast %swap3A_587 : vector<1x16xf32> to vector<16xf32>
      %swap3A_589 = vector.shape_cast %add3A_584 : vector<16xf32> to vector<1x16xf32>
      tpu.vector_store %arg9[%swap3A_585, %swap3A_586], %swap3A_589 {strides = array<i32>} : memref<128x32xf32, #tpu.memory_space<vmem>>, vector<1x16xf32>,
      %add3A_590 = arith.addf %add3A_560, %add3A_578 : vector<16xf32>
      %swap3A_591 = arith.index_cast %add3A_355 : i32 to index
      %swap3A_592 = arith.constant 16 : index
      %swap3A_593 = tpu.vector_load %arg9[%swap3A_591, %swap3A_592] {strides = array<i32>} : memref<128x32xf32, #tpu.memory_space<vmem>>, vector<1x16xf32>,
      %swap3A_594 = vector.shape_cast %swap3A_593 : vector<1x16xf32> to vector<16xf32>
      %swap3A_595 = vector.shape_cast %add3A_590 : vector<16xf32> to vector<1x16xf32>
      tpu.vector_store %arg9[%swap3A_591, %swap3A_592], %swap3A_595 {strides = array<i32>} : memref<128x32xf32, #tpu.memory_space<vmem>>, vector<1x16xf32>,
    }
    %scan3A_108 = arith.constant 64 : i32
    %mul3A_109 = arith.constant 128 : i32
    %mul3A_110 = arith.muli %add3A, %mul3A_109 : i32
    "tpu.region"() ({
      %run_scoped3A = tpu.sem_alloc : memref<!tpu.dma_semaphore, #tpu.memory_space<semaphore_mem>>
      %dma_start3A_111 = arith.constant 0 : i32
      %dma_start3A_112 = tpu.memref_slice %arg5[%mul3A_110, %dma_start3A_111] : memref<4096x32xf32, #tpu.memory_space<hbm>> -> memref<128x32xf32, #tpu.memory_space<hbm>>
      %dma_start3A_113 = arith.constant 0 : i32
      %dma_start3A_114 = tpu.memref_slice %arg5[%mul3A_110, %dma_start3A_113] : memref<4096x32xf32, #tpu.memory_space<hbm>> -> memref<128x32xf32, #tpu.memory_space<hbm>>
      tpu.enqueue_dma source(%arg9 : memref<128x32xf32, #tpu.memory_space<vmem>>) target(%dma_start3A_114 : memref<128x32xf32, #tpu.memory_space<hbm>>) target_semaphore(%run_scoped3A : memref<!tpu.dma_semaphore, #tpu.memory_space<semaphore_mem>>)
      %dma_wait3A = arith.constant 0 : i32
      %dma_wait3A_115 = tpu.memref_slice %arg5[%mul3A_110, %dma_wait3A] : memref<4096x32xf32, #tpu.memory_space<hbm>> -> memref<128x32xf32, #tpu.memory_space<hbm>>
      %dma_wait3A_116 = arith.constant 0 : i32
      %dma_wait3A_117 = tpu.memref_slice %arg5[%mul3A_110, %dma_wait3A_116] : memref<4096x32xf32, #tpu.memory_space<hbm>> -> memref<128x32xf32, #tpu.memory_space<hbm>>
      tpu.wait_dma2 semaphore(%run_scoped3A : memref<!tpu.dma_semaphore, #tpu.memory_space<semaphore_mem>>) src(%arg9 : memref<128x32xf32, #tpu.memory_space<vmem>>) dst(%dma_wait3A_117 : memref<128x32xf32, #tpu.memory_space<hbm>>)
      tpu.yield
    }) : () -> ()
    return
  }
}

module attributes {stable_mosaic.version = 14 : i64} {
  func.func @_mlp_body(%arg0: memref<4096x32xf32, #tpu.memory_space<vmem>>, %arg1: memref<32x16xf32, #tpu.memory_space<vmem>>, %arg2: memref<1x16xf32, #tpu.memory_space<vmem>>, %arg3: memref<1x16xf32, #tpu.memory_space<vmem>>, %arg4: memref<1x1xf32, #tpu.memory_space<vmem>>, %arg5: memref<4096x1xf32, #tpu.memory_space<vmem>>) attributes {dimension_semantics = [], scalar_prefetch = 0 : i64, scratch_operands = 0 : i64, tpu.core_type = #tpu.core_type<tc>} {
    %get3A = arith.constant 0 : index
    %get3A_0 = arith.constant 0 : index
    %get3A_1 = vector.load %arg0[%get3A, %get3A_0] : memref<4096x32xf32, #tpu.memory_space<vmem>>, vector<4096x32xf32>
    %mul3A = arith.constant 5.000000e-03 : f32
    %mul3A_2 = vector.broadcast %mul3A : f32 to vector<4096x32xf32>
    %mul3A_3 = arith.mulf %get3A_1, %mul3A_2 : vector<4096x32xf32>
    %get3A_4 = arith.constant 0 : index
    %get3A_5 = arith.constant 0 : index
    %get3A_6 = vector.load %arg1[%get3A_4, %get3A_5] : memref<32x16xf32, #tpu.memory_space<vmem>>, vector<32x16xf32>
    %dot_general3A = arith.constant dense<0.000000e+00> : vector<4096x16xf32>
    %dot_general3A_7 = tpu.matmul %mul3A_3, %get3A_6, %dot_general3A {dimension_numbers = #tpu.dot_dimension_numbers<[1], [0], [0], [1], [0, 0, 1, 1], [], []>, transpose_lhs_hint = false} : vector<4096x32xf32>, vector<32x16xf32>, vector<4096x16xf32> -> vector<4096x16xf32>
    %get3A_8 = arith.constant 0 : index
    %get3A_9 = arith.constant 0 : index
    %get3A_10 = vector.load %arg2[%get3A_8, %get3A_9] : memref<1x16xf32, #tpu.memory_space<vmem>>, vector<1x16xf32>
    %add3A = vector.broadcast %get3A_10 : vector<1x16xf32> to vector<4096x16xf32>
    %add3A_11 = arith.addf %dot_general3A_7, %add3A : vector<4096x16xf32>
    %max3A = arith.constant 0.000000e+00 : f32
    %max3A_12 = vector.broadcast %max3A : f32 to vector<4096x16xf32>
    %max3A_13 = arith.maximumf %add3A_11, %max3A_12 : vector<4096x16xf32>
    %get3A_14 = arith.constant 0 : index
    %get3A_15 = arith.constant 0 : index
    %get3A_16 = vector.load %arg3[%get3A_14, %get3A_15] : memref<1x16xf32, #tpu.memory_space<vmem>>, vector<1x16xf32>
    %mul3A_17 = vector.broadcast %get3A_16 : vector<1x16xf32> to vector<4096x16xf32>
    %mul3A_18 = arith.mulf %max3A_13, %mul3A_17 : vector<4096x16xf32>
    %reduce_sum3A = arith.constant dense<0.000000e+00> : vector<4096xf32>
    %reduce_sum3A_19 = vector.multi_reduction <add>, %mul3A_18, %reduce_sum3A [1] : vector<4096x16xf32> to vector<4096xf32>
    %broadcast_in_dim3A = vector.shape_cast %reduce_sum3A_19 : vector<4096xf32> to vector<4096x1xf32>
    %get3A_20 = arith.constant 0 : index
    %get3A_21 = arith.constant 0 : index
    %get3A_22 = vector.load %arg4[%get3A_20, %get3A_21] : memref<1x1xf32, #tpu.memory_space<vmem>>, vector<1x1xf32>
    %add3A_23 = vector.broadcast %get3A_22 : vector<1x1xf32> to vector<4096x1xf32>
    %add3A_24 = arith.addf %broadcast_in_dim3A, %add3A_23 : vector<4096x1xf32>
    %neg3A = arith.constant 0.000000e+00 : f32
    %neg3A_25 = vector.broadcast %neg3A : f32 to vector<4096x1xf32>
    %neg3A_26 = arith.subf %neg3A_25, %add3A_24 : vector<4096x1xf32>
    %exp3A = math.exp %neg3A_26 : vector<4096x1xf32>
    %add3A_27 = arith.constant 1.000000e+00 : f32
    %add3A_28 = vector.broadcast %add3A_27 : f32 to vector<4096x1xf32>
    %add3A_29 = arith.addf %add3A_28, %exp3A : vector<4096x1xf32>
    %div3A = arith.constant 1.000000e+00 : f32
    %div3A_30 = vector.broadcast %div3A : f32 to vector<4096x1xf32>
    %div3A_31 = arith.divf %div3A_30, %add3A_29 : vector<4096x1xf32>
    %swap3A = arith.constant 0 : index
    %swap3A_32 = arith.constant 0 : index
    %swap3A_33 = vector.load %arg5[%swap3A, %swap3A_32] : memref<4096x1xf32, #tpu.memory_space<vmem>>, vector<4096x1xf32>
    tpu.vector_store %arg5[%swap3A, %swap3A_32], %div3A_31 {strides = array<i32>} : memref<4096x1xf32, #tpu.memory_space<vmem>>, vector<4096x1xf32>,
    return
  }
}

</mosaic_0001>

<sc_bundles>
// kernel: kernel.5.cloned.1.call-start
scs
__scs_entry_jumppad:
0x0: {  	(pc) =	sbr.rel $0x88, $3  }
0x1: {  	(tag) =	ssettag $0x0;
	lr =	simm.s32 $0x1  }
0x2: {  	[smem:$0x3F9B] =	sst lr;
	_ =	strace $0xD0000000  }
0x3: {  	_ = 	snop  }
0x4: {  	_ = 	snop  }
0x5: {  	_ = 	snop  }
0x6: {  	_ = 	snop  }
0x7: {  	_ = 	snop  }
__scs_overlays_trampoline_lowered:
0x8: {  	[smem:$0x3FAA] =	sst s0  }
0x9: {  	[smem:$0x3FAB] =	sst s1  }
0xa: {  	[smem:$0x3FAC] =	sst s2  }
0xb: {  	[smem:$0x3FAD] =	sst s3  }
0xc: {  	[smem:$0x3FAE] =	sst s4  }
0xd: {  	[smem:$0x3FAF] =	sst s5  }
0xe: {  	[smem:$0x3FB0] =	sst s6  }
0xf: {  	[smem:$0x3FB1] =	sst s7  }
0x10: {  	[smem:$0x3FB2] =	sst s8  }
0x11: {  	[smem:$0x3FB3] =	sst s9;
	s0 =	simm.s32 @!p0 $0x0  }
0x12: {  	s1 =	sld [smem:$0x3F99];
	s0 =	simm.s32 @p0 $0x1  }
0x13: {  	[smem:$0x3FB4] =	sst s0;
	s0 =	simm.s32 @!p1 $0x0  }
0x14: {  	s2 =	sld [smem:$0x3F98];
	s0 =	simm.s32 @p1 $0x1  }
0x15: {  	[smem:$0x3FB5] =	sst s0;
	s0 =	simm.s32 @!p2 $0x0  }
0x16: {  	s3 =	sld [smem:$0x3FDB];
	s0 =	simm.s32 @p2 $0x1  }
0x17: {  	s4 =	simm.s32 $0x1BF5;
	[smem:$0x3FB7] =	sst s0  }
0x18: {  	s0 =	sld [smem:$0x3F9A];
	_ =	swait.ge [sflag:s4], $0x0  }
0x19: {  	s7 =	sld [smem:$0x3F9B]  }
0x1a: {  	s8 =	sadd.s32 $0xFFFFE003, lr  }
0x1b: {  	s9 =	sadd.s32 $0xFFFFFEF7, lr;
	s5 =	simm.s32 $0xFFFFFFFF;
	p2 =	slt.u32 s8, $0xFFFFF086  }
0x1c: {  	p1 =	slt.u32 s9, $0xF7A;
	s5 =	simm.s32 @!p2 $0x0  }
0x1d: {  	s5 =	simm.s32 @p1 $0x1;
	p0 =	seq.s32 s7, s2  }
0x1e: {  	s7 =	smul.u32 @!p0 $0xF7A, s2;
	p2 =	seq.s32 @!p0 s5, $0x0  }
0x1f: {  	s9 =	smul.u32 $0xF7A, s1;
	s8 =	simm.s32 @!p0 $0x1BF5;
	p2 =	por !p2, p0  }
0x20: {  	[sflag:s8] =	ssyncset.s32 @!p0 $0xFFFFF086;
	s6 =	sadd.s32 @!p0 s3, s7;
	s7 =	simm.s32 @!p0 $0x108  }
0x21: {  	s3 =	sadd.s32 s3, s9;
	s6 =	sadd.s32 @!p0 $0x88, s6;
	s7 =	simm.s32 @p2 $0x1082  }
0x22: {  	[simem:s7], [sflag:s8] =	dma.local @!p0 [hbm:s6], $0xF7A  }
0x23: {  	s9 =	sor.u32 $0xD0000000, s2;
	s6 =	simm.s32 $0x108;
	_ =	swait.ge @!p0 [sflag:s8], $0x0  }
0x24: {  	s3 =	sadd.s32 $0x88, s3;
	s6 =	simm.s32 @!p1 $0x1082;
	[sflag:s4] =	ssyncset.s32 $0xFFFFF086  }
0x25: {  	[simem:s6], [sflag:s4] =	dma.local [hbm:s3], $0xF7A  }
0x26: {  	[smem:$0x3F9B] =	sst s1;
	(tag) =	ssettag s2;
	_ =	strace s9  }
0x27: {  	s1 =	sld [smem:$0x3FAB]  }
0x28: {  	s2 =	sld [smem:$0x3FAC]  }
0x29: {  	s4 =	sld [smem:$0x3FAE]  }
0x2a: {  	p0 =	seq.s32 s5, $0x0;
	s5 =	sld [smem:$0x3FAF]  }
0x2b: {  	s6 =	sld [smem:$0x3FB0]  }
0x2c: {  	s7 =	sld [smem:$0x3FB1]  }
0x2d: {  	s3 =	simm.s32 $0x108;
	s8 =	sld [smem:$0x3FB2]  }
0x2e: {  	s3 =	simm.s32 @!p0 $0x1082;
	s9 =	sld [smem:$0x3FB3]  }
0x2f: {  	lr =	sadd.s32 s0, s3;
	s0 =	sld [smem:$0x3FAA]  }
0x30: {  	s3 =	sld [smem:$0x3FAD]  }
0x31: {  	[smem:$0x3FB6] =	sst s10  }
0x32: {  	s10 =	sld [smem:$0x3FB4];
	_ =	sdelay $0x3  }
0x33: {  	p0 =	seq.s32 s10, $0x1;
	s10 =	sld [smem:$0x3FB6];
	_ =	sdelay $0x3  }
0x34: {  	[smem:$0x3FB6] =	sst s10  }
0x35: {  	s10 =	sld [smem:$0x3FB5];
	_ =	sdelay $0x3  }
0x36: {  	p1 =	seq.s32 s10, $0x1;
	s10 =	sld [smem:$0x3FB6];
	_ =	sdelay $0x3  }
0x37: {  	[smem:$0x3FB6] =	sst s10  }
0x38: {  	s10 =	sld [smem:$0x3FB7]  }
0x39: {  	_ = 	snop;
	(pc) =	sbr.ind lr, $3  }
0x3a: {  	_ = 	snop  }
0x3b: {  	_ = 	snop  }
0x3c: {  	p2 =	seq.s32 s10, $0x1;
	s10 =	sld [smem:$0x3FB6]  }
0x3d: {  	_ =	shalt  }
0x3e: {  	_ =	shalt  }
0x3f: {  	_ =	shalt  }
0x40: {  	_ =	shalt  }
0x41: {  	_ =	shalt  }
0x42: {  	_ =	shalt  }
0x43: {  	_ =	shalt  }
0x44: {  	_ =	shalt  }
0x45: {  	_ =	shalt  }
0x46: {  	_ =	shalt  }
0x47: {  	_ =	shalt  }
0x48: {  	_ =	shalt  }
0x49: {  	_ =	shalt  }
0x4a: {  	_ =	shalt  }
0x4b: {  	_ =	shalt  }
0x4c: {  	_ =	shalt  }
0x4d: {  	_ =	shalt  }
0x4e: {  	_ =	shalt  }
0x4f: {  	_ =	shalt  }
0x50: {  	_ =	shalt  }
0x51: {  	_ =	shalt  }
0x52: {  	_ =	shalt  }
0x53: {  	_ =	shalt  }
0x54: {  	_ =	shalt  }
0x55: {  	_ =	shalt  }
0x56: {  	_ =	shalt  }
0x57: {  	_ =	shalt  }
0x58: {  	_ =	shalt  }
0x59: {  	_ =	shalt  }
0x5a: {  	_ =	shalt  }
0x5b: {  	_ =	shalt  }
0x5c: {  	_ =	shalt  }
0x5d: {  	_ =	shalt  }
0x5e: {  	_ =	shalt  }
0x5f: {  	_ =	shalt  }
0x60: {  	_ =	shalt  }
0x61: {  	_ =	shalt  }
0x62: {  	_ =	shalt  }
0x63: {  	_ =	shalt  }
0x64: {  	_ =	shalt  }
0x65: {  	_ =	shalt  }
0x66: {  	_ =	shalt  }
0x67: {  	_ =	shalt  }
0x68: {  	_ =	shalt  }
0x69: {  	_ =	shalt  }
0x6a: {  	_ =	shalt  }
0x6b: {  	_ =	shalt  }
0x6c: {  	_ =	shalt  }
0x6d: {  	_ =	shalt  }
0x6e: {  	_ =	shalt  }
0x6f: {  	_ =	shalt  }
0x70: {  	_ =	shalt  }
0x71: {  	_ =	shalt  }
0x72: {  	_ =	shalt  }
0x73: {  	_ =	shalt  }
0x74: {  	_ =	shalt  }
0x75: {  	_ =	shalt  }
0x76: {  	_ =	shalt  }
0x77: {  	_ =	shalt  }
0x78: {  	_ =	shalt  }
0x79: {  	_ =	shalt  }
0x7a: {  	_ =	shalt  }
0x7b: {  	_ =	shalt  }
0x7c: {  	_ =	shalt  }
0x7d: {  	_ =	shalt  }
0x7e: {  	_ =	shalt  }
0x7f: {  	_ =	shalt  }
0x80: {  	_ =	shalt  }
0x81: {  	_ =	shalt  }
0x82: {  	_ =	shalt  }
0x83: {  	_ =	shalt  }
0x84: {  	_ =	shalt  }
0x85: {  	_ =	shalt  }
0x86: {  	_ =	shalt  }
0x87: {  	_ =	shalt  }
.Lfunc_end0:
.L_simem_size_0:
called_computation_lowered:
.L_overlay_start_0:
0x88: {  	s2 =	sld [smem:$0x3FD9]  }
0x89: {  	s3 =	sld [smem:$0x3FFE];
	_ =	sdelay $0x1  }
0x8a: {  	s1 =	srdreg.scid  }
0x8b: {  	s0 =	sand.u32 $0x1, s1  }
0x8c: {  	s17 =	sshll.u32 s0, $0xA;
	s2 =	sadd.s32 s3, s2  }
0x8d: {  	s2 =	sadd.s32 s2, s17  }
0x8e: {  	[smem:$0x3FC2] =	sst s2  }
0x8f: {  	_ = 	snop  }
0x90: {  	s2 =	sld [smem:$0x3FC8]  }
0x91: {  	s18 =	sld [smem:$0x3FD0];
	(tm) =	ssettm $0x1  }
0x92: {  	s4 =	sld [smem:$0x3FFB];
	_ =	sdelay $0x3  }
0x93: {  	_ =	strace s4  }
0x94: {  	s4 =	sld [smem:$0x3FFC];
	_ =	sdelay $0x3  }
0x95: {  	_ =	strace s4  }
0x96: {  	s4 =	sld [smem:$0x3FFD];
	_ =	sdelay $0x3  }
0x97: {  	_ =	strace s4  }
0x98: {  	_ =	strace $0x8FFFFFFF  }
0x99: {  	s19 =	sld [smem:$0x3FDB];
	_ =	sdelay $0x1  }
0x9a: {  	s5 =	simm.s32 $_scs_section_size  }
0x9b: {  	s6 =	simm.s32 $_size__tile_overlayer_lowered;
	s7 =	simm.s32 $_tile_overlayer_lowered  }
0x9c: {  	s22 =	simm.s32 $0x1BFF;
	s21 =	sshll.u32 s7, $0x1;
	s4 =	sadd.s32 s5, s19  }
0x9d: {  	s8 =	simm.s32 $0x0;
	s20 =	sshll.u32 s6, $0x1;
	s6 =	sadd.s32 s21, s4  }
0x9e: {  	[timem:s8], [sflag:s22] =	dma.local [hbm:s6], s20  }
0x9f: {  	_ =	swait.ge [sflag:s22], s20  }
0xa0: {  	s5 =	ssub.s32 $0x0, s20;
	[sflag:s22] =	ssyncset.done $0x0  }
0xa1: {  	[sflag:s22] =	ssyncadd.s32 s5;
	_ =	sdelay $0x1  }
0xa2: {  	s23 =	simm.s32 $0x1B8B  }
0xa3: {  	_ =	swait.ge [sflag:s23], $0x1  }
0xa4: {  	[sflag:s23] =	ssyncset.done $0x0  }
0xa5: {  	s25 =	simm.s32 $0x1B8E;
	s24 =	sld [smem:$0x3FFE];
	[sflag:s23] =	ssyncadd.s32 $0xFFFFFFFF  }
0xa6: {  	s26 =	simm.s32 $execute0_lowered;
	[smem:$0x3FD2] =	sst s25  }
0xa7: {  	s6 =	sshll.u32 s26, $0x1;
	_ =	strace $0x80000046;
	[dreg:$0x1] =	wrdreg $0xFFFFFFFF  }
0xa8: {  	s28 =	simm.s32 $_size_execute0_lowered;
	s4 =	sadd.s32 s4, s6;
	[dreg:$0x0] =	wrdreg $0x0  }
0xa9: {  	s6 =	sshll.u32 s28, $0x1;
	[dreg:$0x2] =	wrdreg s4  }
0xaa: {  	[dreg:$0x3] =	wrdreg s6  }
0xab: {  	[dreg:$0x4] =	wrdreg $0xC0  }
0xac: {  	_ =	task [dreg:s8], $0x5FFFF  }
0xad: {  	[dreg:$0x1] =	wrdreg $0xFFFFFFFF  }
0xae: {  	[dreg:$0x0] =	wrdreg $0x60  }
0xaf: {  	[dreg:$0x2] =	wrdreg s2  }
0xb0: {  	[dreg:$0x3] =	wrdreg s18  }
0xb1: {  	[dreg:$0x4] =	wrdreg s24  }
0xb2: {  	[dreg:$0x5] =	wrdreg $0x9  }
0xb3: {  	_ =	task.clear_ibuf [dreg:s8], $0x6FFFF;
	_ =	strace $0x90000046  }
0xb4: {  	s29 =	simm.s32 $0x9;
	_ =	strace $0x80000048  }
0xb5: {  	_ =	swait.ge [sflag:s29], $0x1  }
0xb6: {  	[sflag:s29] =	ssyncadd.s32 $0xFFFFFFFF  }
0xb7: {  	_ =	strace $0x90000048  }
0xb8: {  	_ =	sfence  }
0xb9: {  	s30 =	sld [smem:$0x0];
	_ =	sdelay $0x2  }
0xba: {  	s31 =	sshll.u32 s1, $0xD;
	s1 =	sshrl.u32 s1, $0x2  }
0xbb: {  	s3 =	sand.u32 $0x4000, s31;
	s1 =	sadd.s32 s1, s30  }
0xbc: {  	s0 =	sor.u32 s3, s0;
	s1 =	sshll.u32 s1, $0x11  }
0xbd: {  	s0 =	sor.u32 s1, s0  }
0xbe: {  	s0 =	sadd.s32 $0x8F2B, s0  }
0xbf: {  	[sflag:s0] =	ssyncadd.remote.s32 $0x1  }
0xc0: {  	_ =	sfence.sel $0xFFFF  }
0xc1: {  	[dreg:$0x0] =	wrdreg $0xFFFFFFFF;
	(pc) =	sbr.abs _section_cstart, $3  }
0xc2: {  	[dreg:$0x1] =	wrdreg $0xFFFFFFFF  }
0xc3: {  	_ =	task.clear_ibuf [dreg:s8], $0x2FFFF;
	_ =	strace $0x9FFFFFFF  }
0xc4: {  	(tm) =	ssettm $0x7FFFFFFF  }
0xc5: {  	_ =	shalt  }
tec
execute0_lowered:
.L_overlay_start_1:
0x0: {  	(tag) =	ssettag $0x1  }
0x1: {  	s11 =	rddreg [dreg:$0x0]  }
0x2: {  	s1 =	rddreg [dreg:$0x1]  }
0x3: {  	s12 =	rddreg [dreg:$0x2]  }
0x4: {  	s0 =	rddreg [dreg:$0x3];
	s3 =	simm.s32 $0x0;
	s4 =	srdreg.scid  }
0x5: {  	s2 =	stileid.u32;
	s14 =	simm.s32 $0x400;
	s15 =	simm.s32 $0x7A1400  }
0x6: {  	s16 =	simm.s32 $0x1000;
	s17 =	simm.s32 $0x1;
	s18 =	simm.s32 $0x2000  }
0x7: {  	s19 =	simm.s32 $0x2;
	s20 =	simm.s32 $0x3000;
	s21 =	simm.s32 $0x3  }
0x8: {  	s22 =	simm.s32 $0x4;
	s23 =	simm.s32 $0x0;
	[smem:$0x7FF] =	sst s3  }
0x9: {  	s5 =	sand.u32 $0x1, s4;
	s6 =	sshll.u32 s2, $0x1;
	s4 =	sadd.s32 $0x1400, s12  }
0xa: {  	v0 =	vlaneseq.u32;
	p0 =	slt.u32 s2, $0x2;
	s12 =	sadd.s32 $0x3D1C00, s12;
	_ =	strace $0x80000047  }
.Ltmp0:
0xb: {  	v0 =	vmul.u32 $0x80, v0;
	s8 =	ssub.s32 $0x2, s5;
	s5 =	sor.u32 s5, s6;
	(pc) =	sbr.rel .LBB2_1-.Ltmp0, $4  }
0xc: {  	s6 =	simm.s32 $0xF5;
	s7 =	sshll.u32 s5, $0x7;
	s9 =	sshrl.u32 s8, $0x1  }
0xd: {  	s6 =	simm.s32 @!p0 $0xF4;
	v1 =	vor.u32 $0x800, v0;
	p0 =	sne.s32 s5, $0x4;
	s7 =	sadd.s32 s11, s7  }
0xe: {  	v2 =	vor.u32 $0x1, v0;
	v3 =	vor.u32 $0x801, v0;
	v4 =	vor.u32 $0x2, v0;
	s13 =	ssub.s32 s8, s9;
	s9 =	sadd.s32 $0xFFFFFFFE, s6;
	s10 =	sadd.s32 $0xFFFFFFFD, s6  }
0xf: {  	v5 =	vor.u32 $0x802, v0;
	v6 =	vor.u32 $0x3, v0;
	v7 =	vor.u32 $0x803, v0;
	s11 =	sadd.s32 $0x2000, s11;
	s8 =	sadd.s32 $0x1000, s7;
	s13 =	smax.u32 s13, $0x1  }
.LBB2_11:
0x10: {  	_ =	swait.ge [sflag:s21], $0x1000  }
0x11: {  	[sflag:s21] =	ssyncset.done $0x0  }
0x12: {  	[sflag:s21] =	ssyncadd.s32 $0xFFFFF000  }
0x13: {  	_ =	swait.ge [sflag:s22], $0x1000  }
0x14: {  	[sflag:s22] =	ssyncset.done $0x0  }
0x15: {  	s24 =	simm.s32 @!p0 $0x0;
	s25 =	simm.s32 @!p0 $0x5;
	[sflag:s22] =	ssyncadd.s32 $0xFFFFF000  }
0x16: {  	[tilespmem:s24], [sflag:$0x5] =	stream.linear.gather @!p0 [hbm4b:s1+s24], $0x800, $0x38;
	[tilespmem:$0x4000] =	vst v63  }
0x17: {  	s23 =	sadd.s32 $0x1, s23;
	_ =	swait.ge @!p0 [sflag:s25], $0x800  }
0x18: {  	p1 =	sne.s32 s23, s13;
	[sflag:s25] =	ssyncset.done @!p0 $0x0  }
.Ltmp1:
0x19: {  	[sflag:s25] =	ssyncadd.s32 @!p0 $0xFFFFF800;
	(pc) =	sbr.rel @!p1 .LBB2_12-.Ltmp1, $4  }
0x1a: {  	[hbm4b:s12+s24] =	stream.linear.scatter @!p0 [tilespmem:s24], [sflag:$0x5], $0x800, $0x38;
	[tilespmem:$0x4000] =	vst v63  }
0x1b: {  	_ =	swait.ge @!p0 [sflag:s25], $0x800  }
0x1c: {  	[sflag:s25] =	ssyncset.done @!p0 $0x0  }
0x1d: {  	[sflag:s25] =	ssyncadd.s32 @!p0 $0xFFFFF800  }
.LBB2_1:
.Ltmp2:
0x1e: {  	(pc) =	sbr.rel .LBB2_2-.Ltmp2, $4  }
0x1f: {  	_ = 	snop  }
0x20: {  	[tilespmem:s3], [sflag:$0x1] =	stream.strided.gather [hbm4b:s7+s14], $0x1000, s15, s14, $0x38;
	[tilespmem:$0x4000] =	vst v63  }
0x21: {  	s24 =	simm.s32 $0x0  }
0x22: {  	[tilespmem:s16], [sflag:$0x2] =	stream.strided.gather [hbm4b:s8+s14], $0x1000, s15, s14, $0x38;
	[tilespmem:$0x4000] =	vst v63  }
.LBB2_10:
0x23: {  	s24 =	sadd.s32 $0x1, s24  }
0x24: {  	p1 =	sne.s32 s24, $0x7B  }
.Ltmp3:
0x25: {  	_ = 	snop;
	(pc) =	sbr.rel @!p1 .LBB2_11-.Ltmp3, $1  }
0x26: {  	_ =	sdelay $0x3  }
.LBB2_2:
0x27: {  	s25 =	sshll.u32 s24, $0x1  }
0x28: {  	p2 =	sge.u32 s25, s6  }
.Ltmp4:
0x29: {  	_ = 	snop;
	(pc) =	sbr.rel @p2 .LBB2_6-.Ltmp4, $2  }
0x2a: {  	_ =	sdelay $0x2  }
0x2b: {  	p1 =	seq.s32 s24, $0x0  }
0x2c: {  	_ =	swait.ge [sflag:s17], $0x1000;
	s26 =	simm.s32 $0x0  }
0x2d: {  	[sflag:s17] =	ssyncset.done $0x0;
	v8 =	vor.u32 s26, v0  }
0x2e: {  	s28 =	simm.s32 @!p1 $0x3;
	[sflag:s17] =	ssyncadd.s32 $0xFFFFF000  }
0x2f: {  	_ =	swait.ge @!p1 [sflag:s28], $0x1000  }
0x30: {  	[sflag:s28] =	ssyncset.done @!p1 $0x0  }
0x31: {  	[sflag:s28] =	ssyncadd.s32 @!p1 $0xFFFFF000  }
0x32: {  	v8 =	vld.idx.msk [tilespmem:v8+s3+$0x0], $0xffff  }
0x33: {  	v9 =	vor.u32 s26, v1;
	_ =	sdelay $0x2  }
0x34: {  	s28 =	simm.s32 $0x2040  }
0x35: {  	[tilespmem:s28+$0xFFFFFFC0] =	vst v8  }
0x36: {  	v8 =	vld.idx.msk [tilespmem:v9+s3+$0x0], $0xffff  }
0x37: {  	v9 =	vor.u32 s26, v2;
	_ =	sdelay $0x3  }
0x38: {  	[tilespmem:s28+$0xFFFFFFD0] =	vst v8  }
0x39: {  	v8 =	vld.idx.msk [tilespmem:v9+s3+$0x0], $0xffff  }
0x3a: {  	v9 =	vor.u32 s26, v3;
	_ =	sdelay $0x3  }
0x3b: {  	[tilespmem:s28+$0xFFFFFFE0] =	vst v8  }
0x3c: {  	v8 =	vld.idx.msk [tilespmem:v9+s3+$0x0], $0xffff  }
0x3d: {  	v9 =	vor.u32 s26, v4;
	_ =	sdelay $0x3  }
0x3e: {  	[tilespmem:s28+$0xFFFFFFF0] =	vst v8  }
0x3f: {  	v8 =	vld.idx.msk [tilespmem:v9+s3+$0x0], $0xffff  }
0x40: {  	v9 =	vor.u32 s26, v5;
	_ =	sdelay $0x3  }
0x41: {  	[tilespmem:s28+$0x0] =	vst v8  }
0x42: {  	v8 =	vld.idx.msk [tilespmem:v9+s3+$0x0], $0xffff  }
0x43: {  	v9 =	vor.u32 s26, v6;
	_ =	sdelay $0x3  }
0x44: {  	[tilespmem:s28+$0x10] =	vst v8  }
0x45: {  	v8 =	vld.idx.msk [tilespmem:v9+s3+$0x0], $0xffff  }
0x46: {  	v9 =	vor.u32 s26, v7;
	_ =	sdelay $0x3  }
0x47: {  	[tilespmem:s28+$0x20] =	vst v8  }
0x48: {  	s31 =	sshll.u32 s24, $0x6;
	s29 =	simm.s32 $0x4;
	v8 =	vld.idx.msk [tilespmem:v9+s3+$0x0], $0xffff  }
0x49: {  	s30 =	simm.s32 $0x8;
	s26 =	sor.u32 s5, s31;
	v9 =	vor.u32 s29, v0  }
.LBB2_4:
0x4a: {  	p2 =	sne.s32 s30, $0x7C;
	_ =	sdelay $0x2  }
0x4b: {  	[tilespmem:s28+$0x30] =	vst v8  }
0x4c: {  	v8 =	vld.idx.msk [tilespmem:v9+s3+$0x0], $0xffff;
	_ =	sdelay $0x1  }
0x4d: {  	v9 =	vor.u32 s29, v1;
	_ =	sdelay $0x2  }
0x4e: {  	s28 =	sadd.s32 $0x80, s28  }
0x4f: {  	[tilespmem:s28+$0xFFFFFFC0] =	vst v8  }
0x50: {  	v8 =	vld.idx.msk [tilespmem:v9+s3+$0x0], $0xffff;
	_ =	sdelay $0x1  }
0x51: {  	v9 =	vor.u32 s29, v2;
	_ =	sdelay $0x3  }
0x52: {  	[tilespmem:s28+$0xFFFFFFD0] =	vst v8  }
0x53: {  	v8 =	vld.idx.msk [tilespmem:v9+s3+$0x0], $0xffff;
	_ =	sdelay $0x1  }
0x54: {  	v9 =	vor.u32 s29, v3;
	_ =	sdelay $0x3  }
0x55: {  	[tilespmem:s28+$0xFFFFFFE0] =	vst v8  }
0x56: {  	v8 =	vld.idx.msk [tilespmem:v9+s3+$0x0], $0xffff;
	_ =	sdelay $0x1  }
0x57: {  	v9 =	vor.u32 s29, v4;
	_ =	sdelay $0x3  }
0x58: {  	[tilespmem:s28+$0xFFFFFFF0] =	vst v8  }
0x59: {  	v8 =	vld.idx.msk [tilespmem:v9+s3+$0x0], $0xffff;
	_ =	sdelay $0x1  }
0x5a: {  	v9 =	vor.u32 s29, v5;
	_ =	sdelay $0x3  }
0x5b: {  	[tilespmem:s28+$0x0] =	vst v8  }
0x5c: {  	v8 =	vld.idx.msk [tilespmem:v9+s3+$0x0], $0xffff;
	_ =	sdelay $0x1  }
0x5d: {  	v9 =	vor.u32 s29, v6;
	_ =	sdelay $0x3  }
0x5e: {  	[tilespmem:s28+$0x10] =	vst v8  }
0x5f: {  	v8 =	vld.idx.msk [tilespmem:v9+s3+$0x0], $0xffff;
	_ =	sdelay $0x1  }
0x60: {  	v9 =	vor.u32 s29, v7;
	s29 =	smov.u32 s30;
	_ =	sdelay $0x2  }
.Ltmp5:
0x61: {  	(pc) =	sbr.rel @p2 .LBB2_4-.Ltmp5, $3  }
0x62: {  	[tilespmem:s28+$0x20] =	vst v8  }
0x63: {  	v8 =	vld.idx.msk [tilespmem:v9+s3+$0x0], $0xffff;
	_ =	sdelay $0x1  }
0x64: {  	s30 =	sadd.s32 $0x4, s30;
	v9 =	vor.u32 s29, v0  }
0x65: {  	_ =	sdelay $0x2  }
0x66: {  	[tilespmem:s28+$0x30] =	vst v8  }
0x67: {  	v8 =	vld.idx.msk [tilespmem:v9+s3+$0x0], $0xffff  }
0x68: {  	v57 =	vor.u32 s29, v1;
	_ =	sdelay $0x2  }
0x69: {  	s31 =	sadd.s32 $0x80, s28  }
0x6a: {  	[tilespmem:s31+$0xFFFFFFC0] =	vst v8  }
0x6b: {  	v8 =	vld.idx.msk [tilespmem:v57+s3+$0x0], $0xffff  }
0x6c: {  	v58 =	vor.u32 s29, v2;
	_ =	sdelay $0x3  }
0x6d: {  	[tilespmem:s31+$0xFFFFFFD0] =	vst v8  }
0x6e: {  	v8 =	vld.idx.msk [tilespmem:v58+s3+$0x0], $0xffff  }
0x6f: {  	v59 =	vor.u32 s29, v3;
	_ =	sdelay $0x3  }
0x70: {  	[tilespmem:s31+$0xFFFFFFE0] =	vst v8  }
0x71: {  	v8 =	vld.idx.msk [tilespmem:v59+s3+$0x0], $0xffff  }
0x72: {  	v60 =	vor.u32 s29, v4;
	_ =	sdelay $0x3  }
0x73: {  	[tilespmem:s31+$0xFFFFFFF0] =	vst v8  }
0x74: {  	v8 =	vld.idx.msk [tilespmem:v60+s3+$0x0], $0xffff  }
0x75: {  	v61 =	vor.u32 s29, v5;
	_ =	sdelay $0x3  }
0x76: {  	[tilespmem:s31+$0x0] =	vst v8  }
0x77: {  	v8 =	vld.idx.msk [tilespmem:v61+s3+$0x0], $0xffff  }
0x78: {  	v62 =	vor.u32 s29, v6;
	_ =	sdelay $0x3  }
0x79: {  	[tilespmem:s31+$0x10] =	vst v8  }
0x7a: {  	v8 =	vld.idx.msk [tilespmem:v62+s3+$0x0], $0xffff  }
0x7b: {  	v63 =	vor.u32 s29, v7;
	_ =	sdelay $0x3  }
0x7c: {  	[tilespmem:s31+$0x20] =	vst v8  }
0x7d: {  	v8 =	vld.idx.msk [tilespmem:v63+s3+$0x0], $0xffff;
	_ =	sdelay $0x3  }
0x7e: {  	s30 =	sshll.u32 s26, $0x9;
	p2 =	sge.u32 s25, s9  }
0x7f: {  	s26 =	sshll.u32 @!p2 s26, $0x7;
	s29 =	simm.s32 @!p2 $0x7A1400;
	[tilespmem:s31+$0x30] =	vst v8;
	s31 =	sadd.s32 s4, s30  }
0x80: {  	[hbm4b:s31+s3] =	stream.linear.scatter [tilespmem:s18], [sflag:$0x3], $0x1000, $0x38;
	[tilespmem:$0x4000] =	vst v63  }
0x81: {  	s26 =	sadd.s32 @!p2 s26, s11;
	s28 =	simm.s32 @!p2 $0x400;
	s30 =	simm.s32 @!p2 $0x0  }
0x82: {  	[tilespmem:s30], [sflag:$0x1] =	stream.strided.gather @!p2 [hbm4b:s26+s28], $0x1000, s29, s28, $0x38;
	[tilespmem:$0x4000] =	vst v63  }
.LBB2_6:
0x83: {  	s26 =	sor.u32 $0x1, s25  }
0x84: {  	p2 =	sge.u32 s26, s6  }
.Ltmp6:
0x85: {  	_ = 	snop;
	(pc) =	sbr.rel @p2 .LBB2_10-.Ltmp6, $1  }
0x86: {  	_ =	sdelay $0x3  }
0x87: {  	_ =	swait.ge [sflag:s19], $0x1000;
	s29 =	simm.s32 $0x0  }
0x88: {  	[sflag:s19] =	ssyncset.done $0x0;
	v8 =	vor.u32 s29, v0  }
0x89: {  	s28 =	simm.s32 @!p1 $0x4;
	[sflag:s19] =	ssyncadd.s32 $0xFFFFF000  }
0x8a: {  	_ =	swait.ge @!p1 [sflag:s28], $0x1000  }
0x8b: {  	[sflag:s28] =	ssyncset.done @!p1 $0x0  }
0x8c: {  	[sflag:s28] =	ssyncadd.s32 @!p1 $0xFFFFF000  }
0x8d: {  	v8 =	vld.idx.msk [tilespmem:v8+s16+$0x0], $0xffff  }
0x8e: {  	v9 =	vor.u32 s29, v1;
	_ =	sdelay $0x2  }
0x8f: {  	s28 =	simm.s32 $0x3070  }
0x90: {  	[tilespmem:s28+$0xFFFFFF90] =	vst v8  }
0x91: {  	v8 =	vld.idx.msk [tilespmem:v9+s16+$0x0], $0xffff  }
0x92: {  	v9 =	vor.u32 s29, v2;
	_ =	sdelay $0x3  }
0x93: {  	[tilespmem:s28+$0xFFFFFFA0] =	vst v8  }
0x94: {  	v8 =	vld.idx.msk [tilespmem:v9+s16+$0x0], $0xffff  }
0x95: {  	v9 =	vor.u32 s29, v3;
	_ =	sdelay $0x3  }
0x96: {  	[tilespmem:s28+$0xFFFFFFB0] =	vst v8  }
0x97: {  	v8 =	vld.idx.msk [tilespmem:v9+s16+$0x0], $0xffff  }
0x98: {  	v9 =	vor.u32 s29, v4;
	_ =	sdelay $0x3  }
0x99: {  	[tilespmem:s28+$0xFFFFFFC0] =	vst v8  }
0x9a: {  	v8 =	vld.idx.msk [tilespmem:v9+s16+$0x0], $0xffff  }
0x9b: {  	v9 =	vor.u32 s29, v5;
	_ =	sdelay $0x3  }
0x9c: {  	[tilespmem:s28+$0xFFFFFFD0] =	vst v8  }
0x9d: {  	v8 =	vld.idx.msk [tilespmem:v9+s16+$0x0], $0xffff  }
0x9e: {  	v9 =	vor.u32 s29, v6;
	_ =	sdelay $0x3  }
0x9f: {  	[tilespmem:s28+$0xFFFFFFE0] =	vst v8  }
0xa0: {  	v8 =	vld.idx.msk [tilespmem:v9+s16+$0x0], $0xffff  }
0xa1: {  	v9 =	vor.u32 s29, v7;
	_ =	sdelay $0x3  }
0xa2: {  	[tilespmem:s28+$0xFFFFFFF0] =	vst v8  }
0xa3: {  	s26 =	sshll.u32 s26, $0x5;
	s29 =	simm.s32 $0x4;
	v8 =	vld.idx.msk [tilespmem:v9+s16+$0x0], $0xffff  }
0xa4: {  	s30 =	simm.s32 $0x8;
	s26 =	sor.u32 s5, s26;
	v9 =	vor.u32 s29, v0  }
.LBB2_8:
0xa5: {  	p1 =	sne.s32 s30, $0x7C;
	_ =	sdelay $0x2  }
0xa6: {  	[tilespmem:s28+$0x0] =	vst v8  }
0xa7: {  	v8 =	vld.idx.msk [tilespmem:v9+s16+$0x0], $0xffff;
	_ =	sdelay $0x1  }
0xa8: {  	v9 =	vor.u32 s29, v1;
	_ =	sdelay $0x2  }
0xa9: {  	s28 =	sadd.s32 $0x80, s28  }
0xaa: {  	[tilespmem:s28+$0xFFFFFF90] =	vst v8  }
0xab: {  	v8 =	vld.idx.msk [tilespmem:v9+s16+$0x0], $0xffff;
	_ =	sdelay $0x1  }
0xac: {  	v9 =	vor.u32 s29, v2;
	_ =	sdelay $0x3  }
0xad: {  	[tilespmem:s28+$0xFFFFFFA0] =	vst v8  }
0xae: {  	v8 =	vld.idx.msk [tilespmem:v9+s16+$0x0], $0xffff;
	_ =	sdelay $0x1  }
0xaf: {  	v9 =	vor.u32 s29, v3;
	_ =	sdelay $0x3  }
0xb0: {  	[tilespmem:s28+$0xFFFFFFB0] =	vst v8  }
0xb1: {  	v8 =	vld.idx.msk [tilespmem:v9+s16+$0x0], $0xffff;
	_ =	sdelay $0x1  }
0xb2: {  	v9 =	vor.u32 s29, v4;
	_ =	sdelay $0x3  }
0xb3: {  	[tilespmem:s28+$0xFFFFFFC0] =	vst v8  }
0xb4: {  	v8 =	vld.idx.msk [tilespmem:v9+s16+$0x0], $0xffff;
	_ =	sdelay $0x1  }
0xb5: {  	v9 =	vor.u32 s29, v5;
	_ =	sdelay $0x3  }
0xb6: {  	[tilespmem:s28+$0xFFFFFFD0] =	vst v8  }
0xb7: {  	v8 =	vld.idx.msk [tilespmem:v9+s16+$0x0], $0xffff;
	_ =	sdelay $0x1  }
0xb8: {  	v9 =	vor.u32 s29, v6;
	_ =	sdelay $0x3  }
0xb9: {  	[tilespmem:s28+$0xFFFFFFE0] =	vst v8  }
0xba: {  	v8 =	vld.idx.msk [tilespmem:v9+s16+$0x0], $0xffff;
	_ =	sdelay $0x1  }
0xbb: {  	v9 =	vor.u32 s29, v7;
	s29 =	smov.u32 s30;
	_ =	sdelay $0x2  }
.Ltmp7:
0xbc: {  	(pc) =	sbr.rel @p1 .LBB2_8-.Ltmp7, $3  }
0xbd: {  	[tilespmem:s28+$0xFFFFFFF0] =	vst v8  }
0xbe: {  	v8 =	vld.idx.msk [tilespmem:v9+s16+$0x0], $0xffff;
	_ =	sdelay $0x1  }
0xbf: {  	s30 =	sadd.s32 $0x4, s30;
	v9 =	vor.u32 s29, v0  }
0xc0: {  	_ =	sdelay $0x2  }
0xc1: {  	[tilespmem:s28+$0x0] =	vst v8  }
0xc2: {  	v8 =	vld.idx.msk [tilespmem:v9+s16+$0x0], $0xffff  }
0xc3: {  	v57 =	vor.u32 s29, v1;
	_ =	sdelay $0x2  }
0xc4: {  	s31 =	sadd.s32 $0x80, s28  }
0xc5: {  	[tilespmem:s31+$0xFFFFFF90] =	vst v8  }
0xc6: {  	v8 =	vld.idx.msk [tilespmem:v57+s16+$0x0], $0xffff  }
0xc7: {  	v58 =	vor.u32 s29, v2;
	_ =	sdelay $0x3  }
0xc8: {  	[tilespmem:s31+$0xFFFFFFA0] =	vst v8  }
0xc9: {  	v8 =	vld.idx.msk [tilespmem:v58+s16+$0x0], $0xffff  }
0xca: {  	v59 =	vor.u32 s29, v3;
	_ =	sdelay $0x3  }
0xcb: {  	[tilespmem:s31+$0xFFFFFFB0] =	vst v8  }
0xcc: {  	v8 =	vld.idx.msk [tilespmem:v59+s16+$0x0], $0xffff  }
0xcd: {  	v60 =	vor.u32 s29, v4;
	_ =	sdelay $0x3  }
0xce: {  	[tilespmem:s31+$0xFFFFFFC0] =	vst v8  }
0xcf: {  	v8 =	vld.idx.msk [tilespmem:v60+s16+$0x0], $0xffff  }
0xd0: {  	v61 =	vor.u32 s29, v5;
	_ =	sdelay $0x3  }
0xd1: {  	[tilespmem:s31+$0xFFFFFFD0] =	vst v8  }
0xd2: {  	v8 =	vld.idx.msk [tilespmem:v61+s16+$0x0], $0xffff  }
0xd3: {  	v62 =	vor.u32 s29, v6;
	_ =	sdelay $0x3  }
0xd4: {  	[tilespmem:s31+$0xFFFFFFE0] =	vst v8  }
0xd5: {  	v8 =	vld.idx.msk [tilespmem:v62+s16+$0x0], $0xffff  }
0xd6: {  	v63 =	vor.u32 s29, v7;
	_ =	sdelay $0x3  }
0xd7: {  	[tilespmem:s31+$0xFFFFFFF0] =	vst v8  }
0xd8: {  	v8 =	vld.idx.msk [tilespmem:v63+s16+$0x0], $0xffff;
	_ =	sdelay $0x2  }
0xd9: {  	s30 =	sshll.u32 s26, $0x9  }
.Ltmp8:
0xda: {  	p1 =	sge.u32 s25, s10;
	s29 =	sand.u32 $0x1FFFFE00, s30;
	(pc) =	sbr.rel .LBB2_10-.Ltmp8, $4  }
0xdb: {  	s25 =	sshll.u32 @!p1 s26, $0x7;
	s26 =	simm.s32 @!p1 $0x400;
	[tilespmem:s31+$0x0] =	vst v8;
	s31 =	sadd.s32 s4, s29  }
0xdc: {  	[hbm4b:s31+s3] =	stream.linear.scatter [tilespmem:s20], [sflag:$0x4], $0x1000, $0x38;
	[tilespmem:$0x4000] =	vst v63  }
0xdd: {  	s25 =	sadd.s32 @!p1 s25, s11;
	s28 =	simm.s32 @!p1 $0x7A1400;
	s29 =	simm.s32 @!p1 $0x1000  }
0xde: {  	[tilespmem:s29], [sflag:$0x2] =	stream.strided.gather @!p1 [hbm4b:s25+s26], $0x1000, s28, s26, $0x38;
	[tilespmem:$0x4000] =	vst v63  }
.LBB2_12:
0xdf: {  	_ =	sfence.sel $0x180000  }
0xe0: {  	[bflag:$0x0] =	sbarrier.arrive $0xFFFF  }
0xe1: {  	p0 =	sne.s32 s2, $0x0;
	_ =	strace $0x90000047  }
0xe2: {  	s0 =	sadd.s32 @!p0 $0x100000, s0;
	[bflag:$0x2] =	sbarrier.arrive $0xFFFF  }
0xe3: {  	[sflag:s0] =	ssyncadd.tile.s32 @!p0 $0x1;
	_ =	shalt  }
.Lfunc_end2:
_tile_overlayer_lowered:
.L_overlay_start_2:
0xe4: {  	(tag) =	ssettag $0x2  }
0xe5: {  	s0 =	rddreg [dreg:$0x0];
	s2 =	stileid.u32  }
0xe6: {  	s1 =	rddreg [dreg:$0x1];
	p0 =	sne.s32 s2, $0x0  }
0xe7: {  	s3 =	rddreg [dreg:$0x2];
	[bflag:$0x3] =	sbarrier.arrive $0xFFFF;
	s2 =	simm.s32 @!p0 $0x1C05  }
0xe8: {  	[timem:s3], [sflag:s2] =	dma.local @!p0 [hbm:s0], s1  }
0xe9: {  	s0 =	simm.s32 @!p0 $0x5  }
0xea: {  	_ =	swait.ge @!p0 [sflag:s0], s1  }
0xeb: {  	s1 =	ssub.s32 @!p0 $0x0, s1;
	[sflag:s0] =	ssyncset.done @!p0 $0x0  }
0xec: {  	[sflag:s0] =	ssyncadd.s32 @!p0 s1  }
0xed: {  	[bflag:$0x3] =	sbarrier.arrive $0xFFFF  }
0xee: {  	_ =	shalt  }

// kernel: kernel.8.cloned.1.call-start
scs
__scs_entry_jumppad:
0x0: {  	(pc) =	sbr.rel $0x88, $3  }
0x1: {  	(tag) =	ssettag $0x0;
	lr =	simm.s32 $0x1  }
0x2: {  	[smem:$0x3F9B] =	sst lr;
	_ =	strace $0xD0000000  }
0x3: {  	_ = 	snop  }
0x4: {  	_ = 	snop  }
0x5: {  	_ = 	snop  }
0x6: {  	_ = 	snop  }
0x7: {  	_ = 	snop  }
__scs_overlays_trampoline_lowered:
0x8: {  	[smem:$0x3FAA] =	sst s0  }
0x9: {  	[smem:$0x3FAB] =	sst s1  }
0xa: {  	[smem:$0x3FAC] =	sst s2  }
0xb: {  	[smem:$0x3FAD] =	sst s3  }
0xc: {  	[smem:$0x3FAE] =	sst s4  }
0xd: {  	[smem:$0x3FAF] =	sst s5  }
0xe: {  	[smem:$0x3FB0] =	sst s6  }
0xf: {  	[smem:$0x3FB1] =	sst s7  }
0x10: {  	[smem:$0x3FB2] =	sst s8  }
0x11: {  	[smem:$0x3FB3] =	sst s9;
	s0 =	simm.s32 @!p0 $0x0  }
0x12: {  	s1 =	sld [smem:$0x3F99];
	s0 =	simm.s32 @p0 $0x1  }
0x13: {  	[smem:$0x3FB4] =	sst s0;
	s0 =	simm.s32 @!p1 $0x0  }
0x14: {  	s2 =	sld [smem:$0x3F98];
	s0 =	simm.s32 @p1 $0x1  }
0x15: {  	[smem:$0x3FB5] =	sst s0;
	s0 =	simm.s32 @!p2 $0x0  }
0x16: {  	s3 =	sld [smem:$0x3FDB];
	s0 =	simm.s32 @p2 $0x1  }
0x17: {  	s4 =	simm.s32 $0x1BF5;
	[smem:$0x3FB7] =	sst s0  }
0x18: {  	s0 =	sld [smem:$0x3F9A];
	_ =	swait.ge [sflag:s4], $0x0  }
0x19: {  	s7 =	sld [smem:$0x3F9B]  }
0x1a: {  	s8 =	sadd.s32 $0xFFFFE003, lr  }
0x1b: {  	s9 =	sadd.s32 $0xFFFFFEF7, lr;
	s5 =	simm.s32 $0xFFFFFFFF;
	p2 =	slt.u32 s8, $0xFFFFF086  }
0x1c: {  	p1 =	slt.u32 s9, $0xF7A;
	s5 =	simm.s32 @!p2 $0x0  }
0x1d: {  	s5 =	simm.s32 @p1 $0x1;
	p0 =	seq.s32 s7, s2  }
0x1e: {  	s7 =	smul.u32 @!p0 $0xF7A, s2;
	p2 =	seq.s32 @!p0 s5, $0x0  }
0x1f: {  	s9 =	smul.u32 $0xF7A, s1;
	s8 =	simm.s32 @!p0 $0x1BF5;
	p2 =	por !p2, p0  }
0x20: {  	[sflag:s8] =	ssyncset.s32 @!p0 $0xFFFFF086;
	s6 =	sadd.s32 @!p0 s3, s7;
	s7 =	simm.s32 @!p0 $0x108  }
0x21: {  	s3 =	sadd.s32 s3, s9;
	s6 =	sadd.s32 @!p0 $0x88, s6;
	s7 =	simm.s32 @p2 $0x1082  }
0x22: {  	[simem:s7], [sflag:s8] =	dma.local @!p0 [hbm:s6], $0xF7A  }
0x23: {  	s9 =	sor.u32 $0xD0000000, s2;
	s6 =	simm.s32 $0x108;
	_ =	swait.ge @!p0 [sflag:s8], $0x0  }
0x24: {  	s3 =	sadd.s32 $0x88, s3;
	s6 =	simm.s32 @!p1 $0x1082;
	[sflag:s4] =	ssyncset.s32 $0xFFFFF086  }
0x25: {  	[simem:s6], [sflag:s4] =	dma.local [hbm:s3], $0xF7A  }
0x26: {  	[smem:$0x3F9B] =	sst s1;
	(tag) =	ssettag s2;
	_ =	strace s9  }
0x27: {  	s1 =	sld [smem:$0x3FAB]  }
0x28: {  	s2 =	sld [smem:$0x3FAC]  }
0x29: {  	s4 =	sld [smem:$0x3FAE]  }
0x2a: {  	p0 =	seq.s32 s5, $0x0;
	s5 =	sld [smem:$0x3FAF]  }
0x2b: {  	s6 =	sld [smem:$0x3FB0]  }
0x2c: {  	s7 =	sld [smem:$0x3FB1]  }
0x2d: {  	s3 =	simm.s32 $0x108;
	s8 =	sld [smem:$0x3FB2]  }
0x2e: {  	s3 =	simm.s32 @!p0 $0x1082;
	s9 =	sld [smem:$0x3FB3]  }
0x2f: {  	lr =	sadd.s32 s0, s3;
	s0 =	sld [smem:$0x3FAA]  }
0x30: {  	s3 =	sld [smem:$0x3FAD]  }
0x31: {  	[smem:$0x3FB6] =	sst s10  }
0x32: {  	s10 =	sld [smem:$0x3FB4];
	_ =	sdelay $0x3  }
0x33: {  	p0 =	seq.s32 s10, $0x1;
	s10 =	sld [smem:$0x3FB6];
	_ =	sdelay $0x3  }
0x34: {  	[smem:$0x3FB6] =	sst s10  }
0x35: {  	s10 =	sld [smem:$0x3FB5];
	_ =	sdelay $0x3  }
0x36: {  	p1 =	seq.s32 s10, $0x1;
	s10 =	sld [smem:$0x3FB6];
	_ =	sdelay $0x3  }
0x37: {  	[smem:$0x3FB6] =	sst s10  }
0x38: {  	s10 =	sld [smem:$0x3FB7]  }
0x39: {  	_ = 	snop;
	(pc) =	sbr.ind lr, $3  }
0x3a: {  	_ = 	snop  }
0x3b: {  	_ = 	snop  }
0x3c: {  	p2 =	seq.s32 s10, $0x1;
	s10 =	sld [smem:$0x3FB6]  }
0x3d: {  	_ =	shalt  }
0x3e: {  	_ =	shalt  }
0x3f: {  	_ =	shalt  }
0x40: {  	_ =	shalt  }
0x41: {  	_ =	shalt  }
0x42: {  	_ =	shalt  }
0x43: {  	_ =	shalt  }
0x44: {  	_ =	shalt  }
0x45: {  	_ =	shalt  }
0x46: {  	_ =	shalt  }
0x47: {  	_ =	shalt  }
0x48: {  	_ =	shalt  }
0x49: {  	_ =	shalt  }
0x4a: {  	_ =	shalt  }
0x4b: {  	_ =	shalt  }
0x4c: {  	_ =	shalt  }
0x4d: {  	_ =	shalt  }
0x4e: {  	_ =	shalt  }
0x4f: {  	_ =	shalt  }
0x50: {  	_ =	shalt  }
0x51: {  	_ =	shalt  }
0x52: {  	_ =	shalt  }
0x53: {  	_ =	shalt  }
0x54: {  	_ =	shalt  }
0x55: {  	_ =	shalt  }
0x56: {  	_ =	shalt  }
0x57: {  	_ =	shalt  }
0x58: {  	_ =	shalt  }
0x59: {  	_ =	shalt  }
0x5a: {  	_ =	shalt  }
0x5b: {  	_ =	shalt  }
0x5c: {  	_ =	shalt  }
0x5d: {  	_ =	shalt  }
0x5e: {  	_ =	shalt  }
0x5f: {  	_ =	shalt  }
0x60: {  	_ =	shalt  }
0x61: {  	_ =	shalt  }
0x62: {  	_ =	shalt  }
0x63: {  	_ =	shalt  }
0x64: {  	_ =	shalt  }
0x65: {  	_ =	shalt  }
0x66: {  	_ =	shalt  }
0x67: {  	_ =	shalt  }
0x68: {  	_ =	shalt  }
0x69: {  	_ =	shalt  }
0x6a: {  	_ =	shalt  }
0x6b: {  	_ =	shalt  }
0x6c: {  	_ =	shalt  }
0x6d: {  	_ =	shalt  }
0x6e: {  	_ =	shalt  }
0x6f: {  	_ =	shalt  }
0x70: {  	_ =	shalt  }
0x71: {  	_ =	shalt  }
0x72: {  	_ =	shalt  }
0x73: {  	_ =	shalt  }
0x74: {  	_ =	shalt  }
0x75: {  	_ =	shalt  }
0x76: {  	_ =	shalt  }
0x77: {  	_ =	shalt  }
0x78: {  	_ =	shalt  }
0x79: {  	_ =	shalt  }
0x7a: {  	_ =	shalt  }
0x7b: {  	_ =	shalt  }
0x7c: {  	_ =	shalt  }
0x7d: {  	_ =	shalt  }
0x7e: {  	_ =	shalt  }
0x7f: {  	_ =	shalt  }
0x80: {  	_ =	shalt  }
0x81: {  	_ =	shalt  }
0x82: {  	_ =	shalt  }
0x83: {  	_ =	shalt  }
0x84: {  	_ =	shalt  }
0x85: {  	_ =	shalt  }
0x86: {  	_ =	shalt  }
0x87: {  	_ =	shalt  }
.Lfunc_end0:
.L_simem_size_0:
called_computation.1_lowered:
.L_overlay_start_0:
0x88: {  	s2 =	sld [smem:$0x3FD9]  }
0x89: {  	s3 =	sld [smem:$0x3FFE];
	_ =	sdelay $0x1  }
0x8a: {  	s1 =	srdreg.scid  }
0x8b: {  	s0 =	sand.u32 $0x1, s1  }
0x8c: {  	s16 =	sshll.u32 s0, $0xA;
	s2 =	sadd.s32 s3, s2  }
0x8d: {  	s2 =	sadd.s32 s2, s16  }
0x8e: {  	[smem:$0x3FC2] =	sst s2  }
0x8f: {  	_ = 	snop  }
0x90: {  	(tm) =	ssettm $0x1  }
0x91: {  	s17 =	sld [smem:$0x3FFB];
	_ =	sdelay $0x3  }
0x92: {  	_ =	strace s17  }
0x93: {  	s2 =	sld [smem:$0x3FFC];
	_ =	sdelay $0x3  }
0x94: {  	_ =	strace s2  }
0x95: {  	s2 =	sld [smem:$0x3FFD];
	_ =	sdelay $0x3  }
0x96: {  	_ =	strace s2  }
0x97: {  	_ =	strace $0x8FFFFFFF  }
0x98: {  	s18 =	sld [smem:$0x3FDB];
	_ =	sdelay $0x1  }
0x99: {  	s19 =	simm.s32 $_scs_section_size  }
0x9a: {  	s4 =	simm.s32 $_size__tile_overlayer_lowered;
	s5 =	simm.s32 $_tile_overlayer_lowered  }
0x9b: {  	s22 =	simm.s32 $0x1BFF;
	s21 =	sshll.u32 s5, $0x1;
	s2 =	sadd.s32 s19, s18  }
0x9c: {  	s6 =	simm.s32 $0x0;
	s20 =	sshll.u32 s4, $0x1;
	s4 =	sadd.s32 s21, s2  }
0x9d: {  	[timem:s6], [sflag:s22] =	dma.local [hbm:s4], s20  }
0x9e: {  	_ =	swait.ge [sflag:s22], s20  }
0x9f: {  	s3 =	ssub.s32 $0x0, s20;
	[sflag:s22] =	ssyncset.done $0x0  }
0xa0: {  	[sflag:s22] =	ssyncadd.s32 s3;
	_ =	sdelay $0x1  }
0xa1: {  	s23 =	simm.s32 $0x1B8B  }
0xa2: {  	_ =	swait.ge [sflag:s23], $0x1  }
0xa3: {  	[sflag:s23] =	ssyncset.done $0x0  }
0xa4: {  	s25 =	simm.s32 $0x1B8E;
	s24 =	sld [smem:$0x3FFE];
	[sflag:s23] =	ssyncadd.s32 $0xFFFFFFFF  }
0xa5: {  	s26 =	simm.s32 $execute0_lowered;
	[smem:$0x3FD2] =	sst s25  }
0xa6: {  	s4 =	sshll.u32 s26, $0x1;
	_ =	strace $0x80000049;
	[dreg:$0x1] =	wrdreg $0xFFFFFFFF  }
0xa7: {  	s28 =	simm.s32 $_size_execute0_lowered;
	s2 =	sadd.s32 s2, s4;
	[dreg:$0x0] =	wrdreg $0x0  }
0xa8: {  	s4 =	sshll.u32 s28, $0x1;
	[dreg:$0x2] =	wrdreg s2  }
0xa9: {  	[dreg:$0x3] =	wrdreg s4  }
0xaa: {  	[dreg:$0x4] =	wrdreg $0xC0  }
0xab: {  	_ =	task [dreg:s6], $0x5FFFF  }
0xac: {  	[dreg:$0x1] =	wrdreg $0xFFFFFFFF  }
0xad: {  	[dreg:$0x0] =	wrdreg $0x60  }
0xae: {  	[dreg:$0x2] =	wrdreg s24  }
0xaf: {  	[dreg:$0x3] =	wrdreg $0x9  }
0xb0: {  	_ =	task.clear_ibuf [dreg:s6], $0x4FFFF;
	_ =	strace $0x90000049  }
0xb1: {  	s29 =	simm.s32 $0x9;
	_ =	strace $0x8000004B  }
0xb2: {  	_ =	swait.ge [sflag:s29], $0x1  }
0xb3: {  	[sflag:s29] =	ssyncadd.s32 $0xFFFFFFFF  }
0xb4: {  	_ =	strace $0x9000004B  }
0xb5: {  	_ =	sfence  }
0xb6: {  	s30 =	sld [smem:$0x0];
	_ =	sdelay $0x2  }
0xb7: {  	s31 =	sshll.u32 s1, $0xD;
	s1 =	sshrl.u32 s1, $0x2  }
0xb8: {  	s3 =	sand.u32 $0x4000, s31;
	s1 =	sadd.s32 s1, s30  }
0xb9: {  	s0 =	sor.u32 s3, s0;
	s1 =	sshll.u32 s1, $0x11  }
0xba: {  	s0 =	sor.u32 s1, s0  }
0xbb: {  	s0 =	sadd.s32 $0x8F2B, s0  }
0xbc: {  	[sflag:s0] =	ssyncadd.remote.s32 $0x1  }
0xbd: {  	_ =	sfence.sel $0xFFFF  }
0xbe: {  	[dreg:$0x0] =	wrdreg $0xFFFFFFFF;
	(pc) =	sbr.abs _section_cstart, $3  }
0xbf: {  	[dreg:$0x1] =	wrdreg $0xFFFFFFFF  }
0xc0: {  	_ =	task.clear_ibuf [dreg:s6], $0x2FFFF;
	_ =	strace $0x9FFFFFFF  }
0xc1: {  	(tm) =	ssettm $0x7FFFFFFF  }
tec
execute0_lowered:
.L_overlay_start_1:
0x0: {  	(tag) =	ssettag $0x1  }
0x1: {  	s0 =	srdreg.scid;
	s1 =	stileid.u32  }
0x2: {  	s0 =	sand.u32 $0x1, s0;
	s1 =	sshll.u32 s1, $0x1  }
0x3: {  	s2 =	rddreg [dreg:$0x0];
	s6 =	simm.s32 $0x0;
	s1 =	sor.u32 s0, s1  }
0x4: {  	[smem:$0x7FF] =	sst s6;
	s5 =	sadd.s32 $0x1400, s2;
	s3 =	smul.u32 $0xC80, s1  }
0x5: {  	s0 =	ssub.s32 $0x2, s0;
	s4 =	smul.u32 $0xD00, s1;
	s1 =	sshll.u32 s1, $0xB  }
0x6: {  	_ =	strace $0x8000004A;
	s29 =	sshrl.u32 s0, $0x1;
	s1 =	sadd.s32 s1, s2  }
0x7: {  	[smem:$0x7F9] =	sst s5;
	s0 =	ssub.s32 s0, s29;
	s1 =	sadd.s32 $0x404E00, s1  }
0x8: {  	s3 =	sadd.s32 s3, s2;
	s0 =	smax.u32 s0, $0x1;
	[smem:$0x7FC] =	sst s1  }
0x9: {  	s4 =	sadd.s32 s4, s2;
	s30 =	sadd.s32 $0x3EBE00, s3;
	[smem:$0x7FD] =	sst s0  }
0xa: {  	s31 =	sadd.s32 $0x3D1E00, s4;
	[smem:$0x7FA] =	sst s30  }
0xb: {  	s2 =	simm.s32 $0x0;
	s1 =	simm.s32 $0x3;
	[smem:$0x7FB] =	sst s31  }
.LBB2_1:
0xc: {  	s0 =	sld [smem:$0x7FA];
	_ =	sdelay $0x1  }
0xd: {  	[smem:$0x7F7] =	sst s2  }
0xe: {  	[tilespmem:s6], [sflag:$0x3] =	stream.linear.gather [hbm4b:s0+s6], $0x6400, $0x38;
	[tilespmem:$0x1D400] =	vst v63  }
0xf: {  	_ =	swait.ge [sflag:s1], $0x6400  }
0x10: {  	s10 =	sld [smem:$0x7FB]  }
0x11: {  	[sflag:s1] =	ssyncset.done $0x0  }
0x12: {  	s4 =	simm.s32 $0x6400;
	[sflag:s1] =	ssyncadd.s32 $0xFFFF9C00  }
0x13: {  	[tilespmem:s4], [sflag:$0x3] =	stream.linear.gather [hbm4b:s10+s6], $0x6800, $0x38;
	[tilespmem:$0x1D400] =	vst v63  }
0x14: {  	_ =	swait.ge [sflag:s1], $0x6800  }
0x15: {  	s11 =	sld [smem:$0x7F9]  }
0x16: {  	[sflag:s1] =	ssyncset.done $0x0  }
0x17: {  	s12 =	simm.s32 $0x28;
	s13 =	simm.s32 $0xCC00;
	[sflag:s1] =	ssyncadd.s32 $0xFFFF9800  }
0x18: {  	[tilespmem:s13], [sflag:$0x1] =	stream.indirect.gather [hbm4b:s11+s12], $0x80, s6, s12, $0xb8;
	[tilespmem:$0x1D400] =	vst v63  }
0x19: {  	s14 =	simm.s32 $0xE000  }
0x1a: {  	[tilespmem:s14], [sflag:$0x1] =	stream.indirect.gather [hbm4b:s11+s12], $0x80, s12, s12, $0xb8;
	[tilespmem:$0x1D400] =	vst v63  }
0x1b: {  	s15 =	simm.s32 $0x50;
	s3 =	simm.s32 $0xF400  }
0x1c: {  	[tilespmem:s3], [sflag:$0x1] =	stream.indirect.gather [hbm4b:s11+s12], $0x80, s15, s12, $0xb8;
	[tilespmem:$0x1D400] =	vst v63  }
0x1d: {  	s16 =	simm.s32 $0x78;
	s17 =	simm.s32 $0x10800  }
0x1e: {  	[tilespmem:s17], [sflag:$0x1] =	stream.indirect.gather [hbm4b:s11+s12], $0x80, s16, s12, $0xb8;
	[tilespmem:$0x1D400] =	vst v63  }
0x1f: {  	s18 =	simm.s32 $0xA0;
	s19 =	simm.s32 $0x11C00  }
0x20: {  	[tilespmem:s19], [sflag:$0x1] =	stream.indirect.gather [hbm4b:s11+s12], $0x80, s18, s12, $0xb8;
	[tilespmem:$0x1D400] =	vst v63  }
0x21: {  	s20 =	simm.s32 $0xC8;
	s21 =	simm.s32 $0x13000  }
0x22: {  	[tilespmem:s21], [sflag:$0x2] =	stream.indirect.gather [hbm4b:s11+s12], $0x80, s20, s12, $0xb8;
	[tilespmem:$0x1D400] =	vst v63  }
0x23: {  	s22 =	simm.s32 $0xF0;
	s23 =	simm.s32 $0x14400  }
0x24: {  	[tilespmem:s23], [sflag:$0x2] =	stream.indirect.gather [hbm4b:s11+s12], $0x80, s22, s12, $0xb8;
	[tilespmem:$0x1D400] =	vst v63  }
0x25: {  	s24 =	simm.s32 $0x118;
	s25 =	simm.s32 $0x15800;
	s26 =	simm.s32 $0x140  }
0x26: {  	[tilespmem:s25], [sflag:$0x2] =	stream.indirect.gather [hbm4b:s11+s12], $0x80, s24, s12, $0xb8;
	[tilespmem:$0x1D400] =	vst v63  }
0x27: {  	s28 =	simm.s32 $0x16C00;
	s29 =	simm.s32 $0x168;
	s31 =	simm.s32 $0x64D0  }
0x28: {  	[tilespmem:s28], [sflag:$0x2] =	stream.indirect.gather [hbm4b:s11+s12], $0x80, s26, s12, $0xb8;
	[tilespmem:$0x1D400] =	vst v63  }
0x29: {  	s30 =	simm.s32 $0x18000;
	[smem:$0x7F8] =	sst s31;
	s6 =	simm.s32 $0x0  }
0x2a: {  	[tilespmem:s30], [sflag:$0x2] =	stream.indirect.gather [hbm4b:s11+s12], $0x80, s29, s12, $0xb8;
	[tilespmem:$0x1D400] =	vst v63  }
.LBB2_2:
0x2b: {  	[smem:$0x7F6] =	sst s4;
	s0 =	simm.s32 $0x1  }
0x2c: {  	_ =	swait.ge [sflag:s0], $0x1400  }
0x2d: {  	[sflag:s0] =	ssyncset.done $0x0  }
0x2e: {  	[sflag:s0] =	ssyncadd.s32 $0xFFFFEC00  }
0x2f: {  	_ =	swait.ge [sflag:s0], $0x1400  }
0x30: {  	[sflag:s0] =	ssyncset.done $0x0  }
0x31: {  	[sflag:s0] =	ssyncadd.s32 $0xFFFFEC00  }
0x32: {  	_ =	swait.ge [sflag:s0], $0x1400  }
0x33: {  	[sflag:s0] =	ssyncset.done $0x0  }
0x34: {  	[sflag:s0] =	ssyncadd.s32 $0xFFFFEC00  }
0x35: {  	_ =	swait.ge [sflag:s0], $0x1400  }
0x36: {  	[sflag:s0] =	ssyncset.done $0x0  }
0x37: {  	[sflag:s0] =	ssyncadd.s32 $0xFFFFEC00  }
0x38: {  	_ =	swait.ge [sflag:s0], $0x1400  }
0x39: {  	[sflag:s0] =	ssyncset.done $0x0  }
0x3a: {  	[sflag:s0] =	ssyncadd.s32 $0xFFFFEC00  }
0x3b: {  	v0 =	vld [tilespmem:s4+$0x0];
	_ =	sdelay $0x4  }
0x3c: {  	(v2sf) =	vpush v0, $0xE  }
0x3d: {  	(v2sf) =	vpush v0, $0xF  }
0x3e: {  	(v2sf) =	vpush v0, $0xC;
	_ =	sdelay $0x1  }
0x3f: {  	(v2sf) =	vpush v0, $0xD;
	_ =	sdelay $0x1  }
0x40: {  	(v2sf) =	vpush v0, $0xA;
	_ =	sdelay $0x3  }
0x41: {  	(v2sf) =	vpush v0, $0xB;
	_ =	sdelay $0x1  }
0x42: {  	(v2sf) =	vpush v0, $0x8  }
0x43: {  	s22 =	smul.u32 $0x680, s6  }
0x44: {  	(v2sf) =	vpush v0, $0x9  }
0x45: {  	[smem:$0x7C9] =	sst s6;
	s4 =	sshra.s32 s22, $0x2;
	(v2sf) =	vpush v0, $0x6;
	s21 =	spop (v2sf)  }
0x46: {  	[smem:$0x7CA] =	sst s4;
	s1 =	spop (v2sf);
	s12 =	sand.u32 $0x7F, s21  }
0x47: {  	s13 =	sshll.u32 s21, $0x2;
	s20 =	sadd.s32 $0x10, s21;
	s2 =	spop (v2sf)  }
0x48: {  	(v2sf) =	vpush v0, $0x7;
	s14 =	sand.u32 $0x7F, s1;
	s15 =	sshll.u32 s1, $0x2;
	s4 =	sadd.s32 $0x10, s1  }
0x49: {  	(v2sf) =	vpush v0, $0x4;
	s13 =	sand.u32 $0xFFFFFE00, s13;
	s12 =	sshll.u32 s12, $0x2;
	s3 =	spop (v2sf)  }
0x4a: {  	(v2sf) =	vpush v0, $0x5;
	s16 =	sand.u32 $0x7F, s2;
	s17 =	sshll.u32 s2, $0x2;
	s1 =	sadd.s32 $0x10, s2  }
0x4b: {  	(v2sf) =	vpush v0, $0x2;
	s6 =	sand.u32 $0xFFFFFE00, s15;
	s14 =	sshll.u32 s14, $0x2;
	s5 =	spop (v2sf)  }
0x4c: {  	s18 =	sand.u32 $0x7F, s3;
	s19 =	sshll.u32 s3, $0x2;
	s21 =	sadd.s32 $0x10, s3  }
0x4d: {  	(v2sf) =	vpush v0, $0x3;
	s16 =	sshll.u32 s16, $0x2;
	s23 =	sand.u32 $0x7F, s5;
	s28 =	sshll.u32 s5, $0x2  }
0x4e: {  	(v2sf) =	vpush v0, $0x0;
	s3 =	sadd.s32 $0x10, s5;
	s5 =	sor.u32 s12, s13;
	[smem:$0x7CF] =	sst s23  }
0x4f: {  	s7 =	spop (v2sf);
	s13 =	sor.u32 s14, s6;
	[smem:$0x7DC] =	sst s5  }
0x50: {  	(v2sf) =	vpush v0, $0x1;
	s12 =	sand.u32 $0xFFFFFE00, s17;
	s24 =	sand.u32 $0x7F, s7;
	[smem:$0x7CB] =	sst s13  }
0x51: {  	s8 =	spop (v2sf);
	s17 =	sor.u32 s16, s12;
	[smem:$0x7D0] =	sst s24  }
0x52: {  	s23 =	sand.u32 $0xFFFFFE00, s19;
	s25 =	sand.u32 $0x7F, s8;
	[smem:$0x7CC] =	sst s17  }
0x53: {  	s9 =	spop (v2sf);
	s26 =	sshll.u32 s8, $0x2;
	[smem:$0x7D4] =	sst s25  }
0x54: {  	s10 =	spop (v2sf);
	[smem:$0x7D3] =	sst s26;
	s2 =	sand.u32 $0x7F, s9  }
0x55: {  	s25 =	sshll.u32 s18, $0x2;
	[smem:$0x7D6] =	sst s2;
	s14 =	sand.u32 $0x7F, s10  }
0x56: {  	s26 =	sor.u32 s25, s23;
	[smem:$0x7DA] =	sst s14  }
0x57: {  	s11 =	spop (v2sf);
	[smem:$0x7CD] =	sst s26  }
0x58: {  	s12 =	sand.u32 $0x7F, s11;
	s17 =	sshll.u32 s11, $0x2;
	s2 =	spop (v2sf)  }
0x59: {  	s25 =	sadd.s32 $0x10, s11;
	s5 =	spop (v2sf);
	s16 =	sand.u32 $0x7F, s2  }
0x5a: {  	s11 =	sshll.u32 s2, $0x2;
	s26 =	sadd.s32 $0x10, s2;
	s6 =	spop (v2sf)  }
0x5b: {  	s29 =	sand.u32 $0x7F, s5;
	s30 =	sshll.u32 s5, $0x2;
	s13 =	sand.u32 $0x7F, s6  }
0x5c: {  	s18 =	sadd.s32 $0x10, s5;
	s14 =	spop (v2sf);
	[smem:$0x7E0] =	sst s13  }
0x5d: {  	s0 =	spop (v2sf);
	s5 =	sand.u32 $0x7F, s14;
	s19 =	sshll.u32 s14, $0x2  }
0x5e: {  	s2 =	sadd.s32 $0x10, s14;
	[smem:$0x7E2] =	sst s5;
	s13 =	sand.u32 $0x7F, s0  }
0x5f: {  	s15 =	spop (v2sf);
	s14 =	sshll.u32 s0, $0x2;
	[smem:$0x7E7] =	sst s13  }
0x60: {  	[smem:$0x7E6] =	sst s14;
	s13 =	sand.u32 $0x7F, s15  }
0x61: {  	s14 =	sshll.u32 s15, $0x2;
	[smem:$0x7EB] =	sst s13  }
0x62: {  	[smem:$0x7E8] =	sst s14;
	s13 =	sadd.s32 $0x10, s15;
	s15 =	sand.u32 $0x7F, s20  }
0x63: {  	s14 =	sshll.u32 s20, $0x2;
	[smem:$0x7EF] =	sst s15  }
0x64: {  	s20 =	sshll.u32 s4, $0x2;
	[smem:$0x7EE] =	sst s14  }
0x65: {  	s5 =	sadd.s32 $0x10, s0;
	[smem:$0x7F0] =	sst s20  }
0x66: {  	s0 =	sand.u32 $0xFFFFFE00, s19;
	s15 =	sand.u32 $0x7F, s4;
	s19 =	sld [smem:$0x7E8]  }
0x67: {  	s4 =	sand.u32 $0x7F, s1;
	[smem:$0x7F1] =	sst s15  }
0x68: {  	s14 =	sshll.u32 s1, $0x2;
	[smem:$0x7F3] =	sst s4  }
0x69: {  	s20 =	sand.u32 $0x7F, s21;
	[smem:$0x7F2] =	sst s14  }
0x6a: {  	s1 =	sshll.u32 s21, $0x2;
	[smem:$0x7F5] =	sst s20  }
0x6b: {  	[smem:$0x7F4] =	sst s1  }
0x6c: {  	s4 =	sld [smem:$0x7CF]  }
0x6d: {  	s14 =	sld [smem:$0x7D0]  }
0x6e: {  	s15 =	sand.u32 $0xFFFFFE00, s28;
	s1 =	sld [smem:$0x7D3]  }
0x6f: {  	s20 =	sshll.u32 s3, $0x2;
	[smem:$0x7CE] =	sst s15  }
0x70: {  	s22 =	sshll.u32 s7, $0x2;
	[smem:$0x7D2] =	sst s20  }
0x71: {  	s7 =	sadd.s32 $0x10, s7;
	s15 =	sand.u32 $0x7F, s3;
	s3 =	sld [smem:$0x7D4]  }
0x72: {  	[smem:$0x7D1] =	sst s15;
	s21 =	sshll.u32 s4, $0x2;
	s4 =	sand.u32 $0x7F, s7  }
0x73: {  	s15 =	sand.u32 $0xFFFFFE00, s1;
	s1 =	sshll.u32 s7, $0x2;
	[dreg:$0x1d] =	wrdreg s4  }
0x74: {  	s8 =	sadd.s32 $0x10, s8;
	s24 =	sshll.u32 s9, $0x2;
	[smem:$0x7D5] =	sst s1  }
0x75: {  	s7 =	sshll.u32 s8, $0x2;
	s20 =	sshll.u32 s3, $0x2;
	s3 =	sld [smem:$0x7D6]  }
0x76: {  	s9 =	sadd.s32 $0x10, s9;
	s4 =	sand.u32 $0x7F, s8;
	[smem:$0x7D8] =	sst s7  }
0x77: {  	s31 =	sshll.u32 s10, $0x2;
	s8 =	sand.u32 $0x7F, s9;
	[smem:$0x7D7] =	sst s4  }
0x78: {  	s10 =	sadd.s32 $0x10, s10;
	s1 =	sshll.u32 s9, $0x2;
	[dreg:$0x1e] =	wrdreg s8  }
0x79: {  	s7 =	sshll.u32 s10, $0x2;
	[smem:$0x7D9] =	sst s1  }
0x7a: {  	[smem:$0x7DB] =	sst s7  }
0x7b: {  	s4 =	sand.u32 $0x7F, s10;
	s10 =	sshll.u32 s12, $0x2;
	s12 =	sld [smem:$0x7DC]  }
0x7c: {  	s7 =	sld [smem:$0x7E0]  }
0x7d: {  	s8 =	sand.u32 $0x7F, s25;
	[dreg:$0x1f] =	wrdreg s4  }
0x7e: {  	s1 =	sand.u32 $0xFFFFFE00, s17;
	s17 =	sshll.u32 s25, $0x2;
	[dreg:$0x1c] =	wrdreg s8  }
0x7f: {  	s25 =	sand.u32 $0x7F, s26;
	[smem:$0x7DD] =	sst s17  }
0x80: {  	[smem:$0x7DE] =	sst s25  }
0x81: {  	s23 =	sshll.u32 s6, $0x2;
	s25 =	sld [smem:$0x7E2]  }
0x82: {  	s4 =	sshll.u32 s26, $0x2;
	s28 =	sshll.u32 s3, $0x2;
	s3 =	sld [smem:$0x7DA]  }
0x83: {  	s6 =	sadd.s32 $0x10, s6;
	s8 =	sand.u32 $0x7F, s18;
	[smem:$0x7DF] =	sst s4  }
0x84: {  	s26 =	sand.u32 $0x7F, s6;
	[dreg:$0x1a] =	wrdreg s8  }
0x85: {  	s17 =	sand.u32 $0xFFFFFE00, s30;
	[smem:$0x7E3] =	sst s26  }
0x86: {  	s8 =	sld [smem:$0x7E6];
	s30 =	sshll.u32 s7, $0x2;
	s7 =	sand.u32 $0x7F, s2  }
0x87: {  	s2 =	sshll.u32 s2, $0x2;
	[smem:$0x7E4] =	sst s7  }
0x88: {  	s4 =	sshll.u32 s25, $0x2;
	s25 =	sshll.u32 s6, $0x2;
	[smem:$0x7E5] =	sst s2  }
0x89: {  	s6 =	sand.u32 $0xFFFFFE00, s19;
	s9 =	sshll.u32 s3, $0x2;
	s3 =	sshll.u32 s29, $0x2  }
0x8a: {  	s29 =	sand.u32 $0xFFFFFE00, s23;
	s23 =	sshll.u32 s18, $0x2;
	s18 =	sld [smem:$0x7E7]  }
0x8b: {  	s19 =	sshll.u32 s13, $0x2;
	s7 =	sand.u32 $0xFFFFFE00, s8;
	s8 =	sld [smem:$0x7EB]  }
0x8c: {  	[smem:$0x7ED] =	sst s19  }
0x8d: {  	s19 =	sld [smem:$0x7F2]  }
0x8e: {  	[smem:$0x7E1] =	sst s23;
	s23 =	sand.u32 $0x7F, s5  }
0x8f: {  	s5 =	sshll.u32 s5, $0x2;
	[smem:$0x7E9] =	sst s23  }
0x90: {  	[smem:$0x7EA] =	sst s5  }
0x91: {  	s23 =	sld [smem:$0x7EE]  }
0x92: {  	s5 =	sld [smem:$0x7EF]  }
0x93: {  	s26 =	sshll.u32 s18, $0x2;
	s18 =	sand.u32 $0x7F, s13;
	s13 =	sld [smem:$0x7F0]  }
0x94: {  	[smem:$0x7EC] =	sst s18  }
0x95: {  	s18 =	sld [smem:$0x7F1];
	s2 =	sand.u32 $0xFFFFFE00, s23  }
0x96: {  	[dreg:$0x7] =	wrdreg s2  }
0x97: {  	s2 =	sshll.u32 s5, $0x2;
	s5 =	sld [smem:$0x7F3]  }
0x98: {  	s23 =	sand.u32 $0xFFFFFE00, s13;
	s13 =	sld [smem:$0x7F4]  }
0x99: {  	[dreg:$0x8] =	wrdreg s2  }
0x9a: {  	s2 =	sshll.u32 s18, $0x2;
	s18 =	sld [smem:$0x7F5]  }
0x9b: {  	s22 =	sand.u32 $0xFFFFFE00, s22;
	s24 =	sand.u32 $0xFFFFFE00, s24;
	[dreg:$0x6] =	wrdreg s2  }
0x9c: {  	s31 =	sand.u32 $0xFFFFFE00, s31;
	s2 =	sand.u32 $0xFFFFFE00, s19;
	s19 =	sld [smem:$0x7F6]  }
0x9d: {  	s11 =	sand.u32 $0xFFFFFE00, s11;
	[dreg:$0xe] =	wrdreg s2;
	s2 =	sshll.u32 s5, $0x2  }
0x9e: {  	s16 =	sshll.u32 s16, $0x2;
	[dreg:$0x11] =	wrdreg s2;
	s2 =	sand.u32 $0xFFFFFE00, s13  }
0x9f: {  	s14 =	sshll.u32 s14, $0x2;
	[dreg:$0xb] =	wrdreg s2;
	s2 =	sshll.u32 s18, $0x2  }
0xa0: {  	v1 =	vimm.f32 $0.0e+00;
	s8 =	sshll.u32 s8, $0x2;
	[dreg:$0xc] =	wrdreg s2;
	s2 =	sadd.s32 $0x10, s19  }
0xa1: {  	v2 =	vimm.f32 $0.0e+00;
	v3 =	vimm.f32 $0.0e+00;
	v0 =	vimm.f32 $0.0e+00;
	s13 =	simm.s32 $0x0;
	[dreg:$0x2] =	wrdreg s2;
	s2 =	simm.s32 $0x2000  }
.LBB2_3:
0xa2: {  	[smem:$0x7A4] =	sst s23  }
0xa3: {  	[dreg:$0x4] =	wrdreg s2  }
0xa4: {  	s19 =	sld [smem:$0x7CE]  }
0xa5: {  	s23 =	sld [smem:$0x7D2]  }
0xa6: {  	s5 =	sld [smem:$0x7D1]  }
0xa7: {  	s22 =	sor.u32 s14, s22;
	s14 =	sld [smem:$0x7D5]  }
0xa8: {  	s1 =	sor.u32 s10, s1;
	s10 =	rddreg [dreg:$0x1f]  }
0xa9: {  	s3 =	sor.u32 s3, s17;
	s17 =	sld [smem:$0x7DE]  }
0xaa: {  	s7 =	sor.u32 s26, s7;
	s26 =	sld [smem:$0x7EC]  }
0xab: {  	s18 =	sor.u32 s21, s19;
	s19 =	sld [smem:$0x7D8]  }
0xac: {  	s21 =	sor.u32 s20, s15;
	s20 =	sld [smem:$0x7D7]  }
0xad: {  	p0 =	sne.s32 s2, $0x16000;
	s2 =	sand.u32 $0xFFFFFE00, s23;
	s23 =	sld [smem:$0x7D9]  }
0xae: {  	s15 =	rddreg [dreg:$0x1c]  }
0xaf: {  	[smem:$0x7A0] =	sst s2  }
0xb0: {  	s2 =	sshll.u32 s5, $0x2;
	s5 =	rddreg [dreg:$0x1d]  }
0xb1: {  	[smem:$0x7A1] =	sst s2  }
0xb2: {  	s2 =	sand.u32 $0xFFFFFE00, s14;
	s14 =	sld [smem:$0x7DD]  }
0xb3: {  	s5 =	sshll.u32 s5, $0x2;
	[smem:$0x7A2] =	sst s2  }
0xb4: {  	[smem:$0x7A3] =	sst s5  }
0xb5: {  	s21 =	sshra.s32 s21, $0x2;
	s2 =	sor.u32 s28, s24;
	s24 =	rddreg [dreg:$0x1e]  }
0xb6: {  	s5 =	sand.u32 $0xFFFFFE00, s19;
	s19 =	sor.u32 s9, s31;
	s9 =	sld [smem:$0x7DB]  }
0xb7: {  	s21 =	sadd.s32 s13, s21;
	s28 =	sshll.u32 s15, $0x2;
	s15 =	sld [smem:$0x7CB]  }
0xb8: {  	s1 =	sshra.s32 s1, $0x2;
	s3 =	sshra.s32 s3, $0x2;
	v12 =	vld [tilespmem:s21+$0xD000];
	s21 =	sld [smem:$0x7E9]  }
0xb9: {  	s1 =	sadd.s32 s13, s1;
	[smem:$0x79C] =	sst s5;
	s5 =	sshll.u32 s20, $0x2  }
0xba: {  	s3 =	sadd.s32 s13, s3;
	s2 =	sshra.s32 s2, $0x2;
	[smem:$0x79D] =	sst s5  }
0xbb: {  	s31 =	sand.u32 $0xFFFFFE00, s14;
	s14 =	sor.u32 s16, s11;
	s16 =	sld [smem:$0x7DF]  }
0xbc: {  	s5 =	sand.u32 $0xFFFFFE00, s23;
	s23 =	sshra.s32 s12, $0x2;
	s12 =	rddreg [dreg:$0x2]  }
0xbd: {  	s19 =	sshra.s32 s19, $0x2;
	s11 =	sld [smem:$0x7E1];
	s2 =	sadd.s32 s13, s2  }
0xbe: {  	s19 =	sadd.s32 s13, s19;
	[smem:$0x79E] =	sst s5;
	s5 =	sshll.u32 s24, $0x2  }
0xbf: {  	s20 =	sand.u32 $0xFFFFFE00, s9;
	s24 =	sshll.u32 s10, $0x2;
	s23 =	sadd.s32 s13, s23;
	v11 =	vld [tilespmem:s2+$0xD080]  }
0xc0: {  	s2 =	sor.u32 s8, s6;
	s14 =	sshra.s32 s14, $0x2;
	v13 =	vld [tilespmem:s19+$0xCF00];
	s19 =	sld [smem:$0x7EA]  }
0xc1: {  	v14 =	vld [tilespmem:s1+$0xCF80];
	s1 =	sshll.u32 s21, $0x2;
	[smem:$0x79F] =	sst s5;
	s5 =	sshra.s32 s15, $0x2  }
0xc2: {  	s15 =	sld [smem:$0x7CC];
	v5 =	vld [tilespmem:s23+$0xD300];
	s23 =	sor.u32 s30, s29;
	s6 =	sadd.s32 s13, s14  }
0xc3: {  	s9 =	sand.u32 $0xFFFFFE00, s16;
	s16 =	sshll.u32 s17, $0x2;
	s17 =	rddreg [dreg:$0x1a]  }
0xc4: {  	s10 =	sand.u32 $0xFFFFFE00, s11;
	s5 =	sadd.s32 s13, s5;
	s17 =	sshll.u32 s17, $0x2  }
0xc5: {  	v6 =	vld [tilespmem:s5+$0xD380];
	s5 =	sor.u32 s4, s0;
	s0 =	sand.u32 $0xFFFFFE00, s25;
	s25 =	sshra.s32 s22, $0x2  }
0xc6: {  	s11 =	sshra.s32 s15, $0x2;
	s22 =	sadd.s32 s13, s25;
	s25 =	sld [smem:$0x7E5]  }
0xc7: {  	v4 =	vld [tilespmem:s12+$0x0];
	s4 =	sshra.s32 s18, $0x2;
	s15 =	sadd.s32 s13, s11;
	s11 =	sld [smem:$0x7CD]  }
0xc8: {  	s5 =	sshra.s32 s5, $0x2;
	v10 =	vld [tilespmem:s22+$0xD180];
	s22 =	sshra.s32 s23, $0x2;
	s23 =	sld [smem:$0x7ED]  }
0xc9: {  	s5 =	sadd.s32 s13, s5;
	v7 =	vld [tilespmem:s15+$0xD200];
	s15 =	sld [smem:$0x7E3];
	s8 =	sadd.s32 s13, s22  }
0xca: {  	v18 =	vld [tilespmem:s5+$0xCD80];
	s22 =	sor.u32 s16, s9;
	s5 =	sor.u32 s24, s20;
	s29 =	sshra.s32 s11, $0x2  }
0xcb: {  	v15 =	vld [tilespmem:s6+$0xCE00];
	s11 =	sadd.s32 s13, s4;
	s4 =	sand.u32 $0xFFFFFE00, s19;
	s6 =	sand.u32 $0xFFFFFE00, s23  }
0xcc: {  	s18 =	sadd.s32 s13, s29;
	s15 =	sshll.u32 s15, $0x2;
	v9 =	vld [tilespmem:s11+$0xD100];
	s11 =	sld [smem:$0x7E4]  }
0xcd: {  	s1 =	sor.u32 s1, s4;
	v8 =	vld [tilespmem:s18+$0xD280];
	s18 =	sand.u32 $0xFFFFFE00, s25;
	s25 =	sshra.s32 s7, $0x2  }
0xce: {  	s7 =	sshll.u32 s26, $0x2;
	s26 =	sor.u32 s17, s10;
	s17 =	sld [smem:$0x79E]  }
0xcf: {  	v16 =	vld [tilespmem:s3+$0xCE80];
	s3 =	sadd.s32 s13, s25;
	s25 =	sshra.s32 s22, $0x2;
	s22 =	sld [smem:$0x7A1]  }
0xd0: {  	v17 =	vld [tilespmem:s8+$0xCD00];
	s8 =	sor.u32 s7, s6;
	s4 =	sshra.s32 s26, $0x2;
	s26 =	sld [smem:$0x7A3]  }
0xd1: {  	(v2sf) =	vpush v4, $0xE;
	s7 =	sshra.s32 s5, $0x2;
	v19 =	vld [tilespmem:s3+$0xCC00];
	s3 =	sadd.s32 s13, s25;
	s25 =	sld [smem:$0x7A2]  }
0xd2: {  	(v2sf) =	vpush v4, $0xF;
	s11 =	sshll.u32 s11, $0x2;
	s9 =	sadd.s32 s13, s7;
	s7 =	rddreg [dreg:$0x11]  }
0xd3: {  	(v2sf) =	vpush v4, $0xC;
	s14 =	sshra.s32 s8, $0x2;
	s19 =	sor.u32 s11, s18;
	s11 =	sld [smem:$0x79C]  }
0xd4: {  	(v2sf) =	vpush v4, $0xD;
	s0 =	sor.u32 s15, s0;
	s15 =	sadd.s32 s13, s14;
	s14 =	sld [smem:$0x79D]  }
0xd5: {  	(v2sf) =	vpush v4, $0xA;
	s6 =	sadd.s32 s13, s4;
	s8 =	sor.u32 s28, s31;
	s18 =	sld [smem:$0x79F]  }
0xd6: {  	s2 =	sshra.s32 s2, $0x2;
	(v2sf) =	vpush v4, $0xB;
	v53 =	vld [tilespmem:s6+$0xCE80];
	s10 =	sshra.s32 s8, $0x2;
	s6 =	rddreg [dreg:$0xe]  }
0xd7: {  	(v2sf) =	vpush v4, $0x8;
	v22 =	vld [tilespmem:s15+$0xCC80];
	s21 =	sshra.s32 s19, $0x2;
	s15 =	sadd.s32 s13, s10;
	s10 =	rddreg [dreg:$0xb]  }
0xd8: {  	s2 =	sadd.s32 s13, s2;
	s23 =	sadd.s32 s13, s21;
	s21 =	sld [smem:$0x7A0]  }
0xd9: {  	v20 =	vld [tilespmem:s2+$0xCC80];
	s1 =	sshra.s32 s1, $0x2;
	s2 =	sor.u32 s14, s11;
	s11 =	rddreg [dreg:$0xc]  }
0xda: {  	s16 =	sshra.s32 s2, $0x2;
	s2 =	sor.u32 s18, s17;
	s17 =	rddreg [dreg:$0x8]  }
0xdb: {  	s1 =	sadd.s32 s13, s1;
	s18 =	rddreg [dreg:$0x6]  }
0xdc: {  	v25 =	vld [tilespmem:s3+$0xCE00];
	s19 =	sadd.s32 s13, s16;
	s20 =	sshra.s32 s2, $0x2;
	s2 =	sor.u32 s22, s21  }
0xdd: {  	v56 =	vld [tilespmem:s19+$0xD000];
	s24 =	sshra.s32 s2, $0x2;
	s2 =	sor.u32 s26, s25;
	s19 =	sld [smem:$0x7A4]  }
0xde: {  	v54 =	vld [tilespmem:s9+$0xCF00];
	s16 =	rddreg [dreg:$0x7];
	s5 =	sshra.s32 s2, $0x2;
	s2 =	sor.u32 s7, s6  }
0xdf: {  	v24 =	vld [tilespmem:s23+$0xCD80];
	s23 =	sadd.s32 s13, s20;
	s9 =	sshra.s32 s2, $0x2;
	s2 =	sor.u32 s11, s10  }
0xe0: {  	v55 =	vld [tilespmem:s15+$0xCF80];
	s20 =	spop (v2sf);
	s15 =	sshra.s32 s2, $0x2;
	s3 =	sor.u32 s18, s19  }
0xe1: {  	v21 =	vld [tilespmem:s1+$0xCC00];
	s25 =	spop (v2sf);
	s1 =	sadd.s32 s13, s15;
	s3 =	sshra.s32 s3, $0x2  }
0xe2: {  	s2 =	sor.u32 s17, s16;
	v61 =	vld [tilespmem:s1+$0xD280];
	s1 =	sadd.s32 s13, s3;
	s3 =	spop (v2sf)  }
0xe3: {  	s2 =	sshra.s32 s2, $0x2;
	s6 =	spop (v2sf)  }
0xe4: {  	s2 =	sadd.s32 s13, s2;
	s22 =	spop (v2sf)  }
0xe5: {  	v62 =	vld [tilespmem:s2+$0xD300];
	s2 =	spop (v2sf)  }
0xe6: {  	s8 =	sadd.s32 s13, s5;
	s5 =	spop (v2sf);
	(v2sf) =	vpush v4, $0x9  }
0xe7: {  	(v2sf) =	vpush v4, $0x6;
	_ =	sdelay $0x1  }
0xe8: {  	(v2sf) =	vpush v4, $0x7  }
0xe9: {  	s12 =	sadd.s32 $0x10, s12;
	s0 =	sshra.s32 s0, $0x2  }
0xea: {  	[dreg:$0x2] =	wrdreg s12;
	s0 =	sadd.s32 s13, s0;
	s4 =	sadd.s32 s13, s24;
	(v2sf) =	vpush v4, $0x4  }
0xeb: {  	s24 =	rddreg [dreg:$0x4];
	s21 =	sand.u32 $0x7F, s20;
	s11 =	sadd.s32 $0x10, s20  }
0xec: {  	s14 =	sadd.s32 s13, s9;
	s7 =	sadd.s32 $0x10, s25;
	s15 =	sshll.u32 s20, $0x2;
	(v2sf) =	vpush v4, $0x5  }
0xed: {  	v60 =	vld [tilespmem:s14+$0xD200];
	s20 =	sand.u32 $0x7F, s25;
	s14 =	sshll.u32 s25, $0x2;
	s13 =	sshra.s32 s24, $0x2  }
0xee: {  	v58 =	vld [tilespmem:s4+$0xD100];
	s28 =	sand.u32 $0x7F, s3;
	s24 =	sshll.u32 s3, $0x2;
	s4 =	sadd.s32 $0x10, s3;
	(v2sf) =	vpush v4, $0x2  }
0xef: {  	s30 =	sand.u32 $0x7F, s6;
	s17 =	sshll.u32 s6, $0x2;
	s24 =	sand.u32 $0xFFFFFE00, s24;
	(v2sf) =	vpush v4, $0x3  }
0xf0: {  	s3 =	sadd.s32 $0x10, s6;
	s25 =	sand.u32 $0x7F, s22;
	[smem:$0x7BF] =	sst s24  }
0xf1: {  	s9 =	sadd.s32 $0x10, s22;
	[smem:$0x7A5] =	sst s25;
	s25 =	sshll.u32 s22, $0x2;
	(v2sf) =	vpush v4, $0x0  }
0xf2: {  	s29 =	sand.u32 $0x7F, s2;
	s12 =	sand.u32 $0x7F, s5;
	s24 =	sld [smem:$0x7A5];
	(v2sf) =	vpush v4, $0x1  }
0xf3: {  	s22 =	sshll.u32 s2, $0x2;
	[smem:$0x7A7] =	sst s12;
	s12 =	sshll.u32 s5, $0x2  }
0xf4: {  	s6 =	sadd.s32 $0x10, s2;
	[smem:$0x7A6] =	sst s12;
	s10 =	spop (v2sf)  }
0xf5: {  	s16 =	spop (v2sf);
	s12 =	sand.u32 $0x7F, s10;
	s31 =	sshll.u32 s10, $0x2  }
0xf6: {  	s2 =	sadd.s32 $0x10, s10;
	[smem:$0x7A8] =	sst s12;
	s12 =	sand.u32 $0x7F, s16  }
0xf7: {  	s18 =	spop (v2sf);
	[smem:$0x7AA] =	sst s12;
	s12 =	sshll.u32 s16, $0x2  }
0xf8: {  	s10 =	sadd.s32 $0x10, s16;
	s16 =	sand.u32 $0x7F, s18;
	[smem:$0x7A9] =	sst s12  }
0xf9: {  	s19 =	spop (v2sf);
	[smem:$0x7AC] =	sst s16;
	s16 =	sshll.u32 s18, $0x2  }
0xfa: {  	[smem:$0x7AB] =	sst s16;
	s16 =	sand.u32 $0x7F, s19  }
0xfb: {  	v57 =	vld [tilespmem:s23+$0xD080];
	s23 =	spop (v2sf);
	[smem:$0x7AE] =	sst s16;
	s16 =	sshll.u32 s19, $0x2  }
0xfc: {  	[smem:$0x7AD] =	sst s16;
	s16 =	sadd.s32 $0x10, s18;
	s18 =	sand.u32 $0x7F, s23  }
0xfd: {  	s26 =	spop (v2sf);
	[smem:$0x7B0] =	sst s18;
	s18 =	sshll.u32 s23, $0x2  }
0xfe: {  	v59 =	vld [tilespmem:s8+$0xD180];
	s8 =	spop (v2sf);
	[smem:$0x7AF] =	sst s18;
	s18 =	sand.u32 $0x7F, s26  }
0xff: {  	s12 =	sadd.s32 $0x10, s26;
	[smem:$0x7B2] =	sst s18;
	s18 =	sshll.u32 s26, $0x2  }
0x100: {  	v23 =	vld [tilespmem:s0+$0xCD00];
	s0 =	spop (v2sf);
	s26 =	sand.u32 $0x7F, s8;
	[smem:$0x7B1] =	sst s18  }
0x101: {  	v63 =	vld [tilespmem:s1+$0xD380];
	s1 =	spop (v2sf);
	[smem:$0x7B4] =	sst s26;
	s26 =	sshll.u32 s8, $0x2  }
0x102: {  	s18 =	sand.u32 $0x7F, s1;
	[smem:$0x7B3] =	sst s26  }
0x103: {  	s26 =	sand.u32 $0x7F, s0;
	[smem:$0x7B8] =	sst s18  }
0x104: {  	s18 =	sshll.u32 s1, $0x2;
	[smem:$0x7B6] =	sst s26  }
0x105: {  	s26 =	sshll.u32 s0, $0x2;
	[smem:$0x7B7] =	sst s18  }
0x106: {  	s18 =	sadd.s32 $0x10, s1;
	s1 =	sand.u32 $0xFFFFFE00, s15;
	[smem:$0x7B5] =	sst s26  }
0x107: {  	s15 =	sshll.u32 s21, $0x2;
	[smem:$0x7B9] =	sst s1  }
0x108: {  	s21 =	sand.u32 $0x7F, s11;
	[smem:$0x7BA] =	sst s15  }
0x109: {  	[smem:$0x7BC] =	sst s21;
	s1 =	sand.u32 $0xFFFFFE00, s14  }
0x10a: {  	s14 =	sshll.u32 s20, $0x2;
	[smem:$0x7BD] =	sst s1  }
0x10b: {  	s15 =	sshll.u32 s11, $0x2;
	[smem:$0x7BE] =	sst s14  }
0x10c: {  	s20 =	sand.u32 $0x7F, s7;
	[smem:$0x7BB] =	sst s15  }
0x10d: {  	s21 =	sshll.u32 s7, $0x2;
	[smem:$0x7C2] =	sst s20  }
0x10e: {  	s7 =	sand.u32 $0xFFFFFE00, s17;
	[smem:$0x7C1] =	sst s21  }
0x10f: {  	s11 =	sand.u32 $0x7F, s4;
	[smem:$0x7C5] =	sst s7  }
0x110: {  	s17 =	sand.u32 $0xFFFFFE00, s25;
	[smem:$0x7C4] =	sst s11  }
0x111: {  	s25 =	sand.u32 $0x7F, s9;
	[smem:$0x7CE] =	sst s17  }
0x112: {  	[smem:$0x7D1] =	sst s25  }
0x113: {  	s14 =	sshll.u32 s4, $0x2;
	s4 =	sld [smem:$0x7A6]  }
0x114: {  	s7 =	sld [smem:$0x7A7]  }
0x115: {  	s5 =	sadd.s32 $0x10, s5;
	s1 =	sshll.u32 s28, $0x2;
	s17 =	sld [smem:$0x7A8]  }
0x116: {  	s11 =	sand.u32 $0x7F, s5;
	s25 =	sshll.u32 s5, $0x2;
	s5 =	sld [smem:$0x7AB]  }
0x117: {  	[smem:$0x7C0] =	sst s1  }
0x118: {  	s15 =	sshll.u32 s30, $0x2;
	[smem:$0x7C3] =	sst s14  }
0x119: {  	s20 =	sand.u32 $0x7F, s3;
	[smem:$0x7C6] =	sst s15  }
0x11a: {  	s21 =	sshll.u32 s3, $0x2;
	[smem:$0x7C8] =	sst s20  }
0x11b: {  	s3 =	sand.u32 $0x7F, s6;
	[smem:$0x7C7] =	sst s21  }
0x11c: {  	[dreg:$0x1d] =	wrdreg s3  }
0x11d: {  	[smem:$0x7D7] =	sst s11  }
0x11e: {  	[smem:$0x7D8] =	sst s25  }
0x11f: {  	s3 =	sld [smem:$0x7A9]  }
0x120: {  	s1 =	sshll.u32 s9, $0x2;
	s11 =	sld [smem:$0x7AD]  }
0x121: {  	s9 =	sshll.u32 s6, $0x2;
	[smem:$0x7D2] =	sst s1  }
0x122: {  	s6 =	sand.u32 $0x7F, s10;
	[smem:$0x7D5] =	sst s9  }
0x123: {  	s25 =	sshll.u32 s16, $0x2;
	[dreg:$0x1f] =	wrdreg s6  }
0x124: {  	[smem:$0x7DD] =	sst s25  }
0x125: {  	s1 =	sand.u32 $0x7F, s2;
	s25 =	sld [smem:$0x7B1]  }
0x126: {  	s2 =	sshll.u32 s2, $0x2;
	[dreg:$0x1e] =	wrdreg s1  }
0x127: {  	[smem:$0x7D9] =	sst s2  }
0x128: {  	s2 =	rddreg [dreg:$0x4]  }
0x129: {  	s19 =	sadd.s32 $0x10, s19;
	s15 =	sand.u32 $0xFFFFFE00, s4;
	s4 =	sld [smem:$0x7AA]  }
0x12a: {  	s20 =	sshll.u32 s7, $0x2;
	s7 =	sshll.u32 s10, $0x2;
	s10 =	sld [smem:$0x7AC]  }
0x12b: {  	s6 =	sand.u32 $0x7F, s19;
	s1 =	sand.u32 $0xFFFFFE00, s5;
	s5 =	sld [smem:$0x7B0]  }
0x12c: {  	[smem:$0x7DE] =	sst s6  }
0x12d: {  	s28 =	sshll.u32 s17, $0x2;
	s17 =	sand.u32 $0x7F, s16;
	[smem:$0x7DB] =	sst s7  }
0x12e: {  	s21 =	sshll.u32 s24, $0x2;
	s24 =	sand.u32 $0xFFFFFE00, s31;
	[dreg:$0x1c] =	wrdreg s17  }
0x12f: {  	s6 =	sand.u32 $0x7F, s12;
	s31 =	sand.u32 $0xFFFFFE00, s3;
	s3 =	sld [smem:$0x7AE]  }
0x130: {  	s23 =	sadd.s32 $0x10, s23;
	s7 =	sshll.u32 s19, $0x2;
	[smem:$0x7E3] =	sst s6  }
0x131: {  	s19 =	sand.u32 $0x7F, s23;
	[smem:$0x7DF] =	sst s7  }
0x132: {  	[dreg:$0x1a] =	wrdreg s19  }
0x133: {  	s26 =	sadd.s32 $0x10, s8;
	s14 =	sshll.u32 s29, $0x2;
	s19 =	sld [smem:$0x7B4]  }
0x134: {  	s6 =	sshll.u32 s26, $0x2;
	s9 =	sshll.u32 s4, $0x2;
	s4 =	sld [smem:$0x7AF]  }
0x135: {  	s29 =	sand.u32 $0xFFFFFE00, s25;
	s25 =	sshll.u32 s12, $0x2;
	[smem:$0x7E5] =	sst s6  }
0x136: {  	s12 =	sld [smem:$0x7B6];
	s16 =	sshll.u32 s3, $0x2;
	s3 =	sshll.u32 s5, $0x2  }
0x137: {  	s5 =	sshll.u32 s23, $0x2;
	s17 =	sand.u32 $0xFFFFFE00, s4;
	s4 =	sld [smem:$0x7B2]  }
0x138: {  	s8 =	sadd.s32 $0x10, s0;
	s23 =	sand.u32 $0x7F, s26;
	[smem:$0x7E1] =	sst s5  }
0x139: {  	[smem:$0x7E4] =	sst s23;
	s23 =	sand.u32 $0x7F, s8  }
0x13a: {  	s30 =	sshll.u32 s4, $0x2;
	s4 =	sshll.u32 s19, $0x2;
	s19 =	sld [smem:$0x7B7]  }
0x13b: {  	s26 =	sshll.u32 s12, $0x2;
	s12 =	sshll.u32 s8, $0x2;
	[smem:$0x7E9] =	sst s23  }
0x13c: {  	[smem:$0x7EA] =	sst s12  }
0x13d: {  	s6 =	sand.u32 $0xFFFFFE00, s19;
	s19 =	sld [smem:$0x7B8]  }
0x13e: {  	s23 =	sand.u32 $0x7F, s18;
	s12 =	sshll.u32 s18, $0x2;
	s18 =	sld [smem:$0x7B9]  }
0x13f: {  	[smem:$0x7EC] =	sst s23  }
0x140: {  	s8 =	sshll.u32 s19, $0x2;
	s19 =	sld [smem:$0x7BA]  }
0x141: {  	s23 =	sld [smem:$0x7BB]  }
0x142: {  	[smem:$0x7ED] =	sst s12  }
0x143: {  	s12 =	sor.u32 s19, s18;
	s18 =	sld [smem:$0x7BC]  }
0x144: {  	s5 =	sand.u32 $0xFFFFFE00, s23;
	s23 =	sld [smem:$0x7BE]  }
0x145: {  	s19 =	sld [smem:$0x7BD]  }
0x146: {  	[dreg:$0x7] =	wrdreg s5;
	s5 =	sshll.u32 s18, $0x2  }
0x147: {  	[dreg:$0x8] =	wrdreg s5  }
0x148: {  	s5 =	sor.u32 s23, s19;
	s19 =	sld [smem:$0x7BF]  }
0x149: {  	s23 =	sld [smem:$0x7C0]  }
0x14a: {  	s18 =	sld [smem:$0x7C1]  }
0x14b: {  	[smem:$0x7CB] =	sst s5  }
0x14c: {  	v3 =	vadd.f32 v20, v3;
	v1 =	vadd.f32 v19, v1;
	s5 =	sor.u32 s23, s19;
	s19 =	sld [smem:$0x7C2]  }
0x14d: {  	v2 =	vadd.f32 v21, v2;
	v0 =	vadd.f32 v22, v0;
	s23 =	sand.u32 $0xFFFFFE00, s18;
	s18 =	sld [smem:$0x7C3]  }
0x14e: {  	v3 =	vadd.f32 v18, v3;
	v1 =	vadd.f32 v17, v1;
	[smem:$0x7CC] =	sst s5  }
0x14f: {  	v2 =	vadd.f32 v23, v2;
	v0 =	vadd.f32 v24, v0;
	s5 =	sshll.u32 s19, $0x2;
	s19 =	sld [smem:$0x7C4]  }
0x150: {  	v3 =	vadd.f32 v16, v3;
	v1 =	vadd.f32 v15, v1;
	[dreg:$0x6] =	wrdreg s5  }
0x151: {  	v2 =	vadd.f32 v25, v2;
	v0 =	vadd.f32 v53, v0;
	s5 =	sand.u32 $0xFFFFFE00, s18;
	s18 =	sld [smem:$0x7C5]  }
0x152: {  	v3 =	vadd.f32 v14, v3;
	v1 =	vadd.f32 v13, v1;
	[dreg:$0xe] =	wrdreg s5  }
0x153: {  	v2 =	vadd.f32 v54, v2;
	v0 =	vadd.f32 v55, v0;
	s5 =	sshll.u32 s19, $0x2;
	s19 =	sld [smem:$0x7C6]  }
0x154: {  	v3 =	vadd.f32 v11, v3;
	v1 =	vadd.f32 v12, v1;
	s7 =	sld [smem:$0x7B3]  }
0x155: {  	v2 =	vadd.f32 v56, v2;
	v0 =	vadd.f32 v57, v0;
	[dreg:$0x11] =	wrdreg s5  }
0x156: {  	v3 =	vadd.f32 v10, v3;
	v1 =	vadd.f32 v9, v1;
	s5 =	sor.u32 s19, s18;
	s18 =	sld [smem:$0x7C7]  }
.Ltmp0:
0x157: {  	v2 =	vadd.f32 v58, v2;
	v0 =	vadd.f32 v59, v0;
	s19 =	sld [smem:$0x7C8];
	(pc) =	sbr.rel @p0 .LBB2_3-.Ltmp0, $4  }
0x158: {  	v3 =	vadd.f32 v8, v3;
	v1 =	vadd.f32 v7, v1;
	s22 =	sand.u32 $0xFFFFFE00, s22;
	s0 =	sand.u32 $0xFFFFFE00, s7;
	s7 =	sld [smem:$0x7B5]  }
0x159: {  	v2 =	vadd.f32 v60, v2;
	v0 =	vadd.f32 v61, v0;
	s11 =	sand.u32 $0xFFFFFE00, s11;
	[smem:$0x7CD] =	sst s5;
	s5 =	sand.u32 $0xFFFFFE00, s18  }
0x15a: {  	v3 =	vadd.f32 v6, v3;
	v1 =	vadd.f32 v5, v1;
	s2 =	sadd.s32 $0x2000, s2;
	[dreg:$0xb] =	wrdreg s5;
	s5 =	sshll.u32 s19, $0x2  }
0x15b: {  	v2 =	vadd.f32 v62, v2;
	v0 =	vadd.f32 v63, v0;
	s10 =	sshll.u32 s10, $0x2;
	s7 =	sand.u32 $0xFFFFFE00, s7;
	[dreg:$0xc] =	wrdreg s5  }
0x15c: {  	s2 =	smov.u32 s12;
	s5 =	sld [smem:$0x7CE]  }
0x15d: {  	s14 =	sor.u32 s14, s22;
	s15 =	sor.u32 s20, s15;
	s18 =	sor.u32 s28, s24  }
0x15e: {  	s19 =	sor.u32 s9, s31;
	s6 =	sor.u32 s8, s6;
	s8 =	sld [smem:$0x7EA]  }
0x15f: {  	s20 =	sor.u32 s10, s1;
	s11 =	sor.u32 s16, s11;
	s10 =	sld [smem:$0x7E9]  }
0x160: {  	s16 =	sor.u32 s3, s17;
	s17 =	sor.u32 s30, s29;
	s22 =	sld [smem:$0x7EC]  }
0x161: {  	s9 =	sor.u32 s4, s0;
	s7 =	sor.u32 s26, s7;
	s24 =	sld [smem:$0x7CB]  }
0x162: {  	s26 =	sand.u32 $0xFFFFFE00, s25;
	s25 =	sld [smem:$0x7E5];
	s9 =	sshra.s32 s9, $0x2  }
0x163: {  	s7 =	sshra.s32 s7, $0x2;
	s6 =	sshra.s32 s6, $0x2;
	s9 =	sadd.s32 s13, s9  }
0x164: {  	s7 =	sadd.s32 s13, s7;
	s12 =	sor.u32 s21, s5;
	s21 =	sld [smem:$0x7ED]  }
0x165: {  	s6 =	sadd.s32 s13, s6;
	s1 =	sand.u32 $0xFFFFFE00, s8;
	s8 =	sld [smem:$0x7E3]  }
0x166: {  	s5 =	sshra.s32 s2, $0x2;
	s2 =	sshll.u32 s10, $0x2;
	s10 =	sld [smem:$0x7CC]  }
0x167: {  	s4 =	sshll.u32 s22, $0x2;
	s2 =	sor.u32 s2, s1;
	s0 =	sadd.s32 s13, s5  }
0x168: {  	s22 =	sshra.s32 s12, $0x2;
	s12 =	sld [smem:$0x7DF];
	s2 =	sshra.s32 s2, $0x2  }
0x169: {  	v4 =	vld [tilespmem:s0+$0xD300];
	s3 =	sand.u32 $0xFFFFFE00, s21;
	s5 =	sshll.u32 s8, $0x2;
	s0 =	sshra.s32 s10, $0x2  }
0x16a: {  	s21 =	sld [smem:$0x7CD];
	s2 =	sadd.s32 s13, s2;
	s1 =	sor.u32 s4, s3  }
0x16b: {  	s3 =	sshra.s32 s24, $0x2;
	s5 =	sor.u32 s5, s26;
	s0 =	sadd.s32 s13, s0  }
0x16c: {  	s26 =	sld [smem:$0x7E4];
	s4 =	sadd.s32 s13, s22;
	s22 =	sshra.s32 s19, $0x2  }
0x16d: {  	s19 =	rddreg [dreg:$0x1d];
	s3 =	sadd.s32 s13, s3;
	v6 =	vld [tilespmem:s0+$0xD200];
	s0 =	sand.u32 $0xFFFFFE00, s12  }
0x16e: {  	s1 =	sshra.s32 s1, $0x2;
	s5 =	sshra.s32 s5, $0x2;
	v5 =	vld [tilespmem:s3+$0xD380];
	s3 =	sshra.s32 s21, $0x2  }
0x16f: {  	s21 =	sshra.s32 s18, $0x2;
	s18 =	sshra.s32 s16, $0x2;
	s24 =	sadd.s32 s13, s3  }
0x170: {  	s3 =	sand.u32 $0xFFFFFE00, s25;
	s8 =	sshll.u32 s26, $0x2;
	s25 =	sld [smem:$0x7D2]  }
0x171: {  	s26 =	sshra.s32 s20, $0x2;
	s20 =	sld [smem:$0x7D8];
	s10 =	sor.u32 s8, s3  }
0x172: {  	v20 =	vld [tilespmem:s6+$0xCC80];
	s8 =	sshra.s32 s14, $0x2;
	s14 =	sshra.s32 s15, $0x2;
	s15 =	sld [smem:$0x7DE]  }
0x173: {  	s1 =	sadd.s32 s13, s1;
	v7 =	vld [tilespmem:s24+$0xD280];
	s24 =	sadd.s32 s13, s21;
	s21 =	sld [smem:$0x7D7]  }
0x174: {  	v8 =	vld [tilespmem:s4+$0xD100];
	s3 =	sadd.s32 s13, s8;
	s4 =	sadd.s32 s13, s14;
	s8 =	sld [smem:$0x7D1]  }
0x175: {  	v11 =	vld [tilespmem:s24+$0xD080];
	s14 =	sshra.s32 s11, $0x2;
	s11 =	sadd.s32 s13, s18;
	s18 =	sld [smem:$0x7DB]  }
0x176: {  	s24 =	sshra.s32 s17, $0x2;
	v10 =	vld [tilespmem:s4+$0xD000];
	s4 =	sadd.s32 s13, s26;
	s26 =	rddreg [dreg:$0x1e]  }
0x177: {  	s5 =	sadd.s32 s13, s5;
	v22 =	vld [tilespmem:s1+$0xCC80];
	s16 =	sadd.s32 s13, s24;
	s24 =	rddreg [dreg:$0x1a]  }
0x178: {  	s10 =	sshra.s32 s10, $0x2;
	v9 =	vld [tilespmem:s3+$0xD180];
	s3 =	sshll.u32 s15, $0x2;
	s15 =	sld [smem:$0x7D5]  }
0x179: {  	v15 =	vld [tilespmem:s11+$0xCE80];
	s12 =	sor.u32 s3, s0;
	s0 =	sand.u32 $0xFFFFFE00, s25;
	s25 =	sld [smem:$0x7CA]  }
0x17a: {  	s11 =	sshll.u32 s21, $0x2;
	v17 =	vld [tilespmem:s16+$0xCD00];
	s21 =	rddreg [dreg:$0x1c];
	s3 =	sadd.s32 s13, s22  }
0x17b: {  	s17 =	sshll.u32 s26, $0x2;
	s1 =	sshll.u32 s24, $0x2;
	s22 =	sld [smem:$0x7D9];
	v12 =	vld [tilespmem:s3+$0xCF00]  }
0x17c: {  	s16 =	sand.u32 $0xFFFFFE00, s18;
	s6 =	sshll.u32 s21, $0x2;
	s3 =	sshll.u32 s8, $0x2;
	v16 =	vld [tilespmem:s25+$0x64C0]  }
0x17d: {  	v13 =	vld [tilespmem:s4+$0xCF80];
	s8 =	sadd.s32 s13, s14;
	s14 =	sand.u32 $0xFFFFFE00, s20;
	s20 =	sld [smem:$0x7DD]  }
0x17e: {  	s26 =	sshra.s32 s12, $0x2;
	s4 =	sand.u32 $0xFFFFFE00, s15;
	v14 =	vld [tilespmem:s8+$0xCE00];
	s8 =	sshll.u32 s19, $0x2  }
0x17f: {  	s19 =	rddreg [dreg:$0x1f];
	s12 =	sadd.s32 s13, s26;
	s0 =	sor.u32 s3, s0  }
0x180: {  	v18 =	vld [tilespmem:s9+$0xCD80];
	s15 =	sand.u32 $0xFFFFFE00, s22;
	s9 =	sshll.u32 s19, $0x2;
	s22 =	sld [smem:$0x7E1]  }
0x181: {  	v19 =	vld [tilespmem:s7+$0xCC00];
	s25 =	sadd.s32 s13, s10;
	s0 =	sshra.s32 s0, $0x2;
	s10 =	sor.u32 s8, s4;
	(v2sf) =	vpush v16, $0x0  }
0x182: {  	v25 =	vld [tilespmem:s12+$0xCE00];
	s12 =	rddreg [dreg:$0xe];
	s7 =	sand.u32 $0xFFFFFE00, s20;
	s16 =	sor.u32 s9, s16  }
0x183: {  	v21 =	vld [tilespmem:s2+$0xCC00];
	s26 =	sor.u32 s17, s15;
	s0 =	sadd.s32 s13, s0;
	s17 =	rddreg [dreg:$0xb];
	(v2sf) =	vpush v16, $0x1  }
0x184: {  	v23 =	vld [tilespmem:s5+$0xCD00];
	s18 =	sshra.s32 s16, $0x2;
	s19 =	sor.u32 s6, s7;
	s7 =	sshra.s32 s26, $0x2  }
0x185: {  	v24 =	vld [tilespmem:s25+$0xCD80];
	s26 =	rddreg [dreg:$0x6];
	s2 =	sand.u32 $0xFFFFFE00, s22;
	s20 =	sadd.s32 s13, s18;
	(v2sf) =	vpush v16, $0x2  }
0x186: {  	v31 =	vld [tilespmem:s0+$0xD100];
	s21 =	sshra.s32 s19, $0x2;
	s22 =	sor.u32 s11, s14;
	s14 =	rddreg [dreg:$0x11]  }
0x187: {  	s9 =	sadd.s32 s13, s7;
	s11 =	sshra.s32 s10, $0x2;
	s18 =	rddreg [dreg:$0xc];
	v27 =	vld [tilespmem:s20+$0xCF00];
	(v2sf) =	vpush v16, $0x3  }
0x188: {  	s1 =	sor.u32 s1, s2;
	s24 =	sadd.s32 s13, s21;
	s25 =	sshra.s32 s22, $0x2;
	v30 =	vld [tilespmem:s9+$0xD080]  }
0x189: {  	s2 =	sor.u32 s14, s12;
	s15 =	sadd.s32 s13, s11;
	s21 =	rddreg [dreg:$0x7];
	v28 =	vld [tilespmem:s24+$0xCF80];
	(v2sf) =	vpush v16, $0x4  }
0x18a: {  	s22 =	rddreg [dreg:$0x8];
	s1 =	sshra.s32 s1, $0x2;
	s6 =	sadd.s32 s13, s25;
	v32 =	vld [tilespmem:s15+$0xD180]  }
0x18b: {  	s16 =	sshra.s32 s2, $0x2;
	s2 =	sor.u32 s18, s17;
	s1 =	sadd.s32 s13, s1;
	v29 =	vld [tilespmem:s6+$0xD000];
	(v2sf) =	vpush v16, $0x5  }
0x18c: {  	s19 =	sadd.s32 s13, s16;
	s20 =	sshra.s32 s2, $0x2;
	s2 =	sor.u32 s22, s21;
	v26 =	vld [tilespmem:s1+$0xCE80]  }
0x18d: {  	v33 =	vld [tilespmem:s19+$0xD200];
	s24 =	sadd.s32 s13, s20;
	s25 =	sshra.s32 s2, $0x2;
	s2 =	sor.u32 s26, s23;
	(v2sf) =	vpush v16, $0x6  }
0x18e: {  	v34 =	vld [tilespmem:s24+$0xD280];
	s1 =	sadd.s32 s13, s25;
	s3 =	sshra.s32 s2, $0x2  }
0x18f: {  	v35 =	vld [tilespmem:s1+$0xD300];
	s4 =	sadd.s32 s13, s3;
	(v2sf) =	vpush v16, $0x7  }
0x190: {  	v1 =	vadd.f32 v19, v1;
	v3 =	vadd.f32 v20, v3;
	v49 =	vld [tilespmem:s4+$0xD380];
	s5 =	spop (v2sf)  }
0x191: {  	v2 =	vadd.f32 v21, v2;
	v0 =	vadd.f32 v22, v0;
	v36 =	vld [tilespmem:s5+$0x12C00]  }
0x192: {  	v3 =	vadd.f32 v18, v3;
	v1 =	vadd.f32 v17, v1;
	s6 =	spop (v2sf);
	v50 =	vld [tilespmem:s5+$0x12C10]  }
0x193: {  	v2 =	vadd.f32 v23, v2;
	v0 =	vadd.f32 v24, v0;
	v51 =	vld [tilespmem:s6+$0x12C80]  }
0x194: {  	v3 =	vadd.f32 v15, v3;
	v1 =	vadd.f32 v14, v1;
	v52 =	vld [tilespmem:s6+$0x12C90];
	s7 =	spop (v2sf)  }
0x195: {  	v2 =	vadd.f32 v25, v2;
	v0 =	vadd.f32 v26, v0;
	v53 =	vld [tilespmem:s7+$0x12D00]  }
0x196: {  	v3 =	vadd.f32 v13, v3;
	v1 =	vadd.f32 v12, v1;
	s8 =	spop (v2sf);
	v54 =	vld [tilespmem:s7+$0x12D10]  }
0x197: {  	v2 =	vadd.f32 v27, v2;
	v0 =	vadd.f32 v28, v0;
	v55 =	vld [tilespmem:s8+$0x12D80]  }
0x198: {  	v3 =	vadd.f32 v11, v3;
	v1 =	vadd.f32 v10, v1;
	s4 =	sld [smem:$0x7C9];
	v56 =	vld [tilespmem:s8+$0x12D90];
	s9 =	spop (v2sf)  }
0x199: {  	v2 =	vadd.f32 v29, v2;
	v0 =	vadd.f32 v30, v0;
	v57 =	vld [tilespmem:s9+$0x12E00]  }
0x19a: {  	v3 =	vadd.f32 v9, v3;
	v1 =	vadd.f32 v8, v1;
	s10 =	spop (v2sf);
	v58 =	vld [tilespmem:s9+$0x12E10]  }
0x19b: {  	p0 =	seq.s32 s4, $0x3F;
	v2 =	vadd.f32 v31, v2;
	v0 =	vadd.f32 v32, v0;
	v59 =	vld [tilespmem:s10+$0x12E80]  }
0x19c: {  	v3 =	vadd.f32 v7, v3;
	v1 =	vadd.f32 v6, v1;
	s1 =	smul.u32 @!p0 $0x640, s4;
	v60 =	vld [tilespmem:s10+$0x12E90];
	s11 =	spop (v2sf)  }
0x19d: {  	s3 =	sld [smem:$0x7F9];
	v2 =	vadd.f32 v33, v2;
	v0 =	vadd.f32 v34, v0;
	v61 =	vld [tilespmem:s11+$0x12F00]  }
0x19e: {  	v3 =	vadd.f32 v5, v3;
	v1 =	vadd.f32 v4, v1;
	s5 =	sshra.s32 @!p0 s1, $0x2;
	s12 =	spop (v2sf);
	v62 =	vld [tilespmem:s11+$0x12F10]  }
0x19f: {  	s2 =	simm.s32 @!p0 $0xCC00;
	v2 =	vadd.f32 v35, v2;
	s1 =	simm.s32 @!p0 $0x28;
	s0 =	sadd.s32 @!p0 $0x190, s5;
	v0 =	vadd.f32 v49, v0;
	v63 =	vld [tilespmem:s12+$0x12F80]  }
0x1a0: {  	v1 =	vadd.f32 v36, v1;
	v3 =	vadd.f32 v51, v3;
	v4 =	vld [tilespmem:s12+$0x12F90];
	[tilespmem:s2], [sflag:$0x1] =	stream.indirect.gather @!p0 [hbm4b:s3+s1], $0x80, s0, s1, $0xb8  }
0x1a1: {  	v2 =	vadd.f32 v50, v2;
	v0 =	vadd.f32 v52, v0;
	s0 =	sadd.s32 @!p0 $0x1B8, s5;
	s2 =	simm.s32 @!p0 $0xE000  }
0x1a2: {  	v1 =	vadd.f32 v53, v1;
	v3 =	vadd.f32 v55, v3;
	[tilespmem:s2], [sflag:$0x1] =	stream.indirect.gather @!p0 [hbm4b:s3+s1], $0x80, s0, s1, $0xb8;
	[tilespmem:$0x1D400] =	vst v63  }
0x1a3: {  	v2 =	vadd.f32 v54, v2;
	v0 =	vadd.f32 v56, v0;
	s0 =	sadd.s32 @!p0 $0x1E0, s5;
	s2 =	simm.s32 @!p0 $0xF400  }
0x1a4: {  	v1 =	vadd.f32 v57, v1;
	v3 =	vadd.f32 v59, v3;
	[tilespmem:s2], [sflag:$0x1] =	stream.indirect.gather @!p0 [hbm4b:s3+s1], $0x80, s0, s1, $0xb8;
	[tilespmem:$0x1D400] =	vst v63  }
0x1a5: {  	v2 =	vadd.f32 v58, v2;
	v0 =	vadd.f32 v60, v0;
	s0 =	sadd.s32 @!p0 $0x208, s5;
	s2 =	simm.s32 @!p0 $0x10800  }
0x1a6: {  	v1 =	vadd.f32 v61, v1;
	v3 =	vadd.f32 v63, v3;
	[tilespmem:s2], [sflag:$0x1] =	stream.indirect.gather @!p0 [hbm4b:s3+s1], $0x80, s0, s1, $0xb8;
	[tilespmem:$0x1D400] =	vst v63  }
0x1a7: {  	s13 =	sshll.u32 s4, $0x8;
	v2 =	vadd.f32 v62, v2;
	v0 =	vadd.f32 v4, v0;
	s0 =	sadd.s32 @!p0 $0x230, s5;
	s2 =	simm.s32 @!p0 $0x11C00  }
0x1a8: {  	v1 =	vadd.f32 v3, v1;
	[tilespmem:s2], [sflag:$0x1] =	stream.indirect.gather @!p0 [hbm4b:s3+s1], $0x80, s0, s1, $0xb8;
	[tilespmem:$0x1D400] =	vst v63  }
0x1a9: {  	v0 =	vadd.f32 v0, v2;
	s0 =	sand.u32 $0x3FFFFF00, s13  }
0x1aa: {  	[tilespmem:s0+$0x19400] =	vst v1  }
0x1ab: {  	s14 =	simm.s32 $0x2;
	[smem:$0x773] =	sst s5;
	[tilespmem:s0+$0x19410] =	vst v0  }
0x1ac: {  	_ =	swait.ge [sflag:s14], $0x1400  }
0x1ad: {  	[sflag:s14] =	ssyncset.done $0x0  }
0x1ae: {  	[sflag:s14] =	ssyncadd.s32 $0xFFFFEC00  }
0x1af: {  	_ =	swait.ge [sflag:s14], $0x1400  }
0x1b0: {  	[sflag:s14] =	ssyncset.done $0x0  }
0x1b1: {  	[sflag:s14] =	ssyncadd.s32 $0xFFFFEC00  }
0x1b2: {  	_ =	swait.ge [sflag:s14], $0x1400  }
0x1b3: {  	[sflag:s14] =	ssyncset.done $0x0  }
0x1b4: {  	[sflag:s14] =	ssyncadd.s32 $0xFFFFEC00  }
0x1b5: {  	_ =	swait.ge [sflag:s14], $0x1400  }
0x1b6: {  	[sflag:s14] =	ssyncset.done $0x0  }
0x1b7: {  	[sflag:s14] =	ssyncadd.s32 $0xFFFFEC00  }
0x1b8: {  	_ =	swait.ge [sflag:s14], $0x1400  }
0x1b9: {  	s15 =	sld [smem:$0x7F8]  }
0x1ba: {  	[sflag:s14] =	ssyncset.done $0x0  }
0x1bb: {  	[sflag:s14] =	ssyncadd.s32 $0xFFFFEC00  }
0x1bc: {  	v0 =	vld [tilespmem:s15+$0x0];
	_ =	sdelay $0x4  }
0x1bd: {  	(v2sf) =	vpush v0, $0xE  }
0x1be: {  	(v2sf) =	vpush v0, $0xF;
	_ =	sdelay $0x1  }
0x1bf: {  	(v2sf) =	vpush v0, $0xC;
	_ =	sdelay $0x1  }
0x1c0: {  	(v2sf) =	vpush v0, $0xD;
	_ =	sdelay $0x1  }
0x1c1: {  	(v2sf) =	vpush v0, $0xA;
	_ =	sdelay $0x1  }
0x1c2: {  	(v2sf) =	vpush v0, $0xB;
	_ =	sdelay $0x1  }
0x1c3: {  	s4 =	sshll.u32 s4, $0x1  }
0x1c4: {  	s4 =	sor.u32 $0x1, s4  }
0x1c5: {  	[smem:$0x774] =	sst s4;
	s4 =	smul.u32 $0x340, s4  }
0x1c6: {  	(v2sf) =	vpush v0, $0x8  }
0x1c7: {  	s4 =	sshra.s32 s4, $0x2;
	[smem:$0x7F8] =	sst s15;
	s16 =	spop (v2sf)  }
0x1c8: {  	[smem:$0x775] =	sst s4;
	(v2sf) =	vpush v0, $0x9;
	s17 =	spop (v2sf)  }
0x1c9: {  	(v2sf) =	vpush v0, $0x6;
	s4 =	sand.u32 $0x7F, s16;
	s14 =	sshll.u32 s16, $0x2;
	s23 =	sadd.s32 $0x10, s16  }
0x1ca: {  	(v2sf) =	vpush v0, $0x7;
	s19 =	spop (v2sf);
	s13 =	sand.u32 $0x7F, s17;
	s16 =	sshll.u32 s17, $0x2  }
0x1cb: {  	(v2sf) =	vpush v0, $0x4;
	s1 =	sadd.s32 $0x10, s17;
	s3 =	sand.u32 $0xFFFFFE00, s14;
	s11 =	sshll.u32 s4, $0x2  }
0x1cc: {  	(v2sf) =	vpush v0, $0x5;
	s20 =	spop (v2sf);
	s15 =	sand.u32 $0x7F, s19;
	s18 =	sshll.u32 s19, $0x2  }
0x1cd: {  	(v2sf) =	vpush v0, $0x2;
	s21 =	sadd.s32 $0x10, s19;
	s5 =	sor.u32 s11, s3;
	s11 =	sand.u32 $0xFFFFFE00, s16  }
0x1ce: {  	s13 =	sshll.u32 s13, $0x2;
	s24 =	spop (v2sf);
	s17 =	sand.u32 $0x7F, s20  }
0x1cf: {  	s25 =	sshll.u32 s20, $0x2;
	[smem:$0x776] =	sst s5;
	s12 =	sand.u32 $0xFFFFFE00, s18  }
0x1d0: {  	(v2sf) =	vpush v0, $0x3;
	s15 =	sshll.u32 s15, $0x2;
	s13 =	sor.u32 s13, s11;
	s6 =	spop (v2sf)  }
0x1d1: {  	(v2sf) =	vpush v0, $0x0;
	s26 =	sand.u32 $0x7F, s24;
	s22 =	sshll.u32 s24, $0x2;
	[smem:$0x777] =	sst s13  }
0x1d2: {  	s16 =	sor.u32 s15, s12;
	s18 =	sand.u32 $0xFFFFFE00, s25;
	[smem:$0x77B] =	sst s26  }
0x1d3: {  	(v2sf) =	vpush v0, $0x1;
	s25 =	sshll.u32 s17, $0x2;
	s2 =	sand.u32 $0x7F, s6;
	[smem:$0x778] =	sst s16  }
0x1d4: {  	s19 =	sadd.s32 $0x10, s24;
	s26 =	sor.u32 s25, s18;
	[smem:$0x77C] =	sst s2  }
0x1d5: {  	s7 =	spop (v2sf);
	s22 =	sand.u32 $0xFFFFFE00, s22;
	[smem:$0x779] =	sst s26  }
0x1d6: {  	s24 =	sshll.u32 s6, $0x2;
	s4 =	sand.u32 $0x7F, s7;
	[smem:$0x77A] =	sst s22  }
0x1d7: {  	s8 =	spop (v2sf);
	s22 =	sand.u32 $0x7F, s19;
	[smem:$0x77D] =	sst s4  }
0x1d8: {  	s0 =	sadd.s32 $0x10, s6;
	s9 =	spop (v2sf);
	[dreg:$0x14] =	wrdreg s22  }
0x1d9: {  	s10 =	spop (v2sf);
	s14 =	sand.u32 $0x7F, s9;
	s11 =	sshll.u32 s9, $0x2  }
0x1da: {  	s17 =	sadd.s32 $0x10, s9;
	s4 =	sand.u32 $0x7F, s10;
	s5 =	spop (v2sf)  }
0x1db: {  	[smem:$0x780] =	sst s4;
	s6 =	spop (v2sf);
	s18 =	sand.u32 $0x7F, s5  }
0x1dc: {  	s29 =	sshll.u32 s5, $0x2;
	s30 =	sadd.s32 $0x10, s5;
	s12 =	spop (v2sf)  }
0x1dd: {  	s4 =	sand.u32 $0x7F, s6;
	s15 =	sshll.u32 s6, $0x2;
	s28 =	sadd.s32 $0x10, s6  }
0x1de: {  	[smem:$0x783] =	sst s4;
	s5 =	sand.u32 $0x7F, s12;
	s26 =	sshll.u32 s12, $0x2  }
0x1df: {  	s6 =	spop (v2sf);
	[smem:$0x786] =	sst s5;
	s5 =	sadd.s32 $0x10, s12  }
0x1e0: {  	s16 =	spop (v2sf);
	s4 =	sand.u32 $0x7F, s6;
	s12 =	sshll.u32 s6, $0x2  }
0x1e1: {  	s2 =	sadd.s32 $0x10, s6;
	[smem:$0x789] =	sst s4;
	s6 =	sand.u32 $0x7F, s16  }
0x1e2: {  	s9 =	spop (v2sf);
	[smem:$0x78E] =	sst s6;
	s6 =	sshll.u32 s16, $0x2  }
0x1e3: {  	s4 =	sadd.s32 $0x10, s16;
	s16 =	sand.u32 $0x7F, s9;
	[smem:$0x78D] =	sst s6  }
0x1e4: {  	s20 =	sadd.s32 $0x10, s20;
	[smem:$0x791] =	sst s16;
	s16 =	sshll.u32 s9, $0x2  }
0x1e5: {  	s6 =	sadd.s32 $0x10, s9;
	s9 =	sshll.u32 s20, $0x2;
	[smem:$0x78F] =	sst s16  }
0x1e6: {  	s16 =	sand.u32 $0x7F, s23;
	[smem:$0x79A] =	sst s9  }
0x1e7: {  	s9 =	sshll.u32 s19, $0x2;
	[smem:$0x795] =	sst s16  }
0x1e8: {  	s19 =	sand.u32 $0x7F, s0;
	[dreg:$0x16] =	wrdreg s9  }
0x1e9: {  	s0 =	sshll.u32 s0, $0x2;
	[dreg:$0x13] =	wrdreg s19  }
0x1ea: {  	s31 =	sshll.u32 s7, $0x2;
	s16 =	sshll.u32 s23, $0x2;
	[dreg:$0x15] =	wrdreg s0  }
0x1eb: {  	s3 =	sadd.s32 $0x10, s7;
	s23 =	sand.u32 $0x7F, s1;
	[smem:$0x794] =	sst s16  }
0x1ec: {  	s13 =	sand.u32 $0x7F, s8;
	s1 =	sshll.u32 s1, $0x2;
	[smem:$0x797] =	sst s23  }
0x1ed: {  	s7 =	sshll.u32 s8, $0x2;
	s8 =	sadd.s32 $0x10, s8;
	[smem:$0x796] =	sst s1  }
0x1ee: {  	s9 =	sshll.u32 s3, $0x2;
	s23 =	sand.u32 $0x7F, s20;
	s20 =	sld [smem:$0x77C]  }
0x1ef: {  	s19 =	sshll.u32 s8, $0x2;
	[dreg:$0x1b] =	wrdreg s9  }
0x1f0: {  	s16 =	sand.u32 $0x7F, s21;
	[dreg:$0x19] =	wrdreg s19  }
0x1f1: {  	s21 =	sshll.u32 s21, $0x2;
	[smem:$0x799] =	sst s16  }
0x1f2: {  	[smem:$0x798] =	sst s21  }
0x1f3: {  	s25 =	sshll.u32 s10, $0x2;
	s10 =	sadd.s32 $0x10, s10;
	[smem:$0x79B] =	sst s23  }
0x1f4: {  	s1 =	sshll.u32 s13, $0x2;
	s13 =	sand.u32 $0x7F, s8;
	s16 =	sld [smem:$0x77B]  }
0x1f5: {  	s8 =	sand.u32 $0x7F, s10;
	[dreg:$0x17] =	wrdreg s13  }
0x1f6: {  	s10 =	sshll.u32 s10, $0x2;
	[smem:$0x781] =	sst s8  }
0x1f7: {  	s19 =	sand.u32 $0xFFFFFE00, s15;
	[smem:$0x782] =	sst s10  }
0x1f8: {  	s15 =	sshll.u32 s28, $0x2;
	s13 =	sshll.u32 s14, $0x2;
	s8 =	sld [smem:$0x786]  }
0x1f9: {  	s14 =	sand.u32 $0xFFFFFE00, s25;
	s25 =	sshll.u32 s17, $0x2;
	[smem:$0x788] =	sst s15  }
0x1fa: {  	s10 =	sand.u32 $0x7F, s28;
	[smem:$0x77F] =	sst s25  }
0x1fb: {  	s15 =	sand.u32 $0x7F, s4;
	[smem:$0x787] =	sst s10  }
0x1fc: {  	s28 =	sshll.u32 s4, $0x2;
	s4 =	sshll.u32 s6, $0x2;
	[smem:$0x790] =	sst s15  }
0x1fd: {  	[smem:$0x793] =	sst s4  }
0x1fe: {  	s15 =	sld [smem:$0x795]  }
0x1ff: {  	s23 =	sand.u32 $0xFFFFFE00, s24;
	s25 =	sshll.u32 s30, $0x2;
	s4 =	sld [smem:$0x798]  }
0x200: {  	s24 =	sshll.u32 s20, $0x2;
	s20 =	sand.u32 $0x7F, s3;
	s3 =	sld [smem:$0x780]  }
0x201: {  	[smem:$0x785] =	sst s25  }
0x202: {  	s21 =	sshll.u32 s16, $0x2;
	s16 =	sld [smem:$0x77D]  }
0x203: {  	[dreg:$0x18] =	wrdreg s20  }
0x204: {  	s25 =	sand.u32 $0x7F, s2;
	s20 =	sand.u32 $0x7F, s17;
	s17 =	sld [smem:$0x783]  }
0x205: {  	[smem:$0x78B] =	sst s25  }
0x206: {  	s22 =	sand.u32 $0xFFFFFE00, s31;
	s31 =	sshll.u32 s8, $0x2;
	s8 =	sld [smem:$0x78F]  }
0x207: {  	s25 =	sld [smem:$0x791]  }
0x208: {  	[smem:$0x77E] =	sst s20;
	s20 =	sand.u32 $0x7F, s30  }
0x209: {  	s30 =	sand.u32 $0xFFFFFE00, s26;
	s26 =	sshll.u32 s2, $0x2;
	s2 =	sld [smem:$0x78D]  }
0x20a: {  	[smem:$0x784] =	sst s20  }
0x20b: {  	s9 =	sand.u32 $0xFFFFFE00, s11;
	[smem:$0x78C] =	sst s26  }
0x20c: {  	s11 =	sshll.u32 s3, $0x2;
	s26 =	sand.u32 $0x7F, s6;
	s6 =	sld [smem:$0x794]  }
0x20d: {  	s20 =	sand.u32 $0x7F, s5;
	s3 =	sshll.u32 s17, $0x2;
	s17 =	sld [smem:$0x789]  }
0x20e: {  	[smem:$0x78A] =	sst s20  }
0x20f: {  	[smem:$0x792] =	sst s26  }
0x210: {  	s26 =	sld [smem:$0x797]  }
0x211: {  	s10 =	sand.u32 $0xFFFFFE00, s12;
	s0 =	sand.u32 $0xFFFFFE00, s6;
	s6 =	sld [smem:$0x799]  }
0x212: {  	s12 =	sshll.u32 s17, $0x2;
	s17 =	sshll.u32 s5, $0x2;
	s5 =	sld [smem:$0x78E]  }
0x213: {  	[dreg:$0x9] =	wrdreg s0  }
0x214: {  	s0 =	sshll.u32 s15, $0x2;
	s15 =	sld [smem:$0x79A]  }
0x215: {  	s7 =	sand.u32 $0xFFFFFE00, s7;
	[dreg:$0xa] =	wrdreg s0  }
0x216: {  	s29 =	sand.u32 $0xFFFFFE00, s29;
	s0 =	sand.u32 $0xFFFFFE00, s4;
	s4 =	sld [smem:$0x79B]  }
0x217: {  	s18 =	sshll.u32 s18, $0x2;
	s20 =	sand.u32 $0xFFFFFE00, s2;
	[dreg:$0x10] =	wrdreg s0  }
0x218: {  	s0 =	sshll.u32 s6, $0x2;
	s6 =	sld [smem:$0x7F8];
	s2 =	sshll.u32 s5, $0x2  }
0x219: {  	s5 =	sand.u32 $0xFFFFFE00, s8;
	s8 =	sshll.u32 s25, $0x2;
	s25 =	sld [smem:$0x796]  }
0x21a: {  	s16 =	sshll.u32 s16, $0x2;
	[dreg:$0x12] =	wrdreg s0;
	s0 =	sand.u32 $0xFFFFFE00, s15  }
0x21b: {  	s26 =	sshll.u32 s26, $0x2;
	[dreg:$0xd] =	wrdreg s0;
	s0 =	sshll.u32 s4, $0x2  }
0x21c: {  	v2 =	vimm.f32 $0.0e+00;
	s15 =	simm.s32 $0x0;
	[dreg:$0xf] =	wrdreg s0;
	s0 =	sadd.s32 $0x10, s6  }
0x21d: {  	v3 =	vimm.f32 $0.0e+00;
	v1 =	vimm.f32 $0.0e+00;
	v0 =	vimm.f32 $0.0e+00;
	s25 =	sand.u32 $0xFFFFFE00, s25;
	[dreg:$0x3] =	wrdreg s0;
	s0 =	simm.s32 $0x2000  }
.LBB2_5:
0x21e: {  	[smem:$0x74E] =	sst s26  }
0x21f: {  	[smem:$0x74D] =	sst s25  }
0x220: {  	[dreg:$0x5] =	wrdreg s0  }
0x221: {  	s6 =	sld [smem:$0x77A]  }
0x222: {  	s25 =	rddreg [dreg:$0x14]  }
0x223: {  	s26 =	rddreg [dreg:$0x15]  }
0x224: {  	s4 =	rddreg [dreg:$0x13]  }
0x225: {  	s1 =	sor.u32 s1, s7;
	s7 =	rddreg [dreg:$0x1b]  }
0x226: {  	s22 =	sor.u32 s16, s22;
	s16 =	rddreg [dreg:$0x18]  }
0x227: {  	s11 =	sor.u32 s11, s14;
	s14 =	sld [smem:$0x785]  }
0x228: {  	s3 =	sor.u32 s3, s19;
	s19 =	sld [smem:$0x776]  }
0x229: {  	s6 =	sor.u32 s21, s6;
	s21 =	sor.u32 s24, s23;
	s24 =	rddreg [dreg:$0x16]  }
0x22a: {  	s23 =	rddreg [dreg:$0x19]  }
0x22b: {  	p1 =	sne.s32 s0, $0x16000;
	s0 =	sand.u32 $0xFFFFFE00, s24;
	s24 =	rddreg [dreg:$0x17]  }
0x22c: {  	[smem:$0x749] =	sst s0  }
0x22d: {  	s0 =	sshll.u32 s25, $0x2;
	s25 =	sor.u32 s13, s9;
	s13 =	sld [smem:$0x781]  }
0x22e: {  	s10 =	sor.u32 s12, s10;
	[smem:$0x74A] =	sst s0  }
0x22f: {  	s2 =	sor.u32 s2, s20;
	s0 =	sand.u32 $0xFFFFFE00, s26;
	s26 =	sld [smem:$0x77F]  }
0x230: {  	s22 =	sshra.s32 s22, $0x2;
	s1 =	sshra.s32 s1, $0x2;
	[smem:$0x74B] =	sst s0  }
0x231: {  	s11 =	sshra.s32 s11, $0x2;
	s0 =	sshll.u32 s4, $0x2;
	s4 =	sld [smem:$0x77E]  }
0x232: {  	s3 =	sshra.s32 s3, $0x2;
	s10 =	sshra.s32 s10, $0x2;
	[smem:$0x74C] =	sst s0  }
0x233: {  	s2 =	sshra.s32 s2, $0x2;
	s0 =	sand.u32 $0xFFFFFE00, s7;
	s7 =	sld [smem:$0x782]  }
0x234: {  	s1 =	sadd.s32 s15, s1;
	s3 =	sadd.s32 s15, s3;
	[smem:$0x745] =	sst s0  }
0x235: {  	s0 =	sshll.u32 s16, $0x2;
	s16 =	sand.u32 $0xFFFFFE00, s26;
	s26 =	sld [smem:$0x788]  }
0x236: {  	s10 =	sadd.s32 s15, s10;
	s2 =	sadd.s32 s15, s2;
	[smem:$0x746] =	sst s0  }
0x237: {  	s0 =	sand.u32 $0xFFFFFE00, s23;
	s23 =	sor.u32 s18, s29;
	s18 =	sld [smem:$0x784]  }
0x238: {  	s14 =	sand.u32 $0xFFFFFE00, s14;
	s29 =	sshll.u32 s13, $0x2;
	s13 =	rddreg [dreg:$0x3]  }
0x239: {  	v11 =	vld [tilespmem:s1+$0x13480];
	s1 =	sor.u32 s8, s5;
	s9 =	sshll.u32 s4, $0x2;
	s4 =	sld [smem:$0x777]  }
0x23a: {  	s6 =	sshra.s32 s6, $0x2;
	s1 =	sshra.s32 s1, $0x2;
	[smem:$0x747] =	sst s0  }
0x23b: {  	s0 =	sshll.u32 s24, $0x2;
	s24 =	sshra.s32 s19, $0x2;
	s19 =	sld [smem:$0x787]  }
0x23c: {  	s6 =	sadd.s32 s15, s6;
	s20 =	sshra.s32 s23, $0x2;
	s23 =	sld [smem:$0x790]  }
0x23d: {  	s1 =	sadd.s32 s15, s1;
	[smem:$0x748] =	sst s0;
	s0 =	sand.u32 $0xFFFFFE00, s7  }
0x23e: {  	s7 =	sand.u32 $0xFFFFFE00, s26;
	s26 =	sshra.s32 s4, $0x2;
	s4 =	sld [smem:$0x778]  }
0x23f: {  	s24 =	sadd.s32 s15, s24;
	s5 =	sadd.s32 s15, s20;
	[smem:$0x744] =	sst s0  }
0x240: {  	s18 =	sshll.u32 s18, $0x2;
	v5 =	vld [tilespmem:s24+$0x13700];
	s19 =	sshll.u32 s19, $0x2;
	s24 =	sadd.s32 s15, s26  }
0x241: {  	s26 =	sor.u32 s31, s30;
	s8 =	sshll.u32 s23, $0x2;
	s4 =	sshra.s32 s4, $0x2  }
0x242: {  	v4 =	vld [tilespmem:s13+$0x0];
	s20 =	sor.u32 s18, s14;
	s0 =	sadd.s32 s15, s4;
	s4 =	sld [smem:$0x779]  }
0x243: {  	s18 =	sld [smem:$0x74A];
	v7 =	vld [tilespmem:s0+$0x13600];
	s0 =	sand.u32 $0xFFFFFE00, s17;
	s17 =	sshra.s32 s21, $0x2  }
0x244: {  	v6 =	vld [tilespmem:s24+$0x13780];
	s23 =	sor.u32 s19, s7;
	s21 =	sld [smem:$0x78A];
	s24 =	sadd.s32 s15, s17  }
0x245: {  	v9 =	vld [tilespmem:s6+$0x13500];
	s17 =	sadd.s32 s15, s22;
	s22 =	sld [smem:$0x78B];
	s4 =	sshra.s32 s4, $0x2  }
0x246: {  	s7 =	sld [smem:$0x745];
	v10 =	vld [tilespmem:s24+$0x13580];
	s24 =	sshra.s32 s25, $0x2;
	s4 =	sadd.s32 s15, s4  }
0x247: {  	v12 =	vld [tilespmem:s17+$0x13400];
	s25 =	sadd.s32 s15, s24;
	s24 =	sshra.s32 s26, $0x2;
	s26 =	sld [smem:$0x792]  }
0x248: {  	v8 =	vld [tilespmem:s4+$0x13680];
	s4 =	sshll.u32 s21, $0x2;
	s21 =	sld [smem:$0x78C];
	s6 =	sshll.u32 s22, $0x2  }
0x249: {  	(v2sf) =	vpush v4, $0xE;
	v13 =	vld [tilespmem:s25+$0x13300];
	s22 =	sand.u32 $0xFFFFFE00, s28;
	s25 =	sld [smem:$0x793];
	s17 =	sadd.s32 s15, s24  }
0x24a: {  	v16 =	vld [tilespmem:s3+$0x13280];
	s8 =	sor.u32 s8, s22;
	s0 =	sor.u32 s4, s0;
	s22 =	sshra.s32 s20, $0x2  }
0x24b: {  	v18 =	vld [tilespmem:s10+$0x13180];
	(v2sf) =	vpush v4, $0xF;
	s4 =	sld [smem:$0x744];
	s3 =	sshll.u32 s26, $0x2;
	s10 =	sshra.s32 s8, $0x2  }
0x24c: {  	(v2sf) =	vpush v4, $0xC;
	s24 =	sadd.s32 s15, s22;
	s26 =	sor.u32 s9, s16;
	s8 =	sld [smem:$0x746]  }
0x24d: {  	v19 =	vld [tilespmem:s2+$0x13000];
	(v2sf) =	vpush v4, $0xD;
	s22 =	sld [smem:$0x74C];
	s12 =	sand.u32 $0xFFFFFE00, s21;
	s21 =	sadd.s32 s15, s11  }
0x24e: {  	v15 =	vld [tilespmem:s5+$0x13200];
	(v2sf) =	vpush v4, $0xA;
	s5 =	sand.u32 $0xFFFFFE00, s25;
	s2 =	sadd.s32 s15, s10;
	s12 =	sor.u32 s6, s12  }
0x24f: {  	(v2sf) =	vpush v4, $0xB;
	v17 =	vld [tilespmem:s17+$0x13100];
	s3 =	sor.u32 s3, s5;
	s17 =	sshra.s32 s12, $0x2;
	s12 =	sld [smem:$0x748]  }
0x250: {  	v20 =	vld [tilespmem:s1+$0x13080];
	(v2sf) =	vpush v4, $0x8;
	s11 =	sshra.s32 s3, $0x2;
	s3 =	sshra.s32 s26, $0x2;
	s26 =	rddreg [dreg:$0x12]  }
0x251: {  	v21 =	vld [tilespmem:s2+$0x13000];
	s2 =	sor.u32 s29, s4;
	s1 =	sadd.s32 s15, s11;
	s11 =	sld [smem:$0x747]  }
0x252: {  	v14 =	vld [tilespmem:s21+$0x13380];
	s6 =	sshra.s32 s2, $0x2;
	s21 =	sadd.s32 s15, s17;
	s17 =	sld [smem:$0x749]  }
0x253: {  	s9 =	sadd.s32 s15, s6;
	s6 =	rddreg [dreg:$0xf]  }
0x254: {  	s25 =	sshra.s32 s23, $0x2;
	s2 =	sor.u32 s8, s7;
	v24 =	vld [tilespmem:s21+$0x13180];
	s21 =	sld [smem:$0x74B]  }
0x255: {  	s5 =	sadd.s32 s15, s3;
	v22 =	vld [tilespmem:s1+$0x13080];
	s1 =	sadd.s32 s15, s25;
	s25 =	rddreg [dreg:$0x10]  }
0x256: {  	s10 =	sshra.s32 s2, $0x2;
	v54 =	vld [tilespmem:s5+$0x13300];
	s5 =	rddreg [dreg:$0xd]  }
0x257: {  	s14 =	sadd.s32 s15, s10;
	s2 =	sor.u32 s12, s11;
	s11 =	sld [smem:$0x74D]  }
0x258: {  	v56 =	vld [tilespmem:s14+$0x13400];
	s14 =	spop (v2sf);
	s16 =	sshra.s32 s2, $0x2;
	s2 =	sor.u32 s18, s17  }
0x259: {  	v25 =	vld [tilespmem:s24+$0x13200];
	s19 =	sadd.s32 s15, s16;
	s20 =	sshra.s32 s2, $0x2;
	s2 =	sor.u32 s22, s21  }
0x25a: {  	s12 =	sld [smem:$0x74E];
	v57 =	vld [tilespmem:s19+$0x13480];
	s24 =	sshra.s32 s2, $0x2;
	s19 =	spop (v2sf)  }
0x25b: {  	v53 =	vld [tilespmem:s1+$0x13280];
	s2 =	sor.u32 s26, s25;
	s1 =	sadd.s32 s15, s24;
	s24 =	spop (v2sf)  }
0x25c: {  	s4 =	sshra.s32 s2, $0x2;
	s2 =	sor.u32 s6, s5;
	s6 =	spop (v2sf)  }
0x25d: {  	s3 =	sor.u32 s12, s11;
	s12 =	spop (v2sf)  }
0x25e: {  	s18 =	spop (v2sf)  }
0x25f: {  	s5 =	spop (v2sf);
	(v2sf) =	vpush v4, $0x9;
	_ =	sdelay $0x1  }
0x260: {  	s13 =	sadd.s32 $0x10, s13;
	(v2sf) =	vpush v4, $0x6  }
0x261: {  	[dreg:$0x3] =	wrdreg s13;
	(v2sf) =	vpush v4, $0x7  }
0x262: {  	s0 =	sshra.s32 s0, $0x2;
	v55 =	vld [tilespmem:s9+$0x13380];
	s9 =	rddreg [dreg:$0x9];
	(v2sf) =	vpush v4, $0x4  }
0x263: {  	s0 =	sadd.s32 s15, s0;
	s10 =	rddreg [dreg:$0xa]  }
0x264: {  	s22 =	sand.u32 $0x7F, s14;
	s16 =	sshll.u32 s14, $0x2;
	s23 =	sadd.s32 s15, s20;
	(v2sf) =	vpush v4, $0x5  }
0x265: {  	s3 =	sshra.s32 s3, $0x2;
	s21 =	sand.u32 $0x7F, s19;
	s13 =	sshll.u32 s19, $0x2  }
0x266: {  	v58 =	vld [tilespmem:s23+$0x13500];
	s7 =	sadd.s32 s15, s4;
	s8 =	sshra.s32 s2, $0x2;
	s2 =	sor.u32 s10, s9;
	(v2sf) =	vpush v4, $0x2  }
0x267: {  	v59 =	vld [tilespmem:s1+$0x13580];
	s23 =	sadd.s32 s15, s3;
	s1 =	sadd.s32 s15, s8;
	s2 =	sshra.s32 s2, $0x2  }
0x268: {  	v60 =	vld [tilespmem:s7+$0x13600];
	s8 =	rddreg [dreg:$0x5];
	s7 =	sadd.s32 $0x10, s19;
	s31 =	sand.u32 $0x7F, s6;
	(v2sf) =	vpush v4, $0x3  }
0x269: {  	s9 =	sadd.s32 $0x10, s6;
	s2 =	sadd.s32 s15, s2;
	s15 =	sshra.s32 s8, $0x2  }
0x26a: {  	s8 =	sadd.s32 $0x10, s14;
	s14 =	sshll.u32 s6, $0x2;
	s11 =	sand.u32 $0x7F, s12;
	(v2sf) =	vpush v4, $0x0  }
0x26b: {  	v63 =	vld [tilespmem:s23+$0x13780];
	s23 =	sshll.u32 s12, $0x2;
	[smem:$0x74F] =	sst s11;
	s11 =	sadd.s32 $0x10, s12  }
0x26c: {  	s28 =	sand.u32 $0x7F, s18;
	s19 =	sshll.u32 s18, $0x2;
	s12 =	sand.u32 $0x7F, s5;
	(v2sf) =	vpush v4, $0x1  }
0x26d: {  	[smem:$0x751] =	sst s12;
	s12 =	sshll.u32 s5, $0x2;
	s10 =	spop (v2sf)  }
0x26e: {  	s6 =	sadd.s32 $0x10, s18;
	[smem:$0x750] =	sst s12;
	s18 =	sand.u32 $0x7F, s10  }
0x26f: {  	s17 =	spop (v2sf);
	[smem:$0x753] =	sst s18;
	s18 =	sshll.u32 s10, $0x2  }
0x270: {  	s26 =	spop (v2sf);
	[smem:$0x752] =	sst s18;
	s18 =	sand.u32 $0x7F, s17  }
0x271: {  	v23 =	vld [tilespmem:s0+$0x13100];
	s0 =	spop (v2sf);
	[smem:$0x755] =	sst s18;
	s18 =	sshll.u32 s17, $0x2  }
0x272: {  	[smem:$0x754] =	sst s18;
	s18 =	sadd.s32 $0x10, s17;
	s17 =	sand.u32 $0x7F, s26  }
0x273: {  	v61 =	vld [tilespmem:s1+$0x13680];
	s1 =	spop (v2sf);
	[smem:$0x757] =	sst s17;
	s17 =	sshll.u32 s26, $0x2  }
0x274: {  	s30 =	sadd.s32 $0x10, s26;
	s26 =	sand.u32 $0x7F, s1;
	[smem:$0x756] =	sst s17  }
0x275: {  	v62 =	vld [tilespmem:s2+$0x13700];
	s2 =	spop (v2sf);
	s17 =	sand.u32 $0x7F, s0;
	[smem:$0x75B] =	sst s26  }
0x276: {  	s26 =	sand.u32 $0x7F, s2;
	[smem:$0x759] =	sst s17  }
0x277: {  	s20 =	spop (v2sf);
	s17 =	sshll.u32 s0, $0x2;
	[smem:$0x75D] =	sst s26  }
0x278: {  	s26 =	sand.u32 $0x7F, s20;
	[smem:$0x758] =	sst s17  }
0x279: {  	s3 =	spop (v2sf);
	s17 =	sshll.u32 s1, $0x2;
	[smem:$0x75F] =	sst s26  }
0x27a: {  	s12 =	sadd.s32 $0x10, s5;
	s26 =	sand.u32 $0x7F, s3;
	[smem:$0x75A] =	sst s17  }
0x27b: {  	s4 =	spop (v2sf);
	s17 =	sshll.u32 s2, $0x2;
	[smem:$0x761] =	sst s26  }
0x27c: {  	s5 =	sadd.s32 $0x10, s10;
	s26 =	sshll.u32 s4, $0x2;
	[smem:$0x75C] =	sst s17  }
0x27d: {  	s17 =	sadd.s32 $0x10, s1;
	s1 =	sshll.u32 s20, $0x2;
	[smem:$0x762] =	sst s26  }
0x27e: {  	s10 =	sadd.s32 $0x10, s0;
	[smem:$0x75E] =	sst s1;
	s1 =	sshll.u32 s3, $0x2  }
0x27f: {  	s0 =	sadd.s32 $0x10, s3;
	s3 =	sand.u32 $0x7F, s4;
	[smem:$0x760] =	sst s1  }
0x280: {  	s26 =	sadd.s32 $0x10, s4;
	s4 =	sshll.u32 s22, $0x2;
	[smem:$0x763] =	sst s3  }
0x281: {  	s22 =	sand.u32 $0xFFFFFE00, s13;
	[smem:$0x765] =	sst s4  }
0x282: {  	s13 =	sshll.u32 s7, $0x2;
	[smem:$0x768] =	sst s22  }
0x283: {  	s3 =	sand.u32 $0xFFFFFE00, s16;
	[smem:$0x76B] =	sst s13  }
0x284: {  	s29 =	sand.u32 $0x7F, s24;
	s16 =	sand.u32 $0x7F, s8;
	[smem:$0x764] =	sst s3  }
0x285: {  	s25 =	sshll.u32 s24, $0x2;
	s4 =	sshll.u32 s8, $0x2;
	[smem:$0x767] =	sst s16  }
0x286: {  	s24 =	sadd.s32 $0x10, s24;
	s8 =	sand.u32 $0x7F, s7;
	[smem:$0x766] =	sst s4  }
0x287: {  	s22 =	sand.u32 $0x7F, s24;
	[smem:$0x76C] =	sst s8  }
0x288: {  	s7 =	sand.u32 $0xFFFFFE00, s23;
	[smem:$0x76E] =	sst s22  }
0x289: {  	s13 =	sshll.u32 s9, $0x2;
	[smem:$0x77A] =	sst s7  }
0x28a: {  	s23 =	sand.u32 $0xFFFFFE00, s19;
	s19 =	sshll.u32 s11, $0x2;
	[smem:$0x771] =	sst s13  }
0x28b: {  	s3 =	sshll.u32 s21, $0x2;
	s21 =	sand.u32 $0xFFFFFE00, s14;
	s14 =	sld [smem:$0x74F]  }
0x28c: {  	[dreg:$0x16] =	wrdreg s19  }
0x28d: {  	s8 =	sand.u32 $0x7F, s9;
	s9 =	sld [smem:$0x752]  }
0x28e: {  	s19 =	sld [smem:$0x754]  }
0x28f: {  	s16 =	sshll.u32 s29, $0x2;
	[smem:$0x769] =	sst s3  }
0x290: {  	[smem:$0x76A] =	sst s16  }
0x291: {  	s4 =	sshll.u32 s31, $0x2;
	[smem:$0x76F] =	sst s21  }
0x292: {  	[smem:$0x770] =	sst s4  }
0x293: {  	s22 =	sand.u32 $0x7F, s6;
	[smem:$0x772] =	sst s8  }
0x294: {  	[dreg:$0x13] =	wrdreg s22  }
0x295: {  	s7 =	sshll.u32 s6, $0x2;
	s4 =	sld [smem:$0x751]  }
0x296: {  	[dreg:$0x15] =	wrdreg s7  }
0x297: {  	s13 =	sand.u32 $0x7F, s5;
	s16 =	sand.u32 $0x7F, s11;
	s11 =	sld [smem:$0x753]  }
0x298: {  	s6 =	sand.u32 $0x7F, s18;
	[dreg:$0x17] =	wrdreg s13  }
0x299: {  	[smem:$0x77E] =	sst s6  }
0x29a: {  	s3 =	sshll.u32 s24, $0x2;
	s6 =	sld [smem:$0x75B]  }
0x29b: {  	[smem:$0x76D] =	sst s3  }
0x29c: {  	[dreg:$0x14] =	wrdreg s16  }
0x29d: {  	s8 =	sand.u32 $0x7F, s12;
	s3 =	sld [smem:$0x750]  }
0x29e: {  	s12 =	sshll.u32 s12, $0x2;
	[dreg:$0x18] =	wrdreg s8  }
0x29f: {  	[dreg:$0x1b] =	wrdreg s12  }
0x2a0: {  	s8 =	sshll.u32 s18, $0x2;
	s12 =	sld [smem:$0x758]  }
0x2a1: {  	s21 =	sshll.u32 s14, $0x2;
	s14 =	sshll.u32 s5, $0x2;
	s5 =	sld [smem:$0x756]  }
0x2a2: {  	s18 =	sand.u32 $0x7F, s30;
	[smem:$0x77F] =	sst s8  }
0x2a3: {  	[smem:$0x781] =	sst s18  }
0x2a4: {  	s7 =	sand.u32 $0xFFFFFE00, s9;
	[dreg:$0x19] =	wrdreg s14  }
0x2a5: {  	s9 =	sand.u32 $0xFFFFFE00, s19;
	s16 =	sshll.u32 s4, $0x2;
	s4 =	sld [smem:$0x755]  }
0x2a6: {  	s19 =	sshll.u32 s30, $0x2;
	s1 =	sshll.u32 s11, $0x2;
	s11 =	sld [smem:$0x757]  }
0x2a7: {  	s8 =	sand.u32 $0x7F, s10;
	[smem:$0x782] =	sst s19  }
0x2a8: {  	[smem:$0x784] =	sst s8  }
0x2a9: {  	s8 =	sld [smem:$0x75D];
	s22 =	sand.u32 $0xFFFFFE00, s3  }
0x2aa: {  	s29 =	sand.u32 $0xFFFFFE00, s12;
	s3 =	sshll.u32 s6, $0x2;
	s6 =	sld [smem:$0x75C]  }
0x2ab: {  	s12 =	sshll.u32 s10, $0x2;
	s14 =	sand.u32 $0xFFFFFE00, s5;
	s5 =	sld [smem:$0x75A]  }
0x2ac: {  	s10 =	sshll.u32 s17, $0x2;
	[smem:$0x785] =	sst s12  }
0x2ad: {  	s20 =	sadd.s32 $0x10, s20;
	[smem:$0x788] =	sst s10;
	s13 =	sshll.u32 s4, $0x2  }
0x2ae: {  	s4 =	sld [smem:$0x759];
	s30 =	sand.u32 $0xFFFFFE00, s6;
	s6 =	sand.u32 $0x7F, s20  }
0x2af: {  	s19 =	sand.u32 $0xFFFFFE00, s5;
	s5 =	sand.u32 $0x7F, s17;
	s17 =	sld [smem:$0x75E]  }
0x2b0: {  	[smem:$0x78B] =	sst s6  }
0x2b1: {  	s6 =	sand.u32 $0x7F, s0;
	s18 =	sshll.u32 s4, $0x2;
	s4 =	sld [smem:$0x761]  }
0x2b2: {  	[smem:$0x790] =	sst s6;
	s6 =	sand.u32 $0x7F, s26  }
0x2b3: {  	s26 =	sshll.u32 s26, $0x2;
	[smem:$0x792] =	sst s6  }
0x2b4: {  	[smem:$0x793] =	sst s26  }
0x2b5: {  	s2 =	sadd.s32 $0x10, s2;
	s6 =	sld [smem:$0x764]  }
0x2b6: {  	s12 =	sand.u32 $0x7F, s2;
	s26 =	sld [smem:$0x765]  }
0x2b7: {  	s31 =	sshll.u32 s8, $0x2;
	[smem:$0x78A] =	sst s12;
	s8 =	sshll.u32 s20, $0x2  }
0x2b8: {  	[smem:$0x78C] =	sst s8;
	s10 =	sand.u32 $0xFFFFFE00, s17;
	s17 =	sshll.u32 s2, $0x2  }
0x2b9: {  	s2 =	sshll.u32 s4, $0x2;
	s4 =	sor.u32 s26, s6;
	s6 =	sld [smem:$0x766]  }
0x2ba: {  	s26 =	sld [smem:$0x767]  }
0x2bb: {  	[smem:$0x776] =	sst s4  }
0x2bc: {  	s4 =	sand.u32 $0xFFFFFE00, s6;
	s6 =	sld [smem:$0x768]  }
0x2bd: {  	[dreg:$0x9] =	wrdreg s4  }
0x2be: {  	s4 =	sshll.u32 s26, $0x2;
	s26 =	sld [smem:$0x769]  }
0x2bf: {  	s20 =	sld [smem:$0x760]  }
0x2c0: {  	[dreg:$0xa] =	wrdreg s4  }
0x2c1: {  	s4 =	sor.u32 s26, s6;
	s6 =	sld [smem:$0x76A]  }
0x2c2: {  	s8 =	sld [smem:$0x763]  }
0x2c3: {  	s25 =	sand.u32 $0xFFFFFE00, s25;
	[smem:$0x777] =	sst s4  }
0x2c4: {  	s4 =	sor.u32 s6, s25;
	s6 =	sld [smem:$0x76D]  }
0x2c5: {  	[smem:$0x787] =	sst s5  }
0x2c6: {  	[smem:$0x778] =	sst s4  }
0x2c7: {  	v2 =	vadd.f32 v19, v2;
	v1 =	vadd.f32 v20, v1;
	s4 =	sand.u32 $0xFFFFFE00, s6;
	s6 =	sld [smem:$0x76E]  }
0x2c8: {  	v3 =	vadd.f32 v21, v3;
	v0 =	vadd.f32 v22, v0;
	s5 =	sld [smem:$0x75F]  }
0x2c9: {  	v1 =	vadd.f32 v18, v1;
	v2 =	vadd.f32 v17, v2;
	[dreg:$0x10] =	wrdreg s4  }
0x2ca: {  	v3 =	vadd.f32 v23, v3;
	v0 =	vadd.f32 v24, v0;
	s4 =	sshll.u32 s6, $0x2;
	s6 =	sld [smem:$0x770]  }
0x2cb: {  	v1 =	vadd.f32 v16, v1;
	v2 =	vadd.f32 v15, v2;
	[dreg:$0x12] =	wrdreg s4  }
0x2cc: {  	v3 =	vadd.f32 v25, v3;
	v0 =	vadd.f32 v53, v0;
	s4 =	sld [smem:$0x76F]  }
0x2cd: {  	v1 =	vadd.f32 v14, v1;
	v2 =	vadd.f32 v13, v2;
	s24 =	sshll.u32 s28, $0x2;
	s28 =	sshll.u32 s0, $0x2;
	s0 =	rddreg [dreg:$0x5]  }
0x2ce: {  	v3 =	vadd.f32 v54, v3;
	v0 =	vadd.f32 v55, v0;
	s12 =	sshll.u32 s5, $0x2;
	s5 =	sld [smem:$0x762]  }
0x2cf: {  	v1 =	vadd.f32 v11, v1;
	v2 =	vadd.f32 v12, v2;
	s4 =	sor.u32 s6, s4;
	s6 =	sld [smem:$0x771]  }
0x2d0: {  	v3 =	vadd.f32 v56, v3;
	v0 =	vadd.f32 v57, v0;
	s26 =	sld [smem:$0x76C]  }
0x2d1: {  	v1 =	vadd.f32 v10, v1;
	v2 =	vadd.f32 v9, v2;
	[smem:$0x779] =	sst s4  }
.Ltmp1:
0x2d2: {  	v3 =	vadd.f32 v58, v3;
	v0 =	vadd.f32 v59, v0;
	s4 =	sand.u32 $0xFFFFFE00, s6;
	s6 =	sld [smem:$0x772];
	(pc) =	sbr.rel @p1 .LBB2_5-.Ltmp1, $4  }
0x2d3: {  	v1 =	vadd.f32 v8, v1;
	v2 =	vadd.f32 v7, v2;
	s11 =	sshll.u32 s11, $0x2;
	s25 =	sld [smem:$0x76B]  }
0x2d4: {  	v3 =	vadd.f32 v60, v3;
	v0 =	vadd.f32 v61, v0;
	s0 =	sadd.s32 $0x2000, s0;
	s20 =	sand.u32 $0xFFFFFE00, s20;
	s8 =	sshll.u32 s8, $0x2  }
0x2d5: {  	v1 =	vadd.f32 v6, v1;
	v2 =	vadd.f32 v5, v2;
	s5 =	sand.u32 $0xFFFFFE00, s5;
	[dreg:$0xd] =	wrdreg s4;
	s4 =	sshll.u32 s6, $0x2  }
0x2d6: {  	v3 =	vadd.f32 v62, v3;
	v0 =	vadd.f32 v63, v0;
	s26 =	sshll.u32 s26, $0x2;
	s25 =	sand.u32 $0xFFFFFE00, s25;
	[dreg:$0xf] =	wrdreg s4  }
0x2d7: {  	s0 =	sld [smem:$0x77A];
	s16 =	sor.u32 s16, s22  }
0x2d8: {  	s9 =	sor.u32 s13, s9;
	s13 =	sor.u32 s18, s29;
	s29 =	sld [smem:$0x776]  }
0x2d9: {  	s22 =	sor.u32 s1, s7;
	s1 =	sor.u32 s8, s5;
	s5 =	sld [smem:$0x790]  }
0x2da: {  	s8 =	sld [smem:$0x793]  }
0x2db: {  	s11 =	sor.u32 s11, s14;
	s7 =	sor.u32 s12, s10;
	s10 =	sld [smem:$0x792]  }
0x2dc: {  	s14 =	sor.u32 s3, s19;
	s18 =	sor.u32 s31, s30;
	s12 =	sld [smem:$0x777]  }
0x2dd: {  	s6 =	sor.u32 s2, s20;
	s31 =	sand.u32 $0xFFFFFE00, s28;
	s19 =	sld [smem:$0x78A]  }
0x2de: {  	s17 =	sand.u32 $0xFFFFFE00, s17;
	s20 =	sld [smem:$0x778];
	s7 =	sshra.s32 s7, $0x2  }
0x2df: {  	s6 =	sshra.s32 s6, $0x2;
	s1 =	sshra.s32 s1, $0x2;
	s7 =	sadd.s32 s15, s7  }
0x2e0: {  	s6 =	sadd.s32 s15, s6;
	s1 =	sadd.s32 s15, s1;
	s4 =	sor.u32 s21, s0  }
0x2e1: {  	s21 =	sor.u32 s24, s23;
	s30 =	sshra.s32 s29, $0x2;
	s3 =	sshll.u32 s5, $0x2  }
0x2e2: {  	s5 =	sand.u32 $0xFFFFFE00, s8;
	s8 =	sshll.u32 s10, $0x2;
	s24 =	sld [smem:$0x779]  }
0x2e3: {  	s10 =	sshll.u32 s19, $0x2;
	s19 =	sld [smem:$0x784];
	s3 =	sor.u32 s3, s31  }
0x2e4: {  	s0 =	sor.u32 s8, s5;
	s2 =	sadd.s32 s15, s30;
	s30 =	sld [smem:$0x78C]  }
0x2e5: {  	s5 =	sshra.s32 s12, $0x2;
	s8 =	sshra.s32 s20, $0x2;
	s31 =	sld [smem:$0x78B]  }
0x2e6: {  	s28 =	sshra.s32 s4, $0x2;
	s12 =	sld [smem:$0x785];
	s20 =	sshra.s32 s22, $0x2  }
0x2e7: {  	v4 =	vld [tilespmem:s2+$0x13700];
	s2 =	sor.u32 s10, s17;
	s5 =	sadd.s32 s15, s5;
	s23 =	sadd.s32 s15, s8  }
0x2e8: {  	s10 =	sshra.s32 s21, $0x2;
	s17 =	sshra.s32 s16, $0x2;
	s21 =	sshra.s32 s9, $0x2  }
0x2e9: {  	s22 =	sadd.s32 s15, s20;
	s16 =	sld [smem:$0x775];
	s3 =	sshra.s32 s3, $0x2  }
0x2ea: {  	s0 =	sshra.s32 s0, $0x2;
	s8 =	sshra.s32 s24, $0x2;
	v6 =	vld [tilespmem:s23+$0x13600];
	s23 =	sld [smem:$0x788]  }
0x2eb: {  	v18 =	vld [tilespmem:s7+$0x13180];
	s24 =	sshra.s32 s11, $0x2;
	s11 =	sld [smem:$0x77F];
	s3 =	sadd.s32 s15, s3  }
0x2ec: {  	v11 =	vld [tilespmem:s22+$0x13480];
	s0 =	sadd.s32 s15, s0;
	s2 =	sshra.s32 s2, $0x2;
	s22 =	rddreg [dreg:$0x17]  }
0x2ed: {  	v5 =	vld [tilespmem:s5+$0x13780];
	s29 =	sadd.s32 s15, s8;
	s5 =	sand.u32 $0xFFFFFE00, s30;
	s8 =	sshll.u32 s31, $0x2  }
0x2ee: {  	v19 =	vld [tilespmem:s6+$0x13000];
	s31 =	sshra.s32 s14, $0x2;
	s14 =	sshra.s32 s18, $0x2;
	s18 =	rddreg [dreg:$0x1b]  }
0x2ef: {  	v22 =	vld [tilespmem:s0+$0x13080];
	s4 =	sor.u32 s8, s5;
	s8 =	sadd.s32 s15, s28;
	s28 =	sld [smem:$0x787]  }
0x2f0: {  	s0 =	sshll.u32 s22, $0x2;
	v7 =	vld [tilespmem:s29+$0x13680];
	s5 =	sand.u32 $0xFFFFFE00, s12;
	s12 =	sld [smem:$0x77E]  }
0x2f1: {  	s2 =	sadd.s32 s15, s2;
	s29 =	sshra.s32 s13, $0x2;
	s13 =	sld [smem:$0x782];
	v16 =	vld [tilespmem:s16+$0x64C0]  }
0x2f2: {  	s7 =	sand.u32 $0xFFFFFE00, s18;
	s16 =	rddreg [dreg:$0x9];
	v8 =	vld [tilespmem:s8+$0x13500];
	s8 =	sadd.s32 s15, s10  }
0x2f3: {  	s18 =	sor.u32 s26, s25;
	s10 =	sadd.s32 s15, s17;
	s9 =	sand.u32 $0xFFFFFE00, s23;
	v9 =	vld [tilespmem:s8+$0x13580]  }
0x2f4: {  	s30 =	sadd.s32 s15, s29;
	s17 =	sld [smem:$0x781];
	s4 =	sshra.s32 s4, $0x2;
	v10 =	vld [tilespmem:s10+$0x13400]  }
0x2f5: {  	s8 =	sshll.u32 s19, $0x2;
	s10 =	sadd.s32 s15, s24;
	v14 =	vld [tilespmem:s30+$0x13200];
	s19 =	rddreg [dreg:$0x18]  }
0x2f6: {  	s23 =	sadd.s32 s15, s4;
	s5 =	sor.u32 s8, s5;
	s8 =	sadd.s32 s15, s21;
	v13 =	vld [tilespmem:s10+$0x13380]  }
0x2f7: {  	s30 =	rddreg [dreg:$0x14];
	s10 =	sadd.s32 s15, s31;
	s6 =	sshll.u32 s19, $0x2;
	v12 =	vld [tilespmem:s8+$0x13300]  }
0x2f8: {  	s21 =	rddreg [dreg:$0x19];
	s8 =	sshll.u32 s28, $0x2;
	v15 =	vld [tilespmem:s10+$0x13280];
	s10 =	sand.u32 $0xFFFFFE00, s13  }
0x2f9: {  	v21 =	vld [tilespmem:s3+$0x13000];
	s20 =	sor.u32 s6, s7;
	s3 =	sand.u32 $0xFFFFFE00, s21;
	s28 =	rddreg [dreg:$0x16]  }
0x2fa: {  	s24 =	sshra.s32 s5, $0x2;
	s13 =	rddreg [dreg:$0xd];
	s8 =	sor.u32 s8, s9  }
0x2fb: {  	s9 =	sand.u32 $0xFFFFFE00, s11;
	s11 =	sshll.u32 s12, $0x2;
	s12 =	sshll.u32 s17, $0x2  }
0x2fc: {  	v23 =	vld [tilespmem:s2+$0x13100];
	(v2sf) =	vpush v16, $0x0;
	s0 =	sor.u32 s0, s3;
	s2 =	sand.u32 $0xFFFFFE00, s28;
	s3 =	sadd.s32 s15, s24  }
0x2fd: {  	v20 =	vld [tilespmem:s1+$0x13080];
	s1 =	sshra.s32 s20, $0x2;
	s9 =	sor.u32 s11, s9;
	s11 =	sadd.s32 s15, s14  }
0x2fe: {  	v24 =	vld [tilespmem:s23+$0x13180];
	s10 =	sor.u32 s12, s10;
	(v2sf) =	vpush v16, $0x1;
	s29 =	sshra.s32 s8, $0x2;
	s8 =	rddreg [dreg:$0x15]  }
0x2ff: {  	v25 =	vld [tilespmem:s3+$0x13200];
	s3 =	sshll.u32 s30, $0x2;
	s1 =	sadd.s32 s15, s1;
	s12 =	rddreg [dreg:$0x12]  }
0x300: {  	s0 =	sshra.s32 s0, $0x2;
	s14 =	rddreg [dreg:$0xf];
	v17 =	vld [tilespmem:s11+$0x13100];
	s4 =	sadd.s32 s15, s29;
	(v2sf) =	vpush v16, $0x2  }
0x301: {  	s31 =	sshra.s32 s9, $0x2;
	s2 =	sor.u32 s3, s2;
	s7 =	sshra.s32 s10, $0x2;
	v29 =	vld [tilespmem:s1+$0x13400]  }
0x302: {  	s3 =	sand.u32 $0xFFFFFE00, s8;
	s9 =	rddreg [dreg:$0x13];
	s0 =	sadd.s32 s15, s0;
	v26 =	vld [tilespmem:s4+$0x13280];
	(v2sf) =	vpush v16, $0x3  }
0x303: {  	s11 =	rddreg [dreg:$0x10];
	s6 =	sadd.s32 s15, s31;
	s4 =	sadd.s32 s15, s7;
	v30 =	vld [tilespmem:s0+$0x13480]  }
0x304: {  	s2 =	sshra.s32 s2, $0x2;
	s0 =	sor.u32 s12, s11;
	v28 =	vld [tilespmem:s4+$0x13380];
	s4 =	sshll.u32 s9, $0x2;
	(v2sf) =	vpush v16, $0x4  }
0x305: {  	v27 =	vld [tilespmem:s6+$0x13300];
	s2 =	sadd.s32 s15, s2;
	s0 =	sshra.s32 s0, $0x2;
	s10 =	sor.u32 s4, s3  }
0x306: {  	v31 =	vld [tilespmem:s2+$0x13500];
	s2 =	sor.u32 s14, s13;
	(v2sf) =	vpush v16, $0x5;
	s0 =	sadd.s32 s15, s0;
	s1 =	sshra.s32 s10, $0x2  }
0x307: {  	s17 =	rddreg [dreg:$0xa];
	s2 =	sshra.s32 s2, $0x2;
	v33 =	vld [tilespmem:s0+$0x13600];
	s1 =	sadd.s32 s15, s1  }
0x308: {  	(v2sf) =	vpush v16, $0x6;
	s0 =	sshra.s32 s18, $0x2;
	s2 =	sadd.s32 s15, s2;
	v32 =	vld [tilespmem:s1+$0x13580];
	s1 =	sor.u32 s17, s16  }
0x309: {  	s0 =	sadd.s32 s15, s0;
	v34 =	vld [tilespmem:s2+$0x13680];
	s1 =	sshra.s32 s1, $0x2  }
0x30a: {  	(v2sf) =	vpush v16, $0x7;
	v48 =	vld [tilespmem:s0+$0x13780];
	s1 =	sadd.s32 s15, s1  }
0x30b: {  	v35 =	vld [tilespmem:s1+$0x13700];
	s19 =	spop (v2sf)  }
0x30c: {  	v36 =	vld [tilespmem:s19+$0x19000]  }
0x30d: {  	v2 =	vadd.f32 v19, v2;
	v1 =	vadd.f32 v20, v1;
	s20 =	spop (v2sf);
	v49 =	vld [tilespmem:s19+$0x19010]  }
0x30e: {  	v3 =	vadd.f32 v21, v3;
	v0 =	vadd.f32 v22, v0;
	v50 =	vld [tilespmem:s20+$0x19080]  }
0x30f: {  	v1 =	vadd.f32 v18, v1;
	v2 =	vadd.f32 v17, v2;
	s21 =	spop (v2sf);
	v51 =	vld [tilespmem:s20+$0x19090]  }
0x310: {  	v3 =	vadd.f32 v23, v3;
	v0 =	vadd.f32 v24, v0;
	v52 =	vld [tilespmem:s21+$0x19100]  }
0x311: {  	v1 =	vadd.f32 v15, v1;
	v2 =	vadd.f32 v14, v2;
	s22 =	spop (v2sf);
	v53 =	vld [tilespmem:s21+$0x19110]  }
0x312: {  	v3 =	vadd.f32 v25, v3;
	v0 =	vadd.f32 v26, v0;
	v54 =	vld [tilespmem:s22+$0x19180]  }
0x313: {  	v1 =	vadd.f32 v13, v1;
	v2 =	vadd.f32 v12, v2;
	s23 =	spop (v2sf);
	v55 =	vld [tilespmem:s22+$0x19190]  }
0x314: {  	v3 =	vadd.f32 v27, v3;
	v0 =	vadd.f32 v28, v0;
	v56 =	vld [tilespmem:s23+$0x19200]  }
0x315: {  	v1 =	vadd.f32 v11, v1;
	v2 =	vadd.f32 v10, v2;
	s24 =	spop (v2sf);
	v57 =	vld [tilespmem:s23+$0x19210]  }
0x316: {  	v3 =	vadd.f32 v29, v3;
	v0 =	vadd.f32 v30, v0;
	v58 =	vld [tilespmem:s24+$0x19280]  }
0x317: {  	s4 =	sld [smem:$0x773];
	v1 =	vadd.f32 v9, v1;
	v2 =	vadd.f32 v8, v2;
	s25 =	spop (v2sf);
	v59 =	vld [tilespmem:s24+$0x19290]  }
0x318: {  	s3 =	sld [smem:$0x7F9];
	v3 =	vadd.f32 v31, v3;
	v0 =	vadd.f32 v32, v0;
	v60 =	vld [tilespmem:s25+$0x19300]  }
0x319: {  	v1 =	vadd.f32 v7, v1;
	v2 =	vadd.f32 v6, v2;
	s26 =	spop (v2sf);
	v61 =	vld [tilespmem:s25+$0x19310]  }
0x31a: {  	s0 =	sadd.s32 @!p0 $0x258, s4;
	s2 =	simm.s32 @!p0 $0x13000;
	s1 =	simm.s32 @!p0 $0x28;
	v3 =	vadd.f32 v33, v3;
	v0 =	vadd.f32 v34, v0;
	v62 =	vld [tilespmem:s26+$0x19380]  }
0x31b: {  	v1 =	vadd.f32 v5, v1;
	v2 =	vadd.f32 v4, v2;
	v63 =	vld [tilespmem:s26+$0x19390];
	[tilespmem:s2], [sflag:$0x2] =	stream.indirect.gather @!p0 [hbm4b:s3+s1], $0x80, s0, s1, $0xb8  }
0x31c: {  	v3 =	vadd.f32 v35, v3;
	v0 =	vadd.f32 v48, v0;
	s0 =	sadd.s32 @!p0 $0x280, s4;
	s2 =	simm.s32 @!p0 $0x14400  }
0x31d: {  	v2 =	vadd.f32 v36, v2;
	v1 =	vadd.f32 v50, v1;
	[tilespmem:s2], [sflag:$0x2] =	stream.indirect.gather @!p0 [hbm4b:s3+s1], $0x80, s0, s1, $0xb8;
	[tilespmem:$0x1D400] =	vst v63  }
0x31e: {  	s29 =	sld [smem:$0x7C9];
	v3 =	vadd.f32 v49, v3;
	v0 =	vadd.f32 v51, v0;
	s0 =	sadd.s32 @!p0 $0x2A8, s4;
	s2 =	simm.s32 @!p0 $0x15800  }
0x31f: {  	v2 =	vadd.f32 v52, v2;
	v1 =	vadd.f32 v54, v1;
	[tilespmem:s2], [sflag:$0x2] =	stream.indirect.gather @!p0 [hbm4b:s3+s1], $0x80, s0, s1, $0xb8;
	[tilespmem:$0x1D400] =	vst v63  }
0x320: {  	s28 =	sld [smem:$0x774];
	v3 =	vadd.f32 v53, v3;
	v0 =	vadd.f32 v55, v0;
	s0 =	sadd.s32 @!p0 $0x2D0, s4;
	s2 =	simm.s32 @!p0 $0x16C00  }
0x321: {  	v2 =	vadd.f32 v56, v2;
	v1 =	vadd.f32 v58, v1;
	[tilespmem:s2], [sflag:$0x2] =	stream.indirect.gather @!p0 [hbm4b:s3+s1], $0x80, s0, s1, $0xb8;
	[tilespmem:$0x1D400] =	vst v63  }
0x322: {  	s6 =	sadd.s32 $0x1, s29;
	v3 =	vadd.f32 v57, v3;
	v0 =	vadd.f32 v59, v0;
	s0 =	sadd.s32 @!p0 $0x2F8, s4;
	s2 =	simm.s32 @!p0 $0x18000  }
0x323: {  	v2 =	vadd.f32 v60, v2;
	v1 =	vadd.f32 v62, v1;
	[tilespmem:s2], [sflag:$0x2] =	stream.indirect.gather @!p0 [hbm4b:s3+s1], $0x80, s0, s1, $0xb8;
	[tilespmem:$0x1D400] =	vst v63  }
0x324: {  	v3 =	vadd.f32 v61, v3;
	v0 =	vadd.f32 v63, v0;
	p0 =	sne.s32 s6, $0x40  }
.Ltmp2:
0x325: {  	s31 =	sld [smem:$0x7F8];
	v1 =	vadd.f32 v1, v2;
	s0 =	sshll.u32 s28, $0x7;
	(pc) =	sbr.rel @p0 .LBB2_2-.Ltmp2, $4  }
0x326: {  	s30 =	sld [smem:$0x7F6];
	v0 =	vadd.f32 v0, v3;
	s0 =	sand.u32 $0x3FFFFF80, s0  }
0x327: {  	[tilespmem:s0+$0x19400] =	vst v1  }
0x328: {  	[tilespmem:s0+$0x19410] =	vst v0;
	s0 =	sadd.s32 $0x1A0, s31  }
0x329: {  	s4 =	sadd.s32 $0x1A0, s30;
	[smem:$0x7F8] =	sst s0  }
0x32a: {  	s0 =	sld [smem:$0x7FC];
	_ =	sdelay $0x1  }
0x32b: {  	s6 =	simm.s32 $0x0;
	s1 =	simm.s32 $0x19400  }
0x32c: {  	[hbm4b:s0+s6] =	stream.linear.scatter [tilespmem:s1], [sflag:$0x3], $0x4000, $0x38;
	[tilespmem:$0x1D400] =	vst v63  }
0x32d: {  	s1 =	simm.s32 $0x3  }
0x32e: {  	_ =	swait.ge [sflag:s1], $0x4000  }
0x32f: {  	s2 =	sld [smem:$0x7F7]  }
0x330: {  	s31 =	sld [smem:$0x7FD];
	_ =	sdelay $0x1  }
0x331: {  	s2 =	sadd.s32 $0x1, s2  }
0x332: {  	p0 =	sne.s32 s2, s31  }
.Ltmp3:
0x333: {  	_ = 	snop;
	(pc) =	sbr.rel @p0 .LBB2_1-.Ltmp3, $3  }
0x334: {  	_ =	sdelay $0x1  }
0x335: {  	[sflag:s1] =	ssyncset.done $0x0  }
0x336: {  	[sflag:s1] =	ssyncadd.s32 $0xFFFFC000  }
0x337: {  	_ =	sfence.sel $0x180000  }
0x338: {  	[bflag:$0x0] =	sbarrier.arrive $0xFFFF  }
0x339: {  	_ =	strace $0x9000004A  }
0x33a: {  	s0 =	stileid.u32;
	[bflag:$0x2] =	sbarrier.arrive $0xFFFF  }
0x33b: {  	p0 =	sne.s32 s0, $0x0;
	s0 =	rddreg [dreg:$0x1]  }
0x33c: {  	s0 =	sadd.s32 @!p0 $0x100000, s0  }
0x33d: {  	[sflag:s0] =	ssyncadd.tile.s32 @!p0 $0x1;
	_ =	shalt  }
.Lfunc_end2:
_tile_overlayer_lowered:
.L_overlay_start_2:
0x33e: {  	(tag) =	ssettag $0x2  }
0x33f: {  	s0 =	rddreg [dreg:$0x0];
	s2 =	stileid.u32  }
0x340: {  	s1 =	rddreg [dreg:$0x1];
	p0 =	sne.s32 s2, $0x0  }
0x341: {  	s3 =	rddreg [dreg:$0x2];
	[bflag:$0x3] =	sbarrier.arrive $0xFFFF;
	s2 =	simm.s32 @!p0 $0x1C03  }
0x342: {  	[timem:s3], [sflag:s2] =	dma.local @!p0 [hbm:s0], s1  }
0x343: {  	s0 =	simm.s32 @!p0 $0x3  }
0x344: {  	_ =	swait.ge @!p0 [sflag:s0], s1  }
0x345: {  	s1 =	ssub.s32 @!p0 $0x0, s1;
	[sflag:s0] =	ssyncset.done @!p0 $0x0  }
0x346: {  	[sflag:s0] =	ssyncadd.s32 @!p0 s1  }
0x347: {  	[bflag:$0x3] =	sbarrier.arrive $0xFFFF  }
0x348: {  	_ =	shalt  }

</sc_bundles>
